<compile_context>
chip_gen: v7x
topology: tpu7x:2x2x1
jax: 0.10.2.dev20260603
libtpu: 0.0.44.dev20260713+nightly
codegen_flags: <defaults>
</compile_context>

<pallas_src>
import functools

import jax
import jax.numpy as jnp
from jax import lax
from jax.experimental import pallas as pl
from jax.experimental.pallas import tpu as pltpu
from jax.experimental.pallas import tpu_sc as plsc

_NC = 2
_NS = 16
_NW = _NC * _NS


def _tc_vocab_scalar(table, W1, b1_2d, w2a, b2_2d, vocab_pad):
    vocab, emb = table.shape
    blk = 16384
    grid = pl.cdiv(vocab, blk)

    def body(x_ref, w1_ref, b1_ref, w2_ref, b2_ref, o_ref):
        x = x_ref[...]
        z = jnp.dot(x, w1_ref[...], preferred_element_type=jnp.float32)
        z = jnp.maximum(z + b1_ref[...], 0.0)
        vcol = (
            jnp.dot(z, w2_ref[...], preferred_element_type=jnp.float32)
            + b2_ref[...]
        )
        o_ref[...] = vcol.reshape(blk // 128, 128)

    return pl.pallas_call(
        body,
        grid=(grid,),
        in_specs=[
            pl.BlockSpec((blk, emb), lambda i: (i, 0)),
            pl.BlockSpec((emb, 8), lambda i: (0, 0)),
            pl.BlockSpec((1, 8), lambda i: (0, 0)),
            pl.BlockSpec((8, 1), lambda i: (0, 0)),
            pl.BlockSpec((1, 1), lambda i: (0, 0)),
        ],
        out_specs=pl.BlockSpec((blk // 128, 128), lambda i: (i, 0)),
        out_shape=jax.ShapeDtypeStruct((vocab_pad // 128, 128), jnp.float32),
    )(table, W1, b1_2d, w2a, b2_2d)


def _tc_axpy_epilogue(g_pad, s, c_2d):
    B, L = s.shape
    Lp = g_pad.shape[1]
    rb = 512
    grid = B // rb
    assert B % rb == 0

    def body(g_ref, s_ref, c_ref, o_ref):
        o_ref[...] = g_ref[:, :L] + s_ref[...] * c_ref[...]

    return pl.pallas_call(
        body,
        grid=(grid,),
        in_specs=[
            pl.BlockSpec((rb, Lp), lambda i: (i, 0)),
            pl.BlockSpec((rb, L), lambda i: (i, 0)),
            pl.BlockSpec((1, 1), lambda i: (0, 0)),
        ],
        out_specs=pl.BlockSpec((rb, L), lambda i: (i, 0)),
        out_shape=jax.ShapeDtypeStruct((B, L), jnp.float32),
    )(g_pad, s, c_2d)


def _sc_gather(v1d, ids2d):
    rows = ids2d.shape[0]
    rows_per_w = rows // _NW
    nb = 16
    nchunk = rows_per_w // nb
    depth = 4
    pf = 2
    ntok = nb * 128
    assert rows_per_w % nb == 0 and nchunk % depth == 0

    mesh = plsc.VectorSubcoreMesh(core_axis_name="c", subcore_axis_name="s")
    ring = lambda ty: [ty] * depth

    @functools.partial(
        pl.kernel,
        out_type=jax.ShapeDtypeStruct((rows, 128), jnp.float32),
        mesh=mesh,
        scratch_types=[
            *ring(pltpu.VMEM((nb, 128), jnp.int32)),
            *ring(pltpu.VMEM((nb, 128), jnp.float32)),
            *ring(pltpu.SemaphoreType.DMA),
            *ring(pltpu.SemaphoreType.DMA),
            *ring(pltpu.SemaphoreType.DMA),
        ],
    )
    def sc_k(v_hbm, ids_hbm, out_hbm, *bufs):
        idx_b = bufs[0:depth]
        val_b = bufs[depth : 2 * depth]
        isem = bufs[2 * depth : 3 * depth]
        gsem = bufs[3 * depth : 4 * depth]
        osem = bufs[4 * depth : 5 * depth]

        wid = lax.axis_index("s") * _NC + lax.axis_index("c")
        r_base = wid * rows_per_w

        def drain(ref, sem, src):
            pltpu.make_async_copy(src, ref, sem).wait()

        def drain_idx(u):
            drain(idx_b[u], isem[u], ids_hbm.at[pl.ds(0, nb)])

        def fire_idx(c, u):
            pltpu.async_copy(
                ids_hbm.at[pl.ds(r_base + c * nb, nb)], idx_b[u], isem[u]
            )

        def fire(c, u):
            drain_idx(u)
            for j in range(nb):
                pltpu.async_copy(
                    v_hbm.at[idx_b[u].at[j]],
                    val_b[u].at[j],
                    gsem[u],
                )

        def process(c, u, head=False):
            drain(val_b[u], gsem[u], out_hbm.at[pl.ds(0, nb)])
            pltpu.async_copy(
                val_b[u], out_hbm.at[pl.ds(r_base + c * nb, nb)], osem[u]
            )
            fire_idx(jnp.minimum(c + depth, nchunk - 1), u)
            cp = c + pf
            up = (u + pf) % depth
            if not head:
                drain(val_b[up], osem[up], out_hbm.at[pl.ds(0, nb)])
            fire(jnp.minimum(cp, nchunk - 1), up)

        for u in range(depth):
            fire_idx(u, u)
        for u in range(pf):
            fire(u, u)
        for u in range(depth):
            process(u, u, head=u < pf)

        def group(g, carry):
            for u in range(depth):
                process(g * depth + u, u)
            return carry

        lax.fori_loop(1, nchunk // depth, group, 0)
        for u in (0, 1):
            drain(val_b[u], gsem[u], out_hbm.at[pl.ds(0, nb)])
        for u in (2, 3):
            drain_idx(u)
            drain(val_b[u], osem[u], out_hbm.at[pl.ds(0, nb)])

    return sc_k(v1d, ids2d)


def kernel(input_ids, s, emb_table, W1, b1, W2, b2):
    B, _, L = input_ids.shape
    vocab = emb_table.shape[0]
    bl = B * L
    assert bl % (128 * _NW) == 0
    vocab_pad = ((vocab + 16383) // 16384) * 16384

    v2d = _tc_vocab_scalar(
        emb_table, W1, b1.reshape(1, 8), W2[:8], b2.reshape(1, 1), vocab_pad
    )
    v1d = v2d.reshape(vocab_pad)
    Lp = ((L + 127) // 128) * 128
    ids2 = input_ids.reshape(B, L)
    ids_pad = jnp.concatenate([ids2, ids2[:, : Lp - L]], axis=1)
    ids2d = ids_pad.reshape(B * Lp // 128, 128)

    g2d = _sc_gather(v1d, ids2d)
    g_pad = g2d.reshape(B, Lp)
    c_2d = W2[8].reshape(1, 1)
    return _tc_axpy_epilogue(g_pad, s, c_2d)

# --- scband reference (transcript-rebuilt; emitter-appended) ---
"""Pipeline reference for scband-dqnnet-embedding-31155692765191 (READ-ONLY COPY).

The authoritative reference and input builder live on the scoring server;
editing this copy changes nothing except your own understanding.
"""

import jax, jax.numpy as jnp
import numpy as np

VOCAB = 1000000
EMB = 128
B = 16384
L = 200

def setup_inputs(seed: int = 0) -> dict:
    key = jax.random.key(seed)
    ks = jax.random.split(key, 6)
    input_ids = jax.random.randint(ks[0], (B, 1, L), 0, VOCAB, dtype=jnp.int32)
    s = jax.random.normal(ks[1], (B, L), dtype=jnp.float32)
    emb_table = jax.random.normal(ks[2], (VOCAB, EMB), dtype=jnp.float32) * 0.02
    W1 = jax.random.normal(ks[3], (EMB, 8), dtype=jnp.float32) * (1.0 / np.sqrt(EMB))
    b1 = jnp.zeros((8,), dtype=jnp.float32)
    W2 = jax.random.normal(ks[4], (9, 1), dtype=jnp.float32) * (1.0 / 3.0)
    b2 = jnp.zeros((1,), dtype=jnp.float32)
    return {"input_ids": input_ids, "s": s, "emb_table": emb_table, "W1": W1, "b1": b1, "W2": W2, "b2": b2}

def reference(input_ids, s, emb_table, W1, b1, W2, b2):
    ids = input_ids[:, 0]                      # [B, L]
    x = jnp.take(emb_table, ids, axis=0)       # [B, L, 128] embedding gather
    x = x @ W1 + b1                            # [B, L, 8]
    x = jax.nn.relu(x)
    x = jnp.concatenate([x, s[..., None]], axis=-1)  # [B, L, 9]
    x = x @ W2 + b2                            # [B, L, 1]
    return x.reshape(ids.shape[0], ids.shape[1])      # [B, L]

if __name__ == "__main__":
    import jax
    _d = setup_inputs()
    print(jax.jit(kernel)(*tuple(_d.values())))

</pallas_src>

<mosaic_0001>
#map = affine_map<(d0, d1) -> (0)>
#map1 = affine_map<(d0, d1) -> (0, 0)>
module attributes {stable_mosaic.version = 14 : i64} {
  func.func @sc_k(%arg0: i32, %arg1: i32, %arg2: memref<1015808xf32, #tpu.memory_space<hbm>>, %arg3: memref<32768x128xi32, #tpu.memory_space<hbm>>, %arg4: memref<32768x128xf32, #tpu.memory_space<hbm>>, %arg5: memref<16x128xi32, #tpu.memory_space<vmem>>, %arg6: memref<16x128xi32, #tpu.memory_space<vmem>>, %arg7: memref<16x128xi32, #tpu.memory_space<vmem>>, %arg8: memref<16x128xi32, #tpu.memory_space<vmem>>, %arg9: memref<16x128xf32, #tpu.memory_space<vmem>>, %arg10: memref<16x128xf32, #tpu.memory_space<vmem>>, %arg11: memref<16x128xf32, #tpu.memory_space<vmem>>, %arg12: memref<16x128xf32, #tpu.memory_space<vmem>>, %arg13: memref<!tpu.dma_semaphore, #tpu.memory_space<semaphore_mem>>, %arg14: memref<!tpu.dma_semaphore, #tpu.memory_space<semaphore_mem>>, %arg15: memref<!tpu.dma_semaphore, #tpu.memory_space<semaphore_mem>>, %arg16: memref<!tpu.dma_semaphore, #tpu.memory_space<semaphore_mem>>, %arg17: memref<!tpu.dma_semaphore, #tpu.memory_space<semaphore_mem>>, %arg18: memref<!tpu.dma_semaphore, #tpu.memory_space<semaphore_mem>>, %arg19: memref<!tpu.dma_semaphore, #tpu.memory_space<semaphore_mem>>, %arg20: memref<!tpu.dma_semaphore, #tpu.memory_space<semaphore_mem>>, %arg21: memref<!tpu.dma_semaphore, #tpu.memory_space<semaphore_mem>>, %arg22: memref<!tpu.dma_semaphore, #tpu.memory_space<semaphore_mem>>, %arg23: memref<!tpu.dma_semaphore, #tpu.memory_space<semaphore_mem>>, %arg24: memref<!tpu.dma_semaphore, #tpu.memory_space<semaphore_mem>>) attributes {dimension_semantics = [#tpu.dimension_semantics<core_parallel>, #tpu.dimension_semantics<subcore_parallel>], iteration_bounds = array<i64: 2, 16>, scalar_prefetch = 0 : i64, scratch_operands = 20 : i64, tpu.core_type = #tpu.core_type<sc_vector_subcore>, window_params = [{transform_indices = #map}, {transform_indices = #map1}, {transform_indices = #map1}]} {
    %mul3A = arith.constant 2 : i32
    %mul3A_0 = arith.muli %arg1, %mul3A : i32
    %add3A = arith.addi %mul3A_0, %arg0 : i32
    %mul3A_1 = arith.constant 1024 : i32
    %mul3A_2 = arith.muli %add3A, %mul3A_1 : i32
    %add3A_3 = arith.constant 0 : i32
    %add3A_4 = arith.addi %mul3A_2, %add3A_3 : i32
    %dma_start3A = arith.constant 0 : i32
    %dma_start3A_5 = tpu.memref_slice %arg3[%add3A_4, %dma_start3A] : memref<32768x128xi32, #tpu.memory_space<hbm>> -> memref<16x128xi32, #tpu.memory_space<hbm>>
    %dma_start3A_6 = arith.constant 0 : i32
    %dma_start3A_7 = tpu.memref_slice %arg3[%add3A_4, %dma_start3A_6] : memref<32768x128xi32, #tpu.memory_space<hbm>> -> memref<16x128xi32, #tpu.memory_space<hbm>>
    tpu.enqueue_dma source(%dma_start3A_7 : memref<16x128xi32, #tpu.memory_space<hbm>>) target(%arg5 : memref<16x128xi32, #tpu.memory_space<vmem>>) target_semaphore(%arg13 : memref<!tpu.dma_semaphore, #tpu.memory_space<semaphore_mem>>)
    %add3A_8 = arith.constant 16 : i32
    %add3A_9 = arith.addi %mul3A_2, %add3A_8 : i32
    %dma_start3A_10 = arith.constant 0 : i32
    %dma_start3A_11 = tpu.memref_slice %arg3[%add3A_9, %dma_start3A_10] : memref<32768x128xi32, #tpu.memory_space<hbm>> -> memref<16x128xi32, #tpu.memory_space<hbm>>
    %dma_start3A_12 = arith.constant 0 : i32
    %dma_start3A_13 = tpu.memref_slice %arg3[%add3A_9, %dma_start3A_12] : memref<32768x128xi32, #tpu.memory_space<hbm>> -> memref<16x128xi32, #tpu.memory_space<hbm>>
    tpu.enqueue_dma source(%dma_start3A_13 : memref<16x128xi32, #tpu.memory_space<hbm>>) target(%arg6 : memref<16x128xi32, #tpu.memory_space<vmem>>) target_semaphore(%arg14 : memref<!tpu.dma_semaphore, #tpu.memory_space<semaphore_mem>>)
    %add3A_14 = arith.constant 32 : i32
    %add3A_15 = arith.addi %mul3A_2, %add3A_14 : i32
    %dma_start3A_16 = arith.constant 0 : i32
    %dma_start3A_17 = tpu.memref_slice %arg3[%add3A_15, %dma_start3A_16] : memref<32768x128xi32, #tpu.memory_space<hbm>> -> memref<16x128xi32, #tpu.memory_space<hbm>>
    %dma_start3A_18 = arith.constant 0 : i32
    %dma_start3A_19 = tpu.memref_slice %arg3[%add3A_15, %dma_start3A_18] : memref<32768x128xi32, #tpu.memory_space<hbm>> -> memref<16x128xi32, #tpu.memory_space<hbm>>
    tpu.enqueue_dma source(%dma_start3A_19 : memref<16x128xi32, #tpu.memory_space<hbm>>) target(%arg7 : memref<16x128xi32, #tpu.memory_space<vmem>>) target_semaphore(%arg15 : memref<!tpu.dma_semaphore, #tpu.memory_space<semaphore_mem>>)
    %add3A_20 = arith.constant 48 : i32
    %add3A_21 = arith.addi %mul3A_2, %add3A_20 : i32
    %dma_start3A_22 = arith.constant 0 : i32
    %dma_start3A_23 = tpu.memref_slice %arg3[%add3A_21, %dma_start3A_22] : memref<32768x128xi32, #tpu.memory_space<hbm>> -> memref<16x128xi32, #tpu.memory_space<hbm>>
    %dma_start3A_24 = arith.constant 0 : i32
    %dma_start3A_25 = tpu.memref_slice %arg3[%add3A_21, %dma_start3A_24] : memref<32768x128xi32, #tpu.memory_space<hbm>> -> memref<16x128xi32, #tpu.memory_space<hbm>>
    tpu.enqueue_dma source(%dma_start3A_25 : memref<16x128xi32, #tpu.memory_space<hbm>>) target(%arg8 : memref<16x128xi32, #tpu.memory_space<vmem>>) target_semaphore(%arg16 : memref<!tpu.dma_semaphore, #tpu.memory_space<semaphore_mem>>)
    %dma_wait3A = arith.constant 0 : i32
    %dma_wait3A_26 = arith.constant 0 : i32
    %dma_wait3A_27 = tpu.memref_slice %arg3[%dma_wait3A, %dma_wait3A_26] : memref<32768x128xi32, #tpu.memory_space<hbm>> -> memref<16x128xi32, #tpu.memory_space<hbm>>
    %dma_wait3A_28 = arith.constant 0 : i32
    %dma_wait3A_29 = arith.constant 0 : i32
    %dma_wait3A_30 = tpu.memref_slice %arg3[%dma_wait3A_28, %dma_wait3A_29] : memref<32768x128xi32, #tpu.memory_space<hbm>> -> memref<16x128xi32, #tpu.memory_space<hbm>>
    tpu.wait_dma2 semaphore(%arg13 : memref<!tpu.dma_semaphore, #tpu.memory_space<semaphore_mem>>) src(%dma_wait3A_30 : memref<16x128xi32, #tpu.memory_space<hbm>>) dst(%arg5 : memref<16x128xi32, #tpu.memory_space<vmem>>)
    %dma_start3A_31 = arith.constant 0 : i32
    %dma_start3A_32 = arith.constant 0 : i32
    %dma_start3A_33 = arith.constant 0 : i32
    %dma_start3A_34 = tpu.memref_slice %arg9[%dma_start3A_32, %dma_start3A_33] : memref<16x128xf32, #tpu.memory_space<vmem>> -> memref<1x128xf32, #tpu.memory_space<vmem>>
    %dma_start3A_35 = tpu.memref_squeeze %dma_start3A_34 : memref<1x128xf32, #tpu.memory_space<vmem>> -> memref<128xf32, #tpu.memory_space<vmem>>
    %dma_start3A_36 = arith.constant 0 : i32
    %dma_start3A_37 = tpu.memref_slice %arg5[%dma_start3A_31, %dma_start3A_36] : memref<16x128xi32, #tpu.memory_space<vmem>> -> memref<1x128xi32, #tpu.memory_space<vmem>>
    %dma_start3A_38 = tpu.memref_squeeze %dma_start3A_37 : memref<1x128xi32, #tpu.memory_space<vmem>> -> memref<128xi32, #tpu.memory_space<vmem>>
    %dma_start3A_39 = arith.constant 0 : i32
    %dma_start3A_40 = tpu.memref_slice %arg2[%dma_start3A_39] : memref<1015808xf32, #tpu.memory_space<hbm>> -> memref<1015808xf32, #tpu.memory_space<hbm>>
    tpu.enqueue_indirect_dma source(%dma_start3A_40 : memref<1015808xf32, #tpu.memory_space<hbm>>) target(%dma_start3A_35 : memref<128xf32, #tpu.memory_space<vmem>>) offsets(%dma_start3A_38 : memref<128xi32, #tpu.memory_space<vmem>>) semaphore(%arg17 : memref<!tpu.dma_semaphore, #tpu.memory_space<semaphore_mem>>)
    %dma_start3A_41 = arith.constant 1 : i32
    %dma_start3A_42 = arith.constant 1 : i32
    %dma_start3A_43 = arith.constant 0 : i32
    %dma_start3A_44 = tpu.memref_slice %arg9[%dma_start3A_42, %dma_start3A_43] : memref<16x128xf32, #tpu.memory_space<vmem>> -> memref<1x128xf32, #tpu.memory_space<vmem>>
    %dma_start3A_45 = tpu.memref_squeeze %dma_start3A_44 : memref<1x128xf32, #tpu.memory_space<vmem>> -> memref<128xf32, #tpu.memory_space<vmem>>
    %dma_start3A_46 = arith.constant 0 : i32
    %dma_start3A_47 = tpu.memref_slice %arg5[%dma_start3A_41, %dma_start3A_46] : memref<16x128xi32, #tpu.memory_space<vmem>> -> memref<1x128xi32, #tpu.memory_space<vmem>>
    %dma_start3A_48 = tpu.memref_squeeze %dma_start3A_47 : memref<1x128xi32, #tpu.memory_space<vmem>> -> memref<128xi32, #tpu.memory_space<vmem>>
    %dma_start3A_49 = arith.constant 0 : i32
    %dma_start3A_50 = tpu.memref_slice %arg2[%dma_start3A_49] : memref<1015808xf32, #tpu.memory_space<hbm>> -> memref<1015808xf32, #tpu.memory_space<hbm>>
    tpu.enqueue_indirect_dma source(%dma_start3A_50 : memref<1015808xf32, #tpu.memory_space<hbm>>) target(%dma_start3A_45 : memref<128xf32, #tpu.memory_space<vmem>>) offsets(%dma_start3A_48 : memref<128xi32, #tpu.memory_space<vmem>>) semaphore(%arg17 : memref<!tpu.dma_semaphore, #tpu.memory_space<semaphore_mem>>)
    %dma_start3A_51 = arith.constant 2 : i32
    %dma_start3A_52 = arith.constant 2 : i32
    %dma_start3A_53 = arith.constant 0 : i32
    %dma_start3A_54 = tpu.memref_slice %arg9[%dma_start3A_52, %dma_start3A_53] : memref<16x128xf32, #tpu.memory_space<vmem>> -> memref<1x128xf32, #tpu.memory_space<vmem>>
    %dma_start3A_55 = tpu.memref_squeeze %dma_start3A_54 : memref<1x128xf32, #tpu.memory_space<vmem>> -> memref<128xf32, #tpu.memory_space<vmem>>
    %dma_start3A_56 = arith.constant 0 : i32
    %dma_start3A_57 = tpu.memref_slice %arg5[%dma_start3A_51, %dma_start3A_56] : memref<16x128xi32, #tpu.memory_space<vmem>> -> memref<1x128xi32, #tpu.memory_space<vmem>>
    %dma_start3A_58 = tpu.memref_squeeze %dma_start3A_57 : memref<1x128xi32, #tpu.memory_space<vmem>> -> memref<128xi32, #tpu.memory_space<vmem>>
    %dma_start3A_59 = arith.constant 0 : i32
    %dma_start3A_60 = tpu.memref_slice %arg2[%dma_start3A_59] : memref<1015808xf32, #tpu.memory_space<hbm>> -> memref<1015808xf32, #tpu.memory_space<hbm>>
    tpu.enqueue_indirect_dma source(%dma_start3A_60 : memref<1015808xf32, #tpu.memory_space<hbm>>) target(%dma_start3A_55 : memref<128xf32, #tpu.memory_space<vmem>>) offsets(%dma_start3A_58 : memref<128xi32, #tpu.memory_space<vmem>>) semaphore(%arg17 : memref<!tpu.dma_semaphore, #tpu.memory_space<semaphore_mem>>)
    %dma_start3A_61 = arith.constant 3 : i32
    %dma_start3A_62 = arith.constant 3 : i32
    %dma_start3A_63 = arith.constant 0 : i32
    %dma_start3A_64 = tpu.memref_slice %arg9[%dma_start3A_62, %dma_start3A_63] : memref<16x128xf32, #tpu.memory_space<vmem>> -> memref<1x128xf32, #tpu.memory_space<vmem>>
    %dma_start3A_65 = tpu.memref_squeeze %dma_start3A_64 : memref<1x128xf32, #tpu.memory_space<vmem>> -> memref<128xf32, #tpu.memory_space<vmem>>
    %dma_start3A_66 = arith.constant 0 : i32
    %dma_start3A_67 = tpu.memref_slice %arg5[%dma_start3A_61, %dma_start3A_66] : memref<16x128xi32, #tpu.memory_space<vmem>> -> memref<1x128xi32, #tpu.memory_space<vmem>>
    %dma_start3A_68 = tpu.memref_squeeze %dma_start3A_67 : memref<1x128xi32, #tpu.memory_space<vmem>> -> memref<128xi32, #tpu.memory_space<vmem>>
    %dma_start3A_69 = arith.constant 0 : i32
    %dma_start3A_70 = tpu.memref_slice %arg2[%dma_start3A_69] : memref<1015808xf32, #tpu.memory_space<hbm>> -> memref<1015808xf32, #tpu.memory_space<hbm>>
    tpu.enqueue_indirect_dma source(%dma_start3A_70 : memref<1015808xf32, #tpu.memory_space<hbm>>) target(%dma_start3A_65 : memref<128xf32, #tpu.memory_space<vmem>>) offsets(%dma_start3A_68 : memref<128xi32, #tpu.memory_space<vmem>>) semaphore(%arg17 : memref<!tpu.dma_semaphore, #tpu.memory_space<semaphore_mem>>)
    %dma_start3A_71 = arith.constant 4 : i32
    %dma_start3A_72 = arith.constant 4 : i32
    %dma_start3A_73 = arith.constant 0 : i32
    %dma_start3A_74 = tpu.memref_slice %arg9[%dma_start3A_72, %dma_start3A_73] : memref<16x128xf32, #tpu.memory_space<vmem>> -> memref<1x128xf32, #tpu.memory_space<vmem>>
    %dma_start3A_75 = tpu.memref_squeeze %dma_start3A_74 : memref<1x128xf32, #tpu.memory_space<vmem>> -> memref<128xf32, #tpu.memory_space<vmem>>
    %dma_start3A_76 = arith.constant 0 : i32
    %dma_start3A_77 = tpu.memref_slice %arg5[%dma_start3A_71, %dma_start3A_76] : memref<16x128xi32, #tpu.memory_space<vmem>> -> memref<1x128xi32, #tpu.memory_space<vmem>>
    %dma_start3A_78 = tpu.memref_squeeze %dma_start3A_77 : memref<1x128xi32, #tpu.memory_space<vmem>> -> memref<128xi32, #tpu.memory_space<vmem>>
    %dma_start3A_79 = arith.constant 0 : i32
    %dma_start3A_80 = tpu.memref_slice %arg2[%dma_start3A_79] : memref<1015808xf32, #tpu.memory_space<hbm>> -> memref<1015808xf32, #tpu.memory_space<hbm>>
    tpu.enqueue_indirect_dma source(%dma_start3A_80 : memref<1015808xf32, #tpu.memory_space<hbm>>) target(%dma_start3A_75 : memref<128xf32, #tpu.memory_space<vmem>>) offsets(%dma_start3A_78 : memref<128xi32, #tpu.memory_space<vmem>>) semaphore(%arg17 : memref<!tpu.dma_semaphore, #tpu.memory_space<semaphore_mem>>)
    %dma_start3A_81 = arith.constant 5 : i32
    %dma_start3A_82 = arith.constant 5 : i32
    %dma_start3A_83 = arith.constant 0 : i32
    %dma_start3A_84 = tpu.memref_slice %arg9[%dma_start3A_82, %dma_start3A_83] : memref<16x128xf32, #tpu.memory_space<vmem>> -> memref<1x128xf32, #tpu.memory_space<vmem>>
    %dma_start3A_85 = tpu.memref_squeeze %dma_start3A_84 : memref<1x128xf32, #tpu.memory_space<vmem>> -> memref<128xf32, #tpu.memory_space<vmem>>
    %dma_start3A_86 = arith.constant 0 : i32
    %dma_start3A_87 = tpu.memref_slice %arg5[%dma_start3A_81, %dma_start3A_86] : memref<16x128xi32, #tpu.memory_space<vmem>> -> memref<1x128xi32, #tpu.memory_space<vmem>>
    %dma_start3A_88 = tpu.memref_squeeze %dma_start3A_87 : memref<1x128xi32, #tpu.memory_space<vmem>> -> memref<128xi32, #tpu.memory_space<vmem>>
    %dma_start3A_89 = arith.constant 0 : i32
    %dma_start3A_90 = tpu.memref_slice %arg2[%dma_start3A_89] : memref<1015808xf32, #tpu.memory_space<hbm>> -> memref<1015808xf32, #tpu.memory_space<hbm>>
    tpu.enqueue_indirect_dma source(%dma_start3A_90 : memref<1015808xf32, #tpu.memory_space<hbm>>) target(%dma_start3A_85 : memref<128xf32, #tpu.memory_space<vmem>>) offsets(%dma_start3A_88 : memref<128xi32, #tpu.memory_space<vmem>>) semaphore(%arg17 : memref<!tpu.dma_semaphore, #tpu.memory_space<semaphore_mem>>)
    %dma_start3A_91 = arith.constant 6 : i32
    %dma_start3A_92 = arith.constant 6 : i32
    %dma_start3A_93 = arith.constant 0 : i32
    %dma_start3A_94 = tpu.memref_slice %arg9[%dma_start3A_92, %dma_start3A_93] : memref<16x128xf32, #tpu.memory_space<vmem>> -> memref<1x128xf32, #tpu.memory_space<vmem>>
    %dma_start3A_95 = tpu.memref_squeeze %dma_start3A_94 : memref<1x128xf32, #tpu.memory_space<vmem>> -> memref<128xf32, #tpu.memory_space<vmem>>
    %dma_start3A_96 = arith.constant 0 : i32
    %dma_start3A_97 = tpu.memref_slice %arg5[%dma_start3A_91, %dma_start3A_96] : memref<16x128xi32, #tpu.memory_space<vmem>> -> memref<1x128xi32, #tpu.memory_space<vmem>>
    %dma_start3A_98 = tpu.memref_squeeze %dma_start3A_97 : memref<1x128xi32, #tpu.memory_space<vmem>> -> memref<128xi32, #tpu.memory_space<vmem>>
    %dma_start3A_99 = arith.constant 0 : i32
    %dma_start3A_100 = tpu.memref_slice %arg2[%dma_start3A_99] : memref<1015808xf32, #tpu.memory_space<hbm>> -> memref<1015808xf32, #tpu.memory_space<hbm>>
    tpu.enqueue_indirect_dma source(%dma_start3A_100 : memref<1015808xf32, #tpu.memory_space<hbm>>) target(%dma_start3A_95 : memref<128xf32, #tpu.memory_space<vmem>>) offsets(%dma_start3A_98 : memref<128xi32, #tpu.memory_space<vmem>>) semaphore(%arg17 : memref<!tpu.dma_semaphore, #tpu.memory_space<semaphore_mem>>)
    %dma_start3A_101 = arith.constant 7 : i32
    %dma_start3A_102 = arith.constant 7 : i32
    %dma_start3A_103 = arith.constant 0 : i32
    %dma_start3A_104 = tpu.memref_slice %arg9[%dma_start3A_102, %dma_start3A_103] : memref<16x128xf32, #tpu.memory_space<vmem>> -> memref<1x128xf32, #tpu.memory_space<vmem>>
    %dma_start3A_105 = tpu.memref_squeeze %dma_start3A_104 : memref<1x128xf32, #tpu.memory_space<vmem>> -> memref<128xf32, #tpu.memory_space<vmem>>
    %dma_start3A_106 = arith.constant 0 : i32
    %dma_start3A_107 = tpu.memref_slice %arg5[%dma_start3A_101, %dma_start3A_106] : memref<16x128xi32, #tpu.memory_space<vmem>> -> memref<1x128xi32, #tpu.memory_space<vmem>>
    %dma_start3A_108 = tpu.memref_squeeze %dma_start3A_107 : memref<1x128xi32, #tpu.memory_space<vmem>> -> memref<128xi32, #tpu.memory_space<vmem>>
    %dma_start3A_109 = arith.constant 0 : i32
    %dma_start3A_110 = tpu.memref_slice %arg2[%dma_start3A_109] : memref<1015808xf32, #tpu.memory_space<hbm>> -> memref<1015808xf32, #tpu.memory_space<hbm>>
    tpu.enqueue_indirect_dma source(%dma_start3A_110 : memref<1015808xf32, #tpu.memory_space<hbm>>) target(%dma_start3A_105 : memref<128xf32, #tpu.memory_space<vmem>>) offsets(%dma_start3A_108 : memref<128xi32, #tpu.memory_space<vmem>>) semaphore(%arg17 : memref<!tpu.dma_semaphore, #tpu.memory_space<semaphore_mem>>)
    %dma_start3A_111 = arith.constant 8 : i32
    %dma_start3A_112 = arith.constant 8 : i32
    %dma_start3A_113 = arith.constant 0 : i32
    %dma_start3A_114 = tpu.memref_slice %arg9[%dma_start3A_112, %dma_start3A_113] : memref<16x128xf32, #tpu.memory_space<vmem>> -> memref<1x128xf32, #tpu.memory_space<vmem>>
    %dma_start3A_115 = tpu.memref_squeeze %dma_start3A_114 : memref<1x128xf32, #tpu.memory_space<vmem>> -> memref<128xf32, #tpu.memory_space<vmem>>
    %dma_start3A_116 = arith.constant 0 : i32
    %dma_start3A_117 = tpu.memref_slice %arg5[%dma_start3A_111, %dma_start3A_116] : memref<16x128xi32, #tpu.memory_space<vmem>> -> memref<1x128xi32, #tpu.memory_space<vmem>>
    %dma_start3A_118 = tpu.memref_squeeze %dma_start3A_117 : memref<1x128xi32, #tpu.memory_space<vmem>> -> memref<128xi32, #tpu.memory_space<vmem>>
    %dma_start3A_119 = arith.constant 0 : i32
    %dma_start3A_120 = tpu.memref_slice %arg2[%dma_start3A_119] : memref<1015808xf32, #tpu.memory_space<hbm>> -> memref<1015808xf32, #tpu.memory_space<hbm>>
    tpu.enqueue_indirect_dma source(%dma_start3A_120 : memref<1015808xf32, #tpu.memory_space<hbm>>) target(%dma_start3A_115 : memref<128xf32, #tpu.memory_space<vmem>>) offsets(%dma_start3A_118 : memref<128xi32, #tpu.memory_space<vmem>>) semaphore(%arg17 : memref<!tpu.dma_semaphore, #tpu.memory_space<semaphore_mem>>)
    %dma_start3A_121 = arith.constant 9 : i32
    %dma_start3A_122 = arith.constant 9 : i32
    %dma_start3A_123 = arith.constant 0 : i32
    %dma_start3A_124 = tpu.memref_slice %arg9[%dma_start3A_122, %dma_start3A_123] : memref<16x128xf32, #tpu.memory_space<vmem>> -> memref<1x128xf32, #tpu.memory_space<vmem>>
    %dma_start3A_125 = tpu.memref_squeeze %dma_start3A_124 : memref<1x128xf32, #tpu.memory_space<vmem>> -> memref<128xf32, #tpu.memory_space<vmem>>
    %dma_start3A_126 = arith.constant 0 : i32
    %dma_start3A_127 = tpu.memref_slice %arg5[%dma_start3A_121, %dma_start3A_126] : memref<16x128xi32, #tpu.memory_space<vmem>> -> memref<1x128xi32, #tpu.memory_space<vmem>>
    %dma_start3A_128 = tpu.memref_squeeze %dma_start3A_127 : memref<1x128xi32, #tpu.memory_space<vmem>> -> memref<128xi32, #tpu.memory_space<vmem>>
    %dma_start3A_129 = arith.constant 0 : i32
    %dma_start3A_130 = tpu.memref_slice %arg2[%dma_start3A_129] : memref<1015808xf32, #tpu.memory_space<hbm>> -> memref<1015808xf32, #tpu.memory_space<hbm>>
    tpu.enqueue_indirect_dma source(%dma_start3A_130 : memref<1015808xf32, #tpu.memory_space<hbm>>) target(%dma_start3A_125 : memref<128xf32, #tpu.memory_space<vmem>>) offsets(%dma_start3A_128 : memref<128xi32, #tpu.memory_space<vmem>>) semaphore(%arg17 : memref<!tpu.dma_semaphore, #tpu.memory_space<semaphore_mem>>)
    %dma_start3A_131 = arith.constant 10 : i32
    %dma_start3A_132 = arith.constant 10 : i32
    %dma_start3A_133 = arith.constant 0 : i32
    %dma_start3A_134 = tpu.memref_slice %arg9[%dma_start3A_132, %dma_start3A_133] : memref<16x128xf32, #tpu.memory_space<vmem>> -> memref<1x128xf32, #tpu.memory_space<vmem>>
    %dma_start3A_135 = tpu.memref_squeeze %dma_start3A_134 : memref<1x128xf32, #tpu.memory_space<vmem>> -> memref<128xf32, #tpu.memory_space<vmem>>
    %dma_start3A_136 = arith.constant 0 : i32
    %dma_start3A_137 = tpu.memref_slice %arg5[%dma_start3A_131, %dma_start3A_136] : memref<16x128xi32, #tpu.memory_space<vmem>> -> memref<1x128xi32, #tpu.memory_space<vmem>>
    %dma_start3A_138 = tpu.memref_squeeze %dma_start3A_137 : memref<1x128xi32, #tpu.memory_space<vmem>> -> memref<128xi32, #tpu.memory_space<vmem>>
    %dma_start3A_139 = arith.constant 0 : i32
    %dma_start3A_140 = tpu.memref_slice %arg2[%dma_start3A_139] : memref<1015808xf32, #tpu.memory_space<hbm>> -> memref<1015808xf32, #tpu.memory_space<hbm>>
    tpu.enqueue_indirect_dma source(%dma_start3A_140 : memref<1015808xf32, #tpu.memory_space<hbm>>) target(%dma_start3A_135 : memref<128xf32, #tpu.memory_space<vmem>>) offsets(%dma_start3A_138 : memref<128xi32, #tpu.memory_space<vmem>>) semaphore(%arg17 : memref<!tpu.dma_semaphore, #tpu.memory_space<semaphore_mem>>)
    %dma_start3A_141 = arith.constant 11 : i32
    %dma_start3A_142 = arith.constant 11 : i32
    %dma_start3A_143 = arith.constant 0 : i32
    %dma_start3A_144 = tpu.memref_slice %arg9[%dma_start3A_142, %dma_start3A_143] : memref<16x128xf32, #tpu.memory_space<vmem>> -> memref<1x128xf32, #tpu.memory_space<vmem>>
    %dma_start3A_145 = tpu.memref_squeeze %dma_start3A_144 : memref<1x128xf32, #tpu.memory_space<vmem>> -> memref<128xf32, #tpu.memory_space<vmem>>
    %dma_start3A_146 = arith.constant 0 : i32
    %dma_start3A_147 = tpu.memref_slice %arg5[%dma_start3A_141, %dma_start3A_146] : memref<16x128xi32, #tpu.memory_space<vmem>> -> memref<1x128xi32, #tpu.memory_space<vmem>>
    %dma_start3A_148 = tpu.memref_squeeze %dma_start3A_147 : memref<1x128xi32, #tpu.memory_space<vmem>> -> memref<128xi32, #tpu.memory_space<vmem>>
    %dma_start3A_149 = arith.constant 0 : i32
    %dma_start3A_150 = tpu.memref_slice %arg2[%dma_start3A_149] : memref<1015808xf32, #tpu.memory_space<hbm>> -> memref<1015808xf32, #tpu.memory_space<hbm>>
    tpu.enqueue_indirect_dma source(%dma_start3A_150 : memref<1015808xf32, #tpu.memory_space<hbm>>) target(%dma_start3A_145 : memref<128xf32, #tpu.memory_space<vmem>>) offsets(%dma_start3A_148 : memref<128xi32, #tpu.memory_space<vmem>>) semaphore(%arg17 : memref<!tpu.dma_semaphore, #tpu.memory_space<semaphore_mem>>)
    %dma_start3A_151 = arith.constant 12 : i32
    %dma_start3A_152 = arith.constant 12 : i32
    %dma_start3A_153 = arith.constant 0 : i32
    %dma_start3A_154 = tpu.memref_slice %arg9[%dma_start3A_152, %dma_start3A_153] : memref<16x128xf32, #tpu.memory_space<vmem>> -> memref<1x128xf32, #tpu.memory_space<vmem>>
    %dma_start3A_155 = tpu.memref_squeeze %dma_start3A_154 : memref<1x128xf32, #tpu.memory_space<vmem>> -> memref<128xf32, #tpu.memory_space<vmem>>
    %dma_start3A_156 = arith.constant 0 : i32
    %dma_start3A_157 = tpu.memref_slice %arg5[%dma_start3A_151, %dma_start3A_156] : memref<16x128xi32, #tpu.memory_space<vmem>> -> memref<1x128xi32, #tpu.memory_space<vmem>>
    %dma_start3A_158 = tpu.memref_squeeze %dma_start3A_157 : memref<1x128xi32, #tpu.memory_space<vmem>> -> memref<128xi32, #tpu.memory_space<vmem>>
    %dma_start3A_159 = arith.constant 0 : i32
    %dma_start3A_160 = tpu.memref_slice %arg2[%dma_start3A_159] : memref<1015808xf32, #tpu.memory_space<hbm>> -> memref<1015808xf32, #tpu.memory_space<hbm>>
    tpu.enqueue_indirect_dma source(%dma_start3A_160 : memref<1015808xf32, #tpu.memory_space<hbm>>) target(%dma_start3A_155 : memref<128xf32, #tpu.memory_space<vmem>>) offsets(%dma_start3A_158 : memref<128xi32, #tpu.memory_space<vmem>>) semaphore(%arg17 : memref<!tpu.dma_semaphore, #tpu.memory_space<semaphore_mem>>)
    %dma_start3A_161 = arith.constant 13 : i32
    %dma_start3A_162 = arith.constant 13 : i32
    %dma_start3A_163 = arith.constant 0 : i32
    %dma_start3A_164 = tpu.memref_slice %arg9[%dma_start3A_162, %dma_start3A_163] : memref<16x128xf32, #tpu.memory_space<vmem>> -> memref<1x128xf32, #tpu.memory_space<vmem>>
    %dma_start3A_165 = tpu.memref_squeeze %dma_start3A_164 : memref<1x128xf32, #tpu.memory_space<vmem>> -> memref<128xf32, #tpu.memory_space<vmem>>
    %dma_start3A_166 = arith.constant 0 : i32
    %dma_start3A_167 = tpu.memref_slice %arg5[%dma_start3A_161, %dma_start3A_166] : memref<16x128xi32, #tpu.memory_space<vmem>> -> memref<1x128xi32, #tpu.memory_space<vmem>>
    %dma_start3A_168 = tpu.memref_squeeze %dma_start3A_167 : memref<1x128xi32, #tpu.memory_space<vmem>> -> memref<128xi32, #tpu.memory_space<vmem>>
    %dma_start3A_169 = arith.constant 0 : i32
    %dma_start3A_170 = tpu.memref_slice %arg2[%dma_start3A_169] : memref<1015808xf32, #tpu.memory_space<hbm>> -> memref<1015808xf32, #tpu.memory_space<hbm>>
    tpu.enqueue_indirect_dma source(%dma_start3A_170 : memref<1015808xf32, #tpu.memory_space<hbm>>) target(%dma_start3A_165 : memref<128xf32, #tpu.memory_space<vmem>>) offsets(%dma_start3A_168 : memref<128xi32, #tpu.memory_space<vmem>>) semaphore(%arg17 : memref<!tpu.dma_semaphore, #tpu.memory_space<semaphore_mem>>)
    %dma_start3A_171 = arith.constant 14 : i32
    %dma_start3A_172 = arith.constant 14 : i32
    %dma_start3A_173 = arith.constant 0 : i32
    %dma_start3A_174 = tpu.memref_slice %arg9[%dma_start3A_172, %dma_start3A_173] : memref<16x128xf32, #tpu.memory_space<vmem>> -> memref<1x128xf32, #tpu.memory_space<vmem>>
    %dma_start3A_175 = tpu.memref_squeeze %dma_start3A_174 : memref<1x128xf32, #tpu.memory_space<vmem>> -> memref<128xf32, #tpu.memory_space<vmem>>
    %dma_start3A_176 = arith.constant 0 : i32
    %dma_start3A_177 = tpu.memref_slice %arg5[%dma_start3A_171, %dma_start3A_176] : memref<16x128xi32, #tpu.memory_space<vmem>> -> memref<1x128xi32, #tpu.memory_space<vmem>>
    %dma_start3A_178 = tpu.memref_squeeze %dma_start3A_177 : memref<1x128xi32, #tpu.memory_space<vmem>> -> memref<128xi32, #tpu.memory_space<vmem>>
    %dma_start3A_179 = arith.constant 0 : i32
    %dma_start3A_180 = tpu.memref_slice %arg2[%dma_start3A_179] : memref<1015808xf32, #tpu.memory_space<hbm>> -> memref<1015808xf32, #tpu.memory_space<hbm>>
    tpu.enqueue_indirect_dma source(%dma_start3A_180 : memref<1015808xf32, #tpu.memory_space<hbm>>) target(%dma_start3A_175 : memref<128xf32, #tpu.memory_space<vmem>>) offsets(%dma_start3A_178 : memref<128xi32, #tpu.memory_space<vmem>>) semaphore(%arg17 : memref<!tpu.dma_semaphore, #tpu.memory_space<semaphore_mem>>)
    %dma_start3A_181 = arith.constant 15 : i32
    %dma_start3A_182 = arith.constant 15 : i32
    %dma_start3A_183 = arith.constant 0 : i32
    %dma_start3A_184 = tpu.memref_slice %arg9[%dma_start3A_182, %dma_start3A_183] : memref<16x128xf32, #tpu.memory_space<vmem>> -> memref<1x128xf32, #tpu.memory_space<vmem>>
    %dma_start3A_185 = tpu.memref_squeeze %dma_start3A_184 : memref<1x128xf32, #tpu.memory_space<vmem>> -> memref<128xf32, #tpu.memory_space<vmem>>
    %dma_start3A_186 = arith.constant 0 : i32
    %dma_start3A_187 = tpu.memref_slice %arg5[%dma_start3A_181, %dma_start3A_186] : memref<16x128xi32, #tpu.memory_space<vmem>> -> memref<1x128xi32, #tpu.memory_space<vmem>>
    %dma_start3A_188 = tpu.memref_squeeze %dma_start3A_187 : memref<1x128xi32, #tpu.memory_space<vmem>> -> memref<128xi32, #tpu.memory_space<vmem>>
    %dma_start3A_189 = arith.constant 0 : i32
    %dma_start3A_190 = tpu.memref_slice %arg2[%dma_start3A_189] : memref<1015808xf32, #tpu.memory_space<hbm>> -> memref<1015808xf32, #tpu.memory_space<hbm>>
    tpu.enqueue_indirect_dma source(%dma_start3A_190 : memref<1015808xf32, #tpu.memory_space<hbm>>) target(%dma_start3A_185 : memref<128xf32, #tpu.memory_space<vmem>>) offsets(%dma_start3A_188 : memref<128xi32, #tpu.memory_space<vmem>>) semaphore(%arg17 : memref<!tpu.dma_semaphore, #tpu.memory_space<semaphore_mem>>)
    %dma_wait3A_191 = arith.constant 0 : i32
    %dma_wait3A_192 = arith.constant 0 : i32
    %dma_wait3A_193 = tpu.memref_slice %arg3[%dma_wait3A_191, %dma_wait3A_192] : memref<32768x128xi32, #tpu.memory_space<hbm>> -> memref<16x128xi32, #tpu.memory_space<hbm>>
    %dma_wait3A_194 = arith.constant 0 : i32
    %dma_wait3A_195 = arith.constant 0 : i32
    %dma_wait3A_196 = tpu.memref_slice %arg3[%dma_wait3A_194, %dma_wait3A_195] : memref<32768x128xi32, #tpu.memory_space<hbm>> -> memref<16x128xi32, #tpu.memory_space<hbm>>
    tpu.wait_dma2 semaphore(%arg14 : memref<!tpu.dma_semaphore, #tpu.memory_space<semaphore_mem>>) src(%dma_wait3A_196 : memref<16x128xi32, #tpu.memory_space<hbm>>) dst(%arg6 : memref<16x128xi32, #tpu.memory_space<vmem>>)
    %dma_start3A_197 = arith.constant 0 : i32
    %dma_start3A_198 = arith.constant 0 : i32
    %dma_start3A_199 = arith.constant 0 : i32
    %dma_start3A_200 = tpu.memref_slice %arg10[%dma_start3A_198, %dma_start3A_199] : memref<16x128xf32, #tpu.memory_space<vmem>> -> memref<1x128xf32, #tpu.memory_space<vmem>>
    %dma_start3A_201 = tpu.memref_squeeze %dma_start3A_200 : memref<1x128xf32, #tpu.memory_space<vmem>> -> memref<128xf32, #tpu.memory_space<vmem>>
    %dma_start3A_202 = arith.constant 0 : i32
    %dma_start3A_203 = tpu.memref_slice %arg6[%dma_start3A_197, %dma_start3A_202] : memref<16x128xi32, #tpu.memory_space<vmem>> -> memref<1x128xi32, #tpu.memory_space<vmem>>
    %dma_start3A_204 = tpu.memref_squeeze %dma_start3A_203 : memref<1x128xi32, #tpu.memory_space<vmem>> -> memref<128xi32, #tpu.memory_space<vmem>>
    %dma_start3A_205 = arith.constant 0 : i32
    %dma_start3A_206 = tpu.memref_slice %arg2[%dma_start3A_205] : memref<1015808xf32, #tpu.memory_space<hbm>> -> memref<1015808xf32, #tpu.memory_space<hbm>>
    tpu.enqueue_indirect_dma source(%dma_start3A_206 : memref<1015808xf32, #tpu.memory_space<hbm>>) target(%dma_start3A_201 : memref<128xf32, #tpu.memory_space<vmem>>) offsets(%dma_start3A_204 : memref<128xi32, #tpu.memory_space<vmem>>) semaphore(%arg18 : memref<!tpu.dma_semaphore, #tpu.memory_space<semaphore_mem>>)
    %dma_start3A_207 = arith.constant 1 : i32
    %dma_start3A_208 = arith.constant 1 : i32
    %dma_start3A_209 = arith.constant 0 : i32
    %dma_start3A_210 = tpu.memref_slice %arg10[%dma_start3A_208, %dma_start3A_209] : memref<16x128xf32, #tpu.memory_space<vmem>> -> memref<1x128xf32, #tpu.memory_space<vmem>>
    %dma_start3A_211 = tpu.memref_squeeze %dma_start3A_210 : memref<1x128xf32, #tpu.memory_space<vmem>> -> memref<128xf32, #tpu.memory_space<vmem>>
    %dma_start3A_212 = arith.constant 0 : i32
    %dma_start3A_213 = tpu.memref_slice %arg6[%dma_start3A_207, %dma_start3A_212] : memref<16x128xi32, #tpu.memory_space<vmem>> -> memref<1x128xi32, #tpu.memory_space<vmem>>
    %dma_start3A_214 = tpu.memref_squeeze %dma_start3A_213 : memref<1x128xi32, #tpu.memory_space<vmem>> -> memref<128xi32, #tpu.memory_space<vmem>>
    %dma_start3A_215 = arith.constant 0 : i32
    %dma_start3A_216 = tpu.memref_slice %arg2[%dma_start3A_215] : memref<1015808xf32, #tpu.memory_space<hbm>> -> memref<1015808xf32, #tpu.memory_space<hbm>>
    tpu.enqueue_indirect_dma source(%dma_start3A_216 : memref<1015808xf32, #tpu.memory_space<hbm>>) target(%dma_start3A_211 : memref<128xf32, #tpu.memory_space<vmem>>) offsets(%dma_start3A_214 : memref<128xi32, #tpu.memory_space<vmem>>) semaphore(%arg18 : memref<!tpu.dma_semaphore, #tpu.memory_space<semaphore_mem>>)
    %dma_start3A_217 = arith.constant 2 : i32
    %dma_start3A_218 = arith.constant 2 : i32
    %dma_start3A_219 = arith.constant 0 : i32
    %dma_start3A_220 = tpu.memref_slice %arg10[%dma_start3A_218, %dma_start3A_219] : memref<16x128xf32, #tpu.memory_space<vmem>> -> memref<1x128xf32, #tpu.memory_space<vmem>>
    %dma_start3A_221 = tpu.memref_squeeze %dma_start3A_220 : memref<1x128xf32, #tpu.memory_space<vmem>> -> memref<128xf32, #tpu.memory_space<vmem>>
    %dma_start3A_222 = arith.constant 0 : i32
    %dma_start3A_223 = tpu.memref_slice %arg6[%dma_start3A_217, %dma_start3A_222] : memref<16x128xi32, #tpu.memory_space<vmem>> -> memref<1x128xi32, #tpu.memory_space<vmem>>
    %dma_start3A_224 = tpu.memref_squeeze %dma_start3A_223 : memref<1x128xi32, #tpu.memory_space<vmem>> -> memref<128xi32, #tpu.memory_space<vmem>>
    %dma_start3A_225 = arith.constant 0 : i32
    %dma_start3A_226 = tpu.memref_slice %arg2[%dma_start3A_225] : memref<1015808xf32, #tpu.memory_space<hbm>> -> memref<1015808xf32, #tpu.memory_space<hbm>>
    tpu.enqueue_indirect_dma source(%dma_start3A_226 : memref<1015808xf32, #tpu.memory_space<hbm>>) target(%dma_start3A_221 : memref<128xf32, #tpu.memory_space<vmem>>) offsets(%dma_start3A_224 : memref<128xi32, #tpu.memory_space<vmem>>) semaphore(%arg18 : memref<!tpu.dma_semaphore, #tpu.memory_space<semaphore_mem>>)
    %dma_start3A_227 = arith.constant 3 : i32
    %dma_start3A_228 = arith.constant 3 : i32
    %dma_start3A_229 = arith.constant 0 : i32
    %dma_start3A_230 = tpu.memref_slice %arg10[%dma_start3A_228, %dma_start3A_229] : memref<16x128xf32, #tpu.memory_space<vmem>> -> memref<1x128xf32, #tpu.memory_space<vmem>>
    %dma_start3A_231 = tpu.memref_squeeze %dma_start3A_230 : memref<1x128xf32, #tpu.memory_space<vmem>> -> memref<128xf32, #tpu.memory_space<vmem>>
    %dma_start3A_232 = arith.constant 0 : i32
    %dma_start3A_233 = tpu.memref_slice %arg6[%dma_start3A_227, %dma_start3A_232] : memref<16x128xi32, #tpu.memory_space<vmem>> -> memref<1x128xi32, #tpu.memory_space<vmem>>
    %dma_start3A_234 = tpu.memref_squeeze %dma_start3A_233 : memref<1x128xi32, #tpu.memory_space<vmem>> -> memref<128xi32, #tpu.memory_space<vmem>>
    %dma_start3A_235 = arith.constant 0 : i32
    %dma_start3A_236 = tpu.memref_slice %arg2[%dma_start3A_235] : memref<1015808xf32, #tpu.memory_space<hbm>> -> memref<1015808xf32, #tpu.memory_space<hbm>>
    tpu.enqueue_indirect_dma source(%dma_start3A_236 : memref<1015808xf32, #tpu.memory_space<hbm>>) target(%dma_start3A_231 : memref<128xf32, #tpu.memory_space<vmem>>) offsets(%dma_start3A_234 : memref<128xi32, #tpu.memory_space<vmem>>) semaphore(%arg18 : memref<!tpu.dma_semaphore, #tpu.memory_space<semaphore_mem>>)
    %dma_start3A_237 = arith.constant 4 : i32
    %dma_start3A_238 = arith.constant 4 : i32
    %dma_start3A_239 = arith.constant 0 : i32
    %dma_start3A_240 = tpu.memref_slice %arg10[%dma_start3A_238, %dma_start3A_239] : memref<16x128xf32, #tpu.memory_space<vmem>> -> memref<1x128xf32, #tpu.memory_space<vmem>>
    %dma_start3A_241 = tpu.memref_squeeze %dma_start3A_240 : memref<1x128xf32, #tpu.memory_space<vmem>> -> memref<128xf32, #tpu.memory_space<vmem>>
    %dma_start3A_242 = arith.constant 0 : i32
    %dma_start3A_243 = tpu.memref_slice %arg6[%dma_start3A_237, %dma_start3A_242] : memref<16x128xi32, #tpu.memory_space<vmem>> -> memref<1x128xi32, #tpu.memory_space<vmem>>
    %dma_start3A_244 = tpu.memref_squeeze %dma_start3A_243 : memref<1x128xi32, #tpu.memory_space<vmem>> -> memref<128xi32, #tpu.memory_space<vmem>>
    %dma_start3A_245 = arith.constant 0 : i32
    %dma_start3A_246 = tpu.memref_slice %arg2[%dma_start3A_245] : memref<1015808xf32, #tpu.memory_space<hbm>> -> memref<1015808xf32, #tpu.memory_space<hbm>>
    tpu.enqueue_indirect_dma source(%dma_start3A_246 : memref<1015808xf32, #tpu.memory_space<hbm>>) target(%dma_start3A_241 : memref<128xf32, #tpu.memory_space<vmem>>) offsets(%dma_start3A_244 : memref<128xi32, #tpu.memory_space<vmem>>) semaphore(%arg18 : memref<!tpu.dma_semaphore, #tpu.memory_space<semaphore_mem>>)
    %dma_start3A_247 = arith.constant 5 : i32
    %dma_start3A_248 = arith.constant 5 : i32
    %dma_start3A_249 = arith.constant 0 : i32
    %dma_start3A_250 = tpu.memref_slice %arg10[%dma_start3A_248, %dma_start3A_249] : memref<16x128xf32, #tpu.memory_space<vmem>> -> memref<1x128xf32, #tpu.memory_space<vmem>>
    %dma_start3A_251 = tpu.memref_squeeze %dma_start3A_250 : memref<1x128xf32, #tpu.memory_space<vmem>> -> memref<128xf32, #tpu.memory_space<vmem>>
    %dma_start3A_252 = arith.constant 0 : i32
    %dma_start3A_253 = tpu.memref_slice %arg6[%dma_start3A_247, %dma_start3A_252] : memref<16x128xi32, #tpu.memory_space<vmem>> -> memref<1x128xi32, #tpu.memory_space<vmem>>
    %dma_start3A_254 = tpu.memref_squeeze %dma_start3A_253 : memref<1x128xi32, #tpu.memory_space<vmem>> -> memref<128xi32, #tpu.memory_space<vmem>>
    %dma_start3A_255 = arith.constant 0 : i32
    %dma_start3A_256 = tpu.memref_slice %arg2[%dma_start3A_255] : memref<1015808xf32, #tpu.memory_space<hbm>> -> memref<1015808xf32, #tpu.memory_space<hbm>>
    tpu.enqueue_indirect_dma source(%dma_start3A_256 : memref<1015808xf32, #tpu.memory_space<hbm>>) target(%dma_start3A_251 : memref<128xf32, #tpu.memory_space<vmem>>) offsets(%dma_start3A_254 : memref<128xi32, #tpu.memory_space<vmem>>) semaphore(%arg18 : memref<!tpu.dma_semaphore, #tpu.memory_space<semaphore_mem>>)
    %dma_start3A_257 = arith.constant 6 : i32
    %dma_start3A_258 = arith.constant 6 : i32
    %dma_start3A_259 = arith.constant 0 : i32
    %dma_start3A_260 = tpu.memref_slice %arg10[%dma_start3A_258, %dma_start3A_259] : memref<16x128xf32, #tpu.memory_space<vmem>> -> memref<1x128xf32, #tpu.memory_space<vmem>>
    %dma_start3A_261 = tpu.memref_squeeze %dma_start3A_260 : memref<1x128xf32, #tpu.memory_space<vmem>> -> memref<128xf32, #tpu.memory_space<vmem>>
    %dma_start3A_262 = arith.constant 0 : i32
    %dma_start3A_263 = tpu.memref_slice %arg6[%dma_start3A_257, %dma_start3A_262] : memref<16x128xi32, #tpu.memory_space<vmem>> -> memref<1x128xi32, #tpu.memory_space<vmem>>
    %dma_start3A_264 = tpu.memref_squeeze %dma_start3A_263 : memref<1x128xi32, #tpu.memory_space<vmem>> -> memref<128xi32, #tpu.memory_space<vmem>>
    %dma_start3A_265 = arith.constant 0 : i32
    %dma_start3A_266 = tpu.memref_slice %arg2[%dma_start3A_265] : memref<1015808xf32, #tpu.memory_space<hbm>> -> memref<1015808xf32, #tpu.memory_space<hbm>>
    tpu.enqueue_indirect_dma source(%dma_start3A_266 : memref<1015808xf32, #tpu.memory_space<hbm>>) target(%dma_start3A_261 : memref<128xf32, #tpu.memory_space<vmem>>) offsets(%dma_start3A_264 : memref<128xi32, #tpu.memory_space<vmem>>) semaphore(%arg18 : memref<!tpu.dma_semaphore, #tpu.memory_space<semaphore_mem>>)
    %dma_start3A_267 = arith.constant 7 : i32
    %dma_start3A_268 = arith.constant 7 : i32
    %dma_start3A_269 = arith.constant 0 : i32
    %dma_start3A_270 = tpu.memref_slice %arg10[%dma_start3A_268, %dma_start3A_269] : memref<16x128xf32, #tpu.memory_space<vmem>> -> memref<1x128xf32, #tpu.memory_space<vmem>>
    %dma_start3A_271 = tpu.memref_squeeze %dma_start3A_270 : memref<1x128xf32, #tpu.memory_space<vmem>> -> memref<128xf32, #tpu.memory_space<vmem>>
    %dma_start3A_272 = arith.constant 0 : i32
    %dma_start3A_273 = tpu.memref_slice %arg6[%dma_start3A_267, %dma_start3A_272] : memref<16x128xi32, #tpu.memory_space<vmem>> -> memref<1x128xi32, #tpu.memory_space<vmem>>
    %dma_start3A_274 = tpu.memref_squeeze %dma_start3A_273 : memref<1x128xi32, #tpu.memory_space<vmem>> -> memref<128xi32, #tpu.memory_space<vmem>>
    %dma_start3A_275 = arith.constant 0 : i32
    %dma_start3A_276 = tpu.memref_slice %arg2[%dma_start3A_275] : memref<1015808xf32, #tpu.memory_space<hbm>> -> memref<1015808xf32, #tpu.memory_space<hbm>>
    tpu.enqueue_indirect_dma source(%dma_start3A_276 : memref<1015808xf32, #tpu.memory_space<hbm>>) target(%dma_start3A_271 : memref<128xf32, #tpu.memory_space<vmem>>) offsets(%dma_start3A_274 : memref<128xi32, #tpu.memory_space<vmem>>) semaphore(%arg18 : memref<!tpu.dma_semaphore, #tpu.memory_space<semaphore_mem>>)
    %dma_start3A_277 = arith.constant 8 : i32
    %dma_start3A_278 = arith.constant 8 : i32
    %dma_start3A_279 = arith.constant 0 : i32
    %dma_start3A_280 = tpu.memref_slice %arg10[%dma_start3A_278, %dma_start3A_279] : memref<16x128xf32, #tpu.memory_space<vmem>> -> memref<1x128xf32, #tpu.memory_space<vmem>>
    %dma_start3A_281 = tpu.memref_squeeze %dma_start3A_280 : memref<1x128xf32, #tpu.memory_space<vmem>> -> memref<128xf32, #tpu.memory_space<vmem>>
    %dma_start3A_282 = arith.constant 0 : i32
    %dma_start3A_283 = tpu.memref_slice %arg6[%dma_start3A_277, %dma_start3A_282] : memref<16x128xi32, #tpu.memory_space<vmem>> -> memref<1x128xi32, #tpu.memory_space<vmem>>
    %dma_start3A_284 = tpu.memref_squeeze %dma_start3A_283 : memref<1x128xi32, #tpu.memory_space<vmem>> -> memref<128xi32, #tpu.memory_space<vmem>>
    %dma_start3A_285 = arith.constant 0 : i32
    %dma_start3A_286 = tpu.memref_slice %arg2[%dma_start3A_285] : memref<1015808xf32, #tpu.memory_space<hbm>> -> memref<1015808xf32, #tpu.memory_space<hbm>>
    tpu.enqueue_indirect_dma source(%dma_start3A_286 : memref<1015808xf32, #tpu.memory_space<hbm>>) target(%dma_start3A_281 : memref<128xf32, #tpu.memory_space<vmem>>) offsets(%dma_start3A_284 : memref<128xi32, #tpu.memory_space<vmem>>) semaphore(%arg18 : memref<!tpu.dma_semaphore, #tpu.memory_space<semaphore_mem>>)
    %dma_start3A_287 = arith.constant 9 : i32
    %dma_start3A_288 = arith.constant 9 : i32
    %dma_start3A_289 = arith.constant 0 : i32
    %dma_start3A_290 = tpu.memref_slice %arg10[%dma_start3A_288, %dma_start3A_289] : memref<16x128xf32, #tpu.memory_space<vmem>> -> memref<1x128xf32, #tpu.memory_space<vmem>>
    %dma_start3A_291 = tpu.memref_squeeze %dma_start3A_290 : memref<1x128xf32, #tpu.memory_space<vmem>> -> memref<128xf32, #tpu.memory_space<vmem>>
    %dma_start3A_292 = arith.constant 0 : i32
    %dma_start3A_293 = tpu.memref_slice %arg6[%dma_start3A_287, %dma_start3A_292] : memref<16x128xi32, #tpu.memory_space<vmem>> -> memref<1x128xi32, #tpu.memory_space<vmem>>
    %dma_start3A_294 = tpu.memref_squeeze %dma_start3A_293 : memref<1x128xi32, #tpu.memory_space<vmem>> -> memref<128xi32, #tpu.memory_space<vmem>>
    %dma_start3A_295 = arith.constant 0 : i32
    %dma_start3A_296 = tpu.memref_slice %arg2[%dma_start3A_295] : memref<1015808xf32, #tpu.memory_space<hbm>> -> memref<1015808xf32, #tpu.memory_space<hbm>>
    tpu.enqueue_indirect_dma source(%dma_start3A_296 : memref<1015808xf32, #tpu.memory_space<hbm>>) target(%dma_start3A_291 : memref<128xf32, #tpu.memory_space<vmem>>) offsets(%dma_start3A_294 : memref<128xi32, #tpu.memory_space<vmem>>) semaphore(%arg18 : memref<!tpu.dma_semaphore, #tpu.memory_space<semaphore_mem>>)
    %dma_start3A_297 = arith.constant 10 : i32
    %dma_start3A_298 = arith.constant 10 : i32
    %dma_start3A_299 = arith.constant 0 : i32
    %dma_start3A_300 = tpu.memref_slice %arg10[%dma_start3A_298, %dma_start3A_299] : memref<16x128xf32, #tpu.memory_space<vmem>> -> memref<1x128xf32, #tpu.memory_space<vmem>>
    %dma_start3A_301 = tpu.memref_squeeze %dma_start3A_300 : memref<1x128xf32, #tpu.memory_space<vmem>> -> memref<128xf32, #tpu.memory_space<vmem>>
    %dma_start3A_302 = arith.constant 0 : i32
    %dma_start3A_303 = tpu.memref_slice %arg6[%dma_start3A_297, %dma_start3A_302] : memref<16x128xi32, #tpu.memory_space<vmem>> -> memref<1x128xi32, #tpu.memory_space<vmem>>
    %dma_start3A_304 = tpu.memref_squeeze %dma_start3A_303 : memref<1x128xi32, #tpu.memory_space<vmem>> -> memref<128xi32, #tpu.memory_space<vmem>>
    %dma_start3A_305 = arith.constant 0 : i32
    %dma_start3A_306 = tpu.memref_slice %arg2[%dma_start3A_305] : memref<1015808xf32, #tpu.memory_space<hbm>> -> memref<1015808xf32, #tpu.memory_space<hbm>>
    tpu.enqueue_indirect_dma source(%dma_start3A_306 : memref<1015808xf32, #tpu.memory_space<hbm>>) target(%dma_start3A_301 : memref<128xf32, #tpu.memory_space<vmem>>) offsets(%dma_start3A_304 : memref<128xi32, #tpu.memory_space<vmem>>) semaphore(%arg18 : memref<!tpu.dma_semaphore, #tpu.memory_space<semaphore_mem>>)
    %dma_start3A_307 = arith.constant 11 : i32
    %dma_start3A_308 = arith.constant 11 : i32
    %dma_start3A_309 = arith.constant 0 : i32
    %dma_start3A_310 = tpu.memref_slice %arg10[%dma_start3A_308, %dma_start3A_309] : memref<16x128xf32, #tpu.memory_space<vmem>> -> memref<1x128xf32, #tpu.memory_space<vmem>>
    %dma_start3A_311 = tpu.memref_squeeze %dma_start3A_310 : memref<1x128xf32, #tpu.memory_space<vmem>> -> memref<128xf32, #tpu.memory_space<vmem>>
    %dma_start3A_312 = arith.constant 0 : i32
    %dma_start3A_313 = tpu.memref_slice %arg6[%dma_start3A_307, %dma_start3A_312] : memref<16x128xi32, #tpu.memory_space<vmem>> -> memref<1x128xi32, #tpu.memory_space<vmem>>
    %dma_start3A_314 = tpu.memref_squeeze %dma_start3A_313 : memref<1x128xi32, #tpu.memory_space<vmem>> -> memref<128xi32, #tpu.memory_space<vmem>>
    %dma_start3A_315 = arith.constant 0 : i32
    %dma_start3A_316 = tpu.memref_slice %arg2[%dma_start3A_315] : memref<1015808xf32, #tpu.memory_space<hbm>> -> memref<1015808xf32, #tpu.memory_space<hbm>>
    tpu.enqueue_indirect_dma source(%dma_start3A_316 : memref<1015808xf32, #tpu.memory_space<hbm>>) target(%dma_start3A_311 : memref<128xf32, #tpu.memory_space<vmem>>) offsets(%dma_start3A_314 : memref<128xi32, #tpu.memory_space<vmem>>) semaphore(%arg18 : memref<!tpu.dma_semaphore, #tpu.memory_space<semaphore_mem>>)
    %dma_start3A_317 = arith.constant 12 : i32
    %dma_start3A_318 = arith.constant 12 : i32
    %dma_start3A_319 = arith.constant 0 : i32
    %dma_start3A_320 = tpu.memref_slice %arg10[%dma_start3A_318, %dma_start3A_319] : memref<16x128xf32, #tpu.memory_space<vmem>> -> memref<1x128xf32, #tpu.memory_space<vmem>>
    %dma_start3A_321 = tpu.memref_squeeze %dma_start3A_320 : memref<1x128xf32, #tpu.memory_space<vmem>> -> memref<128xf32, #tpu.memory_space<vmem>>
    %dma_start3A_322 = arith.constant 0 : i32
    %dma_start3A_323 = tpu.memref_slice %arg6[%dma_start3A_317, %dma_start3A_322] : memref<16x128xi32, #tpu.memory_space<vmem>> -> memref<1x128xi32, #tpu.memory_space<vmem>>
    %dma_start3A_324 = tpu.memref_squeeze %dma_start3A_323 : memref<1x128xi32, #tpu.memory_space<vmem>> -> memref<128xi32, #tpu.memory_space<vmem>>
    %dma_start3A_325 = arith.constant 0 : i32
    %dma_start3A_326 = tpu.memref_slice %arg2[%dma_start3A_325] : memref<1015808xf32, #tpu.memory_space<hbm>> -> memref<1015808xf32, #tpu.memory_space<hbm>>
    tpu.enqueue_indirect_dma source(%dma_start3A_326 : memref<1015808xf32, #tpu.memory_space<hbm>>) target(%dma_start3A_321 : memref<128xf32, #tpu.memory_space<vmem>>) offsets(%dma_start3A_324 : memref<128xi32, #tpu.memory_space<vmem>>) semaphore(%arg18 : memref<!tpu.dma_semaphore, #tpu.memory_space<semaphore_mem>>)
    %dma_start3A_327 = arith.constant 13 : i32
    %dma_start3A_328 = arith.constant 13 : i32
    %dma_start3A_329 = arith.constant 0 : i32
    %dma_start3A_330 = tpu.memref_slice %arg10[%dma_start3A_328, %dma_start3A_329] : memref<16x128xf32, #tpu.memory_space<vmem>> -> memref<1x128xf32, #tpu.memory_space<vmem>>
    %dma_start3A_331 = tpu.memref_squeeze %dma_start3A_330 : memref<1x128xf32, #tpu.memory_space<vmem>> -> memref<128xf32, #tpu.memory_space<vmem>>
    %dma_start3A_332 = arith.constant 0 : i32
    %dma_start3A_333 = tpu.memref_slice %arg6[%dma_start3A_327, %dma_start3A_332] : memref<16x128xi32, #tpu.memory_space<vmem>> -> memref<1x128xi32, #tpu.memory_space<vmem>>
    %dma_start3A_334 = tpu.memref_squeeze %dma_start3A_333 : memref<1x128xi32, #tpu.memory_space<vmem>> -> memref<128xi32, #tpu.memory_space<vmem>>
    %dma_start3A_335 = arith.constant 0 : i32
    %dma_start3A_336 = tpu.memref_slice %arg2[%dma_start3A_335] : memref<1015808xf32, #tpu.memory_space<hbm>> -> memref<1015808xf32, #tpu.memory_space<hbm>>
    tpu.enqueue_indirect_dma source(%dma_start3A_336 : memref<1015808xf32, #tpu.memory_space<hbm>>) target(%dma_start3A_331 : memref<128xf32, #tpu.memory_space<vmem>>) offsets(%dma_start3A_334 : memref<128xi32, #tpu.memory_space<vmem>>) semaphore(%arg18 : memref<!tpu.dma_semaphore, #tpu.memory_space<semaphore_mem>>)
    %dma_start3A_337 = arith.constant 14 : i32
    %dma_start3A_338 = arith.constant 14 : i32
    %dma_start3A_339 = arith.constant 0 : i32
    %dma_start3A_340 = tpu.memref_slice %arg10[%dma_start3A_338, %dma_start3A_339] : memref<16x128xf32, #tpu.memory_space<vmem>> -> memref<1x128xf32, #tpu.memory_space<vmem>>
    %dma_start3A_341 = tpu.memref_squeeze %dma_start3A_340 : memref<1x128xf32, #tpu.memory_space<vmem>> -> memref<128xf32, #tpu.memory_space<vmem>>
    %dma_start3A_342 = arith.constant 0 : i32
    %dma_start3A_343 = tpu.memref_slice %arg6[%dma_start3A_337, %dma_start3A_342] : memref<16x128xi32, #tpu.memory_space<vmem>> -> memref<1x128xi32, #tpu.memory_space<vmem>>
    %dma_start3A_344 = tpu.memref_squeeze %dma_start3A_343 : memref<1x128xi32, #tpu.memory_space<vmem>> -> memref<128xi32, #tpu.memory_space<vmem>>
    %dma_start3A_345 = arith.constant 0 : i32
    %dma_start3A_346 = tpu.memref_slice %arg2[%dma_start3A_345] : memref<1015808xf32, #tpu.memory_space<hbm>> -> memref<1015808xf32, #tpu.memory_space<hbm>>
    tpu.enqueue_indirect_dma source(%dma_start3A_346 : memref<1015808xf32, #tpu.memory_space<hbm>>) target(%dma_start3A_341 : memref<128xf32, #tpu.memory_space<vmem>>) offsets(%dma_start3A_344 : memref<128xi32, #tpu.memory_space<vmem>>) semaphore(%arg18 : memref<!tpu.dma_semaphore, #tpu.memory_space<semaphore_mem>>)
    %dma_start3A_347 = arith.constant 15 : i32
    %dma_start3A_348 = arith.constant 15 : i32
    %dma_start3A_349 = arith.constant 0 : i32
    %dma_start3A_350 = tpu.memref_slice %arg10[%dma_start3A_348, %dma_start3A_349] : memref<16x128xf32, #tpu.memory_space<vmem>> -> memref<1x128xf32, #tpu.memory_space<vmem>>
    %dma_start3A_351 = tpu.memref_squeeze %dma_start3A_350 : memref<1x128xf32, #tpu.memory_space<vmem>> -> memref<128xf32, #tpu.memory_space<vmem>>
    %dma_start3A_352 = arith.constant 0 : i32
    %dma_start3A_353 = tpu.memref_slice %arg6[%dma_start3A_347, %dma_start3A_352] : memref<16x128xi32, #tpu.memory_space<vmem>> -> memref<1x128xi32, #tpu.memory_space<vmem>>
    %dma_start3A_354 = tpu.memref_squeeze %dma_start3A_353 : memref<1x128xi32, #tpu.memory_space<vmem>> -> memref<128xi32, #tpu.memory_space<vmem>>
    %dma_start3A_355 = arith.constant 0 : i32
    %dma_start3A_356 = tpu.memref_slice %arg2[%dma_start3A_355] : memref<1015808xf32, #tpu.memory_space<hbm>> -> memref<1015808xf32, #tpu.memory_space<hbm>>
    tpu.enqueue_indirect_dma source(%dma_start3A_356 : memref<1015808xf32, #tpu.memory_space<hbm>>) target(%dma_start3A_351 : memref<128xf32, #tpu.memory_space<vmem>>) offsets(%dma_start3A_354 : memref<128xi32, #tpu.memory_space<vmem>>) semaphore(%arg18 : memref<!tpu.dma_semaphore, #tpu.memory_space<semaphore_mem>>)
    %dma_wait3A_357 = arith.constant 0 : i32
    %dma_wait3A_358 = arith.constant 0 : i32
    %dma_wait3A_359 = tpu.memref_slice %arg4[%dma_wait3A_357, %dma_wait3A_358] : memref<32768x128xf32, #tpu.memory_space<hbm>> -> memref<16x128xf32, #tpu.memory_space<hbm>>
    %dma_wait3A_360 = arith.constant 0 : i32
    %dma_wait3A_361 = arith.constant 0 : i32
    %dma_wait3A_362 = tpu.memref_slice %arg4[%dma_wait3A_360, %dma_wait3A_361] : memref<32768x128xf32, #tpu.memory_space<hbm>> -> memref<16x128xf32, #tpu.memory_space<hbm>>
    tpu.wait_dma2 semaphore(%arg17 : memref<!tpu.dma_semaphore, #tpu.memory_space<semaphore_mem>>) src(%dma_wait3A_362 : memref<16x128xf32, #tpu.memory_space<hbm>>) dst(%arg9 : memref<16x128xf32, #tpu.memory_space<vmem>>)
    %add3A_363 = arith.constant 0 : i32
    %add3A_364 = arith.addi %mul3A_2, %add3A_363 : i32
    %dma_start3A_365 = arith.constant 0 : i32
    %dma_start3A_366 = tpu.memref_slice %arg4[%add3A_364, %dma_start3A_365] : memref<32768x128xf32, #tpu.memory_space<hbm>> -> memref<16x128xf32, #tpu.memory_space<hbm>>
    %dma_start3A_367 = arith.constant 0 : i32
    %dma_start3A_368 = tpu.memref_slice %arg4[%add3A_364, %dma_start3A_367] : memref<32768x128xf32, #tpu.memory_space<hbm>> -> memref<16x128xf32, #tpu.memory_space<hbm>>
    tpu.enqueue_dma source(%arg9 : memref<16x128xf32, #tpu.memory_space<vmem>>) target(%dma_start3A_368 : memref<16x128xf32, #tpu.memory_space<hbm>>) target_semaphore(%arg21 : memref<!tpu.dma_semaphore, #tpu.memory_space<semaphore_mem>>)
    %min3A = arith.constant 4 : i32
    %min3A_369 = arith.constant 63 : i32
    %min3A_370 = arith.minsi %min3A, %min3A_369 : i32
    %mul3A_371 = arith.constant 16 : i32
    %mul3A_372 = arith.muli %min3A_370, %mul3A_371 : i32
    %add3A_373 = arith.addi %mul3A_2, %mul3A_372 : i32
    %dma_start3A_374 = arith.constant 0 : i32
    %dma_start3A_375 = tpu.memref_slice %arg3[%add3A_373, %dma_start3A_374] : memref<32768x128xi32, #tpu.memory_space<hbm>> -> memref<16x128xi32, #tpu.memory_space<hbm>>
    %dma_start3A_376 = arith.constant 0 : i32
    %dma_start3A_377 = tpu.memref_slice %arg3[%add3A_373, %dma_start3A_376] : memref<32768x128xi32, #tpu.memory_space<hbm>> -> memref<16x128xi32, #tpu.memory_space<hbm>>
    tpu.enqueue_dma source(%dma_start3A_377 : memref<16x128xi32, #tpu.memory_space<hbm>>) target(%arg5 : memref<16x128xi32, #tpu.memory_space<vmem>>) target_semaphore(%arg13 : memref<!tpu.dma_semaphore, #tpu.memory_space<semaphore_mem>>)
    %min3A_378 = arith.constant 2 : i32
    %min3A_379 = arith.constant 63 : i32
    %min3A_380 = arith.minsi %min3A_378, %min3A_379 : i32
    %dma_wait3A_381 = arith.constant 0 : i32
    %dma_wait3A_382 = arith.constant 0 : i32
    %dma_wait3A_383 = tpu.memref_slice %arg3[%dma_wait3A_381, %dma_wait3A_382] : memref<32768x128xi32, #tpu.memory_space<hbm>> -> memref<16x128xi32, #tpu.memory_space<hbm>>
    %dma_wait3A_384 = arith.constant 0 : i32
    %dma_wait3A_385 = arith.constant 0 : i32
    %dma_wait3A_386 = tpu.memref_slice %arg3[%dma_wait3A_384, %dma_wait3A_385] : memref<32768x128xi32, #tpu.memory_space<hbm>> -> memref<16x128xi32, #tpu.memory_space<hbm>>
    tpu.wait_dma2 semaphore(%arg15 : memref<!tpu.dma_semaphore, #tpu.memory_space<semaphore_mem>>) src(%dma_wait3A_386 : memref<16x128xi32, #tpu.memory_space<hbm>>) dst(%arg7 : memref<16x128xi32, #tpu.memory_space<vmem>>)
    %dma_start3A_387 = arith.constant 0 : i32
    %dma_start3A_388 = arith.constant 0 : i32
    %dma_start3A_389 = arith.constant 0 : i32
    %dma_start3A_390 = tpu.memref_slice %arg11[%dma_start3A_388, %dma_start3A_389] : memref<16x128xf32, #tpu.memory_space<vmem>> -> memref<1x128xf32, #tpu.memory_space<vmem>>
    %dma_start3A_391 = tpu.memref_squeeze %dma_start3A_390 : memref<1x128xf32, #tpu.memory_space<vmem>> -> memref<128xf32, #tpu.memory_space<vmem>>
    %dma_start3A_392 = arith.constant 0 : i32
    %dma_start3A_393 = tpu.memref_slice %arg7[%dma_start3A_387, %dma_start3A_392] : memref<16x128xi32, #tpu.memory_space<vmem>> -> memref<1x128xi32, #tpu.memory_space<vmem>>
    %dma_start3A_394 = tpu.memref_squeeze %dma_start3A_393 : memref<1x128xi32, #tpu.memory_space<vmem>> -> memref<128xi32, #tpu.memory_space<vmem>>
    %dma_start3A_395 = arith.constant 0 : i32
    %dma_start3A_396 = tpu.memref_slice %arg2[%dma_start3A_395] : memref<1015808xf32, #tpu.memory_space<hbm>> -> memref<1015808xf32, #tpu.memory_space<hbm>>
    tpu.enqueue_indirect_dma source(%dma_start3A_396 : memref<1015808xf32, #tpu.memory_space<hbm>>) target(%dma_start3A_391 : memref<128xf32, #tpu.memory_space<vmem>>) offsets(%dma_start3A_394 : memref<128xi32, #tpu.memory_space<vmem>>) semaphore(%arg19 : memref<!tpu.dma_semaphore, #tpu.memory_space<semaphore_mem>>)
    %dma_start3A_397 = arith.constant 1 : i32
    %dma_start3A_398 = arith.constant 1 : i32
    %dma_start3A_399 = arith.constant 0 : i32
    %dma_start3A_400 = tpu.memref_slice %arg11[%dma_start3A_398, %dma_start3A_399] : memref<16x128xf32, #tpu.memory_space<vmem>> -> memref<1x128xf32, #tpu.memory_space<vmem>>
    %dma_start3A_401 = tpu.memref_squeeze %dma_start3A_400 : memref<1x128xf32, #tpu.memory_space<vmem>> -> memref<128xf32, #tpu.memory_space<vmem>>
    %dma_start3A_402 = arith.constant 0 : i32
    %dma_start3A_403 = tpu.memref_slice %arg7[%dma_start3A_397, %dma_start3A_402] : memref<16x128xi32, #tpu.memory_space<vmem>> -> memref<1x128xi32, #tpu.memory_space<vmem>>
    %dma_start3A_404 = tpu.memref_squeeze %dma_start3A_403 : memref<1x128xi32, #tpu.memory_space<vmem>> -> memref<128xi32, #tpu.memory_space<vmem>>
    %dma_start3A_405 = arith.constant 0 : i32
    %dma_start3A_406 = tpu.memref_slice %arg2[%dma_start3A_405] : memref<1015808xf32, #tpu.memory_space<hbm>> -> memref<1015808xf32, #tpu.memory_space<hbm>>
    tpu.enqueue_indirect_dma source(%dma_start3A_406 : memref<1015808xf32, #tpu.memory_space<hbm>>) target(%dma_start3A_401 : memref<128xf32, #tpu.memory_space<vmem>>) offsets(%dma_start3A_404 : memref<128xi32, #tpu.memory_space<vmem>>) semaphore(%arg19 : memref<!tpu.dma_semaphore, #tpu.memory_space<semaphore_mem>>)
    %dma_start3A_407 = arith.constant 2 : i32
    %dma_start3A_408 = arith.constant 2 : i32
    %dma_start3A_409 = arith.constant 0 : i32
    %dma_start3A_410 = tpu.memref_slice %arg11[%dma_start3A_408, %dma_start3A_409] : memref<16x128xf32, #tpu.memory_space<vmem>> -> memref<1x128xf32, #tpu.memory_space<vmem>>
    %dma_start3A_411 = tpu.memref_squeeze %dma_start3A_410 : memref<1x128xf32, #tpu.memory_space<vmem>> -> memref<128xf32, #tpu.memory_space<vmem>>
    %dma_start3A_412 = arith.constant 0 : i32
    %dma_start3A_413 = tpu.memref_slice %arg7[%dma_start3A_407, %dma_start3A_412] : memref<16x128xi32, #tpu.memory_space<vmem>> -> memref<1x128xi32, #tpu.memory_space<vmem>>
    %dma_start3A_414 = tpu.memref_squeeze %dma_start3A_413 : memref<1x128xi32, #tpu.memory_space<vmem>> -> memref<128xi32, #tpu.memory_space<vmem>>
    %dma_start3A_415 = arith.constant 0 : i32
    %dma_start3A_416 = tpu.memref_slice %arg2[%dma_start3A_415] : memref<1015808xf32, #tpu.memory_space<hbm>> -> memref<1015808xf32, #tpu.memory_space<hbm>>
    tpu.enqueue_indirect_dma source(%dma_start3A_416 : memref<1015808xf32, #tpu.memory_space<hbm>>) target(%dma_start3A_411 : memref<128xf32, #tpu.memory_space<vmem>>) offsets(%dma_start3A_414 : memref<128xi32, #tpu.memory_space<vmem>>) semaphore(%arg19 : memref<!tpu.dma_semaphore, #tpu.memory_space<semaphore_mem>>)
    %dma_start3A_417 = arith.constant 3 : i32
    %dma_start3A_418 = arith.constant 3 : i32
    %dma_start3A_419 = arith.constant 0 : i32
    %dma_start3A_420 = tpu.memref_slice %arg11[%dma_start3A_418, %dma_start3A_419] : memref<16x128xf32, #tpu.memory_space<vmem>> -> memref<1x128xf32, #tpu.memory_space<vmem>>
    %dma_start3A_421 = tpu.memref_squeeze %dma_start3A_420 : memref<1x128xf32, #tpu.memory_space<vmem>> -> memref<128xf32, #tpu.memory_space<vmem>>
    %dma_start3A_422 = arith.constant 0 : i32
    %dma_start3A_423 = tpu.memref_slice %arg7[%dma_start3A_417, %dma_start3A_422] : memref<16x128xi32, #tpu.memory_space<vmem>> -> memref<1x128xi32, #tpu.memory_space<vmem>>
    %dma_start3A_424 = tpu.memref_squeeze %dma_start3A_423 : memref<1x128xi32, #tpu.memory_space<vmem>> -> memref<128xi32, #tpu.memory_space<vmem>>
    %dma_start3A_425 = arith.constant 0 : i32
    %dma_start3A_426 = tpu.memref_slice %arg2[%dma_start3A_425] : memref<1015808xf32, #tpu.memory_space<hbm>> -> memref<1015808xf32, #tpu.memory_space<hbm>>
    tpu.enqueue_indirect_dma source(%dma_start3A_426 : memref<1015808xf32, #tpu.memory_space<hbm>>) target(%dma_start3A_421 : memref<128xf32, #tpu.memory_space<vmem>>) offsets(%dma_start3A_424 : memref<128xi32, #tpu.memory_space<vmem>>) semaphore(%arg19 : memref<!tpu.dma_semaphore, #tpu.memory_space<semaphore_mem>>)
    %dma_start3A_427 = arith.constant 4 : i32
    %dma_start3A_428 = arith.constant 4 : i32
    %dma_start3A_429 = arith.constant 0 : i32
    %dma_start3A_430 = tpu.memref_slice %arg11[%dma_start3A_428, %dma_start3A_429] : memref<16x128xf32, #tpu.memory_space<vmem>> -> memref<1x128xf32, #tpu.memory_space<vmem>>
    %dma_start3A_431 = tpu.memref_squeeze %dma_start3A_430 : memref<1x128xf32, #tpu.memory_space<vmem>> -> memref<128xf32, #tpu.memory_space<vmem>>
    %dma_start3A_432 = arith.constant 0 : i32
    %dma_start3A_433 = tpu.memref_slice %arg7[%dma_start3A_427, %dma_start3A_432] : memref<16x128xi32, #tpu.memory_space<vmem>> -> memref<1x128xi32, #tpu.memory_space<vmem>>
    %dma_start3A_434 = tpu.memref_squeeze %dma_start3A_433 : memref<1x128xi32, #tpu.memory_space<vmem>> -> memref<128xi32, #tpu.memory_space<vmem>>
    %dma_start3A_435 = arith.constant 0 : i32
    %dma_start3A_436 = tpu.memref_slice %arg2[%dma_start3A_435] : memref<1015808xf32, #tpu.memory_space<hbm>> -> memref<1015808xf32, #tpu.memory_space<hbm>>
    tpu.enqueue_indirect_dma source(%dma_start3A_436 : memref<1015808xf32, #tpu.memory_space<hbm>>) target(%dma_start3A_431 : memref<128xf32, #tpu.memory_space<vmem>>) offsets(%dma_start3A_434 : memref<128xi32, #tpu.memory_space<vmem>>) semaphore(%arg19 : memref<!tpu.dma_semaphore, #tpu.memory_space<semaphore_mem>>)
    %dma_start3A_437 = arith.constant 5 : i32
    %dma_start3A_438 = arith.constant 5 : i32
    %dma_start3A_439 = arith.constant 0 : i32
    %dma_start3A_440 = tpu.memref_slice %arg11[%dma_start3A_438, %dma_start3A_439] : memref<16x128xf32, #tpu.memory_space<vmem>> -> memref<1x128xf32, #tpu.memory_space<vmem>>
    %dma_start3A_441 = tpu.memref_squeeze %dma_start3A_440 : memref<1x128xf32, #tpu.memory_space<vmem>> -> memref<128xf32, #tpu.memory_space<vmem>>
    %dma_start3A_442 = arith.constant 0 : i32
    %dma_start3A_443 = tpu.memref_slice %arg7[%dma_start3A_437, %dma_start3A_442] : memref<16x128xi32, #tpu.memory_space<vmem>> -> memref<1x128xi32, #tpu.memory_space<vmem>>
    %dma_start3A_444 = tpu.memref_squeeze %dma_start3A_443 : memref<1x128xi32, #tpu.memory_space<vmem>> -> memref<128xi32, #tpu.memory_space<vmem>>
    %dma_start3A_445 = arith.constant 0 : i32
    %dma_start3A_446 = tpu.memref_slice %arg2[%dma_start3A_445] : memref<1015808xf32, #tpu.memory_space<hbm>> -> memref<1015808xf32, #tpu.memory_space<hbm>>
    tpu.enqueue_indirect_dma source(%dma_start3A_446 : memref<1015808xf32, #tpu.memory_space<hbm>>) target(%dma_start3A_441 : memref<128xf32, #tpu.memory_space<vmem>>) offsets(%dma_start3A_444 : memref<128xi32, #tpu.memory_space<vmem>>) semaphore(%arg19 : memref<!tpu.dma_semaphore, #tpu.memory_space<semaphore_mem>>)
    %dma_start3A_447 = arith.constant 6 : i32
    %dma_start3A_448 = arith.constant 6 : i32
    %dma_start3A_449 = arith.constant 0 : i32
    %dma_start3A_450 = tpu.memref_slice %arg11[%dma_start3A_448, %dma_start3A_449] : memref<16x128xf32, #tpu.memory_space<vmem>> -> memref<1x128xf32, #tpu.memory_space<vmem>>
    %dma_start3A_451 = tpu.memref_squeeze %dma_start3A_450 : memref<1x128xf32, #tpu.memory_space<vmem>> -> memref<128xf32, #tpu.memory_space<vmem>>
    %dma_start3A_452 = arith.constant 0 : i32
    %dma_start3A_453 = tpu.memref_slice %arg7[%dma_start3A_447, %dma_start3A_452] : memref<16x128xi32, #tpu.memory_space<vmem>> -> memref<1x128xi32, #tpu.memory_space<vmem>>
    %dma_start3A_454 = tpu.memref_squeeze %dma_start3A_453 : memref<1x128xi32, #tpu.memory_space<vmem>> -> memref<128xi32, #tpu.memory_space<vmem>>
    %dma_start3A_455 = arith.constant 0 : i32
    %dma_start3A_456 = tpu.memref_slice %arg2[%dma_start3A_455] : memref<1015808xf32, #tpu.memory_space<hbm>> -> memref<1015808xf32, #tpu.memory_space<hbm>>
    tpu.enqueue_indirect_dma source(%dma_start3A_456 : memref<1015808xf32, #tpu.memory_space<hbm>>) target(%dma_start3A_451 : memref<128xf32, #tpu.memory_space<vmem>>) offsets(%dma_start3A_454 : memref<128xi32, #tpu.memory_space<vmem>>) semaphore(%arg19 : memref<!tpu.dma_semaphore, #tpu.memory_space<semaphore_mem>>)
    %dma_start3A_457 = arith.constant 7 : i32
    %dma_start3A_458 = arith.constant 7 : i32
    %dma_start3A_459 = arith.constant 0 : i32
    %dma_start3A_460 = tpu.memref_slice %arg11[%dma_start3A_458, %dma_start3A_459] : memref<16x128xf32, #tpu.memory_space<vmem>> -> memref<1x128xf32, #tpu.memory_space<vmem>>
    %dma_start3A_461 = tpu.memref_squeeze %dma_start3A_460 : memref<1x128xf32, #tpu.memory_space<vmem>> -> memref<128xf32, #tpu.memory_space<vmem>>
    %dma_start3A_462 = arith.constant 0 : i32
    %dma_start3A_463 = tpu.memref_slice %arg7[%dma_start3A_457, %dma_start3A_462] : memref<16x128xi32, #tpu.memory_space<vmem>> -> memref<1x128xi32, #tpu.memory_space<vmem>>
    %dma_start3A_464 = tpu.memref_squeeze %dma_start3A_463 : memref<1x128xi32, #tpu.memory_space<vmem>> -> memref<128xi32, #tpu.memory_space<vmem>>
    %dma_start3A_465 = arith.constant 0 : i32
    %dma_start3A_466 = tpu.memref_slice %arg2[%dma_start3A_465] : memref<1015808xf32, #tpu.memory_space<hbm>> -> memref<1015808xf32, #tpu.memory_space<hbm>>
    tpu.enqueue_indirect_dma source(%dma_start3A_466 : memref<1015808xf32, #tpu.memory_space<hbm>>) target(%dma_start3A_461 : memref<128xf32, #tpu.memory_space<vmem>>) offsets(%dma_start3A_464 : memref<128xi32, #tpu.memory_space<vmem>>) semaphore(%arg19 : memref<!tpu.dma_semaphore, #tpu.memory_space<semaphore_mem>>)
    %dma_start3A_467 = arith.constant 8 : i32
    %dma_start3A_468 = arith.constant 8 : i32
    %dma_start3A_469 = arith.constant 0 : i32
    %dma_start3A_470 = tpu.memref_slice %arg11[%dma_start3A_468, %dma_start3A_469] : memref<16x128xf32, #tpu.memory_space<vmem>> -> memref<1x128xf32, #tpu.memory_space<vmem>>
    %dma_start3A_471 = tpu.memref_squeeze %dma_start3A_470 : memref<1x128xf32, #tpu.memory_space<vmem>> -> memref<128xf32, #tpu.memory_space<vmem>>
    %dma_start3A_472 = arith.constant 0 : i32
    %dma_start3A_473 = tpu.memref_slice %arg7[%dma_start3A_467, %dma_start3A_472] : memref<16x128xi32, #tpu.memory_space<vmem>> -> memref<1x128xi32, #tpu.memory_space<vmem>>
    %dma_start3A_474 = tpu.memref_squeeze %dma_start3A_473 : memref<1x128xi32, #tpu.memory_space<vmem>> -> memref<128xi32, #tpu.memory_space<vmem>>
    %dma_start3A_475 = arith.constant 0 : i32
    %dma_start3A_476 = tpu.memref_slice %arg2[%dma_start3A_475] : memref<1015808xf32, #tpu.memory_space<hbm>> -> memref<1015808xf32, #tpu.memory_space<hbm>>
    tpu.enqueue_indirect_dma source(%dma_start3A_476 : memref<1015808xf32, #tpu.memory_space<hbm>>) target(%dma_start3A_471 : memref<128xf32, #tpu.memory_space<vmem>>) offsets(%dma_start3A_474 : memref<128xi32, #tpu.memory_space<vmem>>) semaphore(%arg19 : memref<!tpu.dma_semaphore, #tpu.memory_space<semaphore_mem>>)
    %dma_start3A_477 = arith.constant 9 : i32
    %dma_start3A_478 = arith.constant 9 : i32
    %dma_start3A_479 = arith.constant 0 : i32
    %dma_start3A_480 = tpu.memref_slice %arg11[%dma_start3A_478, %dma_start3A_479] : memref<16x128xf32, #tpu.memory_space<vmem>> -> memref<1x128xf32, #tpu.memory_space<vmem>>
    %dma_start3A_481 = tpu.memref_squeeze %dma_start3A_480 : memref<1x128xf32, #tpu.memory_space<vmem>> -> memref<128xf32, #tpu.memory_space<vmem>>
    %dma_start3A_482 = arith.constant 0 : i32
    %dma_start3A_483 = tpu.memref_slice %arg7[%dma_start3A_477, %dma_start3A_482] : memref<16x128xi32, #tpu.memory_space<vmem>> -> memref<1x128xi32, #tpu.memory_space<vmem>>
    %dma_start3A_484 = tpu.memref_squeeze %dma_start3A_483 : memref<1x128xi32, #tpu.memory_space<vmem>> -> memref<128xi32, #tpu.memory_space<vmem>>
    %dma_start3A_485 = arith.constant 0 : i32
    %dma_start3A_486 = tpu.memref_slice %arg2[%dma_start3A_485] : memref<1015808xf32, #tpu.memory_space<hbm>> -> memref<1015808xf32, #tpu.memory_space<hbm>>
    tpu.enqueue_indirect_dma source(%dma_start3A_486 : memref<1015808xf32, #tpu.memory_space<hbm>>) target(%dma_start3A_481 : memref<128xf32, #tpu.memory_space<vmem>>) offsets(%dma_start3A_484 : memref<128xi32, #tpu.memory_space<vmem>>) semaphore(%arg19 : memref<!tpu.dma_semaphore, #tpu.memory_space<semaphore_mem>>)
    %dma_start3A_487 = arith.constant 10 : i32
    %dma_start3A_488 = arith.constant 10 : i32
    %dma_start3A_489 = arith.constant 0 : i32
    %dma_start3A_490 = tpu.memref_slice %arg11[%dma_start3A_488, %dma_start3A_489] : memref<16x128xf32, #tpu.memory_space<vmem>> -> memref<1x128xf32, #tpu.memory_space<vmem>>
    %dma_start3A_491 = tpu.memref_squeeze %dma_start3A_490 : memref<1x128xf32, #tpu.memory_space<vmem>> -> memref<128xf32, #tpu.memory_space<vmem>>
    %dma_start3A_492 = arith.constant 0 : i32
    %dma_start3A_493 = tpu.memref_slice %arg7[%dma_start3A_487, %dma_start3A_492] : memref<16x128xi32, #tpu.memory_space<vmem>> -> memref<1x128xi32, #tpu.memory_space<vmem>>
    %dma_start3A_494 = tpu.memref_squeeze %dma_start3A_493 : memref<1x128xi32, #tpu.memory_space<vmem>> -> memref<128xi32, #tpu.memory_space<vmem>>
    %dma_start3A_495 = arith.constant 0 : i32
    %dma_start3A_496 = tpu.memref_slice %arg2[%dma_start3A_495] : memref<1015808xf32, #tpu.memory_space<hbm>> -> memref<1015808xf32, #tpu.memory_space<hbm>>
    tpu.enqueue_indirect_dma source(%dma_start3A_496 : memref<1015808xf32, #tpu.memory_space<hbm>>) target(%dma_start3A_491 : memref<128xf32, #tpu.memory_space<vmem>>) offsets(%dma_start3A_494 : memref<128xi32, #tpu.memory_space<vmem>>) semaphore(%arg19 : memref<!tpu.dma_semaphore, #tpu.memory_space<semaphore_mem>>)
    %dma_start3A_497 = arith.constant 11 : i32
    %dma_start3A_498 = arith.constant 11 : i32
    %dma_start3A_499 = arith.constant 0 : i32
    %dma_start3A_500 = tpu.memref_slice %arg11[%dma_start3A_498, %dma_start3A_499] : memref<16x128xf32, #tpu.memory_space<vmem>> -> memref<1x128xf32, #tpu.memory_space<vmem>>
    %dma_start3A_501 = tpu.memref_squeeze %dma_start3A_500 : memref<1x128xf32, #tpu.memory_space<vmem>> -> memref<128xf32, #tpu.memory_space<vmem>>
    %dma_start3A_502 = arith.constant 0 : i32
    %dma_start3A_503 = tpu.memref_slice %arg7[%dma_start3A_497, %dma_start3A_502] : memref<16x128xi32, #tpu.memory_space<vmem>> -> memref<1x128xi32, #tpu.memory_space<vmem>>
    %dma_start3A_504 = tpu.memref_squeeze %dma_start3A_503 : memref<1x128xi32, #tpu.memory_space<vmem>> -> memref<128xi32, #tpu.memory_space<vmem>>
    %dma_start3A_505 = arith.constant 0 : i32
    %dma_start3A_506 = tpu.memref_slice %arg2[%dma_start3A_505] : memref<1015808xf32, #tpu.memory_space<hbm>> -> memref<1015808xf32, #tpu.memory_space<hbm>>
    tpu.enqueue_indirect_dma source(%dma_start3A_506 : memref<1015808xf32, #tpu.memory_space<hbm>>) target(%dma_start3A_501 : memref<128xf32, #tpu.memory_space<vmem>>) offsets(%dma_start3A_504 : memref<128xi32, #tpu.memory_space<vmem>>) semaphore(%arg19 : memref<!tpu.dma_semaphore, #tpu.memory_space<semaphore_mem>>)
    %dma_start3A_507 = arith.constant 12 : i32
    %dma_start3A_508 = arith.constant 12 : i32
    %dma_start3A_509 = arith.constant 0 : i32
    %dma_start3A_510 = tpu.memref_slice %arg11[%dma_start3A_508, %dma_start3A_509] : memref<16x128xf32, #tpu.memory_space<vmem>> -> memref<1x128xf32, #tpu.memory_space<vmem>>
    %dma_start3A_511 = tpu.memref_squeeze %dma_start3A_510 : memref<1x128xf32, #tpu.memory_space<vmem>> -> memref<128xf32, #tpu.memory_space<vmem>>
    %dma_start3A_512 = arith.constant 0 : i32
    %dma_start3A_513 = tpu.memref_slice %arg7[%dma_start3A_507, %dma_start3A_512] : memref<16x128xi32, #tpu.memory_space<vmem>> -> memref<1x128xi32, #tpu.memory_space<vmem>>
    %dma_start3A_514 = tpu.memref_squeeze %dma_start3A_513 : memref<1x128xi32, #tpu.memory_space<vmem>> -> memref<128xi32, #tpu.memory_space<vmem>>
    %dma_start3A_515 = arith.constant 0 : i32
    %dma_start3A_516 = tpu.memref_slice %arg2[%dma_start3A_515] : memref<1015808xf32, #tpu.memory_space<hbm>> -> memref<1015808xf32, #tpu.memory_space<hbm>>
    tpu.enqueue_indirect_dma source(%dma_start3A_516 : memref<1015808xf32, #tpu.memory_space<hbm>>) target(%dma_start3A_511 : memref<128xf32, #tpu.memory_space<vmem>>) offsets(%dma_start3A_514 : memref<128xi32, #tpu.memory_space<vmem>>) semaphore(%arg19 : memref<!tpu.dma_semaphore, #tpu.memory_space<semaphore_mem>>)
    %dma_start3A_517 = arith.constant 13 : i32
    %dma_start3A_518 = arith.constant 13 : i32
    %dma_start3A_519 = arith.constant 0 : i32
    %dma_start3A_520 = tpu.memref_slice %arg11[%dma_start3A_518, %dma_start3A_519] : memref<16x128xf32, #tpu.memory_space<vmem>> -> memref<1x128xf32, #tpu.memory_space<vmem>>
    %dma_start3A_521 = tpu.memref_squeeze %dma_start3A_520 : memref<1x128xf32, #tpu.memory_space<vmem>> -> memref<128xf32, #tpu.memory_space<vmem>>
    %dma_start3A_522 = arith.constant 0 : i32
    %dma_start3A_523 = tpu.memref_slice %arg7[%dma_start3A_517, %dma_start3A_522] : memref<16x128xi32, #tpu.memory_space<vmem>> -> memref<1x128xi32, #tpu.memory_space<vmem>>
    %dma_start3A_524 = tpu.memref_squeeze %dma_start3A_523 : memref<1x128xi32, #tpu.memory_space<vmem>> -> memref<128xi32, #tpu.memory_space<vmem>>
    %dma_start3A_525 = arith.constant 0 : i32
    %dma_start3A_526 = tpu.memref_slice %arg2[%dma_start3A_525] : memref<1015808xf32, #tpu.memory_space<hbm>> -> memref<1015808xf32, #tpu.memory_space<hbm>>
    tpu.enqueue_indirect_dma source(%dma_start3A_526 : memref<1015808xf32, #tpu.memory_space<hbm>>) target(%dma_start3A_521 : memref<128xf32, #tpu.memory_space<vmem>>) offsets(%dma_start3A_524 : memref<128xi32, #tpu.memory_space<vmem>>) semaphore(%arg19 : memref<!tpu.dma_semaphore, #tpu.memory_space<semaphore_mem>>)
    %dma_start3A_527 = arith.constant 14 : i32
    %dma_start3A_528 = arith.constant 14 : i32
    %dma_start3A_529 = arith.constant 0 : i32
    %dma_start3A_530 = tpu.memref_slice %arg11[%dma_start3A_528, %dma_start3A_529] : memref<16x128xf32, #tpu.memory_space<vmem>> -> memref<1x128xf32, #tpu.memory_space<vmem>>
    %dma_start3A_531 = tpu.memref_squeeze %dma_start3A_530 : memref<1x128xf32, #tpu.memory_space<vmem>> -> memref<128xf32, #tpu.memory_space<vmem>>
    %dma_start3A_532 = arith.constant 0 : i32
    %dma_start3A_533 = tpu.memref_slice %arg7[%dma_start3A_527, %dma_start3A_532] : memref<16x128xi32, #tpu.memory_space<vmem>> -> memref<1x128xi32, #tpu.memory_space<vmem>>
    %dma_start3A_534 = tpu.memref_squeeze %dma_start3A_533 : memref<1x128xi32, #tpu.memory_space<vmem>> -> memref<128xi32, #tpu.memory_space<vmem>>
    %dma_start3A_535 = arith.constant 0 : i32
    %dma_start3A_536 = tpu.memref_slice %arg2[%dma_start3A_535] : memref<1015808xf32, #tpu.memory_space<hbm>> -> memref<1015808xf32, #tpu.memory_space<hbm>>
    tpu.enqueue_indirect_dma source(%dma_start3A_536 : memref<1015808xf32, #tpu.memory_space<hbm>>) target(%dma_start3A_531 : memref<128xf32, #tpu.memory_space<vmem>>) offsets(%dma_start3A_534 : memref<128xi32, #tpu.memory_space<vmem>>) semaphore(%arg19 : memref<!tpu.dma_semaphore, #tpu.memory_space<semaphore_mem>>)
    %dma_start3A_537 = arith.constant 15 : i32
    %dma_start3A_538 = arith.constant 15 : i32
    %dma_start3A_539 = arith.constant 0 : i32
    %dma_start3A_540 = tpu.memref_slice %arg11[%dma_start3A_538, %dma_start3A_539] : memref<16x128xf32, #tpu.memory_space<vmem>> -> memref<1x128xf32, #tpu.memory_space<vmem>>
    %dma_start3A_541 = tpu.memref_squeeze %dma_start3A_540 : memref<1x128xf32, #tpu.memory_space<vmem>> -> memref<128xf32, #tpu.memory_space<vmem>>
    %dma_start3A_542 = arith.constant 0 : i32
    %dma_start3A_543 = tpu.memref_slice %arg7[%dma_start3A_537, %dma_start3A_542] : memref<16x128xi32, #tpu.memory_space<vmem>> -> memref<1x128xi32, #tpu.memory_space<vmem>>
    %dma_start3A_544 = tpu.memref_squeeze %dma_start3A_543 : memref<1x128xi32, #tpu.memory_space<vmem>> -> memref<128xi32, #tpu.memory_space<vmem>>
    %dma_start3A_545 = arith.constant 0 : i32
    %dma_start3A_546 = tpu.memref_slice %arg2[%dma_start3A_545] : memref<1015808xf32, #tpu.memory_space<hbm>> -> memref<1015808xf32, #tpu.memory_space<hbm>>
    tpu.enqueue_indirect_dma source(%dma_start3A_546 : memref<1015808xf32, #tpu.memory_space<hbm>>) target(%dma_start3A_541 : memref<128xf32, #tpu.memory_space<vmem>>) offsets(%dma_start3A_544 : memref<128xi32, #tpu.memory_space<vmem>>) semaphore(%arg19 : memref<!tpu.dma_semaphore, #tpu.memory_space<semaphore_mem>>)
    %dma_wait3A_547 = arith.constant 0 : i32
    %dma_wait3A_548 = arith.constant 0 : i32
    %dma_wait3A_549 = tpu.memref_slice %arg4[%dma_wait3A_547, %dma_wait3A_548] : memref<32768x128xf32, #tpu.memory_space<hbm>> -> memref<16x128xf32, #tpu.memory_space<hbm>>
    %dma_wait3A_550 = arith.constant 0 : i32
    %dma_wait3A_551 = arith.constant 0 : i32
    %dma_wait3A_552 = tpu.memref_slice %arg4[%dma_wait3A_550, %dma_wait3A_551] : memref<32768x128xf32, #tpu.memory_space<hbm>> -> memref<16x128xf32, #tpu.memory_space<hbm>>
    tpu.wait_dma2 semaphore(%arg18 : memref<!tpu.dma_semaphore, #tpu.memory_space<semaphore_mem>>) src(%dma_wait3A_552 : memref<16x128xf32, #tpu.memory_space<hbm>>) dst(%arg10 : memref<16x128xf32, #tpu.memory_space<vmem>>)
    %add3A_553 = arith.constant 16 : i32
    %add3A_554 = arith.addi %mul3A_2, %add3A_553 : i32
    %dma_start3A_555 = arith.constant 0 : i32
    %dma_start3A_556 = tpu.memref_slice %arg4[%add3A_554, %dma_start3A_555] : memref<32768x128xf32, #tpu.memory_space<hbm>> -> memref<16x128xf32, #tpu.memory_space<hbm>>
    %dma_start3A_557 = arith.constant 0 : i32
    %dma_start3A_558 = tpu.memref_slice %arg4[%add3A_554, %dma_start3A_557] : memref<32768x128xf32, #tpu.memory_space<hbm>> -> memref<16x128xf32, #tpu.memory_space<hbm>>
    tpu.enqueue_dma source(%arg10 : memref<16x128xf32, #tpu.memory_space<vmem>>) target(%dma_start3A_558 : memref<16x128xf32, #tpu.memory_space<hbm>>) target_semaphore(%arg22 : memref<!tpu.dma_semaphore, #tpu.memory_space<semaphore_mem>>)
    %min3A_559 = arith.constant 5 : i32
    %min3A_560 = arith.constant 63 : i32
    %min3A_561 = arith.minsi %min3A_559, %min3A_560 : i32
    %mul3A_562 = arith.constant 16 : i32
    %mul3A_563 = arith.muli %min3A_561, %mul3A_562 : i32
    %add3A_564 = arith.addi %mul3A_2, %mul3A_563 : i32
    %dma_start3A_565 = arith.constant 0 : i32
    %dma_start3A_566 = tpu.memref_slice %arg3[%add3A_564, %dma_start3A_565] : memref<32768x128xi32, #tpu.memory_space<hbm>> -> memref<16x128xi32, #tpu.memory_space<hbm>>
    %dma_start3A_567 = arith.constant 0 : i32
    %dma_start3A_568 = tpu.memref_slice %arg3[%add3A_564, %dma_start3A_567] : memref<32768x128xi32, #tpu.memory_space<hbm>> -> memref<16x128xi32, #tpu.memory_space<hbm>>
    tpu.enqueue_dma source(%dma_start3A_568 : memref<16x128xi32, #tpu.memory_space<hbm>>) target(%arg6 : memref<16x128xi32, #tpu.memory_space<vmem>>) target_semaphore(%arg14 : memref<!tpu.dma_semaphore, #tpu.memory_space<semaphore_mem>>)
    %min3A_569 = arith.constant 3 : i32
    %min3A_570 = arith.constant 63 : i32
    %min3A_571 = arith.minsi %min3A_569, %min3A_570 : i32
    %dma_wait3A_572 = arith.constant 0 : i32
    %dma_wait3A_573 = arith.constant 0 : i32
    %dma_wait3A_574 = tpu.memref_slice %arg3[%dma_wait3A_572, %dma_wait3A_573] : memref<32768x128xi32, #tpu.memory_space<hbm>> -> memref<16x128xi32, #tpu.memory_space<hbm>>
    %dma_wait3A_575 = arith.constant 0 : i32
    %dma_wait3A_576 = arith.constant 0 : i32
    %dma_wait3A_577 = tpu.memref_slice %arg3[%dma_wait3A_575, %dma_wait3A_576] : memref<32768x128xi32, #tpu.memory_space<hbm>> -> memref<16x128xi32, #tpu.memory_space<hbm>>
    tpu.wait_dma2 semaphore(%arg16 : memref<!tpu.dma_semaphore, #tpu.memory_space<semaphore_mem>>) src(%dma_wait3A_577 : memref<16x128xi32, #tpu.memory_space<hbm>>) dst(%arg8 : memref<16x128xi32, #tpu.memory_space<vmem>>)
    %dma_start3A_578 = arith.constant 0 : i32
    %dma_start3A_579 = arith.constant 0 : i32
    %dma_start3A_580 = arith.constant 0 : i32
    %dma_start3A_581 = tpu.memref_slice %arg12[%dma_start3A_579, %dma_start3A_580] : memref<16x128xf32, #tpu.memory_space<vmem>> -> memref<1x128xf32, #tpu.memory_space<vmem>>
    %dma_start3A_582 = tpu.memref_squeeze %dma_start3A_581 : memref<1x128xf32, #tpu.memory_space<vmem>> -> memref<128xf32, #tpu.memory_space<vmem>>
    %dma_start3A_583 = arith.constant 0 : i32
    %dma_start3A_584 = tpu.memref_slice %arg8[%dma_start3A_578, %dma_start3A_583] : memref<16x128xi32, #tpu.memory_space<vmem>> -> memref<1x128xi32, #tpu.memory_space<vmem>>
    %dma_start3A_585 = tpu.memref_squeeze %dma_start3A_584 : memref<1x128xi32, #tpu.memory_space<vmem>> -> memref<128xi32, #tpu.memory_space<vmem>>
    %dma_start3A_586 = arith.constant 0 : i32
    %dma_start3A_587 = tpu.memref_slice %arg2[%dma_start3A_586] : memref<1015808xf32, #tpu.memory_space<hbm>> -> memref<1015808xf32, #tpu.memory_space<hbm>>
    tpu.enqueue_indirect_dma source(%dma_start3A_587 : memref<1015808xf32, #tpu.memory_space<hbm>>) target(%dma_start3A_582 : memref<128xf32, #tpu.memory_space<vmem>>) offsets(%dma_start3A_585 : memref<128xi32, #tpu.memory_space<vmem>>) semaphore(%arg20 : memref<!tpu.dma_semaphore, #tpu.memory_space<semaphore_mem>>)
    %dma_start3A_588 = arith.constant 1 : i32
    %dma_start3A_589 = arith.constant 1 : i32
    %dma_start3A_590 = arith.constant 0 : i32
    %dma_start3A_591 = tpu.memref_slice %arg12[%dma_start3A_589, %dma_start3A_590] : memref<16x128xf32, #tpu.memory_space<vmem>> -> memref<1x128xf32, #tpu.memory_space<vmem>>
    %dma_start3A_592 = tpu.memref_squeeze %dma_start3A_591 : memref<1x128xf32, #tpu.memory_space<vmem>> -> memref<128xf32, #tpu.memory_space<vmem>>
    %dma_start3A_593 = arith.constant 0 : i32
    %dma_start3A_594 = tpu.memref_slice %arg8[%dma_start3A_588, %dma_start3A_593] : memref<16x128xi32, #tpu.memory_space<vmem>> -> memref<1x128xi32, #tpu.memory_space<vmem>>
    %dma_start3A_595 = tpu.memref_squeeze %dma_start3A_594 : memref<1x128xi32, #tpu.memory_space<vmem>> -> memref<128xi32, #tpu.memory_space<vmem>>
    %dma_start3A_596 = arith.constant 0 : i32
    %dma_start3A_597 = tpu.memref_slice %arg2[%dma_start3A_596] : memref<1015808xf32, #tpu.memory_space<hbm>> -> memref<1015808xf32, #tpu.memory_space<hbm>>
    tpu.enqueue_indirect_dma source(%dma_start3A_597 : memref<1015808xf32, #tpu.memory_space<hbm>>) target(%dma_start3A_592 : memref<128xf32, #tpu.memory_space<vmem>>) offsets(%dma_start3A_595 : memref<128xi32, #tpu.memory_space<vmem>>) semaphore(%arg20 : memref<!tpu.dma_semaphore, #tpu.memory_space<semaphore_mem>>)
    %dma_start3A_598 = arith.constant 2 : i32
    %dma_start3A_599 = arith.constant 2 : i32
    %dma_start3A_600 = arith.constant 0 : i32
    %dma_start3A_601 = tpu.memref_slice %arg12[%dma_start3A_599, %dma_start3A_600] : memref<16x128xf32, #tpu.memory_space<vmem>> -> memref<1x128xf32, #tpu.memory_space<vmem>>
    %dma_start3A_602 = tpu.memref_squeeze %dma_start3A_601 : memref<1x128xf32, #tpu.memory_space<vmem>> -> memref<128xf32, #tpu.memory_space<vmem>>
    %dma_start3A_603 = arith.constant 0 : i32
    %dma_start3A_604 = tpu.memref_slice %arg8[%dma_start3A_598, %dma_start3A_603] : memref<16x128xi32, #tpu.memory_space<vmem>> -> memref<1x128xi32, #tpu.memory_space<vmem>>
    %dma_start3A_605 = tpu.memref_squeeze %dma_start3A_604 : memref<1x128xi32, #tpu.memory_space<vmem>> -> memref<128xi32, #tpu.memory_space<vmem>>
    %dma_start3A_606 = arith.constant 0 : i32
    %dma_start3A_607 = tpu.memref_slice %arg2[%dma_start3A_606] : memref<1015808xf32, #tpu.memory_space<hbm>> -> memref<1015808xf32, #tpu.memory_space<hbm>>
    tpu.enqueue_indirect_dma source(%dma_start3A_607 : memref<1015808xf32, #tpu.memory_space<hbm>>) target(%dma_start3A_602 : memref<128xf32, #tpu.memory_space<vmem>>) offsets(%dma_start3A_605 : memref<128xi32, #tpu.memory_space<vmem>>) semaphore(%arg20 : memref<!tpu.dma_semaphore, #tpu.memory_space<semaphore_mem>>)
    %dma_start3A_608 = arith.constant 3 : i32
    %dma_start3A_609 = arith.constant 3 : i32
    %dma_start3A_610 = arith.constant 0 : i32
    %dma_start3A_611 = tpu.memref_slice %arg12[%dma_start3A_609, %dma_start3A_610] : memref<16x128xf32, #tpu.memory_space<vmem>> -> memref<1x128xf32, #tpu.memory_space<vmem>>
    %dma_start3A_612 = tpu.memref_squeeze %dma_start3A_611 : memref<1x128xf32, #tpu.memory_space<vmem>> -> memref<128xf32, #tpu.memory_space<vmem>>
    %dma_start3A_613 = arith.constant 0 : i32
    %dma_start3A_614 = tpu.memref_slice %arg8[%dma_start3A_608, %dma_start3A_613] : memref<16x128xi32, #tpu.memory_space<vmem>> -> memref<1x128xi32, #tpu.memory_space<vmem>>
    %dma_start3A_615 = tpu.memref_squeeze %dma_start3A_614 : memref<1x128xi32, #tpu.memory_space<vmem>> -> memref<128xi32, #tpu.memory_space<vmem>>
    %dma_start3A_616 = arith.constant 0 : i32
    %dma_start3A_617 = tpu.memref_slice %arg2[%dma_start3A_616] : memref<1015808xf32, #tpu.memory_space<hbm>> -> memref<1015808xf32, #tpu.memory_space<hbm>>
    tpu.enqueue_indirect_dma source(%dma_start3A_617 : memref<1015808xf32, #tpu.memory_space<hbm>>) target(%dma_start3A_612 : memref<128xf32, #tpu.memory_space<vmem>>) offsets(%dma_start3A_615 : memref<128xi32, #tpu.memory_space<vmem>>) semaphore(%arg20 : memref<!tpu.dma_semaphore, #tpu.memory_space<semaphore_mem>>)
    %dma_start3A_618 = arith.constant 4 : i32
    %dma_start3A_619 = arith.constant 4 : i32
    %dma_start3A_620 = arith.constant 0 : i32
    %dma_start3A_621 = tpu.memref_slice %arg12[%dma_start3A_619, %dma_start3A_620] : memref<16x128xf32, #tpu.memory_space<vmem>> -> memref<1x128xf32, #tpu.memory_space<vmem>>
    %dma_start3A_622 = tpu.memref_squeeze %dma_start3A_621 : memref<1x128xf32, #tpu.memory_space<vmem>> -> memref<128xf32, #tpu.memory_space<vmem>>
    %dma_start3A_623 = arith.constant 0 : i32
    %dma_start3A_624 = tpu.memref_slice %arg8[%dma_start3A_618, %dma_start3A_623] : memref<16x128xi32, #tpu.memory_space<vmem>> -> memref<1x128xi32, #tpu.memory_space<vmem>>
    %dma_start3A_625 = tpu.memref_squeeze %dma_start3A_624 : memref<1x128xi32, #tpu.memory_space<vmem>> -> memref<128xi32, #tpu.memory_space<vmem>>
    %dma_start3A_626 = arith.constant 0 : i32
    %dma_start3A_627 = tpu.memref_slice %arg2[%dma_start3A_626] : memref<1015808xf32, #tpu.memory_space<hbm>> -> memref<1015808xf32, #tpu.memory_space<hbm>>
    tpu.enqueue_indirect_dma source(%dma_start3A_627 : memref<1015808xf32, #tpu.memory_space<hbm>>) target(%dma_start3A_622 : memref<128xf32, #tpu.memory_space<vmem>>) offsets(%dma_start3A_625 : memref<128xi32, #tpu.memory_space<vmem>>) semaphore(%arg20 : memref<!tpu.dma_semaphore, #tpu.memory_space<semaphore_mem>>)
    %dma_start3A_628 = arith.constant 5 : i32
    %dma_start3A_629 = arith.constant 5 : i32
    %dma_start3A_630 = arith.constant 0 : i32
    %dma_start3A_631 = tpu.memref_slice %arg12[%dma_start3A_629, %dma_start3A_630] : memref<16x128xf32, #tpu.memory_space<vmem>> -> memref<1x128xf32, #tpu.memory_space<vmem>>
    %dma_start3A_632 = tpu.memref_squeeze %dma_start3A_631 : memref<1x128xf32, #tpu.memory_space<vmem>> -> memref<128xf32, #tpu.memory_space<vmem>>
    %dma_start3A_633 = arith.constant 0 : i32
    %dma_start3A_634 = tpu.memref_slice %arg8[%dma_start3A_628, %dma_start3A_633] : memref<16x128xi32, #tpu.memory_space<vmem>> -> memref<1x128xi32, #tpu.memory_space<vmem>>
    %dma_start3A_635 = tpu.memref_squeeze %dma_start3A_634 : memref<1x128xi32, #tpu.memory_space<vmem>> -> memref<128xi32, #tpu.memory_space<vmem>>
    %dma_start3A_636 = arith.constant 0 : i32
    %dma_start3A_637 = tpu.memref_slice %arg2[%dma_start3A_636] : memref<1015808xf32, #tpu.memory_space<hbm>> -> memref<1015808xf32, #tpu.memory_space<hbm>>
    tpu.enqueue_indirect_dma source(%dma_start3A_637 : memref<1015808xf32, #tpu.memory_space<hbm>>) target(%dma_start3A_632 : memref<128xf32, #tpu.memory_space<vmem>>) offsets(%dma_start3A_635 : memref<128xi32, #tpu.memory_space<vmem>>) semaphore(%arg20 : memref<!tpu.dma_semaphore, #tpu.memory_space<semaphore_mem>>)
    %dma_start3A_638 = arith.constant 6 : i32
    %dma_start3A_639 = arith.constant 6 : i32
    %dma_start3A_640 = arith.constant 0 : i32
    %dma_start3A_641 = tpu.memref_slice %arg12[%dma_start3A_639, %dma_start3A_640] : memref<16x128xf32, #tpu.memory_space<vmem>> -> memref<1x128xf32, #tpu.memory_space<vmem>>
    %dma_start3A_642 = tpu.memref_squeeze %dma_start3A_641 : memref<1x128xf32, #tpu.memory_space<vmem>> -> memref<128xf32, #tpu.memory_space<vmem>>
    %dma_start3A_643 = arith.constant 0 : i32
    %dma_start3A_644 = tpu.memref_slice %arg8[%dma_start3A_638, %dma_start3A_643] : memref<16x128xi32, #tpu.memory_space<vmem>> -> memref<1x128xi32, #tpu.memory_space<vmem>>
    %dma_start3A_645 = tpu.memref_squeeze %dma_start3A_644 : memref<1x128xi32, #tpu.memory_space<vmem>> -> memref<128xi32, #tpu.memory_space<vmem>>
    %dma_start3A_646 = arith.constant 0 : i32
    %dma_start3A_647 = tpu.memref_slice %arg2[%dma_start3A_646] : memref<1015808xf32, #tpu.memory_space<hbm>> -> memref<1015808xf32, #tpu.memory_space<hbm>>
    tpu.enqueue_indirect_dma source(%dma_start3A_647 : memref<1015808xf32, #tpu.memory_space<hbm>>) target(%dma_start3A_642 : memref<128xf32, #tpu.memory_space<vmem>>) offsets(%dma_start3A_645 : memref<128xi32, #tpu.memory_space<vmem>>) semaphore(%arg20 : memref<!tpu.dma_semaphore, #tpu.memory_space<semaphore_mem>>)
    %dma_start3A_648 = arith.constant 7 : i32
    %dma_start3A_649 = arith.constant 7 : i32
    %dma_start3A_650 = arith.constant 0 : i32
    %dma_start3A_651 = tpu.memref_slice %arg12[%dma_start3A_649, %dma_start3A_650] : memref<16x128xf32, #tpu.memory_space<vmem>> -> memref<1x128xf32, #tpu.memory_space<vmem>>
    %dma_start3A_652 = tpu.memref_squeeze %dma_start3A_651 : memref<1x128xf32, #tpu.memory_space<vmem>> -> memref<128xf32, #tpu.memory_space<vmem>>
    %dma_start3A_653 = arith.constant 0 : i32
    %dma_start3A_654 = tpu.memref_slice %arg8[%dma_start3A_648, %dma_start3A_653] : memref<16x128xi32, #tpu.memory_space<vmem>> -> memref<1x128xi32, #tpu.memory_space<vmem>>
    %dma_start3A_655 = tpu.memref_squeeze %dma_start3A_654 : memref<1x128xi32, #tpu.memory_space<vmem>> -> memref<128xi32, #tpu.memory_space<vmem>>
    %dma_start3A_656 = arith.constant 0 : i32
    %dma_start3A_657 = tpu.memref_slice %arg2[%dma_start3A_656] : memref<1015808xf32, #tpu.memory_space<hbm>> -> memref<1015808xf32, #tpu.memory_space<hbm>>
    tpu.enqueue_indirect_dma source(%dma_start3A_657 : memref<1015808xf32, #tpu.memory_space<hbm>>) target(%dma_start3A_652 : memref<128xf32, #tpu.memory_space<vmem>>) offsets(%dma_start3A_655 : memref<128xi32, #tpu.memory_space<vmem>>) semaphore(%arg20 : memref<!tpu.dma_semaphore, #tpu.memory_space<semaphore_mem>>)
    %dma_start3A_658 = arith.constant 8 : i32
    %dma_start3A_659 = arith.constant 8 : i32
    %dma_start3A_660 = arith.constant 0 : i32
    %dma_start3A_661 = tpu.memref_slice %arg12[%dma_start3A_659, %dma_start3A_660] : memref<16x128xf32, #tpu.memory_space<vmem>> -> memref<1x128xf32, #tpu.memory_space<vmem>>
    %dma_start3A_662 = tpu.memref_squeeze %dma_start3A_661 : memref<1x128xf32, #tpu.memory_space<vmem>> -> memref<128xf32, #tpu.memory_space<vmem>>
    %dma_start3A_663 = arith.constant 0 : i32
    %dma_start3A_664 = tpu.memref_slice %arg8[%dma_start3A_658, %dma_start3A_663] : memref<16x128xi32, #tpu.memory_space<vmem>> -> memref<1x128xi32, #tpu.memory_space<vmem>>
    %dma_start3A_665 = tpu.memref_squeeze %dma_start3A_664 : memref<1x128xi32, #tpu.memory_space<vmem>> -> memref<128xi32, #tpu.memory_space<vmem>>
    %dma_start3A_666 = arith.constant 0 : i32
    %dma_start3A_667 = tpu.memref_slice %arg2[%dma_start3A_666] : memref<1015808xf32, #tpu.memory_space<hbm>> -> memref<1015808xf32, #tpu.memory_space<hbm>>
    tpu.enqueue_indirect_dma source(%dma_start3A_667 : memref<1015808xf32, #tpu.memory_space<hbm>>) target(%dma_start3A_662 : memref<128xf32, #tpu.memory_space<vmem>>) offsets(%dma_start3A_665 : memref<128xi32, #tpu.memory_space<vmem>>) semaphore(%arg20 : memref<!tpu.dma_semaphore, #tpu.memory_space<semaphore_mem>>)
    %dma_start3A_668 = arith.constant 9 : i32
    %dma_start3A_669 = arith.constant 9 : i32
    %dma_start3A_670 = arith.constant 0 : i32
    %dma_start3A_671 = tpu.memref_slice %arg12[%dma_start3A_669, %dma_start3A_670] : memref<16x128xf32, #tpu.memory_space<vmem>> -> memref<1x128xf32, #tpu.memory_space<vmem>>
    %dma_start3A_672 = tpu.memref_squeeze %dma_start3A_671 : memref<1x128xf32, #tpu.memory_space<vmem>> -> memref<128xf32, #tpu.memory_space<vmem>>
    %dma_start3A_673 = arith.constant 0 : i32
    %dma_start3A_674 = tpu.memref_slice %arg8[%dma_start3A_668, %dma_start3A_673] : memref<16x128xi32, #tpu.memory_space<vmem>> -> memref<1x128xi32, #tpu.memory_space<vmem>>
    %dma_start3A_675 = tpu.memref_squeeze %dma_start3A_674 : memref<1x128xi32, #tpu.memory_space<vmem>> -> memref<128xi32, #tpu.memory_space<vmem>>
    %dma_start3A_676 = arith.constant 0 : i32
    %dma_start3A_677 = tpu.memref_slice %arg2[%dma_start3A_676] : memref<1015808xf32, #tpu.memory_space<hbm>> -> memref<1015808xf32, #tpu.memory_space<hbm>>
    tpu.enqueue_indirect_dma source(%dma_start3A_677 : memref<1015808xf32, #tpu.memory_space<hbm>>) target(%dma_start3A_672 : memref<128xf32, #tpu.memory_space<vmem>>) offsets(%dma_start3A_675 : memref<128xi32, #tpu.memory_space<vmem>>) semaphore(%arg20 : memref<!tpu.dma_semaphore, #tpu.memory_space<semaphore_mem>>)
    %dma_start3A_678 = arith.constant 10 : i32
    %dma_start3A_679 = arith.constant 10 : i32
    %dma_start3A_680 = arith.constant 0 : i32
    %dma_start3A_681 = tpu.memref_slice %arg12[%dma_start3A_679, %dma_start3A_680] : memref<16x128xf32, #tpu.memory_space<vmem>> -> memref<1x128xf32, #tpu.memory_space<vmem>>
    %dma_start3A_682 = tpu.memref_squeeze %dma_start3A_681 : memref<1x128xf32, #tpu.memory_space<vmem>> -> memref<128xf32, #tpu.memory_space<vmem>>
    %dma_start3A_683 = arith.constant 0 : i32
    %dma_start3A_684 = tpu.memref_slice %arg8[%dma_start3A_678, %dma_start3A_683] : memref<16x128xi32, #tpu.memory_space<vmem>> -> memref<1x128xi32, #tpu.memory_space<vmem>>
    %dma_start3A_685 = tpu.memref_squeeze %dma_start3A_684 : memref<1x128xi32, #tpu.memory_space<vmem>> -> memref<128xi32, #tpu.memory_space<vmem>>
    %dma_start3A_686 = arith.constant 0 : i32
    %dma_start3A_687 = tpu.memref_slice %arg2[%dma_start3A_686] : memref<1015808xf32, #tpu.memory_space<hbm>> -> memref<1015808xf32, #tpu.memory_space<hbm>>
    tpu.enqueue_indirect_dma source(%dma_start3A_687 : memref<1015808xf32, #tpu.memory_space<hbm>>) target(%dma_start3A_682 : memref<128xf32, #tpu.memory_space<vmem>>) offsets(%dma_start3A_685 : memref<128xi32, #tpu.memory_space<vmem>>) semaphore(%arg20 : memref<!tpu.dma_semaphore, #tpu.memory_space<semaphore_mem>>)
    %dma_start3A_688 = arith.constant 11 : i32
    %dma_start3A_689 = arith.constant 11 : i32
    %dma_start3A_690 = arith.constant 0 : i32
    %dma_start3A_691 = tpu.memref_slice %arg12[%dma_start3A_689, %dma_start3A_690] : memref<16x128xf32, #tpu.memory_space<vmem>> -> memref<1x128xf32, #tpu.memory_space<vmem>>
    %dma_start3A_692 = tpu.memref_squeeze %dma_start3A_691 : memref<1x128xf32, #tpu.memory_space<vmem>> -> memref<128xf32, #tpu.memory_space<vmem>>
    %dma_start3A_693 = arith.constant 0 : i32
    %dma_start3A_694 = tpu.memref_slice %arg8[%dma_start3A_688, %dma_start3A_693] : memref<16x128xi32, #tpu.memory_space<vmem>> -> memref<1x128xi32, #tpu.memory_space<vmem>>
    %dma_start3A_695 = tpu.memref_squeeze %dma_start3A_694 : memref<1x128xi32, #tpu.memory_space<vmem>> -> memref<128xi32, #tpu.memory_space<vmem>>
    %dma_start3A_696 = arith.constant 0 : i32
    %dma_start3A_697 = tpu.memref_slice %arg2[%dma_start3A_696] : memref<1015808xf32, #tpu.memory_space<hbm>> -> memref<1015808xf32, #tpu.memory_space<hbm>>
    tpu.enqueue_indirect_dma source(%dma_start3A_697 : memref<1015808xf32, #tpu.memory_space<hbm>>) target(%dma_start3A_692 : memref<128xf32, #tpu.memory_space<vmem>>) offsets(%dma_start3A_695 : memref<128xi32, #tpu.memory_space<vmem>>) semaphore(%arg20 : memref<!tpu.dma_semaphore, #tpu.memory_space<semaphore_mem>>)
    %dma_start3A_698 = arith.constant 12 : i32
    %dma_start3A_699 = arith.constant 12 : i32
    %dma_start3A_700 = arith.constant 0 : i32
    %dma_start3A_701 = tpu.memref_slice %arg12[%dma_start3A_699, %dma_start3A_700] : memref<16x128xf32, #tpu.memory_space<vmem>> -> memref<1x128xf32, #tpu.memory_space<vmem>>
    %dma_start3A_702 = tpu.memref_squeeze %dma_start3A_701 : memref<1x128xf32, #tpu.memory_space<vmem>> -> memref<128xf32, #tpu.memory_space<vmem>>
    %dma_start3A_703 = arith.constant 0 : i32
    %dma_start3A_704 = tpu.memref_slice %arg8[%dma_start3A_698, %dma_start3A_703] : memref<16x128xi32, #tpu.memory_space<vmem>> -> memref<1x128xi32, #tpu.memory_space<vmem>>
    %dma_start3A_705 = tpu.memref_squeeze %dma_start3A_704 : memref<1x128xi32, #tpu.memory_space<vmem>> -> memref<128xi32, #tpu.memory_space<vmem>>
    %dma_start3A_706 = arith.constant 0 : i32
    %dma_start3A_707 = tpu.memref_slice %arg2[%dma_start3A_706] : memref<1015808xf32, #tpu.memory_space<hbm>> -> memref<1015808xf32, #tpu.memory_space<hbm>>
    tpu.enqueue_indirect_dma source(%dma_start3A_707 : memref<1015808xf32, #tpu.memory_space<hbm>>) target(%dma_start3A_702 : memref<128xf32, #tpu.memory_space<vmem>>) offsets(%dma_start3A_705 : memref<128xi32, #tpu.memory_space<vmem>>) semaphore(%arg20 : memref<!tpu.dma_semaphore, #tpu.memory_space<semaphore_mem>>)
    %dma_start3A_708 = arith.constant 13 : i32
    %dma_start3A_709 = arith.constant 13 : i32
    %dma_start3A_710 = arith.constant 0 : i32
    %dma_start3A_711 = tpu.memref_slice %arg12[%dma_start3A_709, %dma_start3A_710] : memref<16x128xf32, #tpu.memory_space<vmem>> -> memref<1x128xf32, #tpu.memory_space<vmem>>
    %dma_start3A_712 = tpu.memref_squeeze %dma_start3A_711 : memref<1x128xf32, #tpu.memory_space<vmem>> -> memref<128xf32, #tpu.memory_space<vmem>>
    %dma_start3A_713 = arith.constant 0 : i32
    %dma_start3A_714 = tpu.memref_slice %arg8[%dma_start3A_708, %dma_start3A_713] : memref<16x128xi32, #tpu.memory_space<vmem>> -> memref<1x128xi32, #tpu.memory_space<vmem>>
    %dma_start3A_715 = tpu.memref_squeeze %dma_start3A_714 : memref<1x128xi32, #tpu.memory_space<vmem>> -> memref<128xi32, #tpu.memory_space<vmem>>
    %dma_start3A_716 = arith.constant 0 : i32
    %dma_start3A_717 = tpu.memref_slice %arg2[%dma_start3A_716] : memref<1015808xf32, #tpu.memory_space<hbm>> -> memref<1015808xf32, #tpu.memory_space<hbm>>
    tpu.enqueue_indirect_dma source(%dma_start3A_717 : memref<1015808xf32, #tpu.memory_space<hbm>>) target(%dma_start3A_712 : memref<128xf32, #tpu.memory_space<vmem>>) offsets(%dma_start3A_715 : memref<128xi32, #tpu.memory_space<vmem>>) semaphore(%arg20 : memref<!tpu.dma_semaphore, #tpu.memory_space<semaphore_mem>>)
    %dma_start3A_718 = arith.constant 14 : i32
    %dma_start3A_719 = arith.constant 14 : i32
    %dma_start3A_720 = arith.constant 0 : i32
    %dma_start3A_721 = tpu.memref_slice %arg12[%dma_start3A_719, %dma_start3A_720] : memref<16x128xf32, #tpu.memory_space<vmem>> -> memref<1x128xf32, #tpu.memory_space<vmem>>
    %dma_start3A_722 = tpu.memref_squeeze %dma_start3A_721 : memref<1x128xf32, #tpu.memory_space<vmem>> -> memref<128xf32, #tpu.memory_space<vmem>>
    %dma_start3A_723 = arith.constant 0 : i32
    %dma_start3A_724 = tpu.memref_slice %arg8[%dma_start3A_718, %dma_start3A_723] : memref<16x128xi32, #tpu.memory_space<vmem>> -> memref<1x128xi32, #tpu.memory_space<vmem>>
    %dma_start3A_725 = tpu.memref_squeeze %dma_start3A_724 : memref<1x128xi32, #tpu.memory_space<vmem>> -> memref<128xi32, #tpu.memory_space<vmem>>
    %dma_start3A_726 = arith.constant 0 : i32
    %dma_start3A_727 = tpu.memref_slice %arg2[%dma_start3A_726] : memref<1015808xf32, #tpu.memory_space<hbm>> -> memref<1015808xf32, #tpu.memory_space<hbm>>
    tpu.enqueue_indirect_dma source(%dma_start3A_727 : memref<1015808xf32, #tpu.memory_space<hbm>>) target(%dma_start3A_722 : memref<128xf32, #tpu.memory_space<vmem>>) offsets(%dma_start3A_725 : memref<128xi32, #tpu.memory_space<vmem>>) semaphore(%arg20 : memref<!tpu.dma_semaphore, #tpu.memory_space<semaphore_mem>>)
    %dma_start3A_728 = arith.constant 15 : i32
    %dma_start3A_729 = arith.constant 15 : i32
    %dma_start3A_730 = arith.constant 0 : i32
    %dma_start3A_731 = tpu.memref_slice %arg12[%dma_start3A_729, %dma_start3A_730] : memref<16x128xf32, #tpu.memory_space<vmem>> -> memref<1x128xf32, #tpu.memory_space<vmem>>
    %dma_start3A_732 = tpu.memref_squeeze %dma_start3A_731 : memref<1x128xf32, #tpu.memory_space<vmem>> -> memref<128xf32, #tpu.memory_space<vmem>>
    %dma_start3A_733 = arith.constant 0 : i32
    %dma_start3A_734 = tpu.memref_slice %arg8[%dma_start3A_728, %dma_start3A_733] : memref<16x128xi32, #tpu.memory_space<vmem>> -> memref<1x128xi32, #tpu.memory_space<vmem>>
    %dma_start3A_735 = tpu.memref_squeeze %dma_start3A_734 : memref<1x128xi32, #tpu.memory_space<vmem>> -> memref<128xi32, #tpu.memory_space<vmem>>
    %dma_start3A_736 = arith.constant 0 : i32
    %dma_start3A_737 = tpu.memref_slice %arg2[%dma_start3A_736] : memref<1015808xf32, #tpu.memory_space<hbm>> -> memref<1015808xf32, #tpu.memory_space<hbm>>
    tpu.enqueue_indirect_dma source(%dma_start3A_737 : memref<1015808xf32, #tpu.memory_space<hbm>>) target(%dma_start3A_732 : memref<128xf32, #tpu.memory_space<vmem>>) offsets(%dma_start3A_735 : memref<128xi32, #tpu.memory_space<vmem>>) semaphore(%arg20 : memref<!tpu.dma_semaphore, #tpu.memory_space<semaphore_mem>>)
    %dma_wait3A_738 = arith.constant 0 : i32
    %dma_wait3A_739 = arith.constant 0 : i32
    %dma_wait3A_740 = tpu.memref_slice %arg4[%dma_wait3A_738, %dma_wait3A_739] : memref<32768x128xf32, #tpu.memory_space<hbm>> -> memref<16x128xf32, #tpu.memory_space<hbm>>
    %dma_wait3A_741 = arith.constant 0 : i32
    %dma_wait3A_742 = arith.constant 0 : i32
    %dma_wait3A_743 = tpu.memref_slice %arg4[%dma_wait3A_741, %dma_wait3A_742] : memref<32768x128xf32, #tpu.memory_space<hbm>> -> memref<16x128xf32, #tpu.memory_space<hbm>>
    tpu.wait_dma2 semaphore(%arg19 : memref<!tpu.dma_semaphore, #tpu.memory_space<semaphore_mem>>) src(%dma_wait3A_743 : memref<16x128xf32, #tpu.memory_space<hbm>>) dst(%arg11 : memref<16x128xf32, #tpu.memory_space<vmem>>)
    %add3A_744 = arith.constant 32 : i32
    %add3A_745 = arith.addi %mul3A_2, %add3A_744 : i32
    %dma_start3A_746 = arith.constant 0 : i32
    %dma_start3A_747 = tpu.memref_slice %arg4[%add3A_745, %dma_start3A_746] : memref<32768x128xf32, #tpu.memory_space<hbm>> -> memref<16x128xf32, #tpu.memory_space<hbm>>
    %dma_start3A_748 = arith.constant 0 : i32
    %dma_start3A_749 = tpu.memref_slice %arg4[%add3A_745, %dma_start3A_748] : memref<32768x128xf32, #tpu.memory_space<hbm>> -> memref<16x128xf32, #tpu.memory_space<hbm>>
    tpu.enqueue_dma source(%arg11 : memref<16x128xf32, #tpu.memory_space<vmem>>) target(%dma_start3A_749 : memref<16x128xf32, #tpu.memory_space<hbm>>) target_semaphore(%arg23 : memref<!tpu.dma_semaphore, #tpu.memory_space<semaphore_mem>>)
    %min3A_750 = arith.constant 6 : i32
    %min3A_751 = arith.constant 63 : i32
    %min3A_752 = arith.minsi %min3A_750, %min3A_751 : i32
    %mul3A_753 = arith.constant 16 : i32
    %mul3A_754 = arith.muli %min3A_752, %mul3A_753 : i32
    %add3A_755 = arith.addi %mul3A_2, %mul3A_754 : i32
    %dma_start3A_756 = arith.constant 0 : i32
    %dma_start3A_757 = tpu.memref_slice %arg3[%add3A_755, %dma_start3A_756] : memref<32768x128xi32, #tpu.memory_space<hbm>> -> memref<16x128xi32, #tpu.memory_space<hbm>>
    %dma_start3A_758 = arith.constant 0 : i32
    %dma_start3A_759 = tpu.memref_slice %arg3[%add3A_755, %dma_start3A_758] : memref<32768x128xi32, #tpu.memory_space<hbm>> -> memref<16x128xi32, #tpu.memory_space<hbm>>
    tpu.enqueue_dma source(%dma_start3A_759 : memref<16x128xi32, #tpu.memory_space<hbm>>) target(%arg7 : memref<16x128xi32, #tpu.memory_space<vmem>>) target_semaphore(%arg15 : memref<!tpu.dma_semaphore, #tpu.memory_space<semaphore_mem>>)
    %dma_wait3A_760 = arith.constant 0 : i32
    %dma_wait3A_761 = arith.constant 0 : i32
    %dma_wait3A_762 = tpu.memref_slice %arg4[%dma_wait3A_760, %dma_wait3A_761] : memref<32768x128xf32, #tpu.memory_space<hbm>> -> memref<16x128xf32, #tpu.memory_space<hbm>>
    %dma_wait3A_763 = arith.constant 0 : i32
    %dma_wait3A_764 = arith.constant 0 : i32
    %dma_wait3A_765 = tpu.memref_slice %arg4[%dma_wait3A_763, %dma_wait3A_764] : memref<32768x128xf32, #tpu.memory_space<hbm>> -> memref<16x128xf32, #tpu.memory_space<hbm>>
    tpu.wait_dma2 semaphore(%arg21 : memref<!tpu.dma_semaphore, #tpu.memory_space<semaphore_mem>>) src(%dma_wait3A_765 : memref<16x128xf32, #tpu.memory_space<hbm>>) dst(%arg9 : memref<16x128xf32, #tpu.memory_space<vmem>>)
    %min3A_766 = arith.constant 4 : i32
    %min3A_767 = arith.constant 63 : i32
    %min3A_768 = arith.minsi %min3A_766, %min3A_767 : i32
    %dma_wait3A_769 = arith.constant 0 : i32
    %dma_wait3A_770 = arith.constant 0 : i32
    %dma_wait3A_771 = tpu.memref_slice %arg3[%dma_wait3A_769, %dma_wait3A_770] : memref<32768x128xi32, #tpu.memory_space<hbm>> -> memref<16x128xi32, #tpu.memory_space<hbm>>
    %dma_wait3A_772 = arith.constant 0 : i32
    %dma_wait3A_773 = arith.constant 0 : i32
    %dma_wait3A_774 = tpu.memref_slice %arg3[%dma_wait3A_772, %dma_wait3A_773] : memref<32768x128xi32, #tpu.memory_space<hbm>> -> memref<16x128xi32, #tpu.memory_space<hbm>>
    tpu.wait_dma2 semaphore(%arg13 : memref<!tpu.dma_semaphore, #tpu.memory_space<semaphore_mem>>) src(%dma_wait3A_774 : memref<16x128xi32, #tpu.memory_space<hbm>>) dst(%arg5 : memref<16x128xi32, #tpu.memory_space<vmem>>)
    %dma_start3A_775 = arith.constant 0 : i32
    %dma_start3A_776 = arith.constant 0 : i32
    %dma_start3A_777 = arith.constant 0 : i32
    %dma_start3A_778 = tpu.memref_slice %arg9[%dma_start3A_776, %dma_start3A_777] : memref<16x128xf32, #tpu.memory_space<vmem>> -> memref<1x128xf32, #tpu.memory_space<vmem>>
    %dma_start3A_779 = tpu.memref_squeeze %dma_start3A_778 : memref<1x128xf32, #tpu.memory_space<vmem>> -> memref<128xf32, #tpu.memory_space<vmem>>
    %dma_start3A_780 = arith.constant 0 : i32
    %dma_start3A_781 = tpu.memref_slice %arg5[%dma_start3A_775, %dma_start3A_780] : memref<16x128xi32, #tpu.memory_space<vmem>> -> memref<1x128xi32, #tpu.memory_space<vmem>>
    %dma_start3A_782 = tpu.memref_squeeze %dma_start3A_781 : memref<1x128xi32, #tpu.memory_space<vmem>> -> memref<128xi32, #tpu.memory_space<vmem>>
    %dma_start3A_783 = arith.constant 0 : i32
    %dma_start3A_784 = tpu.memref_slice %arg2[%dma_start3A_783] : memref<1015808xf32, #tpu.memory_space<hbm>> -> memref<1015808xf32, #tpu.memory_space<hbm>>
    tpu.enqueue_indirect_dma source(%dma_start3A_784 : memref<1015808xf32, #tpu.memory_space<hbm>>) target(%dma_start3A_779 : memref<128xf32, #tpu.memory_space<vmem>>) offsets(%dma_start3A_782 : memref<128xi32, #tpu.memory_space<vmem>>) semaphore(%arg17 : memref<!tpu.dma_semaphore, #tpu.memory_space<semaphore_mem>>)
    %dma_start3A_785 = arith.constant 1 : i32
    %dma_start3A_786 = arith.constant 1 : i32
    %dma_start3A_787 = arith.constant 0 : i32
    %dma_start3A_788 = tpu.memref_slice %arg9[%dma_start3A_786, %dma_start3A_787] : memref<16x128xf32, #tpu.memory_space<vmem>> -> memref<1x128xf32, #tpu.memory_space<vmem>>
    %dma_start3A_789 = tpu.memref_squeeze %dma_start3A_788 : memref<1x128xf32, #tpu.memory_space<vmem>> -> memref<128xf32, #tpu.memory_space<vmem>>
    %dma_start3A_790 = arith.constant 0 : i32
    %dma_start3A_791 = tpu.memref_slice %arg5[%dma_start3A_785, %dma_start3A_790] : memref<16x128xi32, #tpu.memory_space<vmem>> -> memref<1x128xi32, #tpu.memory_space<vmem>>
    %dma_start3A_792 = tpu.memref_squeeze %dma_start3A_791 : memref<1x128xi32, #tpu.memory_space<vmem>> -> memref<128xi32, #tpu.memory_space<vmem>>
    %dma_start3A_793 = arith.constant 0 : i32
    %dma_start3A_794 = tpu.memref_slice %arg2[%dma_start3A_793] : memref<1015808xf32, #tpu.memory_space<hbm>> -> memref<1015808xf32, #tpu.memory_space<hbm>>
    tpu.enqueue_indirect_dma source(%dma_start3A_794 : memref<1015808xf32, #tpu.memory_space<hbm>>) target(%dma_start3A_789 : memref<128xf32, #tpu.memory_space<vmem>>) offsets(%dma_start3A_792 : memref<128xi32, #tpu.memory_space<vmem>>) semaphore(%arg17 : memref<!tpu.dma_semaphore, #tpu.memory_space<semaphore_mem>>)
    %dma_start3A_795 = arith.constant 2 : i32
    %dma_start3A_796 = arith.constant 2 : i32
    %dma_start3A_797 = arith.constant 0 : i32
    %dma_start3A_798 = tpu.memref_slice %arg9[%dma_start3A_796, %dma_start3A_797] : memref<16x128xf32, #tpu.memory_space<vmem>> -> memref<1x128xf32, #tpu.memory_space<vmem>>
    %dma_start3A_799 = tpu.memref_squeeze %dma_start3A_798 : memref<1x128xf32, #tpu.memory_space<vmem>> -> memref<128xf32, #tpu.memory_space<vmem>>
    %dma_start3A_800 = arith.constant 0 : i32
    %dma_start3A_801 = tpu.memref_slice %arg5[%dma_start3A_795, %dma_start3A_800] : memref<16x128xi32, #tpu.memory_space<vmem>> -> memref<1x128xi32, #tpu.memory_space<vmem>>
    %dma_start3A_802 = tpu.memref_squeeze %dma_start3A_801 : memref<1x128xi32, #tpu.memory_space<vmem>> -> memref<128xi32, #tpu.memory_space<vmem>>
    %dma_start3A_803 = arith.constant 0 : i32
    %dma_start3A_804 = tpu.memref_slice %arg2[%dma_start3A_803] : memref<1015808xf32, #tpu.memory_space<hbm>> -> memref<1015808xf32, #tpu.memory_space<hbm>>
    tpu.enqueue_indirect_dma source(%dma_start3A_804 : memref<1015808xf32, #tpu.memory_space<hbm>>) target(%dma_start3A_799 : memref<128xf32, #tpu.memory_space<vmem>>) offsets(%dma_start3A_802 : memref<128xi32, #tpu.memory_space<vmem>>) semaphore(%arg17 : memref<!tpu.dma_semaphore, #tpu.memory_space<semaphore_mem>>)
    %dma_start3A_805 = arith.constant 3 : i32
    %dma_start3A_806 = arith.constant 3 : i32
    %dma_start3A_807 = arith.constant 0 : i32
    %dma_start3A_808 = tpu.memref_slice %arg9[%dma_start3A_806, %dma_start3A_807] : memref<16x128xf32, #tpu.memory_space<vmem>> -> memref<1x128xf32, #tpu.memory_space<vmem>>
    %dma_start3A_809 = tpu.memref_squeeze %dma_start3A_808 : memref<1x128xf32, #tpu.memory_space<vmem>> -> memref<128xf32, #tpu.memory_space<vmem>>
    %dma_start3A_810 = arith.constant 0 : i32
    %dma_start3A_811 = tpu.memref_slice %arg5[%dma_start3A_805, %dma_start3A_810] : memref<16x128xi32, #tpu.memory_space<vmem>> -> memref<1x128xi32, #tpu.memory_space<vmem>>
    %dma_start3A_812 = tpu.memref_squeeze %dma_start3A_811 : memref<1x128xi32, #tpu.memory_space<vmem>> -> memref<128xi32, #tpu.memory_space<vmem>>
    %dma_start3A_813 = arith.constant 0 : i32
    %dma_start3A_814 = tpu.memref_slice %arg2[%dma_start3A_813] : memref<1015808xf32, #tpu.memory_space<hbm>> -> memref<1015808xf32, #tpu.memory_space<hbm>>
    tpu.enqueue_indirect_dma source(%dma_start3A_814 : memref<1015808xf32, #tpu.memory_space<hbm>>) target(%dma_start3A_809 : memref<128xf32, #tpu.memory_space<vmem>>) offsets(%dma_start3A_812 : memref<128xi32, #tpu.memory_space<vmem>>) semaphore(%arg17 : memref<!tpu.dma_semaphore, #tpu.memory_space<semaphore_mem>>)
    %dma_start3A_815 = arith.constant 4 : i32
    %dma_start3A_816 = arith.constant 4 : i32
    %dma_start3A_817 = arith.constant 0 : i32
    %dma_start3A_818 = tpu.memref_slice %arg9[%dma_start3A_816, %dma_start3A_817] : memref<16x128xf32, #tpu.memory_space<vmem>> -> memref<1x128xf32, #tpu.memory_space<vmem>>
    %dma_start3A_819 = tpu.memref_squeeze %dma_start3A_818 : memref<1x128xf32, #tpu.memory_space<vmem>> -> memref<128xf32, #tpu.memory_space<vmem>>
    %dma_start3A_820 = arith.constant 0 : i32
    %dma_start3A_821 = tpu.memref_slice %arg5[%dma_start3A_815, %dma_start3A_820] : memref<16x128xi32, #tpu.memory_space<vmem>> -> memref<1x128xi32, #tpu.memory_space<vmem>>
    %dma_start3A_822 = tpu.memref_squeeze %dma_start3A_821 : memref<1x128xi32, #tpu.memory_space<vmem>> -> memref<128xi32, #tpu.memory_space<vmem>>
    %dma_start3A_823 = arith.constant 0 : i32
    %dma_start3A_824 = tpu.memref_slice %arg2[%dma_start3A_823] : memref<1015808xf32, #tpu.memory_space<hbm>> -> memref<1015808xf32, #tpu.memory_space<hbm>>
    tpu.enqueue_indirect_dma source(%dma_start3A_824 : memref<1015808xf32, #tpu.memory_space<hbm>>) target(%dma_start3A_819 : memref<128xf32, #tpu.memory_space<vmem>>) offsets(%dma_start3A_822 : memref<128xi32, #tpu.memory_space<vmem>>) semaphore(%arg17 : memref<!tpu.dma_semaphore, #tpu.memory_space<semaphore_mem>>)
    %dma_start3A_825 = arith.constant 5 : i32
    %dma_start3A_826 = arith.constant 5 : i32
    %dma_start3A_827 = arith.constant 0 : i32
    %dma_start3A_828 = tpu.memref_slice %arg9[%dma_start3A_826, %dma_start3A_827] : memref<16x128xf32, #tpu.memory_space<vmem>> -> memref<1x128xf32, #tpu.memory_space<vmem>>
    %dma_start3A_829 = tpu.memref_squeeze %dma_start3A_828 : memref<1x128xf32, #tpu.memory_space<vmem>> -> memref<128xf32, #tpu.memory_space<vmem>>
    %dma_start3A_830 = arith.constant 0 : i32
    %dma_start3A_831 = tpu.memref_slice %arg5[%dma_start3A_825, %dma_start3A_830] : memref<16x128xi32, #tpu.memory_space<vmem>> -> memref<1x128xi32, #tpu.memory_space<vmem>>
    %dma_start3A_832 = tpu.memref_squeeze %dma_start3A_831 : memref<1x128xi32, #tpu.memory_space<vmem>> -> memref<128xi32, #tpu.memory_space<vmem>>
    %dma_start3A_833 = arith.constant 0 : i32
    %dma_start3A_834 = tpu.memref_slice %arg2[%dma_start3A_833] : memref<1015808xf32, #tpu.memory_space<hbm>> -> memref<1015808xf32, #tpu.memory_space<hbm>>
    tpu.enqueue_indirect_dma source(%dma_start3A_834 : memref<1015808xf32, #tpu.memory_space<hbm>>) target(%dma_start3A_829 : memref<128xf32, #tpu.memory_space<vmem>>) offsets(%dma_start3A_832 : memref<128xi32, #tpu.memory_space<vmem>>) semaphore(%arg17 : memref<!tpu.dma_semaphore, #tpu.memory_space<semaphore_mem>>)
    %dma_start3A_835 = arith.constant 6 : i32
    %dma_start3A_836 = arith.constant 6 : i32
    %dma_start3A_837 = arith.constant 0 : i32
    %dma_start3A_838 = tpu.memref_slice %arg9[%dma_start3A_836, %dma_start3A_837] : memref<16x128xf32, #tpu.memory_space<vmem>> -> memref<1x128xf32, #tpu.memory_space<vmem>>
    %dma_start3A_839 = tpu.memref_squeeze %dma_start3A_838 : memref<1x128xf32, #tpu.memory_space<vmem>> -> memref<128xf32, #tpu.memory_space<vmem>>
    %dma_start3A_840 = arith.constant 0 : i32
    %dma_start3A_841 = tpu.memref_slice %arg5[%dma_start3A_835, %dma_start3A_840] : memref<16x128xi32, #tpu.memory_space<vmem>> -> memref<1x128xi32, #tpu.memory_space<vmem>>
    %dma_start3A_842 = tpu.memref_squeeze %dma_start3A_841 : memref<1x128xi32, #tpu.memory_space<vmem>> -> memref<128xi32, #tpu.memory_space<vmem>>
    %dma_start3A_843 = arith.constant 0 : i32
    %dma_start3A_844 = tpu.memref_slice %arg2[%dma_start3A_843] : memref<1015808xf32, #tpu.memory_space<hbm>> -> memref<1015808xf32, #tpu.memory_space<hbm>>
    tpu.enqueue_indirect_dma source(%dma_start3A_844 : memref<1015808xf32, #tpu.memory_space<hbm>>) target(%dma_start3A_839 : memref<128xf32, #tpu.memory_space<vmem>>) offsets(%dma_start3A_842 : memref<128xi32, #tpu.memory_space<vmem>>) semaphore(%arg17 : memref<!tpu.dma_semaphore, #tpu.memory_space<semaphore_mem>>)
    %dma_start3A_845 = arith.constant 7 : i32
    %dma_start3A_846 = arith.constant 7 : i32
    %dma_start3A_847 = arith.constant 0 : i32
    %dma_start3A_848 = tpu.memref_slice %arg9[%dma_start3A_846, %dma_start3A_847] : memref<16x128xf32, #tpu.memory_space<vmem>> -> memref<1x128xf32, #tpu.memory_space<vmem>>
    %dma_start3A_849 = tpu.memref_squeeze %dma_start3A_848 : memref<1x128xf32, #tpu.memory_space<vmem>> -> memref<128xf32, #tpu.memory_space<vmem>>
    %dma_start3A_850 = arith.constant 0 : i32
    %dma_start3A_851 = tpu.memref_slice %arg5[%dma_start3A_845, %dma_start3A_850] : memref<16x128xi32, #tpu.memory_space<vmem>> -> memref<1x128xi32, #tpu.memory_space<vmem>>
    %dma_start3A_852 = tpu.memref_squeeze %dma_start3A_851 : memref<1x128xi32, #tpu.memory_space<vmem>> -> memref<128xi32, #tpu.memory_space<vmem>>
    %dma_start3A_853 = arith.constant 0 : i32
    %dma_start3A_854 = tpu.memref_slice %arg2[%dma_start3A_853] : memref<1015808xf32, #tpu.memory_space<hbm>> -> memref<1015808xf32, #tpu.memory_space<hbm>>
    tpu.enqueue_indirect_dma source(%dma_start3A_854 : memref<1015808xf32, #tpu.memory_space<hbm>>) target(%dma_start3A_849 : memref<128xf32, #tpu.memory_space<vmem>>) offsets(%dma_start3A_852 : memref<128xi32, #tpu.memory_space<vmem>>) semaphore(%arg17 : memref<!tpu.dma_semaphore, #tpu.memory_space<semaphore_mem>>)
    %dma_start3A_855 = arith.constant 8 : i32
    %dma_start3A_856 = arith.constant 8 : i32
    %dma_start3A_857 = arith.constant 0 : i32
    %dma_start3A_858 = tpu.memref_slice %arg9[%dma_start3A_856, %dma_start3A_857] : memref<16x128xf32, #tpu.memory_space<vmem>> -> memref<1x128xf32, #tpu.memory_space<vmem>>
    %dma_start3A_859 = tpu.memref_squeeze %dma_start3A_858 : memref<1x128xf32, #tpu.memory_space<vmem>> -> memref<128xf32, #tpu.memory_space<vmem>>
    %dma_start3A_860 = arith.constant 0 : i32
    %dma_start3A_861 = tpu.memref_slice %arg5[%dma_start3A_855, %dma_start3A_860] : memref<16x128xi32, #tpu.memory_space<vmem>> -> memref<1x128xi32, #tpu.memory_space<vmem>>
    %dma_start3A_862 = tpu.memref_squeeze %dma_start3A_861 : memref<1x128xi32, #tpu.memory_space<vmem>> -> memref<128xi32, #tpu.memory_space<vmem>>
    %dma_start3A_863 = arith.constant 0 : i32
    %dma_start3A_864 = tpu.memref_slice %arg2[%dma_start3A_863] : memref<1015808xf32, #tpu.memory_space<hbm>> -> memref<1015808xf32, #tpu.memory_space<hbm>>
    tpu.enqueue_indirect_dma source(%dma_start3A_864 : memref<1015808xf32, #tpu.memory_space<hbm>>) target(%dma_start3A_859 : memref<128xf32, #tpu.memory_space<vmem>>) offsets(%dma_start3A_862 : memref<128xi32, #tpu.memory_space<vmem>>) semaphore(%arg17 : memref<!tpu.dma_semaphore, #tpu.memory_space<semaphore_mem>>)
    %dma_start3A_865 = arith.constant 9 : i32
    %dma_start3A_866 = arith.constant 9 : i32
    %dma_start3A_867 = arith.constant 0 : i32
    %dma_start3A_868 = tpu.memref_slice %arg9[%dma_start3A_866, %dma_start3A_867] : memref<16x128xf32, #tpu.memory_space<vmem>> -> memref<1x128xf32, #tpu.memory_space<vmem>>
    %dma_start3A_869 = tpu.memref_squeeze %dma_start3A_868 : memref<1x128xf32, #tpu.memory_space<vmem>> -> memref<128xf32, #tpu.memory_space<vmem>>
    %dma_start3A_870 = arith.constant 0 : i32
    %dma_start3A_871 = tpu.memref_slice %arg5[%dma_start3A_865, %dma_start3A_870] : memref<16x128xi32, #tpu.memory_space<vmem>> -> memref<1x128xi32, #tpu.memory_space<vmem>>
    %dma_start3A_872 = tpu.memref_squeeze %dma_start3A_871 : memref<1x128xi32, #tpu.memory_space<vmem>> -> memref<128xi32, #tpu.memory_space<vmem>>
    %dma_start3A_873 = arith.constant 0 : i32
    %dma_start3A_874 = tpu.memref_slice %arg2[%dma_start3A_873] : memref<1015808xf32, #tpu.memory_space<hbm>> -> memref<1015808xf32, #tpu.memory_space<hbm>>
    tpu.enqueue_indirect_dma source(%dma_start3A_874 : memref<1015808xf32, #tpu.memory_space<hbm>>) target(%dma_start3A_869 : memref<128xf32, #tpu.memory_space<vmem>>) offsets(%dma_start3A_872 : memref<128xi32, #tpu.memory_space<vmem>>) semaphore(%arg17 : memref<!tpu.dma_semaphore, #tpu.memory_space<semaphore_mem>>)
    %dma_start3A_875 = arith.constant 10 : i32
    %dma_start3A_876 = arith.constant 10 : i32
    %dma_start3A_877 = arith.constant 0 : i32
    %dma_start3A_878 = tpu.memref_slice %arg9[%dma_start3A_876, %dma_start3A_877] : memref<16x128xf32, #tpu.memory_space<vmem>> -> memref<1x128xf32, #tpu.memory_space<vmem>>
    %dma_start3A_879 = tpu.memref_squeeze %dma_start3A_878 : memref<1x128xf32, #tpu.memory_space<vmem>> -> memref<128xf32, #tpu.memory_space<vmem>>
    %dma_start3A_880 = arith.constant 0 : i32
    %dma_start3A_881 = tpu.memref_slice %arg5[%dma_start3A_875, %dma_start3A_880] : memref<16x128xi32, #tpu.memory_space<vmem>> -> memref<1x128xi32, #tpu.memory_space<vmem>>
    %dma_start3A_882 = tpu.memref_squeeze %dma_start3A_881 : memref<1x128xi32, #tpu.memory_space<vmem>> -> memref<128xi32, #tpu.memory_space<vmem>>
    %dma_start3A_883 = arith.constant 0 : i32
    %dma_start3A_884 = tpu.memref_slice %arg2[%dma_start3A_883] : memref<1015808xf32, #tpu.memory_space<hbm>> -> memref<1015808xf32, #tpu.memory_space<hbm>>
    tpu.enqueue_indirect_dma source(%dma_start3A_884 : memref<1015808xf32, #tpu.memory_space<hbm>>) target(%dma_start3A_879 : memref<128xf32, #tpu.memory_space<vmem>>) offsets(%dma_start3A_882 : memref<128xi32, #tpu.memory_space<vmem>>) semaphore(%arg17 : memref<!tpu.dma_semaphore, #tpu.memory_space<semaphore_mem>>)
    %dma_start3A_885 = arith.constant 11 : i32
    %dma_start3A_886 = arith.constant 11 : i32
    %dma_start3A_887 = arith.constant 0 : i32
    %dma_start3A_888 = tpu.memref_slice %arg9[%dma_start3A_886, %dma_start3A_887] : memref<16x128xf32, #tpu.memory_space<vmem>> -> memref<1x128xf32, #tpu.memory_space<vmem>>
    %dma_start3A_889 = tpu.memref_squeeze %dma_start3A_888 : memref<1x128xf32, #tpu.memory_space<vmem>> -> memref<128xf32, #tpu.memory_space<vmem>>
    %dma_start3A_890 = arith.constant 0 : i32
    %dma_start3A_891 = tpu.memref_slice %arg5[%dma_start3A_885, %dma_start3A_890] : memref<16x128xi32, #tpu.memory_space<vmem>> -> memref<1x128xi32, #tpu.memory_space<vmem>>
    %dma_start3A_892 = tpu.memref_squeeze %dma_start3A_891 : memref<1x128xi32, #tpu.memory_space<vmem>> -> memref<128xi32, #tpu.memory_space<vmem>>
    %dma_start3A_893 = arith.constant 0 : i32
    %dma_start3A_894 = tpu.memref_slice %arg2[%dma_start3A_893] : memref<1015808xf32, #tpu.memory_space<hbm>> -> memref<1015808xf32, #tpu.memory_space<hbm>>
    tpu.enqueue_indirect_dma source(%dma_start3A_894 : memref<1015808xf32, #tpu.memory_space<hbm>>) target(%dma_start3A_889 : memref<128xf32, #tpu.memory_space<vmem>>) offsets(%dma_start3A_892 : memref<128xi32, #tpu.memory_space<vmem>>) semaphore(%arg17 : memref<!tpu.dma_semaphore, #tpu.memory_space<semaphore_mem>>)
    %dma_start3A_895 = arith.constant 12 : i32
    %dma_start3A_896 = arith.constant 12 : i32
    %dma_start3A_897 = arith.constant 0 : i32
    %dma_start3A_898 = tpu.memref_slice %arg9[%dma_start3A_896, %dma_start3A_897] : memref<16x128xf32, #tpu.memory_space<vmem>> -> memref<1x128xf32, #tpu.memory_space<vmem>>
    %dma_start3A_899 = tpu.memref_squeeze %dma_start3A_898 : memref<1x128xf32, #tpu.memory_space<vmem>> -> memref<128xf32, #tpu.memory_space<vmem>>
    %dma_start3A_900 = arith.constant 0 : i32
    %dma_start3A_901 = tpu.memref_slice %arg5[%dma_start3A_895, %dma_start3A_900] : memref<16x128xi32, #tpu.memory_space<vmem>> -> memref<1x128xi32, #tpu.memory_space<vmem>>
    %dma_start3A_902 = tpu.memref_squeeze %dma_start3A_901 : memref<1x128xi32, #tpu.memory_space<vmem>> -> memref<128xi32, #tpu.memory_space<vmem>>
    %dma_start3A_903 = arith.constant 0 : i32
    %dma_start3A_904 = tpu.memref_slice %arg2[%dma_start3A_903] : memref<1015808xf32, #tpu.memory_space<hbm>> -> memref<1015808xf32, #tpu.memory_space<hbm>>
    tpu.enqueue_indirect_dma source(%dma_start3A_904 : memref<1015808xf32, #tpu.memory_space<hbm>>) target(%dma_start3A_899 : memref<128xf32, #tpu.memory_space<vmem>>) offsets(%dma_start3A_902 : memref<128xi32, #tpu.memory_space<vmem>>) semaphore(%arg17 : memref<!tpu.dma_semaphore, #tpu.memory_space<semaphore_mem>>)
    %dma_start3A_905 = arith.constant 13 : i32
    %dma_start3A_906 = arith.constant 13 : i32
    %dma_start3A_907 = arith.constant 0 : i32
    %dma_start3A_908 = tpu.memref_slice %arg9[%dma_start3A_906, %dma_start3A_907] : memref<16x128xf32, #tpu.memory_space<vmem>> -> memref<1x128xf32, #tpu.memory_space<vmem>>
    %dma_start3A_909 = tpu.memref_squeeze %dma_start3A_908 : memref<1x128xf32, #tpu.memory_space<vmem>> -> memref<128xf32, #tpu.memory_space<vmem>>
    %dma_start3A_910 = arith.constant 0 : i32
    %dma_start3A_911 = tpu.memref_slice %arg5[%dma_start3A_905, %dma_start3A_910] : memref<16x128xi32, #tpu.memory_space<vmem>> -> memref<1x128xi32, #tpu.memory_space<vmem>>
    %dma_start3A_912 = tpu.memref_squeeze %dma_start3A_911 : memref<1x128xi32, #tpu.memory_space<vmem>> -> memref<128xi32, #tpu.memory_space<vmem>>
    %dma_start3A_913 = arith.constant 0 : i32
    %dma_start3A_914 = tpu.memref_slice %arg2[%dma_start3A_913] : memref<1015808xf32, #tpu.memory_space<hbm>> -> memref<1015808xf32, #tpu.memory_space<hbm>>
    tpu.enqueue_indirect_dma source(%dma_start3A_914 : memref<1015808xf32, #tpu.memory_space<hbm>>) target(%dma_start3A_909 : memref<128xf32, #tpu.memory_space<vmem>>) offsets(%dma_start3A_912 : memref<128xi32, #tpu.memory_space<vmem>>) semaphore(%arg17 : memref<!tpu.dma_semaphore, #tpu.memory_space<semaphore_mem>>)
    %dma_start3A_915 = arith.constant 14 : i32
    %dma_start3A_916 = arith.constant 14 : i32
    %dma_start3A_917 = arith.constant 0 : i32
    %dma_start3A_918 = tpu.memref_slice %arg9[%dma_start3A_916, %dma_start3A_917] : memref<16x128xf32, #tpu.memory_space<vmem>> -> memref<1x128xf32, #tpu.memory_space<vmem>>
    %dma_start3A_919 = tpu.memref_squeeze %dma_start3A_918 : memref<1x128xf32, #tpu.memory_space<vmem>> -> memref<128xf32, #tpu.memory_space<vmem>>
    %dma_start3A_920 = arith.constant 0 : i32
    %dma_start3A_921 = tpu.memref_slice %arg5[%dma_start3A_915, %dma_start3A_920] : memref<16x128xi32, #tpu.memory_space<vmem>> -> memref<1x128xi32, #tpu.memory_space<vmem>>
    %dma_start3A_922 = tpu.memref_squeeze %dma_start3A_921 : memref<1x128xi32, #tpu.memory_space<vmem>> -> memref<128xi32, #tpu.memory_space<vmem>>
    %dma_start3A_923 = arith.constant 0 : i32
    %dma_start3A_924 = tpu.memref_slice %arg2[%dma_start3A_923] : memref<1015808xf32, #tpu.memory_space<hbm>> -> memref<1015808xf32, #tpu.memory_space<hbm>>
    tpu.enqueue_indirect_dma source(%dma_start3A_924 : memref<1015808xf32, #tpu.memory_space<hbm>>) target(%dma_start3A_919 : memref<128xf32, #tpu.memory_space<vmem>>) offsets(%dma_start3A_922 : memref<128xi32, #tpu.memory_space<vmem>>) semaphore(%arg17 : memref<!tpu.dma_semaphore, #tpu.memory_space<semaphore_mem>>)
    %dma_start3A_925 = arith.constant 15 : i32
    %dma_start3A_926 = arith.constant 15 : i32
    %dma_start3A_927 = arith.constant 0 : i32
    %dma_start3A_928 = tpu.memref_slice %arg9[%dma_start3A_926, %dma_start3A_927] : memref<16x128xf32, #tpu.memory_space<vmem>> -> memref<1x128xf32, #tpu.memory_space<vmem>>
    %dma_start3A_929 = tpu.memref_squeeze %dma_start3A_928 : memref<1x128xf32, #tpu.memory_space<vmem>> -> memref<128xf32, #tpu.memory_space<vmem>>
    %dma_start3A_930 = arith.constant 0 : i32
    %dma_start3A_931 = tpu.memref_slice %arg5[%dma_start3A_925, %dma_start3A_930] : memref<16x128xi32, #tpu.memory_space<vmem>> -> memref<1x128xi32, #tpu.memory_space<vmem>>
    %dma_start3A_932 = tpu.memref_squeeze %dma_start3A_931 : memref<1x128xi32, #tpu.memory_space<vmem>> -> memref<128xi32, #tpu.memory_space<vmem>>
    %dma_start3A_933 = arith.constant 0 : i32
    %dma_start3A_934 = tpu.memref_slice %arg2[%dma_start3A_933] : memref<1015808xf32, #tpu.memory_space<hbm>> -> memref<1015808xf32, #tpu.memory_space<hbm>>
    tpu.enqueue_indirect_dma source(%dma_start3A_934 : memref<1015808xf32, #tpu.memory_space<hbm>>) target(%dma_start3A_929 : memref<128xf32, #tpu.memory_space<vmem>>) offsets(%dma_start3A_932 : memref<128xi32, #tpu.memory_space<vmem>>) semaphore(%arg17 : memref<!tpu.dma_semaphore, #tpu.memory_space<semaphore_mem>>)
    %dma_wait3A_935 = arith.constant 0 : i32
    %dma_wait3A_936 = arith.constant 0 : i32
    %dma_wait3A_937 = tpu.memref_slice %arg4[%dma_wait3A_935, %dma_wait3A_936] : memref<32768x128xf32, #tpu.memory_space<hbm>> -> memref<16x128xf32, #tpu.memory_space<hbm>>
    %dma_wait3A_938 = arith.constant 0 : i32
    %dma_wait3A_939 = arith.constant 0 : i32
    %dma_wait3A_940 = tpu.memref_slice %arg4[%dma_wait3A_938, %dma_wait3A_939] : memref<32768x128xf32, #tpu.memory_space<hbm>> -> memref<16x128xf32, #tpu.memory_space<hbm>>
    tpu.wait_dma2 semaphore(%arg20 : memref<!tpu.dma_semaphore, #tpu.memory_space<semaphore_mem>>) src(%dma_wait3A_940 : memref<16x128xf32, #tpu.memory_space<hbm>>) dst(%arg12 : memref<16x128xf32, #tpu.memory_space<vmem>>)
    %add3A_941 = arith.constant 48 : i32
    %add3A_942 = arith.addi %mul3A_2, %add3A_941 : i32
    %dma_start3A_943 = arith.constant 0 : i32
    %dma_start3A_944 = tpu.memref_slice %arg4[%add3A_942, %dma_start3A_943] : memref<32768x128xf32, #tpu.memory_space<hbm>> -> memref<16x128xf32, #tpu.memory_space<hbm>>
    %dma_start3A_945 = arith.constant 0 : i32
    %dma_start3A_946 = tpu.memref_slice %arg4[%add3A_942, %dma_start3A_945] : memref<32768x128xf32, #tpu.memory_space<hbm>> -> memref<16x128xf32, #tpu.memory_space<hbm>>
    tpu.enqueue_dma source(%arg12 : memref<16x128xf32, #tpu.memory_space<vmem>>) target(%dma_start3A_946 : memref<16x128xf32, #tpu.memory_space<hbm>>) target_semaphore(%arg24 : memref<!tpu.dma_semaphore, #tpu.memory_space<semaphore_mem>>)
    %min3A_947 = arith.constant 7 : i32
    %min3A_948 = arith.constant 63 : i32
    %min3A_949 = arith.minsi %min3A_947, %min3A_948 : i32
    %mul3A_950 = arith.constant 16 : i32
    %mul3A_951 = arith.muli %min3A_949, %mul3A_950 : i32
    %add3A_952 = arith.addi %mul3A_2, %mul3A_951 : i32
    %dma_start3A_953 = arith.constant 0 : i32
    %dma_start3A_954 = tpu.memref_slice %arg3[%add3A_952, %dma_start3A_953] : memref<32768x128xi32, #tpu.memory_space<hbm>> -> memref<16x128xi32, #tpu.memory_space<hbm>>
    %dma_start3A_955 = arith.constant 0 : i32
    %dma_start3A_956 = tpu.memref_slice %arg3[%add3A_952, %dma_start3A_955] : memref<32768x128xi32, #tpu.memory_space<hbm>> -> memref<16x128xi32, #tpu.memory_space<hbm>>
    tpu.enqueue_dma source(%dma_start3A_956 : memref<16x128xi32, #tpu.memory_space<hbm>>) target(%arg8 : memref<16x128xi32, #tpu.memory_space<vmem>>) target_semaphore(%arg16 : memref<!tpu.dma_semaphore, #tpu.memory_space<semaphore_mem>>)
    %dma_wait3A_957 = arith.constant 0 : i32
    %dma_wait3A_958 = arith.constant 0 : i32
    %dma_wait3A_959 = tpu.memref_slice %arg4[%dma_wait3A_957, %dma_wait3A_958] : memref<32768x128xf32, #tpu.memory_space<hbm>> -> memref<16x128xf32, #tpu.memory_space<hbm>>
    %dma_wait3A_960 = arith.constant 0 : i32
    %dma_wait3A_961 = arith.constant 0 : i32
    %dma_wait3A_962 = tpu.memref_slice %arg4[%dma_wait3A_960, %dma_wait3A_961] : memref<32768x128xf32, #tpu.memory_space<hbm>> -> memref<16x128xf32, #tpu.memory_space<hbm>>
    tpu.wait_dma2 semaphore(%arg22 : memref<!tpu.dma_semaphore, #tpu.memory_space<semaphore_mem>>) src(%dma_wait3A_962 : memref<16x128xf32, #tpu.memory_space<hbm>>) dst(%arg10 : memref<16x128xf32, #tpu.memory_space<vmem>>)
    %min3A_963 = arith.constant 5 : i32
    %min3A_964 = arith.constant 63 : i32
    %min3A_965 = arith.minsi %min3A_963, %min3A_964 : i32
    %dma_wait3A_966 = arith.constant 0 : i32
    %dma_wait3A_967 = arith.constant 0 : i32
    %dma_wait3A_968 = tpu.memref_slice %arg3[%dma_wait3A_966, %dma_wait3A_967] : memref<32768x128xi32, #tpu.memory_space<hbm>> -> memref<16x128xi32, #tpu.memory_space<hbm>>
    %dma_wait3A_969 = arith.constant 0 : i32
    %dma_wait3A_970 = arith.constant 0 : i32
    %dma_wait3A_971 = tpu.memref_slice %arg3[%dma_wait3A_969, %dma_wait3A_970] : memref<32768x128xi32, #tpu.memory_space<hbm>> -> memref<16x128xi32, #tpu.memory_space<hbm>>
    tpu.wait_dma2 semaphore(%arg14 : memref<!tpu.dma_semaphore, #tpu.memory_space<semaphore_mem>>) src(%dma_wait3A_971 : memref<16x128xi32, #tpu.memory_space<hbm>>) dst(%arg6 : memref<16x128xi32, #tpu.memory_space<vmem>>)
    %dma_start3A_972 = arith.constant 0 : i32
    %dma_start3A_973 = arith.constant 0 : i32
    %dma_start3A_974 = arith.constant 0 : i32
    %dma_start3A_975 = tpu.memref_slice %arg10[%dma_start3A_973, %dma_start3A_974] : memref<16x128xf32, #tpu.memory_space<vmem>> -> memref<1x128xf32, #tpu.memory_space<vmem>>
    %dma_start3A_976 = tpu.memref_squeeze %dma_start3A_975 : memref<1x128xf32, #tpu.memory_space<vmem>> -> memref<128xf32, #tpu.memory_space<vmem>>
    %dma_start3A_977 = arith.constant 0 : i32
    %dma_start3A_978 = tpu.memref_slice %arg6[%dma_start3A_972, %dma_start3A_977] : memref<16x128xi32, #tpu.memory_space<vmem>> -> memref<1x128xi32, #tpu.memory_space<vmem>>
    %dma_start3A_979 = tpu.memref_squeeze %dma_start3A_978 : memref<1x128xi32, #tpu.memory_space<vmem>> -> memref<128xi32, #tpu.memory_space<vmem>>
    %dma_start3A_980 = arith.constant 0 : i32
    %dma_start3A_981 = tpu.memref_slice %arg2[%dma_start3A_980] : memref<1015808xf32, #tpu.memory_space<hbm>> -> memref<1015808xf32, #tpu.memory_space<hbm>>
    tpu.enqueue_indirect_dma source(%dma_start3A_981 : memref<1015808xf32, #tpu.memory_space<hbm>>) target(%dma_start3A_976 : memref<128xf32, #tpu.memory_space<vmem>>) offsets(%dma_start3A_979 : memref<128xi32, #tpu.memory_space<vmem>>) semaphore(%arg18 : memref<!tpu.dma_semaphore, #tpu.memory_space<semaphore_mem>>)
    %dma_start3A_982 = arith.constant 1 : i32
    %dma_start3A_983 = arith.constant 1 : i32
    %dma_start3A_984 = arith.constant 0 : i32
    %dma_start3A_985 = tpu.memref_slice %arg10[%dma_start3A_983, %dma_start3A_984] : memref<16x128xf32, #tpu.memory_space<vmem>> -> memref<1x128xf32, #tpu.memory_space<vmem>>
    %dma_start3A_986 = tpu.memref_squeeze %dma_start3A_985 : memref<1x128xf32, #tpu.memory_space<vmem>> -> memref<128xf32, #tpu.memory_space<vmem>>
    %dma_start3A_987 = arith.constant 0 : i32
    %dma_start3A_988 = tpu.memref_slice %arg6[%dma_start3A_982, %dma_start3A_987] : memref<16x128xi32, #tpu.memory_space<vmem>> -> memref<1x128xi32, #tpu.memory_space<vmem>>
    %dma_start3A_989 = tpu.memref_squeeze %dma_start3A_988 : memref<1x128xi32, #tpu.memory_space<vmem>> -> memref<128xi32, #tpu.memory_space<vmem>>
    %dma_start3A_990 = arith.constant 0 : i32
    %dma_start3A_991 = tpu.memref_slice %arg2[%dma_start3A_990] : memref<1015808xf32, #tpu.memory_space<hbm>> -> memref<1015808xf32, #tpu.memory_space<hbm>>
    tpu.enqueue_indirect_dma source(%dma_start3A_991 : memref<1015808xf32, #tpu.memory_space<hbm>>) target(%dma_start3A_986 : memref<128xf32, #tpu.memory_space<vmem>>) offsets(%dma_start3A_989 : memref<128xi32, #tpu.memory_space<vmem>>) semaphore(%arg18 : memref<!tpu.dma_semaphore, #tpu.memory_space<semaphore_mem>>)
    %dma_start3A_992 = arith.constant 2 : i32
    %dma_start3A_993 = arith.constant 2 : i32
    %dma_start3A_994 = arith.constant 0 : i32
    %dma_start3A_995 = tpu.memref_slice %arg10[%dma_start3A_993, %dma_start3A_994] : memref<16x128xf32, #tpu.memory_space<vmem>> -> memref<1x128xf32, #tpu.memory_space<vmem>>
    %dma_start3A_996 = tpu.memref_squeeze %dma_start3A_995 : memref<1x128xf32, #tpu.memory_space<vmem>> -> memref<128xf32, #tpu.memory_space<vmem>>
    %dma_start3A_997 = arith.constant 0 : i32
    %dma_start3A_998 = tpu.memref_slice %arg6[%dma_start3A_992, %dma_start3A_997] : memref<16x128xi32, #tpu.memory_space<vmem>> -> memref<1x128xi32, #tpu.memory_space<vmem>>
    %dma_start3A_999 = tpu.memref_squeeze %dma_start3A_998 : memref<1x128xi32, #tpu.memory_space<vmem>> -> memref<128xi32, #tpu.memory_space<vmem>>
    %dma_start3A_1000 = arith.constant 0 : i32
    %dma_start3A_1001 = tpu.memref_slice %arg2[%dma_start3A_1000] : memref<1015808xf32, #tpu.memory_space<hbm>> -> memref<1015808xf32, #tpu.memory_space<hbm>>
    tpu.enqueue_indirect_dma source(%dma_start3A_1001 : memref<1015808xf32, #tpu.memory_space<hbm>>) target(%dma_start3A_996 : memref<128xf32, #tpu.memory_space<vmem>>) offsets(%dma_start3A_999 : memref<128xi32, #tpu.memory_space<vmem>>) semaphore(%arg18 : memref<!tpu.dma_semaphore, #tpu.memory_space<semaphore_mem>>)
    %dma_start3A_1002 = arith.constant 3 : i32
    %dma_start3A_1003 = arith.constant 3 : i32
    %dma_start3A_1004 = arith.constant 0 : i32
    %dma_start3A_1005 = tpu.memref_slice %arg10[%dma_start3A_1003, %dma_start3A_1004] : memref<16x128xf32, #tpu.memory_space<vmem>> -> memref<1x128xf32, #tpu.memory_space<vmem>>
    %dma_start3A_1006 = tpu.memref_squeeze %dma_start3A_1005 : memref<1x128xf32, #tpu.memory_space<vmem>> -> memref<128xf32, #tpu.memory_space<vmem>>
    %dma_start3A_1007 = arith.constant 0 : i32
    %dma_start3A_1008 = tpu.memref_slice %arg6[%dma_start3A_1002, %dma_start3A_1007] : memref<16x128xi32, #tpu.memory_space<vmem>> -> memref<1x128xi32, #tpu.memory_space<vmem>>
    %dma_start3A_1009 = tpu.memref_squeeze %dma_start3A_1008 : memref<1x128xi32, #tpu.memory_space<vmem>> -> memref<128xi32, #tpu.memory_space<vmem>>
    %dma_start3A_1010 = arith.constant 0 : i32
    %dma_start3A_1011 = tpu.memref_slice %arg2[%dma_start3A_1010] : memref<1015808xf32, #tpu.memory_space<hbm>> -> memref<1015808xf32, #tpu.memory_space<hbm>>
    tpu.enqueue_indirect_dma source(%dma_start3A_1011 : memref<1015808xf32, #tpu.memory_space<hbm>>) target(%dma_start3A_1006 : memref<128xf32, #tpu.memory_space<vmem>>) offsets(%dma_start3A_1009 : memref<128xi32, #tpu.memory_space<vmem>>) semaphore(%arg18 : memref<!tpu.dma_semaphore, #tpu.memory_space<semaphore_mem>>)
    %dma_start3A_1012 = arith.constant 4 : i32
    %dma_start3A_1013 = arith.constant 4 : i32
    %dma_start3A_1014 = arith.constant 0 : i32
    %dma_start3A_1015 = tpu.memref_slice %arg10[%dma_start3A_1013, %dma_start3A_1014] : memref<16x128xf32, #tpu.memory_space<vmem>> -> memref<1x128xf32, #tpu.memory_space<vmem>>
    %dma_start3A_1016 = tpu.memref_squeeze %dma_start3A_1015 : memref<1x128xf32, #tpu.memory_space<vmem>> -> memref<128xf32, #tpu.memory_space<vmem>>
    %dma_start3A_1017 = arith.constant 0 : i32
    %dma_start3A_1018 = tpu.memref_slice %arg6[%dma_start3A_1012, %dma_start3A_1017] : memref<16x128xi32, #tpu.memory_space<vmem>> -> memref<1x128xi32, #tpu.memory_space<vmem>>
    %dma_start3A_1019 = tpu.memref_squeeze %dma_start3A_1018 : memref<1x128xi32, #tpu.memory_space<vmem>> -> memref<128xi32, #tpu.memory_space<vmem>>
    %dma_start3A_1020 = arith.constant 0 : i32
    %dma_start3A_1021 = tpu.memref_slice %arg2[%dma_start3A_1020] : memref<1015808xf32, #tpu.memory_space<hbm>> -> memref<1015808xf32, #tpu.memory_space<hbm>>
    tpu.enqueue_indirect_dma source(%dma_start3A_1021 : memref<1015808xf32, #tpu.memory_space<hbm>>) target(%dma_start3A_1016 : memref<128xf32, #tpu.memory_space<vmem>>) offsets(%dma_start3A_1019 : memref<128xi32, #tpu.memory_space<vmem>>) semaphore(%arg18 : memref<!tpu.dma_semaphore, #tpu.memory_space<semaphore_mem>>)
    %dma_start3A_1022 = arith.constant 5 : i32
    %dma_start3A_1023 = arith.constant 5 : i32
    %dma_start3A_1024 = arith.constant 0 : i32
    %dma_start3A_1025 = tpu.memref_slice %arg10[%dma_start3A_1023, %dma_start3A_1024] : memref<16x128xf32, #tpu.memory_space<vmem>> -> memref<1x128xf32, #tpu.memory_space<vmem>>
    %dma_start3A_1026 = tpu.memref_squeeze %dma_start3A_1025 : memref<1x128xf32, #tpu.memory_space<vmem>> -> memref<128xf32, #tpu.memory_space<vmem>>
    %dma_start3A_1027 = arith.constant 0 : i32
    %dma_start3A_1028 = tpu.memref_slice %arg6[%dma_start3A_1022, %dma_start3A_1027] : memref<16x128xi32, #tpu.memory_space<vmem>> -> memref<1x128xi32, #tpu.memory_space<vmem>>
    %dma_start3A_1029 = tpu.memref_squeeze %dma_start3A_1028 : memref<1x128xi32, #tpu.memory_space<vmem>> -> memref<128xi32, #tpu.memory_space<vmem>>
    %dma_start3A_1030 = arith.constant 0 : i32
    %dma_start3A_1031 = tpu.memref_slice %arg2[%dma_start3A_1030] : memref<1015808xf32, #tpu.memory_space<hbm>> -> memref<1015808xf32, #tpu.memory_space<hbm>>
    tpu.enqueue_indirect_dma source(%dma_start3A_1031 : memref<1015808xf32, #tpu.memory_space<hbm>>) target(%dma_start3A_1026 : memref<128xf32, #tpu.memory_space<vmem>>) offsets(%dma_start3A_1029 : memref<128xi32, #tpu.memory_space<vmem>>) semaphore(%arg18 : memref<!tpu.dma_semaphore, #tpu.memory_space<semaphore_mem>>)
    %dma_start3A_1032 = arith.constant 6 : i32
    %dma_start3A_1033 = arith.constant 6 : i32
    %dma_start3A_1034 = arith.constant 0 : i32
    %dma_start3A_1035 = tpu.memref_slice %arg10[%dma_start3A_1033, %dma_start3A_1034] : memref<16x128xf32, #tpu.memory_space<vmem>> -> memref<1x128xf32, #tpu.memory_space<vmem>>
    %dma_start3A_1036 = tpu.memref_squeeze %dma_start3A_1035 : memref<1x128xf32, #tpu.memory_space<vmem>> -> memref<128xf32, #tpu.memory_space<vmem>>
    %dma_start3A_1037 = arith.constant 0 : i32
    %dma_start3A_1038 = tpu.memref_slice %arg6[%dma_start3A_1032, %dma_start3A_1037] : memref<16x128xi32, #tpu.memory_space<vmem>> -> memref<1x128xi32, #tpu.memory_space<vmem>>
    %dma_start3A_1039 = tpu.memref_squeeze %dma_start3A_1038 : memref<1x128xi32, #tpu.memory_space<vmem>> -> memref<128xi32, #tpu.memory_space<vmem>>
    %dma_start3A_1040 = arith.constant 0 : i32
    %dma_start3A_1041 = tpu.memref_slice %arg2[%dma_start3A_1040] : memref<1015808xf32, #tpu.memory_space<hbm>> -> memref<1015808xf32, #tpu.memory_space<hbm>>
    tpu.enqueue_indirect_dma source(%dma_start3A_1041 : memref<1015808xf32, #tpu.memory_space<hbm>>) target(%dma_start3A_1036 : memref<128xf32, #tpu.memory_space<vmem>>) offsets(%dma_start3A_1039 : memref<128xi32, #tpu.memory_space<vmem>>) semaphore(%arg18 : memref<!tpu.dma_semaphore, #tpu.memory_space<semaphore_mem>>)
    %dma_start3A_1042 = arith.constant 7 : i32
    %dma_start3A_1043 = arith.constant 7 : i32
    %dma_start3A_1044 = arith.constant 0 : i32
    %dma_start3A_1045 = tpu.memref_slice %arg10[%dma_start3A_1043, %dma_start3A_1044] : memref<16x128xf32, #tpu.memory_space<vmem>> -> memref<1x128xf32, #tpu.memory_space<vmem>>
    %dma_start3A_1046 = tpu.memref_squeeze %dma_start3A_1045 : memref<1x128xf32, #tpu.memory_space<vmem>> -> memref<128xf32, #tpu.memory_space<vmem>>
    %dma_start3A_1047 = arith.constant 0 : i32
    %dma_start3A_1048 = tpu.memref_slice %arg6[%dma_start3A_1042, %dma_start3A_1047] : memref<16x128xi32, #tpu.memory_space<vmem>> -> memref<1x128xi32, #tpu.memory_space<vmem>>
    %dma_start3A_1049 = tpu.memref_squeeze %dma_start3A_1048 : memref<1x128xi32, #tpu.memory_space<vmem>> -> memref<128xi32, #tpu.memory_space<vmem>>
    %dma_start3A_1050 = arith.constant 0 : i32
    %dma_start3A_1051 = tpu.memref_slice %arg2[%dma_start3A_1050] : memref<1015808xf32, #tpu.memory_space<hbm>> -> memref<1015808xf32, #tpu.memory_space<hbm>>
    tpu.enqueue_indirect_dma source(%dma_start3A_1051 : memref<1015808xf32, #tpu.memory_space<hbm>>) target(%dma_start3A_1046 : memref<128xf32, #tpu.memory_space<vmem>>) offsets(%dma_start3A_1049 : memref<128xi32, #tpu.memory_space<vmem>>) semaphore(%arg18 : memref<!tpu.dma_semaphore, #tpu.memory_space<semaphore_mem>>)
    %dma_start3A_1052 = arith.constant 8 : i32
    %dma_start3A_1053 = arith.constant 8 : i32
    %dma_start3A_1054 = arith.constant 0 : i32
    %dma_start3A_1055 = tpu.memref_slice %arg10[%dma_start3A_1053, %dma_start3A_1054] : memref<16x128xf32, #tpu.memory_space<vmem>> -> memref<1x128xf32, #tpu.memory_space<vmem>>
    %dma_start3A_1056 = tpu.memref_squeeze %dma_start3A_1055 : memref<1x128xf32, #tpu.memory_space<vmem>> -> memref<128xf32, #tpu.memory_space<vmem>>
    %dma_start3A_1057 = arith.constant 0 : i32
    %dma_start3A_1058 = tpu.memref_slice %arg6[%dma_start3A_1052, %dma_start3A_1057] : memref<16x128xi32, #tpu.memory_space<vmem>> -> memref<1x128xi32, #tpu.memory_space<vmem>>
    %dma_start3A_1059 = tpu.memref_squeeze %dma_start3A_1058 : memref<1x128xi32, #tpu.memory_space<vmem>> -> memref<128xi32, #tpu.memory_space<vmem>>
    %dma_start3A_1060 = arith.constant 0 : i32
    %dma_start3A_1061 = tpu.memref_slice %arg2[%dma_start3A_1060] : memref<1015808xf32, #tpu.memory_space<hbm>> -> memref<1015808xf32, #tpu.memory_space<hbm>>
    tpu.enqueue_indirect_dma source(%dma_start3A_1061 : memref<1015808xf32, #tpu.memory_space<hbm>>) target(%dma_start3A_1056 : memref<128xf32, #tpu.memory_space<vmem>>) offsets(%dma_start3A_1059 : memref<128xi32, #tpu.memory_space<vmem>>) semaphore(%arg18 : memref<!tpu.dma_semaphore, #tpu.memory_space<semaphore_mem>>)
    %dma_start3A_1062 = arith.constant 9 : i32
    %dma_start3A_1063 = arith.constant 9 : i32
    %dma_start3A_1064 = arith.constant 0 : i32
    %dma_start3A_1065 = tpu.memref_slice %arg10[%dma_start3A_1063, %dma_start3A_1064] : memref<16x128xf32, #tpu.memory_space<vmem>> -> memref<1x128xf32, #tpu.memory_space<vmem>>
    %dma_start3A_1066 = tpu.memref_squeeze %dma_start3A_1065 : memref<1x128xf32, #tpu.memory_space<vmem>> -> memref<128xf32, #tpu.memory_space<vmem>>
    %dma_start3A_1067 = arith.constant 0 : i32
    %dma_start3A_1068 = tpu.memref_slice %arg6[%dma_start3A_1062, %dma_start3A_1067] : memref<16x128xi32, #tpu.memory_space<vmem>> -> memref<1x128xi32, #tpu.memory_space<vmem>>
    %dma_start3A_1069 = tpu.memref_squeeze %dma_start3A_1068 : memref<1x128xi32, #tpu.memory_space<vmem>> -> memref<128xi32, #tpu.memory_space<vmem>>
    %dma_start3A_1070 = arith.constant 0 : i32
    %dma_start3A_1071 = tpu.memref_slice %arg2[%dma_start3A_1070] : memref<1015808xf32, #tpu.memory_space<hbm>> -> memref<1015808xf32, #tpu.memory_space<hbm>>
    tpu.enqueue_indirect_dma source(%dma_start3A_1071 : memref<1015808xf32, #tpu.memory_space<hbm>>) target(%dma_start3A_1066 : memref<128xf32, #tpu.memory_space<vmem>>) offsets(%dma_start3A_1069 : memref<128xi32, #tpu.memory_space<vmem>>) semaphore(%arg18 : memref<!tpu.dma_semaphore, #tpu.memory_space<semaphore_mem>>)
    %dma_start3A_1072 = arith.constant 10 : i32
    %dma_start3A_1073 = arith.constant 10 : i32
    %dma_start3A_1074 = arith.constant 0 : i32
    %dma_start3A_1075 = tpu.memref_slice %arg10[%dma_start3A_1073, %dma_start3A_1074] : memref<16x128xf32, #tpu.memory_space<vmem>> -> memref<1x128xf32, #tpu.memory_space<vmem>>
    %dma_start3A_1076 = tpu.memref_squeeze %dma_start3A_1075 : memref<1x128xf32, #tpu.memory_space<vmem>> -> memref<128xf32, #tpu.memory_space<vmem>>
    %dma_start3A_1077 = arith.constant 0 : i32
    %dma_start3A_1078 = tpu.memref_slice %arg6[%dma_start3A_1072, %dma_start3A_1077] : memref<16x128xi32, #tpu.memory_space<vmem>> -> memref<1x128xi32, #tpu.memory_space<vmem>>
    %dma_start3A_1079 = tpu.memref_squeeze %dma_start3A_1078 : memref<1x128xi32, #tpu.memory_space<vmem>> -> memref<128xi32, #tpu.memory_space<vmem>>
    %dma_start3A_1080 = arith.constant 0 : i32
    %dma_start3A_1081 = tpu.memref_slice %arg2[%dma_start3A_1080] : memref<1015808xf32, #tpu.memory_space<hbm>> -> memref<1015808xf32, #tpu.memory_space<hbm>>
    tpu.enqueue_indirect_dma source(%dma_start3A_1081 : memref<1015808xf32, #tpu.memory_space<hbm>>) target(%dma_start3A_1076 : memref<128xf32, #tpu.memory_space<vmem>>) offsets(%dma_start3A_1079 : memref<128xi32, #tpu.memory_space<vmem>>) semaphore(%arg18 : memref<!tpu.dma_semaphore, #tpu.memory_space<semaphore_mem>>)
    %dma_start3A_1082 = arith.constant 11 : i32
    %dma_start3A_1083 = arith.constant 11 : i32
    %dma_start3A_1084 = arith.constant 0 : i32
    %dma_start3A_1085 = tpu.memref_slice %arg10[%dma_start3A_1083, %dma_start3A_1084] : memref<16x128xf32, #tpu.memory_space<vmem>> -> memref<1x128xf32, #tpu.memory_space<vmem>>
    %dma_start3A_1086 = tpu.memref_squeeze %dma_start3A_1085 : memref<1x128xf32, #tpu.memory_space<vmem>> -> memref<128xf32, #tpu.memory_space<vmem>>
    %dma_start3A_1087 = arith.constant 0 : i32
    %dma_start3A_1088 = tpu.memref_slice %arg6[%dma_start3A_1082, %dma_start3A_1087] : memref<16x128xi32, #tpu.memory_space<vmem>> -> memref<1x128xi32, #tpu.memory_space<vmem>>
    %dma_start3A_1089 = tpu.memref_squeeze %dma_start3A_1088 : memref<1x128xi32, #tpu.memory_space<vmem>> -> memref<128xi32, #tpu.memory_space<vmem>>
    %dma_start3A_1090 = arith.constant 0 : i32
    %dma_start3A_1091 = tpu.memref_slice %arg2[%dma_start3A_1090] : memref<1015808xf32, #tpu.memory_space<hbm>> -> memref<1015808xf32, #tpu.memory_space<hbm>>
    tpu.enqueue_indirect_dma source(%dma_start3A_1091 : memref<1015808xf32, #tpu.memory_space<hbm>>) target(%dma_start3A_1086 : memref<128xf32, #tpu.memory_space<vmem>>) offsets(%dma_start3A_1089 : memref<128xi32, #tpu.memory_space<vmem>>) semaphore(%arg18 : memref<!tpu.dma_semaphore, #tpu.memory_space<semaphore_mem>>)
    %dma_start3A_1092 = arith.constant 12 : i32
    %dma_start3A_1093 = arith.constant 12 : i32
    %dma_start3A_1094 = arith.constant 0 : i32
    %dma_start3A_1095 = tpu.memref_slice %arg10[%dma_start3A_1093, %dma_start3A_1094] : memref<16x128xf32, #tpu.memory_space<vmem>> -> memref<1x128xf32, #tpu.memory_space<vmem>>
    %dma_start3A_1096 = tpu.memref_squeeze %dma_start3A_1095 : memref<1x128xf32, #tpu.memory_space<vmem>> -> memref<128xf32, #tpu.memory_space<vmem>>
    %dma_start3A_1097 = arith.constant 0 : i32
    %dma_start3A_1098 = tpu.memref_slice %arg6[%dma_start3A_1092, %dma_start3A_1097] : memref<16x128xi32, #tpu.memory_space<vmem>> -> memref<1x128xi32, #tpu.memory_space<vmem>>
    %dma_start3A_1099 = tpu.memref_squeeze %dma_start3A_1098 : memref<1x128xi32, #tpu.memory_space<vmem>> -> memref<128xi32, #tpu.memory_space<vmem>>
    %dma_start3A_1100 = arith.constant 0 : i32
    %dma_start3A_1101 = tpu.memref_slice %arg2[%dma_start3A_1100] : memref<1015808xf32, #tpu.memory_space<hbm>> -> memref<1015808xf32, #tpu.memory_space<hbm>>
    tpu.enqueue_indirect_dma source(%dma_start3A_1101 : memref<1015808xf32, #tpu.memory_space<hbm>>) target(%dma_start3A_1096 : memref<128xf32, #tpu.memory_space<vmem>>) offsets(%dma_start3A_1099 : memref<128xi32, #tpu.memory_space<vmem>>) semaphore(%arg18 : memref<!tpu.dma_semaphore, #tpu.memory_space<semaphore_mem>>)
    %dma_start3A_1102 = arith.constant 13 : i32
    %dma_start3A_1103 = arith.constant 13 : i32
    %dma_start3A_1104 = arith.constant 0 : i32
    %dma_start3A_1105 = tpu.memref_slice %arg10[%dma_start3A_1103, %dma_start3A_1104] : memref<16x128xf32, #tpu.memory_space<vmem>> -> memref<1x128xf32, #tpu.memory_space<vmem>>
    %dma_start3A_1106 = tpu.memref_squeeze %dma_start3A_1105 : memref<1x128xf32, #tpu.memory_space<vmem>> -> memref<128xf32, #tpu.memory_space<vmem>>
    %dma_start3A_1107 = arith.constant 0 : i32
    %dma_start3A_1108 = tpu.memref_slice %arg6[%dma_start3A_1102, %dma_start3A_1107] : memref<16x128xi32, #tpu.memory_space<vmem>> -> memref<1x128xi32, #tpu.memory_space<vmem>>
    %dma_start3A_1109 = tpu.memref_squeeze %dma_start3A_1108 : memref<1x128xi32, #tpu.memory_space<vmem>> -> memref<128xi32, #tpu.memory_space<vmem>>
    %dma_start3A_1110 = arith.constant 0 : i32
    %dma_start3A_1111 = tpu.memref_slice %arg2[%dma_start3A_1110] : memref<1015808xf32, #tpu.memory_space<hbm>> -> memref<1015808xf32, #tpu.memory_space<hbm>>
    tpu.enqueue_indirect_dma source(%dma_start3A_1111 : memref<1015808xf32, #tpu.memory_space<hbm>>) target(%dma_start3A_1106 : memref<128xf32, #tpu.memory_space<vmem>>) offsets(%dma_start3A_1109 : memref<128xi32, #tpu.memory_space<vmem>>) semaphore(%arg18 : memref<!tpu.dma_semaphore, #tpu.memory_space<semaphore_mem>>)
    %dma_start3A_1112 = arith.constant 14 : i32
    %dma_start3A_1113 = arith.constant 14 : i32
    %dma_start3A_1114 = arith.constant 0 : i32
    %dma_start3A_1115 = tpu.memref_slice %arg10[%dma_start3A_1113, %dma_start3A_1114] : memref<16x128xf32, #tpu.memory_space<vmem>> -> memref<1x128xf32, #tpu.memory_space<vmem>>
    %dma_start3A_1116 = tpu.memref_squeeze %dma_start3A_1115 : memref<1x128xf32, #tpu.memory_space<vmem>> -> memref<128xf32, #tpu.memory_space<vmem>>
    %dma_start3A_1117 = arith.constant 0 : i32
    %dma_start3A_1118 = tpu.memref_slice %arg6[%dma_start3A_1112, %dma_start3A_1117] : memref<16x128xi32, #tpu.memory_space<vmem>> -> memref<1x128xi32, #tpu.memory_space<vmem>>
    %dma_start3A_1119 = tpu.memref_squeeze %dma_start3A_1118 : memref<1x128xi32, #tpu.memory_space<vmem>> -> memref<128xi32, #tpu.memory_space<vmem>>
    %dma_start3A_1120 = arith.constant 0 : i32
    %dma_start3A_1121 = tpu.memref_slice %arg2[%dma_start3A_1120] : memref<1015808xf32, #tpu.memory_space<hbm>> -> memref<1015808xf32, #tpu.memory_space<hbm>>
    tpu.enqueue_indirect_dma source(%dma_start3A_1121 : memref<1015808xf32, #tpu.memory_space<hbm>>) target(%dma_start3A_1116 : memref<128xf32, #tpu.memory_space<vmem>>) offsets(%dma_start3A_1119 : memref<128xi32, #tpu.memory_space<vmem>>) semaphore(%arg18 : memref<!tpu.dma_semaphore, #tpu.memory_space<semaphore_mem>>)
    %dma_start3A_1122 = arith.constant 15 : i32
    %dma_start3A_1123 = arith.constant 15 : i32
    %dma_start3A_1124 = arith.constant 0 : i32
    %dma_start3A_1125 = tpu.memref_slice %arg10[%dma_start3A_1123, %dma_start3A_1124] : memref<16x128xf32, #tpu.memory_space<vmem>> -> memref<1x128xf32, #tpu.memory_space<vmem>>
    %dma_start3A_1126 = tpu.memref_squeeze %dma_start3A_1125 : memref<1x128xf32, #tpu.memory_space<vmem>> -> memref<128xf32, #tpu.memory_space<vmem>>
    %dma_start3A_1127 = arith.constant 0 : i32
    %dma_start3A_1128 = tpu.memref_slice %arg6[%dma_start3A_1122, %dma_start3A_1127] : memref<16x128xi32, #tpu.memory_space<vmem>> -> memref<1x128xi32, #tpu.memory_space<vmem>>
    %dma_start3A_1129 = tpu.memref_squeeze %dma_start3A_1128 : memref<1x128xi32, #tpu.memory_space<vmem>> -> memref<128xi32, #tpu.memory_space<vmem>>
    %dma_start3A_1130 = arith.constant 0 : i32
    %dma_start3A_1131 = tpu.memref_slice %arg2[%dma_start3A_1130] : memref<1015808xf32, #tpu.memory_space<hbm>> -> memref<1015808xf32, #tpu.memory_space<hbm>>
    tpu.enqueue_indirect_dma source(%dma_start3A_1131 : memref<1015808xf32, #tpu.memory_space<hbm>>) target(%dma_start3A_1126 : memref<128xf32, #tpu.memory_space<vmem>>) offsets(%dma_start3A_1129 : memref<128xi32, #tpu.memory_space<vmem>>) semaphore(%arg18 : memref<!tpu.dma_semaphore, #tpu.memory_space<semaphore_mem>>)
    %scan3A = arith.constant 0 : i32
    %scan3A_1132 = arith.constant 1 : i32
    %scan3A_1133 = arith.constant 15 : i32
    %scan3A_1134 = arith.addi %scan3A_1132, %scan3A_1133 : i32
    %scan3A_1135 = arith.constant 1 : i32
    scf.for %scan3A_1173 = %scan3A_1132 to %scan3A_1134 step %scan3A_1135  : i32 {
      %mul3A_1174 = arith.constant 4 : i32
      %mul3A_1175 = arith.muli %scan3A_1173, %mul3A_1174 : i32
      %add3A_1176 = arith.constant 0 : i32
      %add3A_1177 = arith.addi %mul3A_1175, %add3A_1176 : i32
      %dma_wait3A_1178 = arith.constant 0 : i32
      %dma_wait3A_1179 = arith.constant 0 : i32
      %dma_wait3A_1180 = tpu.memref_slice %arg4[%dma_wait3A_1178, %dma_wait3A_1179] : memref<32768x128xf32, #tpu.memory_space<hbm>> -> memref<16x128xf32, #tpu.memory_space<hbm>>
      %dma_wait3A_1181 = arith.constant 0 : i32
      %dma_wait3A_1182 = arith.constant 0 : i32
      %dma_wait3A_1183 = tpu.memref_slice %arg4[%dma_wait3A_1181, %dma_wait3A_1182] : memref<32768x128xf32, #tpu.memory_space<hbm>> -> memref<16x128xf32, #tpu.memory_space<hbm>>
      tpu.wait_dma2 semaphore(%arg17 : memref<!tpu.dma_semaphore, #tpu.memory_space<semaphore_mem>>) src(%dma_wait3A_1183 : memref<16x128xf32, #tpu.memory_space<hbm>>) dst(%arg9 : memref<16x128xf32, #tpu.memory_space<vmem>>)
      %mul3A_1184 = arith.constant 16 : i32
      %mul3A_1185 = arith.muli %add3A_1177, %mul3A_1184 : i32
      %add3A_1186 = arith.addi %mul3A_2, %mul3A_1185 : i32
      %dma_start3A_1187 = arith.constant 0 : i32
      %dma_start3A_1188 = tpu.memref_slice %arg4[%add3A_1186, %dma_start3A_1187] : memref<32768x128xf32, #tpu.memory_space<hbm>> -> memref<16x128xf32, #tpu.memory_space<hbm>>
      %dma_start3A_1189 = arith.constant 0 : i32
      %dma_start3A_1190 = tpu.memref_slice %arg4[%add3A_1186, %dma_start3A_1189] : memref<32768x128xf32, #tpu.memory_space<hbm>> -> memref<16x128xf32, #tpu.memory_space<hbm>>
      tpu.enqueue_dma source(%arg9 : memref<16x128xf32, #tpu.memory_space<vmem>>) target(%dma_start3A_1190 : memref<16x128xf32, #tpu.memory_space<hbm>>) target_semaphore(%arg21 : memref<!tpu.dma_semaphore, #tpu.memory_space<semaphore_mem>>)
      %add3A_1191 = arith.constant 4 : i32
      %add3A_1192 = arith.addi %add3A_1177, %add3A_1191 : i32
      %min3A_1193 = arith.constant 63 : i32
      %min3A_1194 = arith.minsi %add3A_1192, %min3A_1193 : i32
      %mul3A_1195 = arith.constant 16 : i32
      %mul3A_1196 = arith.muli %min3A_1194, %mul3A_1195 : i32
      %add3A_1197 = arith.addi %mul3A_2, %mul3A_1196 : i32
      %dma_start3A_1198 = arith.constant 0 : i32
      %dma_start3A_1199 = tpu.memref_slice %arg3[%add3A_1197, %dma_start3A_1198] : memref<32768x128xi32, #tpu.memory_space<hbm>> -> memref<16x128xi32, #tpu.memory_space<hbm>>
      %dma_start3A_1200 = arith.constant 0 : i32
      %dma_start3A_1201 = tpu.memref_slice %arg3[%add3A_1197, %dma_start3A_1200] : memref<32768x128xi32, #tpu.memory_space<hbm>> -> memref<16x128xi32, #tpu.memory_space<hbm>>
      tpu.enqueue_dma source(%dma_start3A_1201 : memref<16x128xi32, #tpu.memory_space<hbm>>) target(%arg5 : memref<16x128xi32, #tpu.memory_space<vmem>>) target_semaphore(%arg13 : memref<!tpu.dma_semaphore, #tpu.memory_space<semaphore_mem>>)
      %add3A_1202 = arith.constant 2 : i32
      %add3A_1203 = arith.addi %add3A_1177, %add3A_1202 : i32
      %dma_wait3A_1204 = arith.constant 0 : i32
      %dma_wait3A_1205 = arith.constant 0 : i32
      %dma_wait3A_1206 = tpu.memref_slice %arg4[%dma_wait3A_1204, %dma_wait3A_1205] : memref<32768x128xf32, #tpu.memory_space<hbm>> -> memref<16x128xf32, #tpu.memory_space<hbm>>
      %dma_wait3A_1207 = arith.constant 0 : i32
      %dma_wait3A_1208 = arith.constant 0 : i32
      %dma_wait3A_1209 = tpu.memref_slice %arg4[%dma_wait3A_1207, %dma_wait3A_1208] : memref<32768x128xf32, #tpu.memory_space<hbm>> -> memref<16x128xf32, #tpu.memory_space<hbm>>
      tpu.wait_dma2 semaphore(%arg23 : memref<!tpu.dma_semaphore, #tpu.memory_space<semaphore_mem>>) src(%dma_wait3A_1209 : memref<16x128xf32, #tpu.memory_space<hbm>>) dst(%arg11 : memref<16x128xf32, #tpu.memory_space<vmem>>)
      %min3A_1210 = arith.constant 63 : i32
      %min3A_1211 = arith.minsi %add3A_1203, %min3A_1210 : i32
      %dma_wait3A_1212 = arith.constant 0 : i32
      %dma_wait3A_1213 = arith.constant 0 : i32
      %dma_wait3A_1214 = tpu.memref_slice %arg3[%dma_wait3A_1212, %dma_wait3A_1213] : memref<32768x128xi32, #tpu.memory_space<hbm>> -> memref<16x128xi32, #tpu.memory_space<hbm>>
      %dma_wait3A_1215 = arith.constant 0 : i32
      %dma_wait3A_1216 = arith.constant 0 : i32
      %dma_wait3A_1217 = tpu.memref_slice %arg3[%dma_wait3A_1215, %dma_wait3A_1216] : memref<32768x128xi32, #tpu.memory_space<hbm>> -> memref<16x128xi32, #tpu.memory_space<hbm>>
      tpu.wait_dma2 semaphore(%arg15 : memref<!tpu.dma_semaphore, #tpu.memory_space<semaphore_mem>>) src(%dma_wait3A_1217 : memref<16x128xi32, #tpu.memory_space<hbm>>) dst(%arg7 : memref<16x128xi32, #tpu.memory_space<vmem>>)
      %dma_start3A_1218 = arith.constant 0 : i32
      %dma_start3A_1219 = arith.constant 0 : i32
      %dma_start3A_1220 = arith.constant 0 : i32
      %dma_start3A_1221 = tpu.memref_slice %arg11[%dma_start3A_1219, %dma_start3A_1220] : memref<16x128xf32, #tpu.memory_space<vmem>> -> memref<1x128xf32, #tpu.memory_space<vmem>>
      %dma_start3A_1222 = tpu.memref_squeeze %dma_start3A_1221 : memref<1x128xf32, #tpu.memory_space<vmem>> -> memref<128xf32, #tpu.memory_space<vmem>>
      %dma_start3A_1223 = arith.constant 0 : i32
      %dma_start3A_1224 = tpu.memref_slice %arg7[%dma_start3A_1218, %dma_start3A_1223] : memref<16x128xi32, #tpu.memory_space<vmem>> -> memref<1x128xi32, #tpu.memory_space<vmem>>
      %dma_start3A_1225 = tpu.memref_squeeze %dma_start3A_1224 : memref<1x128xi32, #tpu.memory_space<vmem>> -> memref<128xi32, #tpu.memory_space<vmem>>
      %dma_start3A_1226 = arith.constant 0 : i32
      %dma_start3A_1227 = tpu.memref_slice %arg2[%dma_start3A_1226] : memref<1015808xf32, #tpu.memory_space<hbm>> -> memref<1015808xf32, #tpu.memory_space<hbm>>
      tpu.enqueue_indirect_dma source(%dma_start3A_1227 : memref<1015808xf32, #tpu.memory_space<hbm>>) target(%dma_start3A_1222 : memref<128xf32, #tpu.memory_space<vmem>>) offsets(%dma_start3A_1225 : memref<128xi32, #tpu.memory_space<vmem>>) semaphore(%arg19 : memref<!tpu.dma_semaphore, #tpu.memory_space<semaphore_mem>>)
      %dma_start3A_1228 = arith.constant 1 : i32
      %dma_start3A_1229 = arith.constant 1 : i32
      %dma_start3A_1230 = arith.constant 0 : i32
      %dma_start3A_1231 = tpu.memref_slice %arg11[%dma_start3A_1229, %dma_start3A_1230] : memref<16x128xf32, #tpu.memory_space<vmem>> -> memref<1x128xf32, #tpu.memory_space<vmem>>
      %dma_start3A_1232 = tpu.memref_squeeze %dma_start3A_1231 : memref<1x128xf32, #tpu.memory_space<vmem>> -> memref<128xf32, #tpu.memory_space<vmem>>
      %dma_start3A_1233 = arith.constant 0 : i32
      %dma_start3A_1234 = tpu.memref_slice %arg7[%dma_start3A_1228, %dma_start3A_1233] : memref<16x128xi32, #tpu.memory_space<vmem>> -> memref<1x128xi32, #tpu.memory_space<vmem>>
      %dma_start3A_1235 = tpu.memref_squeeze %dma_start3A_1234 : memref<1x128xi32, #tpu.memory_space<vmem>> -> memref<128xi32, #tpu.memory_space<vmem>>
      %dma_start3A_1236 = arith.constant 0 : i32
      %dma_start3A_1237 = tpu.memref_slice %arg2[%dma_start3A_1236] : memref<1015808xf32, #tpu.memory_space<hbm>> -> memref<1015808xf32, #tpu.memory_space<hbm>>
      tpu.enqueue_indirect_dma source(%dma_start3A_1237 : memref<1015808xf32, #tpu.memory_space<hbm>>) target(%dma_start3A_1232 : memref<128xf32, #tpu.memory_space<vmem>>) offsets(%dma_start3A_1235 : memref<128xi32, #tpu.memory_space<vmem>>) semaphore(%arg19 : memref<!tpu.dma_semaphore, #tpu.memory_space<semaphore_mem>>)
      %dma_start3A_1238 = arith.constant 2 : i32
      %dma_start3A_1239 = arith.constant 2 : i32
      %dma_start3A_1240 = arith.constant 0 : i32
      %dma_start3A_1241 = tpu.memref_slice %arg11[%dma_start3A_1239, %dma_start3A_1240] : memref<16x128xf32, #tpu.memory_space<vmem>> -> memref<1x128xf32, #tpu.memory_space<vmem>>
      %dma_start3A_1242 = tpu.memref_squeeze %dma_start3A_1241 : memref<1x128xf32, #tpu.memory_space<vmem>> -> memref<128xf32, #tpu.memory_space<vmem>>
      %dma_start3A_1243 = arith.constant 0 : i32
      %dma_start3A_1244 = tpu.memref_slice %arg7[%dma_start3A_1238, %dma_start3A_1243] : memref<16x128xi32, #tpu.memory_space<vmem>> -> memref<1x128xi32, #tpu.memory_space<vmem>>
      %dma_start3A_1245 = tpu.memref_squeeze %dma_start3A_1244 : memref<1x128xi32, #tpu.memory_space<vmem>> -> memref<128xi32, #tpu.memory_space<vmem>>
      %dma_start3A_1246 = arith.constant 0 : i32
      %dma_start3A_1247 = tpu.memref_slice %arg2[%dma_start3A_1246] : memref<1015808xf32, #tpu.memory_space<hbm>> -> memref<1015808xf32, #tpu.memory_space<hbm>>
      tpu.enqueue_indirect_dma source(%dma_start3A_1247 : memref<1015808xf32, #tpu.memory_space<hbm>>) target(%dma_start3A_1242 : memref<128xf32, #tpu.memory_space<vmem>>) offsets(%dma_start3A_1245 : memref<128xi32, #tpu.memory_space<vmem>>) semaphore(%arg19 : memref<!tpu.dma_semaphore, #tpu.memory_space<semaphore_mem>>)
      %dma_start3A_1248 = arith.constant 3 : i32
      %dma_start3A_1249 = arith.constant 3 : i32
      %dma_start3A_1250 = arith.constant 0 : i32
      %dma_start3A_1251 = tpu.memref_slice %arg11[%dma_start3A_1249, %dma_start3A_1250] : memref<16x128xf32, #tpu.memory_space<vmem>> -> memref<1x128xf32, #tpu.memory_space<vmem>>
      %dma_start3A_1252 = tpu.memref_squeeze %dma_start3A_1251 : memref<1x128xf32, #tpu.memory_space<vmem>> -> memref<128xf32, #tpu.memory_space<vmem>>
      %dma_start3A_1253 = arith.constant 0 : i32
      %dma_start3A_1254 = tpu.memref_slice %arg7[%dma_start3A_1248, %dma_start3A_1253] : memref<16x128xi32, #tpu.memory_space<vmem>> -> memref<1x128xi32, #tpu.memory_space<vmem>>
      %dma_start3A_1255 = tpu.memref_squeeze %dma_start3A_1254 : memref<1x128xi32, #tpu.memory_space<vmem>> -> memref<128xi32, #tpu.memory_space<vmem>>
      %dma_start3A_1256 = arith.constant 0 : i32
      %dma_start3A_1257 = tpu.memref_slice %arg2[%dma_start3A_1256] : memref<1015808xf32, #tpu.memory_space<hbm>> -> memref<1015808xf32, #tpu.memory_space<hbm>>
      tpu.enqueue_indirect_dma source(%dma_start3A_1257 : memref<1015808xf32, #tpu.memory_space<hbm>>) target(%dma_start3A_1252 : memref<128xf32, #tpu.memory_space<vmem>>) offsets(%dma_start3A_1255 : memref<128xi32, #tpu.memory_space<vmem>>) semaphore(%arg19 : memref<!tpu.dma_semaphore, #tpu.memory_space<semaphore_mem>>)
      %dma_start3A_1258 = arith.constant 4 : i32
      %dma_start3A_1259 = arith.constant 4 : i32
      %dma_start3A_1260 = arith.constant 0 : i32
      %dma_start3A_1261 = tpu.memref_slice %arg11[%dma_start3A_1259, %dma_start3A_1260] : memref<16x128xf32, #tpu.memory_space<vmem>> -> memref<1x128xf32, #tpu.memory_space<vmem>>
      %dma_start3A_1262 = tpu.memref_squeeze %dma_start3A_1261 : memref<1x128xf32, #tpu.memory_space<vmem>> -> memref<128xf32, #tpu.memory_space<vmem>>
      %dma_start3A_1263 = arith.constant 0 : i32
      %dma_start3A_1264 = tpu.memref_slice %arg7[%dma_start3A_1258, %dma_start3A_1263] : memref<16x128xi32, #tpu.memory_space<vmem>> -> memref<1x128xi32, #tpu.memory_space<vmem>>
      %dma_start3A_1265 = tpu.memref_squeeze %dma_start3A_1264 : memref<1x128xi32, #tpu.memory_space<vmem>> -> memref<128xi32, #tpu.memory_space<vmem>>
      %dma_start3A_1266 = arith.constant 0 : i32
      %dma_start3A_1267 = tpu.memref_slice %arg2[%dma_start3A_1266] : memref<1015808xf32, #tpu.memory_space<hbm>> -> memref<1015808xf32, #tpu.memory_space<hbm>>
      tpu.enqueue_indirect_dma source(%dma_start3A_1267 : memref<1015808xf32, #tpu.memory_space<hbm>>) target(%dma_start3A_1262 : memref<128xf32, #tpu.memory_space<vmem>>) offsets(%dma_start3A_1265 : memref<128xi32, #tpu.memory_space<vmem>>) semaphore(%arg19 : memref<!tpu.dma_semaphore, #tpu.memory_space<semaphore_mem>>)
      %dma_start3A_1268 = arith.constant 5 : i32
      %dma_start3A_1269 = arith.constant 5 : i32
      %dma_start3A_1270 = arith.constant 0 : i32
      %dma_start3A_1271 = tpu.memref_slice %arg11[%dma_start3A_1269, %dma_start3A_1270] : memref<16x128xf32, #tpu.memory_space<vmem>> -> memref<1x128xf32, #tpu.memory_space<vmem>>
      %dma_start3A_1272 = tpu.memref_squeeze %dma_start3A_1271 : memref<1x128xf32, #tpu.memory_space<vmem>> -> memref<128xf32, #tpu.memory_space<vmem>>
      %dma_start3A_1273 = arith.constant 0 : i32
      %dma_start3A_1274 = tpu.memref_slice %arg7[%dma_start3A_1268, %dma_start3A_1273] : memref<16x128xi32, #tpu.memory_space<vmem>> -> memref<1x128xi32, #tpu.memory_space<vmem>>
      %dma_start3A_1275 = tpu.memref_squeeze %dma_start3A_1274 : memref<1x128xi32, #tpu.memory_space<vmem>> -> memref<128xi32, #tpu.memory_space<vmem>>
      %dma_start3A_1276 = arith.constant 0 : i32
      %dma_start3A_1277 = tpu.memref_slice %arg2[%dma_start3A_1276] : memref<1015808xf32, #tpu.memory_space<hbm>> -> memref<1015808xf32, #tpu.memory_space<hbm>>
      tpu.enqueue_indirect_dma source(%dma_start3A_1277 : memref<1015808xf32, #tpu.memory_space<hbm>>) target(%dma_start3A_1272 : memref<128xf32, #tpu.memory_space<vmem>>) offsets(%dma_start3A_1275 : memref<128xi32, #tpu.memory_space<vmem>>) semaphore(%arg19 : memref<!tpu.dma_semaphore, #tpu.memory_space<semaphore_mem>>)
      %dma_start3A_1278 = arith.constant 6 : i32
      %dma_start3A_1279 = arith.constant 6 : i32
      %dma_start3A_1280 = arith.constant 0 : i32
      %dma_start3A_1281 = tpu.memref_slice %arg11[%dma_start3A_1279, %dma_start3A_1280] : memref<16x128xf32, #tpu.memory_space<vmem>> -> memref<1x128xf32, #tpu.memory_space<vmem>>
      %dma_start3A_1282 = tpu.memref_squeeze %dma_start3A_1281 : memref<1x128xf32, #tpu.memory_space<vmem>> -> memref<128xf32, #tpu.memory_space<vmem>>
      %dma_start3A_1283 = arith.constant 0 : i32
      %dma_start3A_1284 = tpu.memref_slice %arg7[%dma_start3A_1278, %dma_start3A_1283] : memref<16x128xi32, #tpu.memory_space<vmem>> -> memref<1x128xi32, #tpu.memory_space<vmem>>
      %dma_start3A_1285 = tpu.memref_squeeze %dma_start3A_1284 : memref<1x128xi32, #tpu.memory_space<vmem>> -> memref<128xi32, #tpu.memory_space<vmem>>
      %dma_start3A_1286 = arith.constant 0 : i32
      %dma_start3A_1287 = tpu.memref_slice %arg2[%dma_start3A_1286] : memref<1015808xf32, #tpu.memory_space<hbm>> -> memref<1015808xf32, #tpu.memory_space<hbm>>
      tpu.enqueue_indirect_dma source(%dma_start3A_1287 : memref<1015808xf32, #tpu.memory_space<hbm>>) target(%dma_start3A_1282 : memref<128xf32, #tpu.memory_space<vmem>>) offsets(%dma_start3A_1285 : memref<128xi32, #tpu.memory_space<vmem>>) semaphore(%arg19 : memref<!tpu.dma_semaphore, #tpu.memory_space<semaphore_mem>>)
      %dma_start3A_1288 = arith.constant 7 : i32
      %dma_start3A_1289 = arith.constant 7 : i32
      %dma_start3A_1290 = arith.constant 0 : i32
      %dma_start3A_1291 = tpu.memref_slice %arg11[%dma_start3A_1289, %dma_start3A_1290] : memref<16x128xf32, #tpu.memory_space<vmem>> -> memref<1x128xf32, #tpu.memory_space<vmem>>
      %dma_start3A_1292 = tpu.memref_squeeze %dma_start3A_1291 : memref<1x128xf32, #tpu.memory_space<vmem>> -> memref<128xf32, #tpu.memory_space<vmem>>
      %dma_start3A_1293 = arith.constant 0 : i32
      %dma_start3A_1294 = tpu.memref_slice %arg7[%dma_start3A_1288, %dma_start3A_1293] : memref<16x128xi32, #tpu.memory_space<vmem>> -> memref<1x128xi32, #tpu.memory_space<vmem>>
      %dma_start3A_1295 = tpu.memref_squeeze %dma_start3A_1294 : memref<1x128xi32, #tpu.memory_space<vmem>> -> memref<128xi32, #tpu.memory_space<vmem>>
      %dma_start3A_1296 = arith.constant 0 : i32
      %dma_start3A_1297 = tpu.memref_slice %arg2[%dma_start3A_1296] : memref<1015808xf32, #tpu.memory_space<hbm>> -> memref<1015808xf32, #tpu.memory_space<hbm>>
      tpu.enqueue_indirect_dma source(%dma_start3A_1297 : memref<1015808xf32, #tpu.memory_space<hbm>>) target(%dma_start3A_1292 : memref<128xf32, #tpu.memory_space<vmem>>) offsets(%dma_start3A_1295 : memref<128xi32, #tpu.memory_space<vmem>>) semaphore(%arg19 : memref<!tpu.dma_semaphore, #tpu.memory_space<semaphore_mem>>)
      %dma_start3A_1298 = arith.constant 8 : i32
      %dma_start3A_1299 = arith.constant 8 : i32
      %dma_start3A_1300 = arith.constant 0 : i32
      %dma_start3A_1301 = tpu.memref_slice %arg11[%dma_start3A_1299, %dma_start3A_1300] : memref<16x128xf32, #tpu.memory_space<vmem>> -> memref<1x128xf32, #tpu.memory_space<vmem>>
      %dma_start3A_1302 = tpu.memref_squeeze %dma_start3A_1301 : memref<1x128xf32, #tpu.memory_space<vmem>> -> memref<128xf32, #tpu.memory_space<vmem>>
      %dma_start3A_1303 = arith.constant 0 : i32
      %dma_start3A_1304 = tpu.memref_slice %arg7[%dma_start3A_1298, %dma_start3A_1303] : memref<16x128xi32, #tpu.memory_space<vmem>> -> memref<1x128xi32, #tpu.memory_space<vmem>>
      %dma_start3A_1305 = tpu.memref_squeeze %dma_start3A_1304 : memref<1x128xi32, #tpu.memory_space<vmem>> -> memref<128xi32, #tpu.memory_space<vmem>>
      %dma_start3A_1306 = arith.constant 0 : i32
      %dma_start3A_1307 = tpu.memref_slice %arg2[%dma_start3A_1306] : memref<1015808xf32, #tpu.memory_space<hbm>> -> memref<1015808xf32, #tpu.memory_space<hbm>>
      tpu.enqueue_indirect_dma source(%dma_start3A_1307 : memref<1015808xf32, #tpu.memory_space<hbm>>) target(%dma_start3A_1302 : memref<128xf32, #tpu.memory_space<vmem>>) offsets(%dma_start3A_1305 : memref<128xi32, #tpu.memory_space<vmem>>) semaphore(%arg19 : memref<!tpu.dma_semaphore, #tpu.memory_space<semaphore_mem>>)
      %dma_start3A_1308 = arith.constant 9 : i32
      %dma_start3A_1309 = arith.constant 9 : i32
      %dma_start3A_1310 = arith.constant 0 : i32
      %dma_start3A_1311 = tpu.memref_slice %arg11[%dma_start3A_1309, %dma_start3A_1310] : memref<16x128xf32, #tpu.memory_space<vmem>> -> memref<1x128xf32, #tpu.memory_space<vmem>>
      %dma_start3A_1312 = tpu.memref_squeeze %dma_start3A_1311 : memref<1x128xf32, #tpu.memory_space<vmem>> -> memref<128xf32, #tpu.memory_space<vmem>>
      %dma_start3A_1313 = arith.constant 0 : i32
      %dma_start3A_1314 = tpu.memref_slice %arg7[%dma_start3A_1308, %dma_start3A_1313] : memref<16x128xi32, #tpu.memory_space<vmem>> -> memref<1x128xi32, #tpu.memory_space<vmem>>
      %dma_start3A_1315 = tpu.memref_squeeze %dma_start3A_1314 : memref<1x128xi32, #tpu.memory_space<vmem>> -> memref<128xi32, #tpu.memory_space<vmem>>
      %dma_start3A_1316 = arith.constant 0 : i32
      %dma_start3A_1317 = tpu.memref_slice %arg2[%dma_start3A_1316] : memref<1015808xf32, #tpu.memory_space<hbm>> -> memref<1015808xf32, #tpu.memory_space<hbm>>
      tpu.enqueue_indirect_dma source(%dma_start3A_1317 : memref<1015808xf32, #tpu.memory_space<hbm>>) target(%dma_start3A_1312 : memref<128xf32, #tpu.memory_space<vmem>>) offsets(%dma_start3A_1315 : memref<128xi32, #tpu.memory_space<vmem>>) semaphore(%arg19 : memref<!tpu.dma_semaphore, #tpu.memory_space<semaphore_mem>>)
      %dma_start3A_1318 = arith.constant 10 : i32
      %dma_start3A_1319 = arith.constant 10 : i32
      %dma_start3A_1320 = arith.constant 0 : i32
      %dma_start3A_1321 = tpu.memref_slice %arg11[%dma_start3A_1319, %dma_start3A_1320] : memref<16x128xf32, #tpu.memory_space<vmem>> -> memref<1x128xf32, #tpu.memory_space<vmem>>
      %dma_start3A_1322 = tpu.memref_squeeze %dma_start3A_1321 : memref<1x128xf32, #tpu.memory_space<vmem>> -> memref<128xf32, #tpu.memory_space<vmem>>
      %dma_start3A_1323 = arith.constant 0 : i32
      %dma_start3A_1324 = tpu.memref_slice %arg7[%dma_start3A_1318, %dma_start3A_1323] : memref<16x128xi32, #tpu.memory_space<vmem>> -> memref<1x128xi32, #tpu.memory_space<vmem>>
      %dma_start3A_1325 = tpu.memref_squeeze %dma_start3A_1324 : memref<1x128xi32, #tpu.memory_space<vmem>> -> memref<128xi32, #tpu.memory_space<vmem>>
      %dma_start3A_1326 = arith.constant 0 : i32
      %dma_start3A_1327 = tpu.memref_slice %arg2[%dma_start3A_1326] : memref<1015808xf32, #tpu.memory_space<hbm>> -> memref<1015808xf32, #tpu.memory_space<hbm>>
      tpu.enqueue_indirect_dma source(%dma_start3A_1327 : memref<1015808xf32, #tpu.memory_space<hbm>>) target(%dma_start3A_1322 : memref<128xf32, #tpu.memory_space<vmem>>) offsets(%dma_start3A_1325 : memref<128xi32, #tpu.memory_space<vmem>>) semaphore(%arg19 : memref<!tpu.dma_semaphore, #tpu.memory_space<semaphore_mem>>)
      %dma_start3A_1328 = arith.constant 11 : i32
      %dma_start3A_1329 = arith.constant 11 : i32
      %dma_start3A_1330 = arith.constant 0 : i32
      %dma_start3A_1331 = tpu.memref_slice %arg11[%dma_start3A_1329, %dma_start3A_1330] : memref<16x128xf32, #tpu.memory_space<vmem>> -> memref<1x128xf32, #tpu.memory_space<vmem>>
      %dma_start3A_1332 = tpu.memref_squeeze %dma_start3A_1331 : memref<1x128xf32, #tpu.memory_space<vmem>> -> memref<128xf32, #tpu.memory_space<vmem>>
      %dma_start3A_1333 = arith.constant 0 : i32
      %dma_start3A_1334 = tpu.memref_slice %arg7[%dma_start3A_1328, %dma_start3A_1333] : memref<16x128xi32, #tpu.memory_space<vmem>> -> memref<1x128xi32, #tpu.memory_space<vmem>>
      %dma_start3A_1335 = tpu.memref_squeeze %dma_start3A_1334 : memref<1x128xi32, #tpu.memory_space<vmem>> -> memref<128xi32, #tpu.memory_space<vmem>>
      %dma_start3A_1336 = arith.constant 0 : i32
      %dma_start3A_1337 = tpu.memref_slice %arg2[%dma_start3A_1336] : memref<1015808xf32, #tpu.memory_space<hbm>> -> memref<1015808xf32, #tpu.memory_space<hbm>>
      tpu.enqueue_indirect_dma source(%dma_start3A_1337 : memref<1015808xf32, #tpu.memory_space<hbm>>) target(%dma_start3A_1332 : memref<128xf32, #tpu.memory_space<vmem>>) offsets(%dma_start3A_1335 : memref<128xi32, #tpu.memory_space<vmem>>) semaphore(%arg19 : memref<!tpu.dma_semaphore, #tpu.memory_space<semaphore_mem>>)
      %dma_start3A_1338 = arith.constant 12 : i32
      %dma_start3A_1339 = arith.constant 12 : i32
      %dma_start3A_1340 = arith.constant 0 : i32
      %dma_start3A_1341 = tpu.memref_slice %arg11[%dma_start3A_1339, %dma_start3A_1340] : memref<16x128xf32, #tpu.memory_space<vmem>> -> memref<1x128xf32, #tpu.memory_space<vmem>>
      %dma_start3A_1342 = tpu.memref_squeeze %dma_start3A_1341 : memref<1x128xf32, #tpu.memory_space<vmem>> -> memref<128xf32, #tpu.memory_space<vmem>>
      %dma_start3A_1343 = arith.constant 0 : i32
      %dma_start3A_1344 = tpu.memref_slice %arg7[%dma_start3A_1338, %dma_start3A_1343] : memref<16x128xi32, #tpu.memory_space<vmem>> -> memref<1x128xi32, #tpu.memory_space<vmem>>
      %dma_start3A_1345 = tpu.memref_squeeze %dma_start3A_1344 : memref<1x128xi32, #tpu.memory_space<vmem>> -> memref<128xi32, #tpu.memory_space<vmem>>
      %dma_start3A_1346 = arith.constant 0 : i32
      %dma_start3A_1347 = tpu.memref_slice %arg2[%dma_start3A_1346] : memref<1015808xf32, #tpu.memory_space<hbm>> -> memref<1015808xf32, #tpu.memory_space<hbm>>
      tpu.enqueue_indirect_dma source(%dma_start3A_1347 : memref<1015808xf32, #tpu.memory_space<hbm>>) target(%dma_start3A_1342 : memref<128xf32, #tpu.memory_space<vmem>>) offsets(%dma_start3A_1345 : memref<128xi32, #tpu.memory_space<vmem>>) semaphore(%arg19 : memref<!tpu.dma_semaphore, #tpu.memory_space<semaphore_mem>>)
      %dma_start3A_1348 = arith.constant 13 : i32
      %dma_start3A_1349 = arith.constant 13 : i32
      %dma_start3A_1350 = arith.constant 0 : i32
      %dma_start3A_1351 = tpu.memref_slice %arg11[%dma_start3A_1349, %dma_start3A_1350] : memref<16x128xf32, #tpu.memory_space<vmem>> -> memref<1x128xf32, #tpu.memory_space<vmem>>
      %dma_start3A_1352 = tpu.memref_squeeze %dma_start3A_1351 : memref<1x128xf32, #tpu.memory_space<vmem>> -> memref<128xf32, #tpu.memory_space<vmem>>
      %dma_start3A_1353 = arith.constant 0 : i32
      %dma_start3A_1354 = tpu.memref_slice %arg7[%dma_start3A_1348, %dma_start3A_1353] : memref<16x128xi32, #tpu.memory_space<vmem>> -> memref<1x128xi32, #tpu.memory_space<vmem>>
      %dma_start3A_1355 = tpu.memref_squeeze %dma_start3A_1354 : memref<1x128xi32, #tpu.memory_space<vmem>> -> memref<128xi32, #tpu.memory_space<vmem>>
      %dma_start3A_1356 = arith.constant 0 : i32
      %dma_start3A_1357 = tpu.memref_slice %arg2[%dma_start3A_1356] : memref<1015808xf32, #tpu.memory_space<hbm>> -> memref<1015808xf32, #tpu.memory_space<hbm>>
      tpu.enqueue_indirect_dma source(%dma_start3A_1357 : memref<1015808xf32, #tpu.memory_space<hbm>>) target(%dma_start3A_1352 : memref<128xf32, #tpu.memory_space<vmem>>) offsets(%dma_start3A_1355 : memref<128xi32, #tpu.memory_space<vmem>>) semaphore(%arg19 : memref<!tpu.dma_semaphore, #tpu.memory_space<semaphore_mem>>)
      %dma_start3A_1358 = arith.constant 14 : i32
      %dma_start3A_1359 = arith.constant 14 : i32
      %dma_start3A_1360 = arith.constant 0 : i32
      %dma_start3A_1361 = tpu.memref_slice %arg11[%dma_start3A_1359, %dma_start3A_1360] : memref<16x128xf32, #tpu.memory_space<vmem>> -> memref<1x128xf32, #tpu.memory_space<vmem>>
      %dma_start3A_1362 = tpu.memref_squeeze %dma_start3A_1361 : memref<1x128xf32, #tpu.memory_space<vmem>> -> memref<128xf32, #tpu.memory_space<vmem>>
      %dma_start3A_1363 = arith.constant 0 : i32
      %dma_start3A_1364 = tpu.memref_slice %arg7[%dma_start3A_1358, %dma_start3A_1363] : memref<16x128xi32, #tpu.memory_space<vmem>> -> memref<1x128xi32, #tpu.memory_space<vmem>>
      %dma_start3A_1365 = tpu.memref_squeeze %dma_start3A_1364 : memref<1x128xi32, #tpu.memory_space<vmem>> -> memref<128xi32, #tpu.memory_space<vmem>>
      %dma_start3A_1366 = arith.constant 0 : i32
      %dma_start3A_1367 = tpu.memref_slice %arg2[%dma_start3A_1366] : memref<1015808xf32, #tpu.memory_space<hbm>> -> memref<1015808xf32, #tpu.memory_space<hbm>>
      tpu.enqueue_indirect_dma source(%dma_start3A_1367 : memref<1015808xf32, #tpu.memory_space<hbm>>) target(%dma_start3A_1362 : memref<128xf32, #tpu.memory_space<vmem>>) offsets(%dma_start3A_1365 : memref<128xi32, #tpu.memory_space<vmem>>) semaphore(%arg19 : memref<!tpu.dma_semaphore, #tpu.memory_space<semaphore_mem>>)
      %dma_start3A_1368 = arith.constant 15 : i32
      %dma_start3A_1369 = arith.constant 15 : i32
      %dma_start3A_1370 = arith.constant 0 : i32
      %dma_start3A_1371 = tpu.memref_slice %arg11[%dma_start3A_1369, %dma_start3A_1370] : memref<16x128xf32, #tpu.memory_space<vmem>> -> memref<1x128xf32, #tpu.memory_space<vmem>>
      %dma_start3A_1372 = tpu.memref_squeeze %dma_start3A_1371 : memref<1x128xf32, #tpu.memory_space<vmem>> -> memref<128xf32, #tpu.memory_space<vmem>>
      %dma_start3A_1373 = arith.constant 0 : i32
      %dma_start3A_1374 = tpu.memref_slice %arg7[%dma_start3A_1368, %dma_start3A_1373] : memref<16x128xi32, #tpu.memory_space<vmem>> -> memref<1x128xi32, #tpu.memory_space<vmem>>
      %dma_start3A_1375 = tpu.memref_squeeze %dma_start3A_1374 : memref<1x128xi32, #tpu.memory_space<vmem>> -> memref<128xi32, #tpu.memory_space<vmem>>
      %dma_start3A_1376 = arith.constant 0 : i32
      %dma_start3A_1377 = tpu.memref_slice %arg2[%dma_start3A_1376] : memref<1015808xf32, #tpu.memory_space<hbm>> -> memref<1015808xf32, #tpu.memory_space<hbm>>
      tpu.enqueue_indirect_dma source(%dma_start3A_1377 : memref<1015808xf32, #tpu.memory_space<hbm>>) target(%dma_start3A_1372 : memref<128xf32, #tpu.memory_space<vmem>>) offsets(%dma_start3A_1375 : memref<128xi32, #tpu.memory_space<vmem>>) semaphore(%arg19 : memref<!tpu.dma_semaphore, #tpu.memory_space<semaphore_mem>>)
      %mul3A_1378 = arith.constant 4 : i32
      %mul3A_1379 = arith.muli %scan3A_1173, %mul3A_1378 : i32
      %add3A_1380 = arith.constant 1 : i32
      %add3A_1381 = arith.addi %mul3A_1379, %add3A_1380 : i32
      %dma_wait3A_1382 = arith.constant 0 : i32
      %dma_wait3A_1383 = arith.constant 0 : i32
      %dma_wait3A_1384 = tpu.memref_slice %arg4[%dma_wait3A_1382, %dma_wait3A_1383] : memref<32768x128xf32, #tpu.memory_space<hbm>> -> memref<16x128xf32, #tpu.memory_space<hbm>>
      %dma_wait3A_1385 = arith.constant 0 : i32
      %dma_wait3A_1386 = arith.constant 0 : i32
      %dma_wait3A_1387 = tpu.memref_slice %arg4[%dma_wait3A_1385, %dma_wait3A_1386] : memref<32768x128xf32, #tpu.memory_space<hbm>> -> memref<16x128xf32, #tpu.memory_space<hbm>>
      tpu.wait_dma2 semaphore(%arg18 : memref<!tpu.dma_semaphore, #tpu.memory_space<semaphore_mem>>) src(%dma_wait3A_1387 : memref<16x128xf32, #tpu.memory_space<hbm>>) dst(%arg10 : memref<16x128xf32, #tpu.memory_space<vmem>>)
      %mul3A_1388 = arith.constant 16 : i32
      %mul3A_1389 = arith.muli %add3A_1381, %mul3A_1388 : i32
      %add3A_1390 = arith.addi %mul3A_2, %mul3A_1389 : i32
      %dma_start3A_1391 = arith.constant 0 : i32
      %dma_start3A_1392 = tpu.memref_slice %arg4[%add3A_1390, %dma_start3A_1391] : memref<32768x128xf32, #tpu.memory_space<hbm>> -> memref<16x128xf32, #tpu.memory_space<hbm>>
      %dma_start3A_1393 = arith.constant 0 : i32
      %dma_start3A_1394 = tpu.memref_slice %arg4[%add3A_1390, %dma_start3A_1393] : memref<32768x128xf32, #tpu.memory_space<hbm>> -> memref<16x128xf32, #tpu.memory_space<hbm>>
      tpu.enqueue_dma source(%arg10 : memref<16x128xf32, #tpu.memory_space<vmem>>) target(%dma_start3A_1394 : memref<16x128xf32, #tpu.memory_space<hbm>>) target_semaphore(%arg22 : memref<!tpu.dma_semaphore, #tpu.memory_space<semaphore_mem>>)
      %add3A_1395 = arith.constant 4 : i32
      %add3A_1396 = arith.addi %add3A_1381, %add3A_1395 : i32
      %min3A_1397 = arith.constant 63 : i32
      %min3A_1398 = arith.minsi %add3A_1396, %min3A_1397 : i32
      %mul3A_1399 = arith.constant 16 : i32
      %mul3A_1400 = arith.muli %min3A_1398, %mul3A_1399 : i32
      %add3A_1401 = arith.addi %mul3A_2, %mul3A_1400 : i32
      %dma_start3A_1402 = arith.constant 0 : i32
      %dma_start3A_1403 = tpu.memref_slice %arg3[%add3A_1401, %dma_start3A_1402] : memref<32768x128xi32, #tpu.memory_space<hbm>> -> memref<16x128xi32, #tpu.memory_space<hbm>>
      %dma_start3A_1404 = arith.constant 0 : i32
      %dma_start3A_1405 = tpu.memref_slice %arg3[%add3A_1401, %dma_start3A_1404] : memref<32768x128xi32, #tpu.memory_space<hbm>> -> memref<16x128xi32, #tpu.memory_space<hbm>>
      tpu.enqueue_dma source(%dma_start3A_1405 : memref<16x128xi32, #tpu.memory_space<hbm>>) target(%arg6 : memref<16x128xi32, #tpu.memory_space<vmem>>) target_semaphore(%arg14 : memref<!tpu.dma_semaphore, #tpu.memory_space<semaphore_mem>>)
      %add3A_1406 = arith.constant 2 : i32
      %add3A_1407 = arith.addi %add3A_1381, %add3A_1406 : i32
      %dma_wait3A_1408 = arith.constant 0 : i32
      %dma_wait3A_1409 = arith.constant 0 : i32
      %dma_wait3A_1410 = tpu.memref_slice %arg4[%dma_wait3A_1408, %dma_wait3A_1409] : memref<32768x128xf32, #tpu.memory_space<hbm>> -> memref<16x128xf32, #tpu.memory_space<hbm>>
      %dma_wait3A_1411 = arith.constant 0 : i32
      %dma_wait3A_1412 = arith.constant 0 : i32
      %dma_wait3A_1413 = tpu.memref_slice %arg4[%dma_wait3A_1411, %dma_wait3A_1412] : memref<32768x128xf32, #tpu.memory_space<hbm>> -> memref<16x128xf32, #tpu.memory_space<hbm>>
      tpu.wait_dma2 semaphore(%arg24 : memref<!tpu.dma_semaphore, #tpu.memory_space<semaphore_mem>>) src(%dma_wait3A_1413 : memref<16x128xf32, #tpu.memory_space<hbm>>) dst(%arg12 : memref<16x128xf32, #tpu.memory_space<vmem>>)
      %min3A_1414 = arith.constant 63 : i32
      %min3A_1415 = arith.minsi %add3A_1407, %min3A_1414 : i32
      %dma_wait3A_1416 = arith.constant 0 : i32
      %dma_wait3A_1417 = arith.constant 0 : i32
      %dma_wait3A_1418 = tpu.memref_slice %arg3[%dma_wait3A_1416, %dma_wait3A_1417] : memref<32768x128xi32, #tpu.memory_space<hbm>> -> memref<16x128xi32, #tpu.memory_space<hbm>>
      %dma_wait3A_1419 = arith.constant 0 : i32
      %dma_wait3A_1420 = arith.constant 0 : i32
      %dma_wait3A_1421 = tpu.memref_slice %arg3[%dma_wait3A_1419, %dma_wait3A_1420] : memref<32768x128xi32, #tpu.memory_space<hbm>> -> memref<16x128xi32, #tpu.memory_space<hbm>>
      tpu.wait_dma2 semaphore(%arg16 : memref<!tpu.dma_semaphore, #tpu.memory_space<semaphore_mem>>) src(%dma_wait3A_1421 : memref<16x128xi32, #tpu.memory_space<hbm>>) dst(%arg8 : memref<16x128xi32, #tpu.memory_space<vmem>>)
      %dma_start3A_1422 = arith.constant 0 : i32
      %dma_start3A_1423 = arith.constant 0 : i32
      %dma_start3A_1424 = arith.constant 0 : i32
      %dma_start3A_1425 = tpu.memref_slice %arg12[%dma_start3A_1423, %dma_start3A_1424] : memref<16x128xf32, #tpu.memory_space<vmem>> -> memref<1x128xf32, #tpu.memory_space<vmem>>
      %dma_start3A_1426 = tpu.memref_squeeze %dma_start3A_1425 : memref<1x128xf32, #tpu.memory_space<vmem>> -> memref<128xf32, #tpu.memory_space<vmem>>
      %dma_start3A_1427 = arith.constant 0 : i32
      %dma_start3A_1428 = tpu.memref_slice %arg8[%dma_start3A_1422, %dma_start3A_1427] : memref<16x128xi32, #tpu.memory_space<vmem>> -> memref<1x128xi32, #tpu.memory_space<vmem>>
      %dma_start3A_1429 = tpu.memref_squeeze %dma_start3A_1428 : memref<1x128xi32, #tpu.memory_space<vmem>> -> memref<128xi32, #tpu.memory_space<vmem>>
      %dma_start3A_1430 = arith.constant 0 : i32
      %dma_start3A_1431 = tpu.memref_slice %arg2[%dma_start3A_1430] : memref<1015808xf32, #tpu.memory_space<hbm>> -> memref<1015808xf32, #tpu.memory_space<hbm>>
      tpu.enqueue_indirect_dma source(%dma_start3A_1431 : memref<1015808xf32, #tpu.memory_space<hbm>>) target(%dma_start3A_1426 : memref<128xf32, #tpu.memory_space<vmem>>) offsets(%dma_start3A_1429 : memref<128xi32, #tpu.memory_space<vmem>>) semaphore(%arg20 : memref<!tpu.dma_semaphore, #tpu.memory_space<semaphore_mem>>)
      %dma_start3A_1432 = arith.constant 1 : i32
      %dma_start3A_1433 = arith.constant 1 : i32
      %dma_start3A_1434 = arith.constant 0 : i32
      %dma_start3A_1435 = tpu.memref_slice %arg12[%dma_start3A_1433, %dma_start3A_1434] : memref<16x128xf32, #tpu.memory_space<vmem>> -> memref<1x128xf32, #tpu.memory_space<vmem>>
      %dma_start3A_1436 = tpu.memref_squeeze %dma_start3A_1435 : memref<1x128xf32, #tpu.memory_space<vmem>> -> memref<128xf32, #tpu.memory_space<vmem>>
      %dma_start3A_1437 = arith.constant 0 : i32
      %dma_start3A_1438 = tpu.memref_slice %arg8[%dma_start3A_1432, %dma_start3A_1437] : memref<16x128xi32, #tpu.memory_space<vmem>> -> memref<1x128xi32, #tpu.memory_space<vmem>>
      %dma_start3A_1439 = tpu.memref_squeeze %dma_start3A_1438 : memref<1x128xi32, #tpu.memory_space<vmem>> -> memref<128xi32, #tpu.memory_space<vmem>>
      %dma_start3A_1440 = arith.constant 0 : i32
      %dma_start3A_1441 = tpu.memref_slice %arg2[%dma_start3A_1440] : memref<1015808xf32, #tpu.memory_space<hbm>> -> memref<1015808xf32, #tpu.memory_space<hbm>>
      tpu.enqueue_indirect_dma source(%dma_start3A_1441 : memref<1015808xf32, #tpu.memory_space<hbm>>) target(%dma_start3A_1436 : memref<128xf32, #tpu.memory_space<vmem>>) offsets(%dma_start3A_1439 : memref<128xi32, #tpu.memory_space<vmem>>) semaphore(%arg20 : memref<!tpu.dma_semaphore, #tpu.memory_space<semaphore_mem>>)
      %dma_start3A_1442 = arith.constant 2 : i32
      %dma_start3A_1443 = arith.constant 2 : i32
      %dma_start3A_1444 = arith.constant 0 : i32
      %dma_start3A_1445 = tpu.memref_slice %arg12[%dma_start3A_1443, %dma_start3A_1444] : memref<16x128xf32, #tpu.memory_space<vmem>> -> memref<1x128xf32, #tpu.memory_space<vmem>>
      %dma_start3A_1446 = tpu.memref_squeeze %dma_start3A_1445 : memref<1x128xf32, #tpu.memory_space<vmem>> -> memref<128xf32, #tpu.memory_space<vmem>>
      %dma_start3A_1447 = arith.constant 0 : i32
      %dma_start3A_1448 = tpu.memref_slice %arg8[%dma_start3A_1442, %dma_start3A_1447] : memref<16x128xi32, #tpu.memory_space<vmem>> -> memref<1x128xi32, #tpu.memory_space<vmem>>
      %dma_start3A_1449 = tpu.memref_squeeze %dma_start3A_1448 : memref<1x128xi32, #tpu.memory_space<vmem>> -> memref<128xi32, #tpu.memory_space<vmem>>
      %dma_start3A_1450 = arith.constant 0 : i32
      %dma_start3A_1451 = tpu.memref_slice %arg2[%dma_start3A_1450] : memref<1015808xf32, #tpu.memory_space<hbm>> -> memref<1015808xf32, #tpu.memory_space<hbm>>
      tpu.enqueue_indirect_dma source(%dma_start3A_1451 : memref<1015808xf32, #tpu.memory_space<hbm>>) target(%dma_start3A_1446 : memref<128xf32, #tpu.memory_space<vmem>>) offsets(%dma_start3A_1449 : memref<128xi32, #tpu.memory_space<vmem>>) semaphore(%arg20 : memref<!tpu.dma_semaphore, #tpu.memory_space<semaphore_mem>>)
      %dma_start3A_1452 = arith.constant 3 : i32
      %dma_start3A_1453 = arith.constant 3 : i32
      %dma_start3A_1454 = arith.constant 0 : i32
      %dma_start3A_1455 = tpu.memref_slice %arg12[%dma_start3A_1453, %dma_start3A_1454] : memref<16x128xf32, #tpu.memory_space<vmem>> -> memref<1x128xf32, #tpu.memory_space<vmem>>
      %dma_start3A_1456 = tpu.memref_squeeze %dma_start3A_1455 : memref<1x128xf32, #tpu.memory_space<vmem>> -> memref<128xf32, #tpu.memory_space<vmem>>
      %dma_start3A_1457 = arith.constant 0 : i32
      %dma_start3A_1458 = tpu.memref_slice %arg8[%dma_start3A_1452, %dma_start3A_1457] : memref<16x128xi32, #tpu.memory_space<vmem>> -> memref<1x128xi32, #tpu.memory_space<vmem>>
      %dma_start3A_1459 = tpu.memref_squeeze %dma_start3A_1458 : memref<1x128xi32, #tpu.memory_space<vmem>> -> memref<128xi32, #tpu.memory_space<vmem>>
      %dma_start3A_1460 = arith.constant 0 : i32
      %dma_start3A_1461 = tpu.memref_slice %arg2[%dma_start3A_1460] : memref<1015808xf32, #tpu.memory_space<hbm>> -> memref<1015808xf32, #tpu.memory_space<hbm>>
      tpu.enqueue_indirect_dma source(%dma_start3A_1461 : memref<1015808xf32, #tpu.memory_space<hbm>>) target(%dma_start3A_1456 : memref<128xf32, #tpu.memory_space<vmem>>) offsets(%dma_start3A_1459 : memref<128xi32, #tpu.memory_space<vmem>>) semaphore(%arg20 : memref<!tpu.dma_semaphore, #tpu.memory_space<semaphore_mem>>)
      %dma_start3A_1462 = arith.constant 4 : i32
      %dma_start3A_1463 = arith.constant 4 : i32
      %dma_start3A_1464 = arith.constant 0 : i32
      %dma_start3A_1465 = tpu.memref_slice %arg12[%dma_start3A_1463, %dma_start3A_1464] : memref<16x128xf32, #tpu.memory_space<vmem>> -> memref<1x128xf32, #tpu.memory_space<vmem>>
      %dma_start3A_1466 = tpu.memref_squeeze %dma_start3A_1465 : memref<1x128xf32, #tpu.memory_space<vmem>> -> memref<128xf32, #tpu.memory_space<vmem>>
      %dma_start3A_1467 = arith.constant 0 : i32
      %dma_start3A_1468 = tpu.memref_slice %arg8[%dma_start3A_1462, %dma_start3A_1467] : memref<16x128xi32, #tpu.memory_space<vmem>> -> memref<1x128xi32, #tpu.memory_space<vmem>>
      %dma_start3A_1469 = tpu.memref_squeeze %dma_start3A_1468 : memref<1x128xi32, #tpu.memory_space<vmem>> -> memref<128xi32, #tpu.memory_space<vmem>>
      %dma_start3A_1470 = arith.constant 0 : i32
      %dma_start3A_1471 = tpu.memref_slice %arg2[%dma_start3A_1470] : memref<1015808xf32, #tpu.memory_space<hbm>> -> memref<1015808xf32, #tpu.memory_space<hbm>>
      tpu.enqueue_indirect_dma source(%dma_start3A_1471 : memref<1015808xf32, #tpu.memory_space<hbm>>) target(%dma_start3A_1466 : memref<128xf32, #tpu.memory_space<vmem>>) offsets(%dma_start3A_1469 : memref<128xi32, #tpu.memory_space<vmem>>) semaphore(%arg20 : memref<!tpu.dma_semaphore, #tpu.memory_space<semaphore_mem>>)
      %dma_start3A_1472 = arith.constant 5 : i32
      %dma_start3A_1473 = arith.constant 5 : i32
      %dma_start3A_1474 = arith.constant 0 : i32
      %dma_start3A_1475 = tpu.memref_slice %arg12[%dma_start3A_1473, %dma_start3A_1474] : memref<16x128xf32, #tpu.memory_space<vmem>> -> memref<1x128xf32, #tpu.memory_space<vmem>>
      %dma_start3A_1476 = tpu.memref_squeeze %dma_start3A_1475 : memref<1x128xf32, #tpu.memory_space<vmem>> -> memref<128xf32, #tpu.memory_space<vmem>>
      %dma_start3A_1477 = arith.constant 0 : i32
      %dma_start3A_1478 = tpu.memref_slice %arg8[%dma_start3A_1472, %dma_start3A_1477] : memref<16x128xi32, #tpu.memory_space<vmem>> -> memref<1x128xi32, #tpu.memory_space<vmem>>
      %dma_start3A_1479 = tpu.memref_squeeze %dma_start3A_1478 : memref<1x128xi32, #tpu.memory_space<vmem>> -> memref<128xi32, #tpu.memory_space<vmem>>
      %dma_start3A_1480 = arith.constant 0 : i32
      %dma_start3A_1481 = tpu.memref_slice %arg2[%dma_start3A_1480] : memref<1015808xf32, #tpu.memory_space<hbm>> -> memref<1015808xf32, #tpu.memory_space<hbm>>
      tpu.enqueue_indirect_dma source(%dma_start3A_1481 : memref<1015808xf32, #tpu.memory_space<hbm>>) target(%dma_start3A_1476 : memref<128xf32, #tpu.memory_space<vmem>>) offsets(%dma_start3A_1479 : memref<128xi32, #tpu.memory_space<vmem>>) semaphore(%arg20 : memref<!tpu.dma_semaphore, #tpu.memory_space<semaphore_mem>>)
      %dma_start3A_1482 = arith.constant 6 : i32
      %dma_start3A_1483 = arith.constant 6 : i32
      %dma_start3A_1484 = arith.constant 0 : i32
      %dma_start3A_1485 = tpu.memref_slice %arg12[%dma_start3A_1483, %dma_start3A_1484] : memref<16x128xf32, #tpu.memory_space<vmem>> -> memref<1x128xf32, #tpu.memory_space<vmem>>
      %dma_start3A_1486 = tpu.memref_squeeze %dma_start3A_1485 : memref<1x128xf32, #tpu.memory_space<vmem>> -> memref<128xf32, #tpu.memory_space<vmem>>
      %dma_start3A_1487 = arith.constant 0 : i32
      %dma_start3A_1488 = tpu.memref_slice %arg8[%dma_start3A_1482, %dma_start3A_1487] : memref<16x128xi32, #tpu.memory_space<vmem>> -> memref<1x128xi32, #tpu.memory_space<vmem>>
      %dma_start3A_1489 = tpu.memref_squeeze %dma_start3A_1488 : memref<1x128xi32, #tpu.memory_space<vmem>> -> memref<128xi32, #tpu.memory_space<vmem>>
      %dma_start3A_1490 = arith.constant 0 : i32
      %dma_start3A_1491 = tpu.memref_slice %arg2[%dma_start3A_1490] : memref<1015808xf32, #tpu.memory_space<hbm>> -> memref<1015808xf32, #tpu.memory_space<hbm>>
      tpu.enqueue_indirect_dma source(%dma_start3A_1491 : memref<1015808xf32, #tpu.memory_space<hbm>>) target(%dma_start3A_1486 : memref<128xf32, #tpu.memory_space<vmem>>) offsets(%dma_start3A_1489 : memref<128xi32, #tpu.memory_space<vmem>>) semaphore(%arg20 : memref<!tpu.dma_semaphore, #tpu.memory_space<semaphore_mem>>)
      %dma_start3A_1492 = arith.constant 7 : i32
      %dma_start3A_1493 = arith.constant 7 : i32
      %dma_start3A_1494 = arith.constant 0 : i32
      %dma_start3A_1495 = tpu.memref_slice %arg12[%dma_start3A_1493, %dma_start3A_1494] : memref<16x128xf32, #tpu.memory_space<vmem>> -> memref<1x128xf32, #tpu.memory_space<vmem>>
      %dma_start3A_1496 = tpu.memref_squeeze %dma_start3A_1495 : memref<1x128xf32, #tpu.memory_space<vmem>> -> memref<128xf32, #tpu.memory_space<vmem>>
      %dma_start3A_1497 = arith.constant 0 : i32
      %dma_start3A_1498 = tpu.memref_slice %arg8[%dma_start3A_1492, %dma_start3A_1497] : memref<16x128xi32, #tpu.memory_space<vmem>> -> memref<1x128xi32, #tpu.memory_space<vmem>>
      %dma_start3A_1499 = tpu.memref_squeeze %dma_start3A_1498 : memref<1x128xi32, #tpu.memory_space<vmem>> -> memref<128xi32, #tpu.memory_space<vmem>>
      %dma_start3A_1500 = arith.constant 0 : i32
      %dma_start3A_1501 = tpu.memref_slice %arg2[%dma_start3A_1500] : memref<1015808xf32, #tpu.memory_space<hbm>> -> memref<1015808xf32, #tpu.memory_space<hbm>>
      tpu.enqueue_indirect_dma source(%dma_start3A_1501 : memref<1015808xf32, #tpu.memory_space<hbm>>) target(%dma_start3A_1496 : memref<128xf32, #tpu.memory_space<vmem>>) offsets(%dma_start3A_1499 : memref<128xi32, #tpu.memory_space<vmem>>) semaphore(%arg20 : memref<!tpu.dma_semaphore, #tpu.memory_space<semaphore_mem>>)
      %dma_start3A_1502 = arith.constant 8 : i32
      %dma_start3A_1503 = arith.constant 8 : i32
      %dma_start3A_1504 = arith.constant 0 : i32
      %dma_start3A_1505 = tpu.memref_slice %arg12[%dma_start3A_1503, %dma_start3A_1504] : memref<16x128xf32, #tpu.memory_space<vmem>> -> memref<1x128xf32, #tpu.memory_space<vmem>>
      %dma_start3A_1506 = tpu.memref_squeeze %dma_start3A_1505 : memref<1x128xf32, #tpu.memory_space<vmem>> -> memref<128xf32, #tpu.memory_space<vmem>>
      %dma_start3A_1507 = arith.constant 0 : i32
      %dma_start3A_1508 = tpu.memref_slice %arg8[%dma_start3A_1502, %dma_start3A_1507] : memref<16x128xi32, #tpu.memory_space<vmem>> -> memref<1x128xi32, #tpu.memory_space<vmem>>
      %dma_start3A_1509 = tpu.memref_squeeze %dma_start3A_1508 : memref<1x128xi32, #tpu.memory_space<vmem>> -> memref<128xi32, #tpu.memory_space<vmem>>
      %dma_start3A_1510 = arith.constant 0 : i32
      %dma_start3A_1511 = tpu.memref_slice %arg2[%dma_start3A_1510] : memref<1015808xf32, #tpu.memory_space<hbm>> -> memref<1015808xf32, #tpu.memory_space<hbm>>
      tpu.enqueue_indirect_dma source(%dma_start3A_1511 : memref<1015808xf32, #tpu.memory_space<hbm>>) target(%dma_start3A_1506 : memref<128xf32, #tpu.memory_space<vmem>>) offsets(%dma_start3A_1509 : memref<128xi32, #tpu.memory_space<vmem>>) semaphore(%arg20 : memref<!tpu.dma_semaphore, #tpu.memory_space<semaphore_mem>>)
      %dma_start3A_1512 = arith.constant 9 : i32
      %dma_start3A_1513 = arith.constant 9 : i32
      %dma_start3A_1514 = arith.constant 0 : i32
      %dma_start3A_1515 = tpu.memref_slice %arg12[%dma_start3A_1513, %dma_start3A_1514] : memref<16x128xf32, #tpu.memory_space<vmem>> -> memref<1x128xf32, #tpu.memory_space<vmem>>
      %dma_start3A_1516 = tpu.memref_squeeze %dma_start3A_1515 : memref<1x128xf32, #tpu.memory_space<vmem>> -> memref<128xf32, #tpu.memory_space<vmem>>
      %dma_start3A_1517 = arith.constant 0 : i32
      %dma_start3A_1518 = tpu.memref_slice %arg8[%dma_start3A_1512, %dma_start3A_1517] : memref<16x128xi32, #tpu.memory_space<vmem>> -> memref<1x128xi32, #tpu.memory_space<vmem>>
      %dma_start3A_1519 = tpu.memref_squeeze %dma_start3A_1518 : memref<1x128xi32, #tpu.memory_space<vmem>> -> memref<128xi32, #tpu.memory_space<vmem>>
      %dma_start3A_1520 = arith.constant 0 : i32
      %dma_start3A_1521 = tpu.memref_slice %arg2[%dma_start3A_1520] : memref<1015808xf32, #tpu.memory_space<hbm>> -> memref<1015808xf32, #tpu.memory_space<hbm>>
      tpu.enqueue_indirect_dma source(%dma_start3A_1521 : memref<1015808xf32, #tpu.memory_space<hbm>>) target(%dma_start3A_1516 : memref<128xf32, #tpu.memory_space<vmem>>) offsets(%dma_start3A_1519 : memref<128xi32, #tpu.memory_space<vmem>>) semaphore(%arg20 : memref<!tpu.dma_semaphore, #tpu.memory_space<semaphore_mem>>)
      %dma_start3A_1522 = arith.constant 10 : i32
      %dma_start3A_1523 = arith.constant 10 : i32
      %dma_start3A_1524 = arith.constant 0 : i32
      %dma_start3A_1525 = tpu.memref_slice %arg12[%dma_start3A_1523, %dma_start3A_1524] : memref<16x128xf32, #tpu.memory_space<vmem>> -> memref<1x128xf32, #tpu.memory_space<vmem>>
      %dma_start3A_1526 = tpu.memref_squeeze %dma_start3A_1525 : memref<1x128xf32, #tpu.memory_space<vmem>> -> memref<128xf32, #tpu.memory_space<vmem>>
      %dma_start3A_1527 = arith.constant 0 : i32
      %dma_start3A_1528 = tpu.memref_slice %arg8[%dma_start3A_1522, %dma_start3A_1527] : memref<16x128xi32, #tpu.memory_space<vmem>> -> memref<1x128xi32, #tpu.memory_space<vmem>>
      %dma_start3A_1529 = tpu.memref_squeeze %dma_start3A_1528 : memref<1x128xi32, #tpu.memory_space<vmem>> -> memref<128xi32, #tpu.memory_space<vmem>>
      %dma_start3A_1530 = arith.constant 0 : i32
      %dma_start3A_1531 = tpu.memref_slice %arg2[%dma_start3A_1530] : memref<1015808xf32, #tpu.memory_space<hbm>> -> memref<1015808xf32, #tpu.memory_space<hbm>>
      tpu.enqueue_indirect_dma source(%dma_start3A_1531 : memref<1015808xf32, #tpu.memory_space<hbm>>) target(%dma_start3A_1526 : memref<128xf32, #tpu.memory_space<vmem>>) offsets(%dma_start3A_1529 : memref<128xi32, #tpu.memory_space<vmem>>) semaphore(%arg20 : memref<!tpu.dma_semaphore, #tpu.memory_space<semaphore_mem>>)
      %dma_start3A_1532 = arith.constant 11 : i32
      %dma_start3A_1533 = arith.constant 11 : i32
      %dma_start3A_1534 = arith.constant 0 : i32
      %dma_start3A_1535 = tpu.memref_slice %arg12[%dma_start3A_1533, %dma_start3A_1534] : memref<16x128xf32, #tpu.memory_space<vmem>> -> memref<1x128xf32, #tpu.memory_space<vmem>>
      %dma_start3A_1536 = tpu.memref_squeeze %dma_start3A_1535 : memref<1x128xf32, #tpu.memory_space<vmem>> -> memref<128xf32, #tpu.memory_space<vmem>>
      %dma_start3A_1537 = arith.constant 0 : i32
      %dma_start3A_1538 = tpu.memref_slice %arg8[%dma_start3A_1532, %dma_start3A_1537] : memref<16x128xi32, #tpu.memory_space<vmem>> -> memref<1x128xi32, #tpu.memory_space<vmem>>
      %dma_start3A_1539 = tpu.memref_squeeze %dma_start3A_1538 : memref<1x128xi32, #tpu.memory_space<vmem>> -> memref<128xi32, #tpu.memory_space<vmem>>
      %dma_start3A_1540 = arith.constant 0 : i32
      %dma_start3A_1541 = tpu.memref_slice %arg2[%dma_start3A_1540] : memref<1015808xf32, #tpu.memory_space<hbm>> -> memref<1015808xf32, #tpu.memory_space<hbm>>
      tpu.enqueue_indirect_dma source(%dma_start3A_1541 : memref<1015808xf32, #tpu.memory_space<hbm>>) target(%dma_start3A_1536 : memref<128xf32, #tpu.memory_space<vmem>>) offsets(%dma_start3A_1539 : memref<128xi32, #tpu.memory_space<vmem>>) semaphore(%arg20 : memref<!tpu.dma_semaphore, #tpu.memory_space<semaphore_mem>>)
      %dma_start3A_1542 = arith.constant 12 : i32
      %dma_start3A_1543 = arith.constant 12 : i32
      %dma_start3A_1544 = arith.constant 0 : i32
      %dma_start3A_1545 = tpu.memref_slice %arg12[%dma_start3A_1543, %dma_start3A_1544] : memref<16x128xf32, #tpu.memory_space<vmem>> -> memref<1x128xf32, #tpu.memory_space<vmem>>
      %dma_start3A_1546 = tpu.memref_squeeze %dma_start3A_1545 : memref<1x128xf32, #tpu.memory_space<vmem>> -> memref<128xf32, #tpu.memory_space<vmem>>
      %dma_start3A_1547 = arith.constant 0 : i32
      %dma_start3A_1548 = tpu.memref_slice %arg8[%dma_start3A_1542, %dma_start3A_1547] : memref<16x128xi32, #tpu.memory_space<vmem>> -> memref<1x128xi32, #tpu.memory_space<vmem>>
      %dma_start3A_1549 = tpu.memref_squeeze %dma_start3A_1548 : memref<1x128xi32, #tpu.memory_space<vmem>> -> memref<128xi32, #tpu.memory_space<vmem>>
      %dma_start3A_1550 = arith.constant 0 : i32
      %dma_start3A_1551 = tpu.memref_slice %arg2[%dma_start3A_1550] : memref<1015808xf32, #tpu.memory_space<hbm>> -> memref<1015808xf32, #tpu.memory_space<hbm>>
      tpu.enqueue_indirect_dma source(%dma_start3A_1551 : memref<1015808xf32, #tpu.memory_space<hbm>>) target(%dma_start3A_1546 : memref<128xf32, #tpu.memory_space<vmem>>) offsets(%dma_start3A_1549 : memref<128xi32, #tpu.memory_space<vmem>>) semaphore(%arg20 : memref<!tpu.dma_semaphore, #tpu.memory_space<semaphore_mem>>)
      %dma_start3A_1552 = arith.constant 13 : i32
      %dma_start3A_1553 = arith.constant 13 : i32
      %dma_start3A_1554 = arith.constant 0 : i32
      %dma_start3A_1555 = tpu.memref_slice %arg12[%dma_start3A_1553, %dma_start3A_1554] : memref<16x128xf32, #tpu.memory_space<vmem>> -> memref<1x128xf32, #tpu.memory_space<vmem>>
      %dma_start3A_1556 = tpu.memref_squeeze %dma_start3A_1555 : memref<1x128xf32, #tpu.memory_space<vmem>> -> memref<128xf32, #tpu.memory_space<vmem>>
      %dma_start3A_1557 = arith.constant 0 : i32
      %dma_start3A_1558 = tpu.memref_slice %arg8[%dma_start3A_1552, %dma_start3A_1557] : memref<16x128xi32, #tpu.memory_space<vmem>> -> memref<1x128xi32, #tpu.memory_space<vmem>>
      %dma_start3A_1559 = tpu.memref_squeeze %dma_start3A_1558 : memref<1x128xi32, #tpu.memory_space<vmem>> -> memref<128xi32, #tpu.memory_space<vmem>>
      %dma_start3A_1560 = arith.constant 0 : i32
      %dma_start3A_1561 = tpu.memref_slice %arg2[%dma_start3A_1560] : memref<1015808xf32, #tpu.memory_space<hbm>> -> memref<1015808xf32, #tpu.memory_space<hbm>>
      tpu.enqueue_indirect_dma source(%dma_start3A_1561 : memref<1015808xf32, #tpu.memory_space<hbm>>) target(%dma_start3A_1556 : memref<128xf32, #tpu.memory_space<vmem>>) offsets(%dma_start3A_1559 : memref<128xi32, #tpu.memory_space<vmem>>) semaphore(%arg20 : memref<!tpu.dma_semaphore, #tpu.memory_space<semaphore_mem>>)
      %dma_start3A_1562 = arith.constant 14 : i32
      %dma_start3A_1563 = arith.constant 14 : i32
      %dma_start3A_1564 = arith.constant 0 : i32
      %dma_start3A_1565 = tpu.memref_slice %arg12[%dma_start3A_1563, %dma_start3A_1564] : memref<16x128xf32, #tpu.memory_space<vmem>> -> memref<1x128xf32, #tpu.memory_space<vmem>>
      %dma_start3A_1566 = tpu.memref_squeeze %dma_start3A_1565 : memref<1x128xf32, #tpu.memory_space<vmem>> -> memref<128xf32, #tpu.memory_space<vmem>>
      %dma_start3A_1567 = arith.constant 0 : i32
      %dma_start3A_1568 = tpu.memref_slice %arg8[%dma_start3A_1562, %dma_start3A_1567] : memref<16x128xi32, #tpu.memory_space<vmem>> -> memref<1x128xi32, #tpu.memory_space<vmem>>
      %dma_start3A_1569 = tpu.memref_squeeze %dma_start3A_1568 : memref<1x128xi32, #tpu.memory_space<vmem>> -> memref<128xi32, #tpu.memory_space<vmem>>
      %dma_start3A_1570 = arith.constant 0 : i32
      %dma_start3A_1571 = tpu.memref_slice %arg2[%dma_start3A_1570] : memref<1015808xf32, #tpu.memory_space<hbm>> -> memref<1015808xf32, #tpu.memory_space<hbm>>
      tpu.enqueue_indirect_dma source(%dma_start3A_1571 : memref<1015808xf32, #tpu.memory_space<hbm>>) target(%dma_start3A_1566 : memref<128xf32, #tpu.memory_space<vmem>>) offsets(%dma_start3A_1569 : memref<128xi32, #tpu.memory_space<vmem>>) semaphore(%arg20 : memref<!tpu.dma_semaphore, #tpu.memory_space<semaphore_mem>>)
      %dma_start3A_1572 = arith.constant 15 : i32
      %dma_start3A_1573 = arith.constant 15 : i32
      %dma_start3A_1574 = arith.constant 0 : i32
      %dma_start3A_1575 = tpu.memref_slice %arg12[%dma_start3A_1573, %dma_start3A_1574] : memref<16x128xf32, #tpu.memory_space<vmem>> -> memref<1x128xf32, #tpu.memory_space<vmem>>
      %dma_start3A_1576 = tpu.memref_squeeze %dma_start3A_1575 : memref<1x128xf32, #tpu.memory_space<vmem>> -> memref<128xf32, #tpu.memory_space<vmem>>
      %dma_start3A_1577 = arith.constant 0 : i32
      %dma_start3A_1578 = tpu.memref_slice %arg8[%dma_start3A_1572, %dma_start3A_1577] : memref<16x128xi32, #tpu.memory_space<vmem>> -> memref<1x128xi32, #tpu.memory_space<vmem>>
      %dma_start3A_1579 = tpu.memref_squeeze %dma_start3A_1578 : memref<1x128xi32, #tpu.memory_space<vmem>> -> memref<128xi32, #tpu.memory_space<vmem>>
      %dma_start3A_1580 = arith.constant 0 : i32
      %dma_start3A_1581 = tpu.memref_slice %arg2[%dma_start3A_1580] : memref<1015808xf32, #tpu.memory_space<hbm>> -> memref<1015808xf32, #tpu.memory_space<hbm>>
      tpu.enqueue_indirect_dma source(%dma_start3A_1581 : memref<1015808xf32, #tpu.memory_space<hbm>>) target(%dma_start3A_1576 : memref<128xf32, #tpu.memory_space<vmem>>) offsets(%dma_start3A_1579 : memref<128xi32, #tpu.memory_space<vmem>>) semaphore(%arg20 : memref<!tpu.dma_semaphore, #tpu.memory_space<semaphore_mem>>)
      %mul3A_1582 = arith.constant 4 : i32
      %mul3A_1583 = arith.muli %scan3A_1173, %mul3A_1582 : i32
      %add3A_1584 = arith.constant 2 : i32
      %add3A_1585 = arith.addi %mul3A_1583, %add3A_1584 : i32
      %dma_wait3A_1586 = arith.constant 0 : i32
      %dma_wait3A_1587 = arith.constant 0 : i32
      %dma_wait3A_1588 = tpu.memref_slice %arg4[%dma_wait3A_1586, %dma_wait3A_1587] : memref<32768x128xf32, #tpu.memory_space<hbm>> -> memref<16x128xf32, #tpu.memory_space<hbm>>
      %dma_wait3A_1589 = arith.constant 0 : i32
      %dma_wait3A_1590 = arith.constant 0 : i32
      %dma_wait3A_1591 = tpu.memref_slice %arg4[%dma_wait3A_1589, %dma_wait3A_1590] : memref<32768x128xf32, #tpu.memory_space<hbm>> -> memref<16x128xf32, #tpu.memory_space<hbm>>
      tpu.wait_dma2 semaphore(%arg19 : memref<!tpu.dma_semaphore, #tpu.memory_space<semaphore_mem>>) src(%dma_wait3A_1591 : memref<16x128xf32, #tpu.memory_space<hbm>>) dst(%arg11 : memref<16x128xf32, #tpu.memory_space<vmem>>)
      %mul3A_1592 = arith.constant 16 : i32
      %mul3A_1593 = arith.muli %add3A_1585, %mul3A_1592 : i32
      %add3A_1594 = arith.addi %mul3A_2, %mul3A_1593 : i32
      %dma_start3A_1595 = arith.constant 0 : i32
      %dma_start3A_1596 = tpu.memref_slice %arg4[%add3A_1594, %dma_start3A_1595] : memref<32768x128xf32, #tpu.memory_space<hbm>> -> memref<16x128xf32, #tpu.memory_space<hbm>>
      %dma_start3A_1597 = arith.constant 0 : i32
      %dma_start3A_1598 = tpu.memref_slice %arg4[%add3A_1594, %dma_start3A_1597] : memref<32768x128xf32, #tpu.memory_space<hbm>> -> memref<16x128xf32, #tpu.memory_space<hbm>>
      tpu.enqueue_dma source(%arg11 : memref<16x128xf32, #tpu.memory_space<vmem>>) target(%dma_start3A_1598 : memref<16x128xf32, #tpu.memory_space<hbm>>) target_semaphore(%arg23 : memref<!tpu.dma_semaphore, #tpu.memory_space<semaphore_mem>>)
      %add3A_1599 = arith.constant 4 : i32
      %add3A_1600 = arith.addi %add3A_1585, %add3A_1599 : i32
      %min3A_1601 = arith.constant 63 : i32
      %min3A_1602 = arith.minsi %add3A_1600, %min3A_1601 : i32
      %mul3A_1603 = arith.constant 16 : i32
      %mul3A_1604 = arith.muli %min3A_1602, %mul3A_1603 : i32
      %add3A_1605 = arith.addi %mul3A_2, %mul3A_1604 : i32
      %dma_start3A_1606 = arith.constant 0 : i32
      %dma_start3A_1607 = tpu.memref_slice %arg3[%add3A_1605, %dma_start3A_1606] : memref<32768x128xi32, #tpu.memory_space<hbm>> -> memref<16x128xi32, #tpu.memory_space<hbm>>
      %dma_start3A_1608 = arith.constant 0 : i32
      %dma_start3A_1609 = tpu.memref_slice %arg3[%add3A_1605, %dma_start3A_1608] : memref<32768x128xi32, #tpu.memory_space<hbm>> -> memref<16x128xi32, #tpu.memory_space<hbm>>
      tpu.enqueue_dma source(%dma_start3A_1609 : memref<16x128xi32, #tpu.memory_space<hbm>>) target(%arg7 : memref<16x128xi32, #tpu.memory_space<vmem>>) target_semaphore(%arg15 : memref<!tpu.dma_semaphore, #tpu.memory_space<semaphore_mem>>)
      %add3A_1610 = arith.constant 2 : i32
      %add3A_1611 = arith.addi %add3A_1585, %add3A_1610 : i32
      %dma_wait3A_1612 = arith.constant 0 : i32
      %dma_wait3A_1613 = arith.constant 0 : i32
      %dma_wait3A_1614 = tpu.memref_slice %arg4[%dma_wait3A_1612, %dma_wait3A_1613] : memref<32768x128xf32, #tpu.memory_space<hbm>> -> memref<16x128xf32, #tpu.memory_space<hbm>>
      %dma_wait3A_1615 = arith.constant 0 : i32
      %dma_wait3A_1616 = arith.constant 0 : i32
      %dma_wait3A_1617 = tpu.memref_slice %arg4[%dma_wait3A_1615, %dma_wait3A_1616] : memref<32768x128xf32, #tpu.memory_space<hbm>> -> memref<16x128xf32, #tpu.memory_space<hbm>>
      tpu.wait_dma2 semaphore(%arg21 : memref<!tpu.dma_semaphore, #tpu.memory_space<semaphore_mem>>) src(%dma_wait3A_1617 : memref<16x128xf32, #tpu.memory_space<hbm>>) dst(%arg9 : memref<16x128xf32, #tpu.memory_space<vmem>>)
      %min3A_1618 = arith.constant 63 : i32
      %min3A_1619 = arith.minsi %add3A_1611, %min3A_1618 : i32
      %dma_wait3A_1620 = arith.constant 0 : i32
      %dma_wait3A_1621 = arith.constant 0 : i32
      %dma_wait3A_1622 = tpu.memref_slice %arg3[%dma_wait3A_1620, %dma_wait3A_1621] : memref<32768x128xi32, #tpu.memory_space<hbm>> -> memref<16x128xi32, #tpu.memory_space<hbm>>
      %dma_wait3A_1623 = arith.constant 0 : i32
      %dma_wait3A_1624 = arith.constant 0 : i32
      %dma_wait3A_1625 = tpu.memref_slice %arg3[%dma_wait3A_1623, %dma_wait3A_1624] : memref<32768x128xi32, #tpu.memory_space<hbm>> -> memref<16x128xi32, #tpu.memory_space<hbm>>
      tpu.wait_dma2 semaphore(%arg13 : memref<!tpu.dma_semaphore, #tpu.memory_space<semaphore_mem>>) src(%dma_wait3A_1625 : memref<16x128xi32, #tpu.memory_space<hbm>>) dst(%arg5 : memref<16x128xi32, #tpu.memory_space<vmem>>)
      %dma_start3A_1626 = arith.constant 0 : i32
      %dma_start3A_1627 = arith.constant 0 : i32
      %dma_start3A_1628 = arith.constant 0 : i32
      %dma_start3A_1629 = tpu.memref_slice %arg9[%dma_start3A_1627, %dma_start3A_1628] : memref<16x128xf32, #tpu.memory_space<vmem>> -> memref<1x128xf32, #tpu.memory_space<vmem>>
      %dma_start3A_1630 = tpu.memref_squeeze %dma_start3A_1629 : memref<1x128xf32, #tpu.memory_space<vmem>> -> memref<128xf32, #tpu.memory_space<vmem>>
      %dma_start3A_1631 = arith.constant 0 : i32
      %dma_start3A_1632 = tpu.memref_slice %arg5[%dma_start3A_1626, %dma_start3A_1631] : memref<16x128xi32, #tpu.memory_space<vmem>> -> memref<1x128xi32, #tpu.memory_space<vmem>>
      %dma_start3A_1633 = tpu.memref_squeeze %dma_start3A_1632 : memref<1x128xi32, #tpu.memory_space<vmem>> -> memref<128xi32, #tpu.memory_space<vmem>>
      %dma_start3A_1634 = arith.constant 0 : i32
      %dma_start3A_1635 = tpu.memref_slice %arg2[%dma_start3A_1634] : memref<1015808xf32, #tpu.memory_space<hbm>> -> memref<1015808xf32, #tpu.memory_space<hbm>>
      tpu.enqueue_indirect_dma source(%dma_start3A_1635 : memref<1015808xf32, #tpu.memory_space<hbm>>) target(%dma_start3A_1630 : memref<128xf32, #tpu.memory_space<vmem>>) offsets(%dma_start3A_1633 : memref<128xi32, #tpu.memory_space<vmem>>) semaphore(%arg17 : memref<!tpu.dma_semaphore, #tpu.memory_space<semaphore_mem>>)
      %dma_start3A_1636 = arith.constant 1 : i32
      %dma_start3A_1637 = arith.constant 1 : i32
      %dma_start3A_1638 = arith.constant 0 : i32
      %dma_start3A_1639 = tpu.memref_slice %arg9[%dma_start3A_1637, %dma_start3A_1638] : memref<16x128xf32, #tpu.memory_space<vmem>> -> memref<1x128xf32, #tpu.memory_space<vmem>>
      %dma_start3A_1640 = tpu.memref_squeeze %dma_start3A_1639 : memref<1x128xf32, #tpu.memory_space<vmem>> -> memref<128xf32, #tpu.memory_space<vmem>>
      %dma_start3A_1641 = arith.constant 0 : i32
      %dma_start3A_1642 = tpu.memref_slice %arg5[%dma_start3A_1636, %dma_start3A_1641] : memref<16x128xi32, #tpu.memory_space<vmem>> -> memref<1x128xi32, #tpu.memory_space<vmem>>
      %dma_start3A_1643 = tpu.memref_squeeze %dma_start3A_1642 : memref<1x128xi32, #tpu.memory_space<vmem>> -> memref<128xi32, #tpu.memory_space<vmem>>
      %dma_start3A_1644 = arith.constant 0 : i32
      %dma_start3A_1645 = tpu.memref_slice %arg2[%dma_start3A_1644] : memref<1015808xf32, #tpu.memory_space<hbm>> -> memref<1015808xf32, #tpu.memory_space<hbm>>
      tpu.enqueue_indirect_dma source(%dma_start3A_1645 : memref<1015808xf32, #tpu.memory_space<hbm>>) target(%dma_start3A_1640 : memref<128xf32, #tpu.memory_space<vmem>>) offsets(%dma_start3A_1643 : memref<128xi32, #tpu.memory_space<vmem>>) semaphore(%arg17 : memref<!tpu.dma_semaphore, #tpu.memory_space<semaphore_mem>>)
      %dma_start3A_1646 = arith.constant 2 : i32
      %dma_start3A_1647 = arith.constant 2 : i32
      %dma_start3A_1648 = arith.constant 0 : i32
      %dma_start3A_1649 = tpu.memref_slice %arg9[%dma_start3A_1647, %dma_start3A_1648] : memref<16x128xf32, #tpu.memory_space<vmem>> -> memref<1x128xf32, #tpu.memory_space<vmem>>
      %dma_start3A_1650 = tpu.memref_squeeze %dma_start3A_1649 : memref<1x128xf32, #tpu.memory_space<vmem>> -> memref<128xf32, #tpu.memory_space<vmem>>
      %dma_start3A_1651 = arith.constant 0 : i32
      %dma_start3A_1652 = tpu.memref_slice %arg5[%dma_start3A_1646, %dma_start3A_1651] : memref<16x128xi32, #tpu.memory_space<vmem>> -> memref<1x128xi32, #tpu.memory_space<vmem>>
      %dma_start3A_1653 = tpu.memref_squeeze %dma_start3A_1652 : memref<1x128xi32, #tpu.memory_space<vmem>> -> memref<128xi32, #tpu.memory_space<vmem>>
      %dma_start3A_1654 = arith.constant 0 : i32
      %dma_start3A_1655 = tpu.memref_slice %arg2[%dma_start3A_1654] : memref<1015808xf32, #tpu.memory_space<hbm>> -> memref<1015808xf32, #tpu.memory_space<hbm>>
      tpu.enqueue_indirect_dma source(%dma_start3A_1655 : memref<1015808xf32, #tpu.memory_space<hbm>>) target(%dma_start3A_1650 : memref<128xf32, #tpu.memory_space<vmem>>) offsets(%dma_start3A_1653 : memref<128xi32, #tpu.memory_space<vmem>>) semaphore(%arg17 : memref<!tpu.dma_semaphore, #tpu.memory_space<semaphore_mem>>)
      %dma_start3A_1656 = arith.constant 3 : i32
      %dma_start3A_1657 = arith.constant 3 : i32
      %dma_start3A_1658 = arith.constant 0 : i32
      %dma_start3A_1659 = tpu.memref_slice %arg9[%dma_start3A_1657, %dma_start3A_1658] : memref<16x128xf32, #tpu.memory_space<vmem>> -> memref<1x128xf32, #tpu.memory_space<vmem>>
      %dma_start3A_1660 = tpu.memref_squeeze %dma_start3A_1659 : memref<1x128xf32, #tpu.memory_space<vmem>> -> memref<128xf32, #tpu.memory_space<vmem>>
      %dma_start3A_1661 = arith.constant 0 : i32
      %dma_start3A_1662 = tpu.memref_slice %arg5[%dma_start3A_1656, %dma_start3A_1661] : memref<16x128xi32, #tpu.memory_space<vmem>> -> memref<1x128xi32, #tpu.memory_space<vmem>>
      %dma_start3A_1663 = tpu.memref_squeeze %dma_start3A_1662 : memref<1x128xi32, #tpu.memory_space<vmem>> -> memref<128xi32, #tpu.memory_space<vmem>>
      %dma_start3A_1664 = arith.constant 0 : i32
      %dma_start3A_1665 = tpu.memref_slice %arg2[%dma_start3A_1664] : memref<1015808xf32, #tpu.memory_space<hbm>> -> memref<1015808xf32, #tpu.memory_space<hbm>>
      tpu.enqueue_indirect_dma source(%dma_start3A_1665 : memref<1015808xf32, #tpu.memory_space<hbm>>) target(%dma_start3A_1660 : memref<128xf32, #tpu.memory_space<vmem>>) offsets(%dma_start3A_1663 : memref<128xi32, #tpu.memory_space<vmem>>) semaphore(%arg17 : memref<!tpu.dma_semaphore, #tpu.memory_space<semaphore_mem>>)
      %dma_start3A_1666 = arith.constant 4 : i32
      %dma_start3A_1667 = arith.constant 4 : i32
      %dma_start3A_1668 = arith.constant 0 : i32
      %dma_start3A_1669 = tpu.memref_slice %arg9[%dma_start3A_1667, %dma_start3A_1668] : memref<16x128xf32, #tpu.memory_space<vmem>> -> memref<1x128xf32, #tpu.memory_space<vmem>>
      %dma_start3A_1670 = tpu.memref_squeeze %dma_start3A_1669 : memref<1x128xf32, #tpu.memory_space<vmem>> -> memref<128xf32, #tpu.memory_space<vmem>>
      %dma_start3A_1671 = arith.constant 0 : i32
      %dma_start3A_1672 = tpu.memref_slice %arg5[%dma_start3A_1666, %dma_start3A_1671] : memref<16x128xi32, #tpu.memory_space<vmem>> -> memref<1x128xi32, #tpu.memory_space<vmem>>
      %dma_start3A_1673 = tpu.memref_squeeze %dma_start3A_1672 : memref<1x128xi32, #tpu.memory_space<vmem>> -> memref<128xi32, #tpu.memory_space<vmem>>
      %dma_start3A_1674 = arith.constant 0 : i32
      %dma_start3A_1675 = tpu.memref_slice %arg2[%dma_start3A_1674] : memref<1015808xf32, #tpu.memory_space<hbm>> -> memref<1015808xf32, #tpu.memory_space<hbm>>
      tpu.enqueue_indirect_dma source(%dma_start3A_1675 : memref<1015808xf32, #tpu.memory_space<hbm>>) target(%dma_start3A_1670 : memref<128xf32, #tpu.memory_space<vmem>>) offsets(%dma_start3A_1673 : memref<128xi32, #tpu.memory_space<vmem>>) semaphore(%arg17 : memref<!tpu.dma_semaphore, #tpu.memory_space<semaphore_mem>>)
      %dma_start3A_1676 = arith.constant 5 : i32
      %dma_start3A_1677 = arith.constant 5 : i32
      %dma_start3A_1678 = arith.constant 0 : i32
      %dma_start3A_1679 = tpu.memref_slice %arg9[%dma_start3A_1677, %dma_start3A_1678] : memref<16x128xf32, #tpu.memory_space<vmem>> -> memref<1x128xf32, #tpu.memory_space<vmem>>
      %dma_start3A_1680 = tpu.memref_squeeze %dma_start3A_1679 : memref<1x128xf32, #tpu.memory_space<vmem>> -> memref<128xf32, #tpu.memory_space<vmem>>
      %dma_start3A_1681 = arith.constant 0 : i32
      %dma_start3A_1682 = tpu.memref_slice %arg5[%dma_start3A_1676, %dma_start3A_1681] : memref<16x128xi32, #tpu.memory_space<vmem>> -> memref<1x128xi32, #tpu.memory_space<vmem>>
      %dma_start3A_1683 = tpu.memref_squeeze %dma_start3A_1682 : memref<1x128xi32, #tpu.memory_space<vmem>> -> memref<128xi32, #tpu.memory_space<vmem>>
      %dma_start3A_1684 = arith.constant 0 : i32
      %dma_start3A_1685 = tpu.memref_slice %arg2[%dma_start3A_1684] : memref<1015808xf32, #tpu.memory_space<hbm>> -> memref<1015808xf32, #tpu.memory_space<hbm>>
      tpu.enqueue_indirect_dma source(%dma_start3A_1685 : memref<1015808xf32, #tpu.memory_space<hbm>>) target(%dma_start3A_1680 : memref<128xf32, #tpu.memory_space<vmem>>) offsets(%dma_start3A_1683 : memref<128xi32, #tpu.memory_space<vmem>>) semaphore(%arg17 : memref<!tpu.dma_semaphore, #tpu.memory_space<semaphore_mem>>)
      %dma_start3A_1686 = arith.constant 6 : i32
      %dma_start3A_1687 = arith.constant 6 : i32
      %dma_start3A_1688 = arith.constant 0 : i32
      %dma_start3A_1689 = tpu.memref_slice %arg9[%dma_start3A_1687, %dma_start3A_1688] : memref<16x128xf32, #tpu.memory_space<vmem>> -> memref<1x128xf32, #tpu.memory_space<vmem>>
      %dma_start3A_1690 = tpu.memref_squeeze %dma_start3A_1689 : memref<1x128xf32, #tpu.memory_space<vmem>> -> memref<128xf32, #tpu.memory_space<vmem>>
      %dma_start3A_1691 = arith.constant 0 : i32
      %dma_start3A_1692 = tpu.memref_slice %arg5[%dma_start3A_1686, %dma_start3A_1691] : memref<16x128xi32, #tpu.memory_space<vmem>> -> memref<1x128xi32, #tpu.memory_space<vmem>>
      %dma_start3A_1693 = tpu.memref_squeeze %dma_start3A_1692 : memref<1x128xi32, #tpu.memory_space<vmem>> -> memref<128xi32, #tpu.memory_space<vmem>>
      %dma_start3A_1694 = arith.constant 0 : i32
      %dma_start3A_1695 = tpu.memref_slice %arg2[%dma_start3A_1694] : memref<1015808xf32, #tpu.memory_space<hbm>> -> memref<1015808xf32, #tpu.memory_space<hbm>>
      tpu.enqueue_indirect_dma source(%dma_start3A_1695 : memref<1015808xf32, #tpu.memory_space<hbm>>) target(%dma_start3A_1690 : memref<128xf32, #tpu.memory_space<vmem>>) offsets(%dma_start3A_1693 : memref<128xi32, #tpu.memory_space<vmem>>) semaphore(%arg17 : memref<!tpu.dma_semaphore, #tpu.memory_space<semaphore_mem>>)
      %dma_start3A_1696 = arith.constant 7 : i32
      %dma_start3A_1697 = arith.constant 7 : i32
      %dma_start3A_1698 = arith.constant 0 : i32
      %dma_start3A_1699 = tpu.memref_slice %arg9[%dma_start3A_1697, %dma_start3A_1698] : memref<16x128xf32, #tpu.memory_space<vmem>> -> memref<1x128xf32, #tpu.memory_space<vmem>>
      %dma_start3A_1700 = tpu.memref_squeeze %dma_start3A_1699 : memref<1x128xf32, #tpu.memory_space<vmem>> -> memref<128xf32, #tpu.memory_space<vmem>>
      %dma_start3A_1701 = arith.constant 0 : i32
      %dma_start3A_1702 = tpu.memref_slice %arg5[%dma_start3A_1696, %dma_start3A_1701] : memref<16x128xi32, #tpu.memory_space<vmem>> -> memref<1x128xi32, #tpu.memory_space<vmem>>
      %dma_start3A_1703 = tpu.memref_squeeze %dma_start3A_1702 : memref<1x128xi32, #tpu.memory_space<vmem>> -> memref<128xi32, #tpu.memory_space<vmem>>
      %dma_start3A_1704 = arith.constant 0 : i32
      %dma_start3A_1705 = tpu.memref_slice %arg2[%dma_start3A_1704] : memref<1015808xf32, #tpu.memory_space<hbm>> -> memref<1015808xf32, #tpu.memory_space<hbm>>
      tpu.enqueue_indirect_dma source(%dma_start3A_1705 : memref<1015808xf32, #tpu.memory_space<hbm>>) target(%dma_start3A_1700 : memref<128xf32, #tpu.memory_space<vmem>>) offsets(%dma_start3A_1703 : memref<128xi32, #tpu.memory_space<vmem>>) semaphore(%arg17 : memref<!tpu.dma_semaphore, #tpu.memory_space<semaphore_mem>>)
      %dma_start3A_1706 = arith.constant 8 : i32
      %dma_start3A_1707 = arith.constant 8 : i32
      %dma_start3A_1708 = arith.constant 0 : i32
      %dma_start3A_1709 = tpu.memref_slice %arg9[%dma_start3A_1707, %dma_start3A_1708] : memref<16x128xf32, #tpu.memory_space<vmem>> -> memref<1x128xf32, #tpu.memory_space<vmem>>
      %dma_start3A_1710 = tpu.memref_squeeze %dma_start3A_1709 : memref<1x128xf32, #tpu.memory_space<vmem>> -> memref<128xf32, #tpu.memory_space<vmem>>
      %dma_start3A_1711 = arith.constant 0 : i32
      %dma_start3A_1712 = tpu.memref_slice %arg5[%dma_start3A_1706, %dma_start3A_1711] : memref<16x128xi32, #tpu.memory_space<vmem>> -> memref<1x128xi32, #tpu.memory_space<vmem>>
      %dma_start3A_1713 = tpu.memref_squeeze %dma_start3A_1712 : memref<1x128xi32, #tpu.memory_space<vmem>> -> memref<128xi32, #tpu.memory_space<vmem>>
      %dma_start3A_1714 = arith.constant 0 : i32
      %dma_start3A_1715 = tpu.memref_slice %arg2[%dma_start3A_1714] : memref<1015808xf32, #tpu.memory_space<hbm>> -> memref<1015808xf32, #tpu.memory_space<hbm>>
      tpu.enqueue_indirect_dma source(%dma_start3A_1715 : memref<1015808xf32, #tpu.memory_space<hbm>>) target(%dma_start3A_1710 : memref<128xf32, #tpu.memory_space<vmem>>) offsets(%dma_start3A_1713 : memref<128xi32, #tpu.memory_space<vmem>>) semaphore(%arg17 : memref<!tpu.dma_semaphore, #tpu.memory_space<semaphore_mem>>)
      %dma_start3A_1716 = arith.constant 9 : i32
      %dma_start3A_1717 = arith.constant 9 : i32
      %dma_start3A_1718 = arith.constant 0 : i32
      %dma_start3A_1719 = tpu.memref_slice %arg9[%dma_start3A_1717, %dma_start3A_1718] : memref<16x128xf32, #tpu.memory_space<vmem>> -> memref<1x128xf32, #tpu.memory_space<vmem>>
      %dma_start3A_1720 = tpu.memref_squeeze %dma_start3A_1719 : memref<1x128xf32, #tpu.memory_space<vmem>> -> memref<128xf32, #tpu.memory_space<vmem>>
      %dma_start3A_1721 = arith.constant 0 : i32
      %dma_start3A_1722 = tpu.memref_slice %arg5[%dma_start3A_1716, %dma_start3A_1721] : memref<16x128xi32, #tpu.memory_space<vmem>> -> memref<1x128xi32, #tpu.memory_space<vmem>>
      %dma_start3A_1723 = tpu.memref_squeeze %dma_start3A_1722 : memref<1x128xi32, #tpu.memory_space<vmem>> -> memref<128xi32, #tpu.memory_space<vmem>>
      %dma_start3A_1724 = arith.constant 0 : i32
      %dma_start3A_1725 = tpu.memref_slice %arg2[%dma_start3A_1724] : memref<1015808xf32, #tpu.memory_space<hbm>> -> memref<1015808xf32, #tpu.memory_space<hbm>>
      tpu.enqueue_indirect_dma source(%dma_start3A_1725 : memref<1015808xf32, #tpu.memory_space<hbm>>) target(%dma_start3A_1720 : memref<128xf32, #tpu.memory_space<vmem>>) offsets(%dma_start3A_1723 : memref<128xi32, #tpu.memory_space<vmem>>) semaphore(%arg17 : memref<!tpu.dma_semaphore, #tpu.memory_space<semaphore_mem>>)
      %dma_start3A_1726 = arith.constant 10 : i32
      %dma_start3A_1727 = arith.constant 10 : i32
      %dma_start3A_1728 = arith.constant 0 : i32
      %dma_start3A_1729 = tpu.memref_slice %arg9[%dma_start3A_1727, %dma_start3A_1728] : memref<16x128xf32, #tpu.memory_space<vmem>> -> memref<1x128xf32, #tpu.memory_space<vmem>>
      %dma_start3A_1730 = tpu.memref_squeeze %dma_start3A_1729 : memref<1x128xf32, #tpu.memory_space<vmem>> -> memref<128xf32, #tpu.memory_space<vmem>>
      %dma_start3A_1731 = arith.constant 0 : i32
      %dma_start3A_1732 = tpu.memref_slice %arg5[%dma_start3A_1726, %dma_start3A_1731] : memref<16x128xi32, #tpu.memory_space<vmem>> -> memref<1x128xi32, #tpu.memory_space<vmem>>
      %dma_start3A_1733 = tpu.memref_squeeze %dma_start3A_1732 : memref<1x128xi32, #tpu.memory_space<vmem>> -> memref<128xi32, #tpu.memory_space<vmem>>
      %dma_start3A_1734 = arith.constant 0 : i32
      %dma_start3A_1735 = tpu.memref_slice %arg2[%dma_start3A_1734] : memref<1015808xf32, #tpu.memory_space<hbm>> -> memref<1015808xf32, #tpu.memory_space<hbm>>
      tpu.enqueue_indirect_dma source(%dma_start3A_1735 : memref<1015808xf32, #tpu.memory_space<hbm>>) target(%dma_start3A_1730 : memref<128xf32, #tpu.memory_space<vmem>>) offsets(%dma_start3A_1733 : memref<128xi32, #tpu.memory_space<vmem>>) semaphore(%arg17 : memref<!tpu.dma_semaphore, #tpu.memory_space<semaphore_mem>>)
      %dma_start3A_1736 = arith.constant 11 : i32
      %dma_start3A_1737 = arith.constant 11 : i32
      %dma_start3A_1738 = arith.constant 0 : i32
      %dma_start3A_1739 = tpu.memref_slice %arg9[%dma_start3A_1737, %dma_start3A_1738] : memref<16x128xf32, #tpu.memory_space<vmem>> -> memref<1x128xf32, #tpu.memory_space<vmem>>
      %dma_start3A_1740 = tpu.memref_squeeze %dma_start3A_1739 : memref<1x128xf32, #tpu.memory_space<vmem>> -> memref<128xf32, #tpu.memory_space<vmem>>
      %dma_start3A_1741 = arith.constant 0 : i32
      %dma_start3A_1742 = tpu.memref_slice %arg5[%dma_start3A_1736, %dma_start3A_1741] : memref<16x128xi32, #tpu.memory_space<vmem>> -> memref<1x128xi32, #tpu.memory_space<vmem>>
      %dma_start3A_1743 = tpu.memref_squeeze %dma_start3A_1742 : memref<1x128xi32, #tpu.memory_space<vmem>> -> memref<128xi32, #tpu.memory_space<vmem>>
      %dma_start3A_1744 = arith.constant 0 : i32
      %dma_start3A_1745 = tpu.memref_slice %arg2[%dma_start3A_1744] : memref<1015808xf32, #tpu.memory_space<hbm>> -> memref<1015808xf32, #tpu.memory_space<hbm>>
      tpu.enqueue_indirect_dma source(%dma_start3A_1745 : memref<1015808xf32, #tpu.memory_space<hbm>>) target(%dma_start3A_1740 : memref<128xf32, #tpu.memory_space<vmem>>) offsets(%dma_start3A_1743 : memref<128xi32, #tpu.memory_space<vmem>>) semaphore(%arg17 : memref<!tpu.dma_semaphore, #tpu.memory_space<semaphore_mem>>)
      %dma_start3A_1746 = arith.constant 12 : i32
      %dma_start3A_1747 = arith.constant 12 : i32
      %dma_start3A_1748 = arith.constant 0 : i32
      %dma_start3A_1749 = tpu.memref_slice %arg9[%dma_start3A_1747, %dma_start3A_1748] : memref<16x128xf32, #tpu.memory_space<vmem>> -> memref<1x128xf32, #tpu.memory_space<vmem>>
      %dma_start3A_1750 = tpu.memref_squeeze %dma_start3A_1749 : memref<1x128xf32, #tpu.memory_space<vmem>> -> memref<128xf32, #tpu.memory_space<vmem>>
      %dma_start3A_1751 = arith.constant 0 : i32
      %dma_start3A_1752 = tpu.memref_slice %arg5[%dma_start3A_1746, %dma_start3A_1751] : memref<16x128xi32, #tpu.memory_space<vmem>> -> memref<1x128xi32, #tpu.memory_space<vmem>>
      %dma_start3A_1753 = tpu.memref_squeeze %dma_start3A_1752 : memref<1x128xi32, #tpu.memory_space<vmem>> -> memref<128xi32, #tpu.memory_space<vmem>>
      %dma_start3A_1754 = arith.constant 0 : i32
      %dma_start3A_1755 = tpu.memref_slice %arg2[%dma_start3A_1754] : memref<1015808xf32, #tpu.memory_space<hbm>> -> memref<1015808xf32, #tpu.memory_space<hbm>>
      tpu.enqueue_indirect_dma source(%dma_start3A_1755 : memref<1015808xf32, #tpu.memory_space<hbm>>) target(%dma_start3A_1750 : memref<128xf32, #tpu.memory_space<vmem>>) offsets(%dma_start3A_1753 : memref<128xi32, #tpu.memory_space<vmem>>) semaphore(%arg17 : memref<!tpu.dma_semaphore, #tpu.memory_space<semaphore_mem>>)
      %dma_start3A_1756 = arith.constant 13 : i32
      %dma_start3A_1757 = arith.constant 13 : i32
      %dma_start3A_1758 = arith.constant 0 : i32
      %dma_start3A_1759 = tpu.memref_slice %arg9[%dma_start3A_1757, %dma_start3A_1758] : memref<16x128xf32, #tpu.memory_space<vmem>> -> memref<1x128xf32, #tpu.memory_space<vmem>>
      %dma_start3A_1760 = tpu.memref_squeeze %dma_start3A_1759 : memref<1x128xf32, #tpu.memory_space<vmem>> -> memref<128xf32, #tpu.memory_space<vmem>>
      %dma_start3A_1761 = arith.constant 0 : i32
      %dma_start3A_1762 = tpu.memref_slice %arg5[%dma_start3A_1756, %dma_start3A_1761] : memref<16x128xi32, #tpu.memory_space<vmem>> -> memref<1x128xi32, #tpu.memory_space<vmem>>
      %dma_start3A_1763 = tpu.memref_squeeze %dma_start3A_1762 : memref<1x128xi32, #tpu.memory_space<vmem>> -> memref<128xi32, #tpu.memory_space<vmem>>
      %dma_start3A_1764 = arith.constant 0 : i32
      %dma_start3A_1765 = tpu.memref_slice %arg2[%dma_start3A_1764] : memref<1015808xf32, #tpu.memory_space<hbm>> -> memref<1015808xf32, #tpu.memory_space<hbm>>
      tpu.enqueue_indirect_dma source(%dma_start3A_1765 : memref<1015808xf32, #tpu.memory_space<hbm>>) target(%dma_start3A_1760 : memref<128xf32, #tpu.memory_space<vmem>>) offsets(%dma_start3A_1763 : memref<128xi32, #tpu.memory_space<vmem>>) semaphore(%arg17 : memref<!tpu.dma_semaphore, #tpu.memory_space<semaphore_mem>>)
      %dma_start3A_1766 = arith.constant 14 : i32
      %dma_start3A_1767 = arith.constant 14 : i32
      %dma_start3A_1768 = arith.constant 0 : i32
      %dma_start3A_1769 = tpu.memref_slice %arg9[%dma_start3A_1767, %dma_start3A_1768] : memref<16x128xf32, #tpu.memory_space<vmem>> -> memref<1x128xf32, #tpu.memory_space<vmem>>
      %dma_start3A_1770 = tpu.memref_squeeze %dma_start3A_1769 : memref<1x128xf32, #tpu.memory_space<vmem>> -> memref<128xf32, #tpu.memory_space<vmem>>
      %dma_start3A_1771 = arith.constant 0 : i32
      %dma_start3A_1772 = tpu.memref_slice %arg5[%dma_start3A_1766, %dma_start3A_1771] : memref<16x128xi32, #tpu.memory_space<vmem>> -> memref<1x128xi32, #tpu.memory_space<vmem>>
      %dma_start3A_1773 = tpu.memref_squeeze %dma_start3A_1772 : memref<1x128xi32, #tpu.memory_space<vmem>> -> memref<128xi32, #tpu.memory_space<vmem>>
      %dma_start3A_1774 = arith.constant 0 : i32
      %dma_start3A_1775 = tpu.memref_slice %arg2[%dma_start3A_1774] : memref<1015808xf32, #tpu.memory_space<hbm>> -> memref<1015808xf32, #tpu.memory_space<hbm>>
      tpu.enqueue_indirect_dma source(%dma_start3A_1775 : memref<1015808xf32, #tpu.memory_space<hbm>>) target(%dma_start3A_1770 : memref<128xf32, #tpu.memory_space<vmem>>) offsets(%dma_start3A_1773 : memref<128xi32, #tpu.memory_space<vmem>>) semaphore(%arg17 : memref<!tpu.dma_semaphore, #tpu.memory_space<semaphore_mem>>)
      %dma_start3A_1776 = arith.constant 15 : i32
      %dma_start3A_1777 = arith.constant 15 : i32
      %dma_start3A_1778 = arith.constant 0 : i32
      %dma_start3A_1779 = tpu.memref_slice %arg9[%dma_start3A_1777, %dma_start3A_1778] : memref<16x128xf32, #tpu.memory_space<vmem>> -> memref<1x128xf32, #tpu.memory_space<vmem>>
      %dma_start3A_1780 = tpu.memref_squeeze %dma_start3A_1779 : memref<1x128xf32, #tpu.memory_space<vmem>> -> memref<128xf32, #tpu.memory_space<vmem>>
      %dma_start3A_1781 = arith.constant 0 : i32
      %dma_start3A_1782 = tpu.memref_slice %arg5[%dma_start3A_1776, %dma_start3A_1781] : memref<16x128xi32, #tpu.memory_space<vmem>> -> memref<1x128xi32, #tpu.memory_space<vmem>>
      %dma_start3A_1783 = tpu.memref_squeeze %dma_start3A_1782 : memref<1x128xi32, #tpu.memory_space<vmem>> -> memref<128xi32, #tpu.memory_space<vmem>>
      %dma_start3A_1784 = arith.constant 0 : i32
      %dma_start3A_1785 = tpu.memref_slice %arg2[%dma_start3A_1784] : memref<1015808xf32, #tpu.memory_space<hbm>> -> memref<1015808xf32, #tpu.memory_space<hbm>>
      tpu.enqueue_indirect_dma source(%dma_start3A_1785 : memref<1015808xf32, #tpu.memory_space<hbm>>) target(%dma_start3A_1780 : memref<128xf32, #tpu.memory_space<vmem>>) offsets(%dma_start3A_1783 : memref<128xi32, #tpu.memory_space<vmem>>) semaphore(%arg17 : memref<!tpu.dma_semaphore, #tpu.memory_space<semaphore_mem>>)
      %mul3A_1786 = arith.constant 4 : i32
      %mul3A_1787 = arith.muli %scan3A_1173, %mul3A_1786 : i32
      %add3A_1788 = arith.constant 3 : i32
      %add3A_1789 = arith.addi %mul3A_1787, %add3A_1788 : i32
      %dma_wait3A_1790 = arith.constant 0 : i32
      %dma_wait3A_1791 = arith.constant 0 : i32
      %dma_wait3A_1792 = tpu.memref_slice %arg4[%dma_wait3A_1790, %dma_wait3A_1791] : memref<32768x128xf32, #tpu.memory_space<hbm>> -> memref<16x128xf32, #tpu.memory_space<hbm>>
      %dma_wait3A_1793 = arith.constant 0 : i32
      %dma_wait3A_1794 = arith.constant 0 : i32
      %dma_wait3A_1795 = tpu.memref_slice %arg4[%dma_wait3A_1793, %dma_wait3A_1794] : memref<32768x128xf32, #tpu.memory_space<hbm>> -> memref<16x128xf32, #tpu.memory_space<hbm>>
      tpu.wait_dma2 semaphore(%arg20 : memref<!tpu.dma_semaphore, #tpu.memory_space<semaphore_mem>>) src(%dma_wait3A_1795 : memref<16x128xf32, #tpu.memory_space<hbm>>) dst(%arg12 : memref<16x128xf32, #tpu.memory_space<vmem>>)
      %mul3A_1796 = arith.constant 16 : i32
      %mul3A_1797 = arith.muli %add3A_1789, %mul3A_1796 : i32
      %add3A_1798 = arith.addi %mul3A_2, %mul3A_1797 : i32
      %dma_start3A_1799 = arith.constant 0 : i32
      %dma_start3A_1800 = tpu.memref_slice %arg4[%add3A_1798, %dma_start3A_1799] : memref<32768x128xf32, #tpu.memory_space<hbm>> -> memref<16x128xf32, #tpu.memory_space<hbm>>
      %dma_start3A_1801 = arith.constant 0 : i32
      %dma_start3A_1802 = tpu.memref_slice %arg4[%add3A_1798, %dma_start3A_1801] : memref<32768x128xf32, #tpu.memory_space<hbm>> -> memref<16x128xf32, #tpu.memory_space<hbm>>
      tpu.enqueue_dma source(%arg12 : memref<16x128xf32, #tpu.memory_space<vmem>>) target(%dma_start3A_1802 : memref<16x128xf32, #tpu.memory_space<hbm>>) target_semaphore(%arg24 : memref<!tpu.dma_semaphore, #tpu.memory_space<semaphore_mem>>)
      %add3A_1803 = arith.constant 4 : i32
      %add3A_1804 = arith.addi %add3A_1789, %add3A_1803 : i32
      %min3A_1805 = arith.constant 63 : i32
      %min3A_1806 = arith.minsi %add3A_1804, %min3A_1805 : i32
      %mul3A_1807 = arith.constant 16 : i32
      %mul3A_1808 = arith.muli %min3A_1806, %mul3A_1807 : i32
      %add3A_1809 = arith.addi %mul3A_2, %mul3A_1808 : i32
      %dma_start3A_1810 = arith.constant 0 : i32
      %dma_start3A_1811 = tpu.memref_slice %arg3[%add3A_1809, %dma_start3A_1810] : memref<32768x128xi32, #tpu.memory_space<hbm>> -> memref<16x128xi32, #tpu.memory_space<hbm>>
      %dma_start3A_1812 = arith.constant 0 : i32
      %dma_start3A_1813 = tpu.memref_slice %arg3[%add3A_1809, %dma_start3A_1812] : memref<32768x128xi32, #tpu.memory_space<hbm>> -> memref<16x128xi32, #tpu.memory_space<hbm>>
      tpu.enqueue_dma source(%dma_start3A_1813 : memref<16x128xi32, #tpu.memory_space<hbm>>) target(%arg8 : memref<16x128xi32, #tpu.memory_space<vmem>>) target_semaphore(%arg16 : memref<!tpu.dma_semaphore, #tpu.memory_space<semaphore_mem>>)
      %add3A_1814 = arith.constant 2 : i32
      %add3A_1815 = arith.addi %add3A_1789, %add3A_1814 : i32
      %dma_wait3A_1816 = arith.constant 0 : i32
      %dma_wait3A_1817 = arith.constant 0 : i32
      %dma_wait3A_1818 = tpu.memref_slice %arg4[%dma_wait3A_1816, %dma_wait3A_1817] : memref<32768x128xf32, #tpu.memory_space<hbm>> -> memref<16x128xf32, #tpu.memory_space<hbm>>
      %dma_wait3A_1819 = arith.constant 0 : i32
      %dma_wait3A_1820 = arith.constant 0 : i32
      %dma_wait3A_1821 = tpu.memref_slice %arg4[%dma_wait3A_1819, %dma_wait3A_1820] : memref<32768x128xf32, #tpu.memory_space<hbm>> -> memref<16x128xf32, #tpu.memory_space<hbm>>
      tpu.wait_dma2 semaphore(%arg22 : memref<!tpu.dma_semaphore, #tpu.memory_space<semaphore_mem>>) src(%dma_wait3A_1821 : memref<16x128xf32, #tpu.memory_space<hbm>>) dst(%arg10 : memref<16x128xf32, #tpu.memory_space<vmem>>)
      %min3A_1822 = arith.constant 63 : i32
      %min3A_1823 = arith.minsi %add3A_1815, %min3A_1822 : i32
      %dma_wait3A_1824 = arith.constant 0 : i32
      %dma_wait3A_1825 = arith.constant 0 : i32
      %dma_wait3A_1826 = tpu.memref_slice %arg3[%dma_wait3A_1824, %dma_wait3A_1825] : memref<32768x128xi32, #tpu.memory_space<hbm>> -> memref<16x128xi32, #tpu.memory_space<hbm>>
      %dma_wait3A_1827 = arith.constant 0 : i32
      %dma_wait3A_1828 = arith.constant 0 : i32
      %dma_wait3A_1829 = tpu.memref_slice %arg3[%dma_wait3A_1827, %dma_wait3A_1828] : memref<32768x128xi32, #tpu.memory_space<hbm>> -> memref<16x128xi32, #tpu.memory_space<hbm>>
      tpu.wait_dma2 semaphore(%arg14 : memref<!tpu.dma_semaphore, #tpu.memory_space<semaphore_mem>>) src(%dma_wait3A_1829 : memref<16x128xi32, #tpu.memory_space<hbm>>) dst(%arg6 : memref<16x128xi32, #tpu.memory_space<vmem>>)
      %dma_start3A_1830 = arith.constant 0 : i32
      %dma_start3A_1831 = arith.constant 0 : i32
      %dma_start3A_1832 = arith.constant 0 : i32
      %dma_start3A_1833 = tpu.memref_slice %arg10[%dma_start3A_1831, %dma_start3A_1832] : memref<16x128xf32, #tpu.memory_space<vmem>> -> memref<1x128xf32, #tpu.memory_space<vmem>>
      %dma_start3A_1834 = tpu.memref_squeeze %dma_start3A_1833 : memref<1x128xf32, #tpu.memory_space<vmem>> -> memref<128xf32, #tpu.memory_space<vmem>>
      %dma_start3A_1835 = arith.constant 0 : i32
      %dma_start3A_1836 = tpu.memref_slice %arg6[%dma_start3A_1830, %dma_start3A_1835] : memref<16x128xi32, #tpu.memory_space<vmem>> -> memref<1x128xi32, #tpu.memory_space<vmem>>
      %dma_start3A_1837 = tpu.memref_squeeze %dma_start3A_1836 : memref<1x128xi32, #tpu.memory_space<vmem>> -> memref<128xi32, #tpu.memory_space<vmem>>
      %dma_start3A_1838 = arith.constant 0 : i32
      %dma_start3A_1839 = tpu.memref_slice %arg2[%dma_start3A_1838] : memref<1015808xf32, #tpu.memory_space<hbm>> -> memref<1015808xf32, #tpu.memory_space<hbm>>
      tpu.enqueue_indirect_dma source(%dma_start3A_1839 : memref<1015808xf32, #tpu.memory_space<hbm>>) target(%dma_start3A_1834 : memref<128xf32, #tpu.memory_space<vmem>>) offsets(%dma_start3A_1837 : memref<128xi32, #tpu.memory_space<vmem>>) semaphore(%arg18 : memref<!tpu.dma_semaphore, #tpu.memory_space<semaphore_mem>>)
      %dma_start3A_1840 = arith.constant 1 : i32
      %dma_start3A_1841 = arith.constant 1 : i32
      %dma_start3A_1842 = arith.constant 0 : i32
      %dma_start3A_1843 = tpu.memref_slice %arg10[%dma_start3A_1841, %dma_start3A_1842] : memref<16x128xf32, #tpu.memory_space<vmem>> -> memref<1x128xf32, #tpu.memory_space<vmem>>
      %dma_start3A_1844 = tpu.memref_squeeze %dma_start3A_1843 : memref<1x128xf32, #tpu.memory_space<vmem>> -> memref<128xf32, #tpu.memory_space<vmem>>
      %dma_start3A_1845 = arith.constant 0 : i32
      %dma_start3A_1846 = tpu.memref_slice %arg6[%dma_start3A_1840, %dma_start3A_1845] : memref<16x128xi32, #tpu.memory_space<vmem>> -> memref<1x128xi32, #tpu.memory_space<vmem>>
      %dma_start3A_1847 = tpu.memref_squeeze %dma_start3A_1846 : memref<1x128xi32, #tpu.memory_space<vmem>> -> memref<128xi32, #tpu.memory_space<vmem>>
      %dma_start3A_1848 = arith.constant 0 : i32
      %dma_start3A_1849 = tpu.memref_slice %arg2[%dma_start3A_1848] : memref<1015808xf32, #tpu.memory_space<hbm>> -> memref<1015808xf32, #tpu.memory_space<hbm>>
      tpu.enqueue_indirect_dma source(%dma_start3A_1849 : memref<1015808xf32, #tpu.memory_space<hbm>>) target(%dma_start3A_1844 : memref<128xf32, #tpu.memory_space<vmem>>) offsets(%dma_start3A_1847 : memref<128xi32, #tpu.memory_space<vmem>>) semaphore(%arg18 : memref<!tpu.dma_semaphore, #tpu.memory_space<semaphore_mem>>)
      %dma_start3A_1850 = arith.constant 2 : i32
      %dma_start3A_1851 = arith.constant 2 : i32
      %dma_start3A_1852 = arith.constant 0 : i32
      %dma_start3A_1853 = tpu.memref_slice %arg10[%dma_start3A_1851, %dma_start3A_1852] : memref<16x128xf32, #tpu.memory_space<vmem>> -> memref<1x128xf32, #tpu.memory_space<vmem>>
      %dma_start3A_1854 = tpu.memref_squeeze %dma_start3A_1853 : memref<1x128xf32, #tpu.memory_space<vmem>> -> memref<128xf32, #tpu.memory_space<vmem>>
      %dma_start3A_1855 = arith.constant 0 : i32
      %dma_start3A_1856 = tpu.memref_slice %arg6[%dma_start3A_1850, %dma_start3A_1855] : memref<16x128xi32, #tpu.memory_space<vmem>> -> memref<1x128xi32, #tpu.memory_space<vmem>>
      %dma_start3A_1857 = tpu.memref_squeeze %dma_start3A_1856 : memref<1x128xi32, #tpu.memory_space<vmem>> -> memref<128xi32, #tpu.memory_space<vmem>>
      %dma_start3A_1858 = arith.constant 0 : i32
      %dma_start3A_1859 = tpu.memref_slice %arg2[%dma_start3A_1858] : memref<1015808xf32, #tpu.memory_space<hbm>> -> memref<1015808xf32, #tpu.memory_space<hbm>>
      tpu.enqueue_indirect_dma source(%dma_start3A_1859 : memref<1015808xf32, #tpu.memory_space<hbm>>) target(%dma_start3A_1854 : memref<128xf32, #tpu.memory_space<vmem>>) offsets(%dma_start3A_1857 : memref<128xi32, #tpu.memory_space<vmem>>) semaphore(%arg18 : memref<!tpu.dma_semaphore, #tpu.memory_space<semaphore_mem>>)
      %dma_start3A_1860 = arith.constant 3 : i32
      %dma_start3A_1861 = arith.constant 3 : i32
      %dma_start3A_1862 = arith.constant 0 : i32
      %dma_start3A_1863 = tpu.memref_slice %arg10[%dma_start3A_1861, %dma_start3A_1862] : memref<16x128xf32, #tpu.memory_space<vmem>> -> memref<1x128xf32, #tpu.memory_space<vmem>>
      %dma_start3A_1864 = tpu.memref_squeeze %dma_start3A_1863 : memref<1x128xf32, #tpu.memory_space<vmem>> -> memref<128xf32, #tpu.memory_space<vmem>>
      %dma_start3A_1865 = arith.constant 0 : i32
      %dma_start3A_1866 = tpu.memref_slice %arg6[%dma_start3A_1860, %dma_start3A_1865] : memref<16x128xi32, #tpu.memory_space<vmem>> -> memref<1x128xi32, #tpu.memory_space<vmem>>
      %dma_start3A_1867 = tpu.memref_squeeze %dma_start3A_1866 : memref<1x128xi32, #tpu.memory_space<vmem>> -> memref<128xi32, #tpu.memory_space<vmem>>
      %dma_start3A_1868 = arith.constant 0 : i32
      %dma_start3A_1869 = tpu.memref_slice %arg2[%dma_start3A_1868] : memref<1015808xf32, #tpu.memory_space<hbm>> -> memref<1015808xf32, #tpu.memory_space<hbm>>
      tpu.enqueue_indirect_dma source(%dma_start3A_1869 : memref<1015808xf32, #tpu.memory_space<hbm>>) target(%dma_start3A_1864 : memref<128xf32, #tpu.memory_space<vmem>>) offsets(%dma_start3A_1867 : memref<128xi32, #tpu.memory_space<vmem>>) semaphore(%arg18 : memref<!tpu.dma_semaphore, #tpu.memory_space<semaphore_mem>>)
      %dma_start3A_1870 = arith.constant 4 : i32
      %dma_start3A_1871 = arith.constant 4 : i32
      %dma_start3A_1872 = arith.constant 0 : i32
      %dma_start3A_1873 = tpu.memref_slice %arg10[%dma_start3A_1871, %dma_start3A_1872] : memref<16x128xf32, #tpu.memory_space<vmem>> -> memref<1x128xf32, #tpu.memory_space<vmem>>
      %dma_start3A_1874 = tpu.memref_squeeze %dma_start3A_1873 : memref<1x128xf32, #tpu.memory_space<vmem>> -> memref<128xf32, #tpu.memory_space<vmem>>
      %dma_start3A_1875 = arith.constant 0 : i32
      %dma_start3A_1876 = tpu.memref_slice %arg6[%dma_start3A_1870, %dma_start3A_1875] : memref<16x128xi32, #tpu.memory_space<vmem>> -> memref<1x128xi32, #tpu.memory_space<vmem>>
      %dma_start3A_1877 = tpu.memref_squeeze %dma_start3A_1876 : memref<1x128xi32, #tpu.memory_space<vmem>> -> memref<128xi32, #tpu.memory_space<vmem>>
      %dma_start3A_1878 = arith.constant 0 : i32
      %dma_start3A_1879 = tpu.memref_slice %arg2[%dma_start3A_1878] : memref<1015808xf32, #tpu.memory_space<hbm>> -> memref<1015808xf32, #tpu.memory_space<hbm>>
      tpu.enqueue_indirect_dma source(%dma_start3A_1879 : memref<1015808xf32, #tpu.memory_space<hbm>>) target(%dma_start3A_1874 : memref<128xf32, #tpu.memory_space<vmem>>) offsets(%dma_start3A_1877 : memref<128xi32, #tpu.memory_space<vmem>>) semaphore(%arg18 : memref<!tpu.dma_semaphore, #tpu.memory_space<semaphore_mem>>)
      %dma_start3A_1880 = arith.constant 5 : i32
      %dma_start3A_1881 = arith.constant 5 : i32
      %dma_start3A_1882 = arith.constant 0 : i32
      %dma_start3A_1883 = tpu.memref_slice %arg10[%dma_start3A_1881, %dma_start3A_1882] : memref<16x128xf32, #tpu.memory_space<vmem>> -> memref<1x128xf32, #tpu.memory_space<vmem>>
      %dma_start3A_1884 = tpu.memref_squeeze %dma_start3A_1883 : memref<1x128xf32, #tpu.memory_space<vmem>> -> memref<128xf32, #tpu.memory_space<vmem>>
      %dma_start3A_1885 = arith.constant 0 : i32
      %dma_start3A_1886 = tpu.memref_slice %arg6[%dma_start3A_1880, %dma_start3A_1885] : memref<16x128xi32, #tpu.memory_space<vmem>> -> memref<1x128xi32, #tpu.memory_space<vmem>>
      %dma_start3A_1887 = tpu.memref_squeeze %dma_start3A_1886 : memref<1x128xi32, #tpu.memory_space<vmem>> -> memref<128xi32, #tpu.memory_space<vmem>>
      %dma_start3A_1888 = arith.constant 0 : i32
      %dma_start3A_1889 = tpu.memref_slice %arg2[%dma_start3A_1888] : memref<1015808xf32, #tpu.memory_space<hbm>> -> memref<1015808xf32, #tpu.memory_space<hbm>>
      tpu.enqueue_indirect_dma source(%dma_start3A_1889 : memref<1015808xf32, #tpu.memory_space<hbm>>) target(%dma_start3A_1884 : memref<128xf32, #tpu.memory_space<vmem>>) offsets(%dma_start3A_1887 : memref<128xi32, #tpu.memory_space<vmem>>) semaphore(%arg18 : memref<!tpu.dma_semaphore, #tpu.memory_space<semaphore_mem>>)
      %dma_start3A_1890 = arith.constant 6 : i32
      %dma_start3A_1891 = arith.constant 6 : i32
      %dma_start3A_1892 = arith.constant 0 : i32
      %dma_start3A_1893 = tpu.memref_slice %arg10[%dma_start3A_1891, %dma_start3A_1892] : memref<16x128xf32, #tpu.memory_space<vmem>> -> memref<1x128xf32, #tpu.memory_space<vmem>>
      %dma_start3A_1894 = tpu.memref_squeeze %dma_start3A_1893 : memref<1x128xf32, #tpu.memory_space<vmem>> -> memref<128xf32, #tpu.memory_space<vmem>>
      %dma_start3A_1895 = arith.constant 0 : i32
      %dma_start3A_1896 = tpu.memref_slice %arg6[%dma_start3A_1890, %dma_start3A_1895] : memref<16x128xi32, #tpu.memory_space<vmem>> -> memref<1x128xi32, #tpu.memory_space<vmem>>
      %dma_start3A_1897 = tpu.memref_squeeze %dma_start3A_1896 : memref<1x128xi32, #tpu.memory_space<vmem>> -> memref<128xi32, #tpu.memory_space<vmem>>
      %dma_start3A_1898 = arith.constant 0 : i32
      %dma_start3A_1899 = tpu.memref_slice %arg2[%dma_start3A_1898] : memref<1015808xf32, #tpu.memory_space<hbm>> -> memref<1015808xf32, #tpu.memory_space<hbm>>
      tpu.enqueue_indirect_dma source(%dma_start3A_1899 : memref<1015808xf32, #tpu.memory_space<hbm>>) target(%dma_start3A_1894 : memref<128xf32, #tpu.memory_space<vmem>>) offsets(%dma_start3A_1897 : memref<128xi32, #tpu.memory_space<vmem>>) semaphore(%arg18 : memref<!tpu.dma_semaphore, #tpu.memory_space<semaphore_mem>>)
      %dma_start3A_1900 = arith.constant 7 : i32
      %dma_start3A_1901 = arith.constant 7 : i32
      %dma_start3A_1902 = arith.constant 0 : i32
      %dma_start3A_1903 = tpu.memref_slice %arg10[%dma_start3A_1901, %dma_start3A_1902] : memref<16x128xf32, #tpu.memory_space<vmem>> -> memref<1x128xf32, #tpu.memory_space<vmem>>
      %dma_start3A_1904 = tpu.memref_squeeze %dma_start3A_1903 : memref<1x128xf32, #tpu.memory_space<vmem>> -> memref<128xf32, #tpu.memory_space<vmem>>
      %dma_start3A_1905 = arith.constant 0 : i32
      %dma_start3A_1906 = tpu.memref_slice %arg6[%dma_start3A_1900, %dma_start3A_1905] : memref<16x128xi32, #tpu.memory_space<vmem>> -> memref<1x128xi32, #tpu.memory_space<vmem>>
      %dma_start3A_1907 = tpu.memref_squeeze %dma_start3A_1906 : memref<1x128xi32, #tpu.memory_space<vmem>> -> memref<128xi32, #tpu.memory_space<vmem>>
      %dma_start3A_1908 = arith.constant 0 : i32
      %dma_start3A_1909 = tpu.memref_slice %arg2[%dma_start3A_1908] : memref<1015808xf32, #tpu.memory_space<hbm>> -> memref<1015808xf32, #tpu.memory_space<hbm>>
      tpu.enqueue_indirect_dma source(%dma_start3A_1909 : memref<1015808xf32, #tpu.memory_space<hbm>>) target(%dma_start3A_1904 : memref<128xf32, #tpu.memory_space<vmem>>) offsets(%dma_start3A_1907 : memref<128xi32, #tpu.memory_space<vmem>>) semaphore(%arg18 : memref<!tpu.dma_semaphore, #tpu.memory_space<semaphore_mem>>)
      %dma_start3A_1910 = arith.constant 8 : i32
      %dma_start3A_1911 = arith.constant 8 : i32
      %dma_start3A_1912 = arith.constant 0 : i32
      %dma_start3A_1913 = tpu.memref_slice %arg10[%dma_start3A_1911, %dma_start3A_1912] : memref<16x128xf32, #tpu.memory_space<vmem>> -> memref<1x128xf32, #tpu.memory_space<vmem>>
      %dma_start3A_1914 = tpu.memref_squeeze %dma_start3A_1913 : memref<1x128xf32, #tpu.memory_space<vmem>> -> memref<128xf32, #tpu.memory_space<vmem>>
      %dma_start3A_1915 = arith.constant 0 : i32
      %dma_start3A_1916 = tpu.memref_slice %arg6[%dma_start3A_1910, %dma_start3A_1915] : memref<16x128xi32, #tpu.memory_space<vmem>> -> memref<1x128xi32, #tpu.memory_space<vmem>>
      %dma_start3A_1917 = tpu.memref_squeeze %dma_start3A_1916 : memref<1x128xi32, #tpu.memory_space<vmem>> -> memref<128xi32, #tpu.memory_space<vmem>>
      %dma_start3A_1918 = arith.constant 0 : i32
      %dma_start3A_1919 = tpu.memref_slice %arg2[%dma_start3A_1918] : memref<1015808xf32, #tpu.memory_space<hbm>> -> memref<1015808xf32, #tpu.memory_space<hbm>>
      tpu.enqueue_indirect_dma source(%dma_start3A_1919 : memref<1015808xf32, #tpu.memory_space<hbm>>) target(%dma_start3A_1914 : memref<128xf32, #tpu.memory_space<vmem>>) offsets(%dma_start3A_1917 : memref<128xi32, #tpu.memory_space<vmem>>) semaphore(%arg18 : memref<!tpu.dma_semaphore, #tpu.memory_space<semaphore_mem>>)
      %dma_start3A_1920 = arith.constant 9 : i32
      %dma_start3A_1921 = arith.constant 9 : i32
      %dma_start3A_1922 = arith.constant 0 : i32
      %dma_start3A_1923 = tpu.memref_slice %arg10[%dma_start3A_1921, %dma_start3A_1922] : memref<16x128xf32, #tpu.memory_space<vmem>> -> memref<1x128xf32, #tpu.memory_space<vmem>>
      %dma_start3A_1924 = tpu.memref_squeeze %dma_start3A_1923 : memref<1x128xf32, #tpu.memory_space<vmem>> -> memref<128xf32, #tpu.memory_space<vmem>>
      %dma_start3A_1925 = arith.constant 0 : i32
      %dma_start3A_1926 = tpu.memref_slice %arg6[%dma_start3A_1920, %dma_start3A_1925] : memref<16x128xi32, #tpu.memory_space<vmem>> -> memref<1x128xi32, #tpu.memory_space<vmem>>
      %dma_start3A_1927 = tpu.memref_squeeze %dma_start3A_1926 : memref<1x128xi32, #tpu.memory_space<vmem>> -> memref<128xi32, #tpu.memory_space<vmem>>
      %dma_start3A_1928 = arith.constant 0 : i32
      %dma_start3A_1929 = tpu.memref_slice %arg2[%dma_start3A_1928] : memref<1015808xf32, #tpu.memory_space<hbm>> -> memref<1015808xf32, #tpu.memory_space<hbm>>
      tpu.enqueue_indirect_dma source(%dma_start3A_1929 : memref<1015808xf32, #tpu.memory_space<hbm>>) target(%dma_start3A_1924 : memref<128xf32, #tpu.memory_space<vmem>>) offsets(%dma_start3A_1927 : memref<128xi32, #tpu.memory_space<vmem>>) semaphore(%arg18 : memref<!tpu.dma_semaphore, #tpu.memory_space<semaphore_mem>>)
      %dma_start3A_1930 = arith.constant 10 : i32
      %dma_start3A_1931 = arith.constant 10 : i32
      %dma_start3A_1932 = arith.constant 0 : i32
      %dma_start3A_1933 = tpu.memref_slice %arg10[%dma_start3A_1931, %dma_start3A_1932] : memref<16x128xf32, #tpu.memory_space<vmem>> -> memref<1x128xf32, #tpu.memory_space<vmem>>
      %dma_start3A_1934 = tpu.memref_squeeze %dma_start3A_1933 : memref<1x128xf32, #tpu.memory_space<vmem>> -> memref<128xf32, #tpu.memory_space<vmem>>
      %dma_start3A_1935 = arith.constant 0 : i32
      %dma_start3A_1936 = tpu.memref_slice %arg6[%dma_start3A_1930, %dma_start3A_1935] : memref<16x128xi32, #tpu.memory_space<vmem>> -> memref<1x128xi32, #tpu.memory_space<vmem>>
      %dma_start3A_1937 = tpu.memref_squeeze %dma_start3A_1936 : memref<1x128xi32, #tpu.memory_space<vmem>> -> memref<128xi32, #tpu.memory_space<vmem>>
      %dma_start3A_1938 = arith.constant 0 : i32
      %dma_start3A_1939 = tpu.memref_slice %arg2[%dma_start3A_1938] : memref<1015808xf32, #tpu.memory_space<hbm>> -> memref<1015808xf32, #tpu.memory_space<hbm>>
      tpu.enqueue_indirect_dma source(%dma_start3A_1939 : memref<1015808xf32, #tpu.memory_space<hbm>>) target(%dma_start3A_1934 : memref<128xf32, #tpu.memory_space<vmem>>) offsets(%dma_start3A_1937 : memref<128xi32, #tpu.memory_space<vmem>>) semaphore(%arg18 : memref<!tpu.dma_semaphore, #tpu.memory_space<semaphore_mem>>)
      %dma_start3A_1940 = arith.constant 11 : i32
      %dma_start3A_1941 = arith.constant 11 : i32
      %dma_start3A_1942 = arith.constant 0 : i32
      %dma_start3A_1943 = tpu.memref_slice %arg10[%dma_start3A_1941, %dma_start3A_1942] : memref<16x128xf32, #tpu.memory_space<vmem>> -> memref<1x128xf32, #tpu.memory_space<vmem>>
      %dma_start3A_1944 = tpu.memref_squeeze %dma_start3A_1943 : memref<1x128xf32, #tpu.memory_space<vmem>> -> memref<128xf32, #tpu.memory_space<vmem>>
      %dma_start3A_1945 = arith.constant 0 : i32
      %dma_start3A_1946 = tpu.memref_slice %arg6[%dma_start3A_1940, %dma_start3A_1945] : memref<16x128xi32, #tpu.memory_space<vmem>> -> memref<1x128xi32, #tpu.memory_space<vmem>>
      %dma_start3A_1947 = tpu.memref_squeeze %dma_start3A_1946 : memref<1x128xi32, #tpu.memory_space<vmem>> -> memref<128xi32, #tpu.memory_space<vmem>>
      %dma_start3A_1948 = arith.constant 0 : i32
      %dma_start3A_1949 = tpu.memref_slice %arg2[%dma_start3A_1948] : memref<1015808xf32, #tpu.memory_space<hbm>> -> memref<1015808xf32, #tpu.memory_space<hbm>>
      tpu.enqueue_indirect_dma source(%dma_start3A_1949 : memref<1015808xf32, #tpu.memory_space<hbm>>) target(%dma_start3A_1944 : memref<128xf32, #tpu.memory_space<vmem>>) offsets(%dma_start3A_1947 : memref<128xi32, #tpu.memory_space<vmem>>) semaphore(%arg18 : memref<!tpu.dma_semaphore, #tpu.memory_space<semaphore_mem>>)
      %dma_start3A_1950 = arith.constant 12 : i32
      %dma_start3A_1951 = arith.constant 12 : i32
      %dma_start3A_1952 = arith.constant 0 : i32
      %dma_start3A_1953 = tpu.memref_slice %arg10[%dma_start3A_1951, %dma_start3A_1952] : memref<16x128xf32, #tpu.memory_space<vmem>> -> memref<1x128xf32, #tpu.memory_space<vmem>>
      %dma_start3A_1954 = tpu.memref_squeeze %dma_start3A_1953 : memref<1x128xf32, #tpu.memory_space<vmem>> -> memref<128xf32, #tpu.memory_space<vmem>>
      %dma_start3A_1955 = arith.constant 0 : i32
      %dma_start3A_1956 = tpu.memref_slice %arg6[%dma_start3A_1950, %dma_start3A_1955] : memref<16x128xi32, #tpu.memory_space<vmem>> -> memref<1x128xi32, #tpu.memory_space<vmem>>
      %dma_start3A_1957 = tpu.memref_squeeze %dma_start3A_1956 : memref<1x128xi32, #tpu.memory_space<vmem>> -> memref<128xi32, #tpu.memory_space<vmem>>
      %dma_start3A_1958 = arith.constant 0 : i32
      %dma_start3A_1959 = tpu.memref_slice %arg2[%dma_start3A_1958] : memref<1015808xf32, #tpu.memory_space<hbm>> -> memref<1015808xf32, #tpu.memory_space<hbm>>
      tpu.enqueue_indirect_dma source(%dma_start3A_1959 : memref<1015808xf32, #tpu.memory_space<hbm>>) target(%dma_start3A_1954 : memref<128xf32, #tpu.memory_space<vmem>>) offsets(%dma_start3A_1957 : memref<128xi32, #tpu.memory_space<vmem>>) semaphore(%arg18 : memref<!tpu.dma_semaphore, #tpu.memory_space<semaphore_mem>>)
      %dma_start3A_1960 = arith.constant 13 : i32
      %dma_start3A_1961 = arith.constant 13 : i32
      %dma_start3A_1962 = arith.constant 0 : i32
      %dma_start3A_1963 = tpu.memref_slice %arg10[%dma_start3A_1961, %dma_start3A_1962] : memref<16x128xf32, #tpu.memory_space<vmem>> -> memref<1x128xf32, #tpu.memory_space<vmem>>
      %dma_start3A_1964 = tpu.memref_squeeze %dma_start3A_1963 : memref<1x128xf32, #tpu.memory_space<vmem>> -> memref<128xf32, #tpu.memory_space<vmem>>
      %dma_start3A_1965 = arith.constant 0 : i32
      %dma_start3A_1966 = tpu.memref_slice %arg6[%dma_start3A_1960, %dma_start3A_1965] : memref<16x128xi32, #tpu.memory_space<vmem>> -> memref<1x128xi32, #tpu.memory_space<vmem>>
      %dma_start3A_1967 = tpu.memref_squeeze %dma_start3A_1966 : memref<1x128xi32, #tpu.memory_space<vmem>> -> memref<128xi32, #tpu.memory_space<vmem>>
      %dma_start3A_1968 = arith.constant 0 : i32
      %dma_start3A_1969 = tpu.memref_slice %arg2[%dma_start3A_1968] : memref<1015808xf32, #tpu.memory_space<hbm>> -> memref<1015808xf32, #tpu.memory_space<hbm>>
      tpu.enqueue_indirect_dma source(%dma_start3A_1969 : memref<1015808xf32, #tpu.memory_space<hbm>>) target(%dma_start3A_1964 : memref<128xf32, #tpu.memory_space<vmem>>) offsets(%dma_start3A_1967 : memref<128xi32, #tpu.memory_space<vmem>>) semaphore(%arg18 : memref<!tpu.dma_semaphore, #tpu.memory_space<semaphore_mem>>)
      %dma_start3A_1970 = arith.constant 14 : i32
      %dma_start3A_1971 = arith.constant 14 : i32
      %dma_start3A_1972 = arith.constant 0 : i32
      %dma_start3A_1973 = tpu.memref_slice %arg10[%dma_start3A_1971, %dma_start3A_1972] : memref<16x128xf32, #tpu.memory_space<vmem>> -> memref<1x128xf32, #tpu.memory_space<vmem>>
      %dma_start3A_1974 = tpu.memref_squeeze %dma_start3A_1973 : memref<1x128xf32, #tpu.memory_space<vmem>> -> memref<128xf32, #tpu.memory_space<vmem>>
      %dma_start3A_1975 = arith.constant 0 : i32
      %dma_start3A_1976 = tpu.memref_slice %arg6[%dma_start3A_1970, %dma_start3A_1975] : memref<16x128xi32, #tpu.memory_space<vmem>> -> memref<1x128xi32, #tpu.memory_space<vmem>>
      %dma_start3A_1977 = tpu.memref_squeeze %dma_start3A_1976 : memref<1x128xi32, #tpu.memory_space<vmem>> -> memref<128xi32, #tpu.memory_space<vmem>>
      %dma_start3A_1978 = arith.constant 0 : i32
      %dma_start3A_1979 = tpu.memref_slice %arg2[%dma_start3A_1978] : memref<1015808xf32, #tpu.memory_space<hbm>> -> memref<1015808xf32, #tpu.memory_space<hbm>>
      tpu.enqueue_indirect_dma source(%dma_start3A_1979 : memref<1015808xf32, #tpu.memory_space<hbm>>) target(%dma_start3A_1974 : memref<128xf32, #tpu.memory_space<vmem>>) offsets(%dma_start3A_1977 : memref<128xi32, #tpu.memory_space<vmem>>) semaphore(%arg18 : memref<!tpu.dma_semaphore, #tpu.memory_space<semaphore_mem>>)
      %dma_start3A_1980 = arith.constant 15 : i32
      %dma_start3A_1981 = arith.constant 15 : i32
      %dma_start3A_1982 = arith.constant 0 : i32
      %dma_start3A_1983 = tpu.memref_slice %arg10[%dma_start3A_1981, %dma_start3A_1982] : memref<16x128xf32, #tpu.memory_space<vmem>> -> memref<1x128xf32, #tpu.memory_space<vmem>>
      %dma_start3A_1984 = tpu.memref_squeeze %dma_start3A_1983 : memref<1x128xf32, #tpu.memory_space<vmem>> -> memref<128xf32, #tpu.memory_space<vmem>>
      %dma_start3A_1985 = arith.constant 0 : i32
      %dma_start3A_1986 = tpu.memref_slice %arg6[%dma_start3A_1980, %dma_start3A_1985] : memref<16x128xi32, #tpu.memory_space<vmem>> -> memref<1x128xi32, #tpu.memory_space<vmem>>
      %dma_start3A_1987 = tpu.memref_squeeze %dma_start3A_1986 : memref<1x128xi32, #tpu.memory_space<vmem>> -> memref<128xi32, #tpu.memory_space<vmem>>
      %dma_start3A_1988 = arith.constant 0 : i32
      %dma_start3A_1989 = tpu.memref_slice %arg2[%dma_start3A_1988] : memref<1015808xf32, #tpu.memory_space<hbm>> -> memref<1015808xf32, #tpu.memory_space<hbm>>
      tpu.enqueue_indirect_dma source(%dma_start3A_1989 : memref<1015808xf32, #tpu.memory_space<hbm>>) target(%dma_start3A_1984 : memref<128xf32, #tpu.memory_space<vmem>>) offsets(%dma_start3A_1987 : memref<128xi32, #tpu.memory_space<vmem>>) semaphore(%arg18 : memref<!tpu.dma_semaphore, #tpu.memory_space<semaphore_mem>>)
    }
    %scan3A_1136 = arith.constant 15 : i32
    %dma_wait3A_1137 = arith.constant 0 : i32
    %dma_wait3A_1138 = arith.constant 0 : i32
    %dma_wait3A_1139 = tpu.memref_slice %arg4[%dma_wait3A_1137, %dma_wait3A_1138] : memref<32768x128xf32, #tpu.memory_space<hbm>> -> memref<16x128xf32, #tpu.memory_space<hbm>>
    %dma_wait3A_1140 = arith.constant 0 : i32
    %dma_wait3A_1141 = arith.constant 0 : i32
    %dma_wait3A_1142 = tpu.memref_slice %arg4[%dma_wait3A_1140, %dma_wait3A_1141] : memref<32768x128xf32, #tpu.memory_space<hbm>> -> memref<16x128xf32, #tpu.memory_space<hbm>>
    tpu.wait_dma2 semaphore(%arg17 : memref<!tpu.dma_semaphore, #tpu.memory_space<semaphore_mem>>) src(%dma_wait3A_1142 : memref<16x128xf32, #tpu.memory_space<hbm>>) dst(%arg9 : memref<16x128xf32, #tpu.memory_space<vmem>>)
    %dma_wait3A_1143 = arith.constant 0 : i32
    %dma_wait3A_1144 = arith.constant 0 : i32
    %dma_wait3A_1145 = tpu.memref_slice %arg4[%dma_wait3A_1143, %dma_wait3A_1144] : memref<32768x128xf32, #tpu.memory_space<hbm>> -> memref<16x128xf32, #tpu.memory_space<hbm>>
    %dma_wait3A_1146 = arith.constant 0 : i32
    %dma_wait3A_1147 = arith.constant 0 : i32
    %dma_wait3A_1148 = tpu.memref_slice %arg4[%dma_wait3A_1146, %dma_wait3A_1147] : memref<32768x128xf32, #tpu.memory_space<hbm>> -> memref<16x128xf32, #tpu.memory_space<hbm>>
    tpu.wait_dma2 semaphore(%arg18 : memref<!tpu.dma_semaphore, #tpu.memory_space<semaphore_mem>>) src(%dma_wait3A_1148 : memref<16x128xf32, #tpu.memory_space<hbm>>) dst(%arg10 : memref<16x128xf32, #tpu.memory_space<vmem>>)
    %dma_wait3A_1149 = arith.constant 0 : i32
    %dma_wait3A_1150 = arith.constant 0 : i32
    %dma_wait3A_1151 = tpu.memref_slice %arg3[%dma_wait3A_1149, %dma_wait3A_1150] : memref<32768x128xi32, #tpu.memory_space<hbm>> -> memref<16x128xi32, #tpu.memory_space<hbm>>
    %dma_wait3A_1152 = arith.constant 0 : i32
    %dma_wait3A_1153 = arith.constant 0 : i32
    %dma_wait3A_1154 = tpu.memref_slice %arg3[%dma_wait3A_1152, %dma_wait3A_1153] : memref<32768x128xi32, #tpu.memory_space<hbm>> -> memref<16x128xi32, #tpu.memory_space<hbm>>
    tpu.wait_dma2 semaphore(%arg15 : memref<!tpu.dma_semaphore, #tpu.memory_space<semaphore_mem>>) src(%dma_wait3A_1154 : memref<16x128xi32, #tpu.memory_space<hbm>>) dst(%arg7 : memref<16x128xi32, #tpu.memory_space<vmem>>)
    %dma_wait3A_1155 = arith.constant 0 : i32
    %dma_wait3A_1156 = arith.constant 0 : i32
    %dma_wait3A_1157 = tpu.memref_slice %arg4[%dma_wait3A_1155, %dma_wait3A_1156] : memref<32768x128xf32, #tpu.memory_space<hbm>> -> memref<16x128xf32, #tpu.memory_space<hbm>>
    %dma_wait3A_1158 = arith.constant 0 : i32
    %dma_wait3A_1159 = arith.constant 0 : i32
    %dma_wait3A_1160 = tpu.memref_slice %arg4[%dma_wait3A_1158, %dma_wait3A_1159] : memref<32768x128xf32, #tpu.memory_space<hbm>> -> memref<16x128xf32, #tpu.memory_space<hbm>>
    tpu.wait_dma2 semaphore(%arg23 : memref<!tpu.dma_semaphore, #tpu.memory_space<semaphore_mem>>) src(%dma_wait3A_1160 : memref<16x128xf32, #tpu.memory_space<hbm>>) dst(%arg11 : memref<16x128xf32, #tpu.memory_space<vmem>>)
    %dma_wait3A_1161 = arith.constant 0 : i32
    %dma_wait3A_1162 = arith.constant 0 : i32
    %dma_wait3A_1163 = tpu.memref_slice %arg3[%dma_wait3A_1161, %dma_wait3A_1162] : memref<32768x128xi32, #tpu.memory_space<hbm>> -> memref<16x128xi32, #tpu.memory_space<hbm>>
    %dma_wait3A_1164 = arith.constant 0 : i32
    %dma_wait3A_1165 = arith.constant 0 : i32
    %dma_wait3A_1166 = tpu.memref_slice %arg3[%dma_wait3A_1164, %dma_wait3A_1165] : memref<32768x128xi32, #tpu.memory_space<hbm>> -> memref<16x128xi32, #tpu.memory_space<hbm>>
    tpu.wait_dma2 semaphore(%arg16 : memref<!tpu.dma_semaphore, #tpu.memory_space<semaphore_mem>>) src(%dma_wait3A_1166 : memref<16x128xi32, #tpu.memory_space<hbm>>) dst(%arg8 : memref<16x128xi32, #tpu.memory_space<vmem>>)
    %dma_wait3A_1167 = arith.constant 0 : i32
    %dma_wait3A_1168 = arith.constant 0 : i32
    %dma_wait3A_1169 = tpu.memref_slice %arg4[%dma_wait3A_1167, %dma_wait3A_1168] : memref<32768x128xf32, #tpu.memory_space<hbm>> -> memref<16x128xf32, #tpu.memory_space<hbm>>
    %dma_wait3A_1170 = arith.constant 0 : i32
    %dma_wait3A_1171 = arith.constant 0 : i32
    %dma_wait3A_1172 = tpu.memref_slice %arg4[%dma_wait3A_1170, %dma_wait3A_1171] : memref<32768x128xf32, #tpu.memory_space<hbm>> -> memref<16x128xf32, #tpu.memory_space<hbm>>
    tpu.wait_dma2 semaphore(%arg24 : memref<!tpu.dma_semaphore, #tpu.memory_space<semaphore_mem>>) src(%dma_wait3A_1172 : memref<16x128xf32, #tpu.memory_space<hbm>>) dst(%arg12 : memref<16x128xf32, #tpu.memory_space<vmem>>)
    return
  }
}

module attributes {stable_mosaic.version = 14 : i64} {
  func.func @body(%arg0: i32, %arg1: memref<16384x128xf32, #tpu.memory_space<vmem>>, %arg2: memref<128x8xf32, #tpu.memory_space<vmem>>, %arg3: memref<1x8xf32, #tpu.memory_space<vmem>>, %arg4: memref<8x1xf32, #tpu.memory_space<vmem>>, %arg5: memref<1x1xf32, #tpu.memory_space<vmem>>, %arg6: memref<128x128xf32, #tpu.memory_space<vmem>>) attributes {dimension_semantics = [#tpu.dimension_semantics<arbitrary>], iteration_bounds = array<i64: 62>, scalar_prefetch = 0 : i64, scratch_operands = 0 : i64, tpu.core_type = #tpu.core_type<tc>, window_params = [{transform_indices = @transform_0, window_bounds = array<i64: 16384, 128>}, {pipeline_mode = #tpu.pipeline_mode<synchronous>, transform_indices = @transform_1, window_bounds = array<i64: 128, 8>}, {pipeline_mode = #tpu.pipeline_mode<synchronous>, transform_indices = @transform_2, window_bounds = array<i64: 1, 8>}, {pipeline_mode = #tpu.pipeline_mode<synchronous>, transform_indices = @transform_3, window_bounds = array<i64: 8, 1>}, {pipeline_mode = #tpu.pipeline_mode<synchronous>, transform_indices = @transform_4, window_bounds = array<i64: 1, 1>}, {transform_indices = @transform_5, window_bounds = array<i64: 128, 128>}]} {
    %get3A = arith.constant 0 : index
    %get3A_0 = arith.constant 0 : index
    %get3A_1 = vector.load %arg1[%get3A, %get3A_0] : memref<16384x128xf32, #tpu.memory_space<vmem>>, vector<16384x128xf32>
    %get3A_2 = arith.constant 0 : index
    %get3A_3 = arith.constant 0 : index
    %get3A_4 = vector.load %arg2[%get3A_2, %get3A_3] : memref<128x8xf32, #tpu.memory_space<vmem>>, vector<128x8xf32>
    %dot_general3A = arith.constant dense<0.000000e+00> : vector<16384x8xf32>
    %dot_general3A_5 = tpu.matmul %get3A_1, %get3A_4, %dot_general3A {dimension_numbers = #tpu.dot_dimension_numbers<[1], [0], [0], [1], [0, 0, 1, 1], [], []>, transpose_lhs_hint = false} : vector<16384x128xf32>, vector<128x8xf32>, vector<16384x8xf32> -> vector<16384x8xf32>
    %get3A_6 = arith.constant 0 : index
    %get3A_7 = arith.constant 0 : index
    %get3A_8 = vector.load %arg3[%get3A_6, %get3A_7] : memref<1x8xf32, #tpu.memory_space<vmem>>, vector<1x8xf32>
    %add3A = vector.broadcast %get3A_8 : vector<1x8xf32> to vector<16384x8xf32>
    %add3A_9 = arith.addf %dot_general3A_5, %add3A : vector<16384x8xf32>
    %max3A = arith.constant 0.000000e+00 : f32
    %max3A_10 = vector.broadcast %max3A : f32 to vector<16384x8xf32>
    %max3A_11 = arith.maximumf %add3A_9, %max3A_10 : vector<16384x8xf32>
    %get3A_12 = arith.constant 0 : index
    %get3A_13 = arith.constant 0 : index
    %get3A_14 = vector.load %arg4[%get3A_12, %get3A_13] : memref<8x1xf32, #tpu.memory_space<vmem>>, vector<8x1xf32>
    %dot_general3A_15 = arith.constant dense<0.000000e+00> : vector<16384x1xf32>
    %dot_general3A_16 = tpu.matmul %max3A_11, %get3A_14, %dot_general3A_15 {dimension_numbers = #tpu.dot_dimension_numbers<[1], [0], [0], [1], [0, 0, 1, 1], [], []>, transpose_lhs_hint = false} : vector<16384x8xf32>, vector<8x1xf32>, vector<16384x1xf32> -> vector<16384x1xf32>
    %get3A_17 = arith.constant 0 : index
    %get3A_18 = arith.constant 0 : index
    %get3A_19 = vector.load %arg5[%get3A_17, %get3A_18] : memref<1x1xf32, #tpu.memory_space<vmem>>, vector<1x1xf32>
    %add3A_20 = vector.broadcast %get3A_19 : vector<1x1xf32> to vector<16384x1xf32>
    %add3A_21 = arith.addf %dot_general3A_16, %add3A_20 : vector<16384x1xf32>
    %reshape3A = vector.shape_cast %add3A_21 : vector<16384x1xf32> to vector<128x128xf32>
    %swap3A = arith.constant 0 : index
    %swap3A_22 = arith.constant 0 : index
    %swap3A_23 = vector.load %arg6[%swap3A, %swap3A_22] : memref<128x128xf32, #tpu.memory_space<vmem>>, vector<128x128xf32>
    tpu.vector_store %arg6[%swap3A, %swap3A_22], %reshape3A {strides = array<i32>} : memref<128x128xf32, #tpu.memory_space<vmem>>, vector<128x128xf32>,
    return
  }
  func.func @transform_0(%arg0: i32) -> (i32, i32) {
    %c0_i32 = arith.constant 0 : i32
    %c0_i32_0 = arith.constant 0 : i32
    return %arg0, %c0_i32 : i32, i32
  }
  func.func @transform_1(%arg0: i32) -> (i32, i32) {
    %c0_i32 = arith.constant 0 : i32
    %c0_i32_0 = arith.constant 0 : i32
    %c0_i32_1 = arith.constant 0 : i32
    return %c0_i32, %c0_i32_0 : i32, i32
  }
  func.func @transform_2(%arg0: i32) -> (i32, i32) {
    %c0_i32 = arith.constant 0 : i32
    %c0_i32_0 = arith.constant 0 : i32
    %c0_i32_1 = arith.constant 0 : i32
    return %c0_i32, %c0_i32_0 : i32, i32
  }
  func.func @transform_3(%arg0: i32) -> (i32, i32) {
    %c0_i32 = arith.constant 0 : i32
    %c0_i32_0 = arith.constant 0 : i32
    %c0_i32_1 = arith.constant 0 : i32
    return %c0_i32, %c0_i32_0 : i32, i32
  }
  func.func @transform_4(%arg0: i32) -> (i32, i32) {
    %c0_i32 = arith.constant 0 : i32
    %c0_i32_0 = arith.constant 0 : i32
    %c0_i32_1 = arith.constant 0 : i32
    return %c0_i32, %c0_i32_0 : i32, i32
  }
  func.func @transform_5(%arg0: i32) -> (i32, i32) {
    %c0_i32 = arith.constant 0 : i32
    %c0_i32_0 = arith.constant 0 : i32
    return %arg0, %c0_i32 : i32, i32
  }
}

module attributes {stable_mosaic.version = 14 : i64} {
  func.func @body(%arg0: i32, %arg1: memref<512x256xf32, #tpu.memory_space<vmem>>, %arg2: memref<512x200xf32, #tpu.memory_space<vmem>>, %arg3: memref<1x1xf32, #tpu.memory_space<vmem>>, %arg4: memref<512x200xf32, #tpu.memory_space<vmem>>) attributes {dimension_semantics = [#tpu.dimension_semantics<arbitrary>], iteration_bounds = array<i64: 32>, scalar_prefetch = 0 : i64, scratch_operands = 0 : i64, tpu.core_type = #tpu.core_type<tc>, window_params = [{transform_indices = @transform_0, window_bounds = array<i64: 512, 256>}, {transform_indices = @transform_1, window_bounds = array<i64: 512, 200>}, {pipeline_mode = #tpu.pipeline_mode<synchronous>, transform_indices = @transform_2, window_bounds = array<i64: 1, 1>}, {transform_indices = @transform_3, window_bounds = array<i64: 512, 200>}]} {
    %get3A = arith.constant 0 : index
    %get3A_0 = arith.constant 0 : index
    %get3A_1 = vector.load %arg1[%get3A, %get3A_0] : memref<512x256xf32, #tpu.memory_space<vmem>>, vector<512x200xf32>
    %get3A_2 = arith.constant 0 : index
    %get3A_3 = arith.constant 0 : index
    %get3A_4 = vector.load %arg2[%get3A_2, %get3A_3] : memref<512x200xf32, #tpu.memory_space<vmem>>, vector<512x200xf32>
    %get3A_5 = arith.constant 0 : index
    %get3A_6 = arith.constant 0 : index
    %get3A_7 = vector.load %arg3[%get3A_5, %get3A_6] : memref<1x1xf32, #tpu.memory_space<vmem>>, vector<1x1xf32>
    %mul3A = vector.broadcast %get3A_7 : vector<1x1xf32> to vector<512x200xf32>
    %mul3A_8 = arith.mulf %get3A_4, %mul3A : vector<512x200xf32>
    %add3A = arith.addf %get3A_1, %mul3A_8 : vector<512x200xf32>
    %swap3A = arith.constant 0 : index
    %swap3A_9 = arith.constant 0 : index
    %swap3A_10 = vector.load %arg4[%swap3A, %swap3A_9] : memref<512x200xf32, #tpu.memory_space<vmem>>, vector<512x200xf32>
    tpu.vector_store %arg4[%swap3A, %swap3A_9], %add3A {strides = array<i32>} : memref<512x200xf32, #tpu.memory_space<vmem>>, vector<512x200xf32>,
    return
  }
  func.func @transform_0(%arg0: i32) -> (i32, i32) {
    %c0_i32 = arith.constant 0 : i32
    %c0_i32_0 = arith.constant 0 : i32
    return %arg0, %c0_i32 : i32, i32
  }
  func.func @transform_1(%arg0: i32) -> (i32, i32) {
    %c0_i32 = arith.constant 0 : i32
    %c0_i32_0 = arith.constant 0 : i32
    return %arg0, %c0_i32 : i32, i32
  }
  func.func @transform_2(%arg0: i32) -> (i32, i32) {
    %c0_i32 = arith.constant 0 : i32
    %c0_i32_0 = arith.constant 0 : i32
    %c0_i32_1 = arith.constant 0 : i32
    return %c0_i32, %c0_i32_0 : i32, i32
  }
  func.func @transform_3(%arg0: i32) -> (i32, i32) {
    %c0_i32 = arith.constant 0 : i32
    %c0_i32_0 = arith.constant 0 : i32
    return %arg0, %c0_i32 : i32, i32
  }
}

</mosaic_0001>

<sc_bundles>
// kernel: kernel.5.cloned.1.call-start
scs
__scs_entry_jumppad:
0x0: {  	(pc) =	sbr.rel $0x88, $3  }
0x1: {  	(tag) =	ssettag $0x0;
	lr =	simm.s32 $0x1  }
0x2: {  	[smem:$0x3F9A] =	sst lr;
	_ =	strace $0xD0000000  }
0x3: {  	_ = 	snop  }
0x4: {  	_ = 	snop  }
0x5: {  	_ = 	snop  }
0x6: {  	_ = 	snop  }
0x7: {  	_ = 	snop  }
__scs_overlays_trampoline_lowered:
0x8: {  	[smem:$0x3FA9] =	sst s0  }
0x9: {  	[smem:$0x3FAA] =	sst s1  }
0xa: {  	[smem:$0x3FAB] =	sst s2  }
0xb: {  	[smem:$0x3FAC] =	sst s3  }
0xc: {  	[smem:$0x3FAD] =	sst s4  }
0xd: {  	[smem:$0x3FAE] =	sst s5  }
0xe: {  	[smem:$0x3FAF] =	sst s6  }
0xf: {  	[smem:$0x3FB0] =	sst s7  }
0x10: {  	[smem:$0x3FB1] =	sst s8  }
0x11: {  	[smem:$0x3FB2] =	sst s9;
	s0 =	simm.s32 @!p0 $0x0  }
0x12: {  	s1 =	sld [smem:$0x3F98];
	s0 =	simm.s32 @p0 $0x1  }
0x13: {  	[smem:$0x3FB3] =	sst s0;
	s0 =	simm.s32 @!p1 $0x0  }
0x14: {  	s2 =	sld [smem:$0x3F97];
	s0 =	simm.s32 @p1 $0x1  }
0x15: {  	[smem:$0x3FB4] =	sst s0;
	s0 =	simm.s32 @!p2 $0x0  }
0x16: {  	s3 =	sld [smem:$0x3FDB];
	s0 =	simm.s32 @p2 $0x1  }
0x17: {  	s4 =	simm.s32 $0x1BF5;
	[smem:$0x3FB6] =	sst s0  }
0x18: {  	s0 =	sld [smem:$0x3F99];
	_ =	swait.ge [sflag:s4], $0x0  }
0x19: {  	s7 =	sld [smem:$0x3F9A]  }
0x1a: {  	s8 =	sadd.s32 $0xFFFFE003, lr  }
0x1b: {  	s9 =	sadd.s32 $0xFFFFFEF7, lr;
	s5 =	simm.s32 $0xFFFFFFFF;
	p2 =	slt.u32 s8, $0xFFFFF086  }
0x1c: {  	p1 =	slt.u32 s9, $0xF7A;
	s5 =	simm.s32 @!p2 $0x0  }
0x1d: {  	s5 =	simm.s32 @p1 $0x1;
	p0 =	seq.s32 s7, s2  }
0x1e: {  	s7 =	smul.u32 @!p0 $0xF7A, s2;
	p2 =	seq.s32 @!p0 s5, $0x0  }
0x1f: {  	s9 =	smul.u32 $0xF7A, s1;
	s8 =	simm.s32 @!p0 $0x1BF5;
	p2 =	por !p2, p0  }
0x20: {  	[sflag:s8] =	ssyncset.s32 @!p0 $0xFFFFF086;
	s6 =	sadd.s32 @!p0 s3, s7;
	s7 =	simm.s32 @!p0 $0x108  }
0x21: {  	s3 =	sadd.s32 s3, s9;
	s6 =	sadd.s32 @!p0 $0x88, s6;
	s7 =	simm.s32 @p2 $0x1082  }
0x22: {  	[simem:s7], [sflag:s8] =	dma.local @!p0 [hbm:s6], $0xF7A  }
0x23: {  	s9 =	sor.u32 $0xD0000000, s2;
	s6 =	simm.s32 $0x108;
	_ =	swait.ge @!p0 [sflag:s8], $0x0  }
0x24: {  	s3 =	sadd.s32 $0x88, s3;
	s6 =	simm.s32 @!p1 $0x1082;
	[sflag:s4] =	ssyncset.s32 $0xFFFFF086  }
0x25: {  	[simem:s6], [sflag:s4] =	dma.local [hbm:s3], $0xF7A  }
0x26: {  	[smem:$0x3F9A] =	sst s1;
	(tag) =	ssettag s2;
	_ =	strace s9  }
0x27: {  	s1 =	sld [smem:$0x3FAA]  }
0x28: {  	s2 =	sld [smem:$0x3FAB]  }
0x29: {  	s4 =	sld [smem:$0x3FAD]  }
0x2a: {  	p0 =	seq.s32 s5, $0x0;
	s5 =	sld [smem:$0x3FAE]  }
0x2b: {  	s6 =	sld [smem:$0x3FAF]  }
0x2c: {  	s7 =	sld [smem:$0x3FB0]  }
0x2d: {  	s3 =	simm.s32 $0x108;
	s8 =	sld [smem:$0x3FB1]  }
0x2e: {  	s3 =	simm.s32 @!p0 $0x1082;
	s9 =	sld [smem:$0x3FB2]  }
0x2f: {  	lr =	sadd.s32 s0, s3;
	s0 =	sld [smem:$0x3FA9]  }
0x30: {  	s3 =	sld [smem:$0x3FAC]  }
0x31: {  	[smem:$0x3FB5] =	sst s10  }
0x32: {  	s10 =	sld [smem:$0x3FB3];
	_ =	sdelay $0x3  }
0x33: {  	p0 =	seq.s32 s10, $0x1;
	s10 =	sld [smem:$0x3FB5];
	_ =	sdelay $0x3  }
0x34: {  	[smem:$0x3FB5] =	sst s10  }
0x35: {  	s10 =	sld [smem:$0x3FB4];
	_ =	sdelay $0x3  }
0x36: {  	p1 =	seq.s32 s10, $0x1;
	s10 =	sld [smem:$0x3FB5];
	_ =	sdelay $0x3  }
0x37: {  	[smem:$0x3FB5] =	sst s10  }
0x38: {  	s10 =	sld [smem:$0x3FB6]  }
0x39: {  	_ = 	snop;
	(pc) =	sbr.ind lr, $3  }
0x3a: {  	_ = 	snop  }
0x3b: {  	_ = 	snop  }
0x3c: {  	p2 =	seq.s32 s10, $0x1;
	s10 =	sld [smem:$0x3FB5]  }
0x3d: {  	_ =	shalt  }
0x3e: {  	_ =	shalt  }
0x3f: {  	_ =	shalt  }
0x40: {  	_ =	shalt  }
0x41: {  	_ =	shalt  }
0x42: {  	_ =	shalt  }
0x43: {  	_ =	shalt  }
0x44: {  	_ =	shalt  }
0x45: {  	_ =	shalt  }
0x46: {  	_ =	shalt  }
0x47: {  	_ =	shalt  }
0x48: {  	_ =	shalt  }
0x49: {  	_ =	shalt  }
0x4a: {  	_ =	shalt  }
0x4b: {  	_ =	shalt  }
0x4c: {  	_ =	shalt  }
0x4d: {  	_ =	shalt  }
0x4e: {  	_ =	shalt  }
0x4f: {  	_ =	shalt  }
0x50: {  	_ =	shalt  }
0x51: {  	_ =	shalt  }
0x52: {  	_ =	shalt  }
0x53: {  	_ =	shalt  }
0x54: {  	_ =	shalt  }
0x55: {  	_ =	shalt  }
0x56: {  	_ =	shalt  }
0x57: {  	_ =	shalt  }
0x58: {  	_ =	shalt  }
0x59: {  	_ =	shalt  }
0x5a: {  	_ =	shalt  }
0x5b: {  	_ =	shalt  }
0x5c: {  	_ =	shalt  }
0x5d: {  	_ =	shalt  }
0x5e: {  	_ =	shalt  }
0x5f: {  	_ =	shalt  }
0x60: {  	_ =	shalt  }
0x61: {  	_ =	shalt  }
0x62: {  	_ =	shalt  }
0x63: {  	_ =	shalt  }
0x64: {  	_ =	shalt  }
0x65: {  	_ =	shalt  }
0x66: {  	_ =	shalt  }
0x67: {  	_ =	shalt  }
0x68: {  	_ =	shalt  }
0x69: {  	_ =	shalt  }
0x6a: {  	_ =	shalt  }
0x6b: {  	_ =	shalt  }
0x6c: {  	_ =	shalt  }
0x6d: {  	_ =	shalt  }
0x6e: {  	_ =	shalt  }
0x6f: {  	_ =	shalt  }
0x70: {  	_ =	shalt  }
0x71: {  	_ =	shalt  }
0x72: {  	_ =	shalt  }
0x73: {  	_ =	shalt  }
0x74: {  	_ =	shalt  }
0x75: {  	_ =	shalt  }
0x76: {  	_ =	shalt  }
0x77: {  	_ =	shalt  }
0x78: {  	_ =	shalt  }
0x79: {  	_ =	shalt  }
0x7a: {  	_ =	shalt  }
0x7b: {  	_ =	shalt  }
0x7c: {  	_ =	shalt  }
0x7d: {  	_ =	shalt  }
0x7e: {  	_ =	shalt  }
0x7f: {  	_ =	shalt  }
0x80: {  	_ =	shalt  }
0x81: {  	_ =	shalt  }
0x82: {  	_ =	shalt  }
0x83: {  	_ =	shalt  }
0x84: {  	_ =	shalt  }
0x85: {  	_ =	shalt  }
0x86: {  	_ =	shalt  }
0x87: {  	_ =	shalt  }
.Lfunc_end0:
.L_simem_size_0:
called_computation_lowered:
.L_overlay_start_0:
0x88: {  	s2 =	sld [smem:$0x3FD9]  }
0x89: {  	s3 =	sld [smem:$0x3FFE];
	_ =	sdelay $0x1  }
0x8a: {  	s1 =	srdreg.scid  }
0x8b: {  	s0 =	sand.u32 $0x1, s1  }
0x8c: {  	s17 =	sshll.u32 s0, $0xA;
	s2 =	sadd.s32 s3, s2  }
0x8d: {  	s2 =	sadd.s32 s2, s17  }
0x8e: {  	[smem:$0x3FC1] =	sst s2  }
0x8f: {  	_ = 	snop  }
0x90: {  	s2 =	sld [smem:$0x3FD0];
	(tm) =	ssettm $0x1  }
0x91: {  	s18 =	sld [smem:$0x3FFB];
	_ =	sdelay $0x3  }
0x92: {  	_ =	strace s18  }
0x93: {  	s3 =	sld [smem:$0x3FFC];
	_ =	sdelay $0x3  }
0x94: {  	_ =	strace s3  }
0x95: {  	s3 =	sld [smem:$0x3FFD];
	_ =	sdelay $0x3  }
0x96: {  	_ =	strace s3  }
0x97: {  	_ =	strace $0x8FFFFFFF  }
0x98: {  	s19 =	sld [smem:$0x3FDB];
	_ =	sdelay $0x1  }
0x99: {  	s4 =	simm.s32 $_scs_section_size  }
0x9a: {  	s5 =	simm.s32 $_size__tile_overlayer_lowered;
	s6 =	simm.s32 $_tile_overlayer_lowered  }
0x9b: {  	s22 =	simm.s32 $0x1BFF;
	s21 =	sshll.u32 s6, $0x1;
	s3 =	sadd.s32 s4, s19  }
0x9c: {  	s7 =	simm.s32 $0x0;
	s20 =	sshll.u32 s5, $0x1;
	s5 =	sadd.s32 s21, s3  }
0x9d: {  	[timem:s7], [sflag:s22] =	dma.local [hbm:s5], s20  }
0x9e: {  	_ =	swait.ge [sflag:s22], s20  }
0x9f: {  	s4 =	ssub.s32 $0x0, s20;
	[sflag:s22] =	ssyncset.done $0x0  }
0xa0: {  	[sflag:s22] =	ssyncadd.s32 s4;
	_ =	sdelay $0x1  }
0xa1: {  	s23 =	simm.s32 $0x1B8B  }
0xa2: {  	_ =	swait.ge [sflag:s23], $0x1  }
0xa3: {  	[sflag:s23] =	ssyncset.done $0x0  }
0xa4: {  	s25 =	simm.s32 $0x1B8E;
	s24 =	sld [smem:$0x3FFE];
	[sflag:s23] =	ssyncadd.s32 $0xFFFFFFFF  }
0xa5: {  	s26 =	simm.s32 $execute0_lowered;
	[smem:$0x3FD2] =	sst s25  }
0xa6: {  	s5 =	sshll.u32 s26, $0x1;
	_ =	strace $0x80000046;
	[dreg:$0x1] =	wrdreg $0xFFFFFFFF  }
0xa7: {  	s28 =	simm.s32 $_size_execute0_lowered;
	s3 =	sadd.s32 s3, s5;
	[dreg:$0x0] =	wrdreg $0x0  }
0xa8: {  	s5 =	sshll.u32 s28, $0x1;
	[dreg:$0x2] =	wrdreg s3  }
0xa9: {  	[dreg:$0x3] =	wrdreg s5  }
0xaa: {  	[dreg:$0x4] =	wrdreg $0xC0  }
0xab: {  	_ =	task [dreg:s7], $0x5FFFF  }
0xac: {  	[dreg:$0x1] =	wrdreg $0xFFFFFFFF  }
0xad: {  	[dreg:$0x0] =	wrdreg $0x60  }
0xae: {  	[dreg:$0x2] =	wrdreg s2  }
0xaf: {  	[dreg:$0x3] =	wrdreg s24  }
0xb0: {  	[dreg:$0x4] =	wrdreg $0x9  }
0xb1: {  	_ =	task.clear_ibuf [dreg:s7], $0x5FFFF;
	_ =	strace $0x90000046  }
0xb2: {  	s29 =	simm.s32 $0x9;
	_ =	strace $0x80000048  }
0xb3: {  	_ =	swait.ge [sflag:s29], $0x1  }
0xb4: {  	[sflag:s29] =	ssyncadd.s32 $0xFFFFFFFF  }
0xb5: {  	_ =	strace $0x90000048  }
0xb6: {  	_ =	sfence  }
0xb7: {  	s30 =	sld [smem:$0x0];
	_ =	sdelay $0x2  }
0xb8: {  	s31 =	sshll.u32 s1, $0xD;
	s1 =	sshrl.u32 s1, $0x2  }
0xb9: {  	s3 =	sand.u32 $0x4000, s31;
	s1 =	sadd.s32 s1, s30  }
0xba: {  	s0 =	sor.u32 s3, s0;
	s1 =	sshll.u32 s1, $0x11  }
0xbb: {  	s0 =	sor.u32 s1, s0  }
0xbc: {  	s0 =	sadd.s32 $0x8F2B, s0  }
0xbd: {  	[sflag:s0] =	ssyncadd.remote.s32 $0x1  }
0xbe: {  	_ =	sfence.sel $0xFFFF  }
0xbf: {  	[dreg:$0x0] =	wrdreg $0xFFFFFFFF;
	(pc) =	sbr.abs _section_cstart, $3  }
0xc0: {  	[dreg:$0x1] =	wrdreg $0xFFFFFFFF  }
0xc1: {  	_ =	task.clear_ibuf [dreg:s7], $0x2FFFF;
	_ =	strace $0x9FFFFFFF  }
0xc2: {  	(tm) =	ssettm $0x7FFFFFFF  }
0xc3: {  	_ =	shalt  }
tec
execute0_lowered:
.L_overlay_start_1:
0x0: {  	(tag) =	ssettag $0x1  }
0x1: {  	s1 =	rddreg [dreg:$0x0]  }
0x2: {  	s0 =	rddreg [dreg:$0x1];
	s2 =	simm.s32 $0x0;
	s3 =	srdreg.scid  }
0x3: {  	s7 =	stileid.u32;
	s17 =	simm.s32 $0x1000;
	s18 =	simm.s32 $0x1800  }
0x4: {  	s11 =	simm.s32 $0x2100;
	s16 =	simm.s32 $0x180;
	s30 =	simm.s32 $0x5  }
0x5: {  	s31 =	simm.s32 $0x3;
	s15 =	simm.s32 $0x1700;
	s28 =	simm.s32 $0x8  }
0x6: {  	s29 =	simm.s32 $0xA;
	[smem:$0x7FF] =	sst s2;
	s3 =	sand.u32 $0x1, s3  }
0x7: {  	s4 =	sadd.s32 $0x81000, s0;
	s7 =	sshll.u32 s7, $0xF;
	s5 =	ssub.s32 $0x2, s3  }
0x8: {  	s0 =	sadd.s32 $0x1000, s0;
	s3 =	sshll.u32 s3, $0xE;
	s6 =	sshrl.u32 s5, $0x1  }
0x9: {  	_ =	strace $0x80000047;
	s19 =	sor.u32 s3, s7;
	s5 =	ssub.s32 s5, s6  }
0xa: {  	s14 =	sadd.s32 s4, s19;
	s8 =	sor.u32 $0x100, s19;
	s10 =	sor.u32 $0x200, s19  }
0xb: {  	s12 =	sor.u32 $0x300, s19;
	s21 =	sadd.s32 s0, s19;
	s6 =	simm.s32 $0x800  }
0xc: {  	s19 =	simm.s32 $0x2000;
	s9 =	sadd.s32 s4, s8;
	s20 =	sadd.s32 s4, s10  }
0xd: {  	s4 =	sadd.s32 s4, s12;
	[dreg:$0x8] =	wrdreg s21;
	s22 =	sadd.s32 s0, s8  }
0xe: {  	s23 =	sadd.s32 $0x500, s14;
	s24 =	sadd.s32 s0, s10;
	[dreg:$0x4] =	wrdreg s14  }
0xf: {  	s13 =	sadd.s32 $0x600, s14;
	s25 =	sadd.s32 s0, s12;
	[dreg:$0x5] =	wrdreg s9  }
0x10: {  	s0 =	sadd.s32 s7, s0;
	s26 =	smax.u32 s5, $0x1;
	[dreg:$0x6] =	wrdreg s20  }
0x11: {  	s21 =	simm.s32 $0x80;
	s5 =	simm.s32 $0x2;
	[dreg:$0x7] =	wrdreg s4  }
0x12: {  	s8 =	simm.s32 $0x6;
	s7 =	simm.s32 $0xC;
	[dreg:$0x9] =	wrdreg s22  }
0x13: {  	s12 =	simm.s32 $0x4;
	s9 =	sadd.s32 $0x400, s14;
	[dreg:$0xa] =	wrdreg s24  }
0x14: {  	s10 =	smov.u32 s23;
	[dreg:$0xb] =	wrdreg s25;
	s23 =	sadd.s32 $0x700, s14  }
0x15: {  	[dreg:$0xc] =	wrdreg s26;
	s0 =	sadd.s32 s3, s0;
	s20 =	simm.s32 $0x1  }
0x16: {  	s24 =	simm.s32 $0x2080;
	s22 =	simm.s32 $0x2180;
	s14 =	simm.s32 $0x200  }
0x17: {  	s25 =	simm.s32 $0x7;
	s26 =	simm.s32 $0x9;
	[dreg:$0x3] =	wrdreg s0  }
0x18: {  	s3 =	simm.s32 $0xB;
	s0 =	simm.s32 $0x0;
	[dreg:$0xe] =	wrdreg s10  }
.LBB2_1:
0x19: {  	[dreg:$0xd] =	wrdreg s0  }
0x1a: {  	s4 =	rddreg [dreg:$0x4]  }
0x1b: {  	[tilespmem:s2], [sflag:$0x1] =	stream.linear.gather [hbm4b:s4+s2], $0x800, $0x38;
	[tilespmem:$0x4000] =	vst v63  }
0x1c: {  	s4 =	rddreg [dreg:$0x5]  }
0x1d: {  	[tilespmem:s6], [sflag:$0x2] =	stream.linear.gather [hbm4b:s4+s2], $0x800, $0x38;
	[tilespmem:$0x4000] =	vst v63  }
0x1e: {  	s4 =	rddreg [dreg:$0x6]  }
0x1f: {  	[tilespmem:s17], [sflag:$0x3] =	stream.linear.gather [hbm4b:s4+s2], $0x800, $0x38;
	[tilespmem:$0x4000] =	vst v63  }
0x20: {  	s4 =	rddreg [dreg:$0x7]  }
0x21: {  	[tilespmem:s18], [sflag:$0x4] =	stream.linear.gather [hbm4b:s4+s2], $0x800, $0x38;
	[tilespmem:$0x4000] =	vst v63  }
0x22: {  	_ =	swait.ge [sflag:s20], $0x800  }
0x23: {  	[sflag:s20] =	ssyncset.done $0x0  }
0x24: {  	[sflag:s20] =	ssyncadd.s32 $0xFFFFF800  }
0x25: {  	[tilespmem:s19], [sflag:$0x5] =	stream.indirect.gather [hbm4b:s1+s21], $0x1, s2, s21, $0xb8;
	[tilespmem:$0x4000] =	vst v63  }
0x26: {  	_ = 	snop  }
0x27: {  	[tilespmem:s24], [sflag:$0x5] =	stream.indirect.gather [hbm4b:s1+s21], $0x1, s21, s21, $0xb8;
	[tilespmem:$0x4000] =	vst v63  }
0x28: {  	s0 =	simm.s32 $0x100  }
0x29: {  	[tilespmem:s11], [sflag:$0x5] =	stream.indirect.gather [hbm4b:s1+s21], $0x1, s0, s21, $0xb8;
	[tilespmem:$0x4000] =	vst v63  }
0x2a: {  	_ = 	snop  }
0x2b: {  	[tilespmem:s22], [sflag:$0x5] =	stream.indirect.gather [hbm4b:s1+s21], $0x1, s16, s21, $0xb8;
	[tilespmem:$0x4000] =	vst v63  }
0x2c: {  	s4 =	simm.s32 $0x2200  }
0x2d: {  	[tilespmem:s4], [sflag:$0x5] =	stream.indirect.gather [hbm4b:s1+s21], $0x1, s14, s21, $0xb8;
	[tilespmem:$0x4000] =	vst v63  }
0x2e: {  	s0 =	simm.s32 $0x280;
	s4 =	simm.s32 $0x2280  }
0x2f: {  	[tilespmem:s4], [sflag:$0x5] =	stream.indirect.gather [hbm4b:s1+s21], $0x1, s0, s21, $0xb8;
	[tilespmem:$0x4000] =	vst v63  }
0x30: {  	s0 =	simm.s32 $0x300;
	s4 =	simm.s32 $0x2300  }
0x31: {  	[tilespmem:s4], [sflag:$0x5] =	stream.indirect.gather [hbm4b:s1+s21], $0x1, s0, s21, $0xb8;
	[tilespmem:$0x4000] =	vst v63  }
0x32: {  	s0 =	simm.s32 $0x380;
	s4 =	simm.s32 $0x2380  }
0x33: {  	[tilespmem:s4], [sflag:$0x5] =	stream.indirect.gather [hbm4b:s1+s21], $0x1, s0, s21, $0xb8;
	[tilespmem:$0x4000] =	vst v63  }
0x34: {  	s0 =	simm.s32 $0x400;
	s4 =	simm.s32 $0x2400  }
0x35: {  	[tilespmem:s4], [sflag:$0x5] =	stream.indirect.gather [hbm4b:s1+s21], $0x1, s0, s21, $0xb8;
	[tilespmem:$0x4000] =	vst v63  }
0x36: {  	s0 =	simm.s32 $0x480;
	s4 =	simm.s32 $0x2480  }
0x37: {  	[tilespmem:s4], [sflag:$0x5] =	stream.indirect.gather [hbm4b:s1+s21], $0x1, s0, s21, $0xb8;
	[tilespmem:$0x4000] =	vst v63  }
0x38: {  	s0 =	simm.s32 $0x500;
	s4 =	simm.s32 $0x2500  }
0x39: {  	[tilespmem:s4], [sflag:$0x5] =	stream.indirect.gather [hbm4b:s1+s21], $0x1, s0, s21, $0xb8;
	[tilespmem:$0x4000] =	vst v63  }
0x3a: {  	s0 =	simm.s32 $0x580;
	s4 =	simm.s32 $0x2580  }
0x3b: {  	[tilespmem:s4], [sflag:$0x5] =	stream.indirect.gather [hbm4b:s1+s21], $0x1, s0, s21, $0xb8;
	[tilespmem:$0x4000] =	vst v63  }
0x3c: {  	s0 =	simm.s32 $0x600;
	s4 =	simm.s32 $0x2600  }
0x3d: {  	[tilespmem:s4], [sflag:$0x5] =	stream.indirect.gather [hbm4b:s1+s21], $0x1, s0, s21, $0xb8;
	[tilespmem:$0x4000] =	vst v63  }
0x3e: {  	s0 =	simm.s32 $0x680;
	s4 =	simm.s32 $0x2680  }
0x3f: {  	[tilespmem:s4], [sflag:$0x5] =	stream.indirect.gather [hbm4b:s1+s21], $0x1, s0, s21, $0xb8;
	[tilespmem:$0x4000] =	vst v63  }
0x40: {  	s0 =	simm.s32 $0x700;
	s4 =	simm.s32 $0x2700  }
0x41: {  	[tilespmem:s4], [sflag:$0x5] =	stream.indirect.gather [hbm4b:s1+s21], $0x1, s0, s21, $0xb8;
	[tilespmem:$0x4000] =	vst v63  }
0x42: {  	s0 =	simm.s32 $0x780;
	s4 =	simm.s32 $0x2780  }
0x43: {  	[tilespmem:s4], [sflag:$0x5] =	stream.indirect.gather [hbm4b:s1+s21], $0x1, s0, s21, $0xb8;
	[tilespmem:$0x4000] =	vst v63  }
0x44: {  	_ =	swait.ge [sflag:s5], $0x800  }
0x45: {  	[sflag:s5] =	ssyncset.done $0x0  }
0x46: {  	s4 =	simm.s32 $0x2800;
	[sflag:s5] =	ssyncadd.s32 $0xFFFFF800  }
0x47: {  	[tilespmem:s4], [sflag:$0x6] =	stream.indirect.gather [hbm4b:s1+s21], $0x1, s6, s21, $0xb8;
	[tilespmem:$0x4000] =	vst v63  }
0x48: {  	s0 =	simm.s32 $0x880;
	s4 =	simm.s32 $0x2880  }
0x49: {  	[tilespmem:s4], [sflag:$0x6] =	stream.indirect.gather [hbm4b:s1+s21], $0x1, s0, s21, $0xb8;
	[tilespmem:$0x4000] =	vst v63  }
0x4a: {  	s0 =	simm.s32 $0x900;
	s4 =	simm.s32 $0x2900  }
0x4b: {  	[tilespmem:s4], [sflag:$0x6] =	stream.indirect.gather [hbm4b:s1+s21], $0x1, s0, s21, $0xb8;
	[tilespmem:$0x4000] =	vst v63  }
0x4c: {  	s0 =	simm.s32 $0x980;
	s4 =	simm.s32 $0x2980  }
0x4d: {  	[tilespmem:s4], [sflag:$0x6] =	stream.indirect.gather [hbm4b:s1+s21], $0x1, s0, s21, $0xb8;
	[tilespmem:$0x4000] =	vst v63  }
0x4e: {  	s0 =	simm.s32 $0xA00;
	s4 =	simm.s32 $0x2A00  }
0x4f: {  	[tilespmem:s4], [sflag:$0x6] =	stream.indirect.gather [hbm4b:s1+s21], $0x1, s0, s21, $0xb8;
	[tilespmem:$0x4000] =	vst v63  }
0x50: {  	s0 =	simm.s32 $0xA80;
	s4 =	simm.s32 $0x2A80  }
0x51: {  	[tilespmem:s4], [sflag:$0x6] =	stream.indirect.gather [hbm4b:s1+s21], $0x1, s0, s21, $0xb8;
	[tilespmem:$0x4000] =	vst v63  }
0x52: {  	s0 =	simm.s32 $0xB00;
	s4 =	simm.s32 $0x2B00  }
0x53: {  	[tilespmem:s4], [sflag:$0x6] =	stream.indirect.gather [hbm4b:s1+s21], $0x1, s0, s21, $0xb8;
	[tilespmem:$0x4000] =	vst v63  }
0x54: {  	s0 =	simm.s32 $0xB80;
	s4 =	simm.s32 $0x2B80  }
0x55: {  	[tilespmem:s4], [sflag:$0x6] =	stream.indirect.gather [hbm4b:s1+s21], $0x1, s0, s21, $0xb8;
	[tilespmem:$0x4000] =	vst v63  }
0x56: {  	s0 =	simm.s32 $0xC00;
	s4 =	simm.s32 $0x2C00  }
0x57: {  	[tilespmem:s4], [sflag:$0x6] =	stream.indirect.gather [hbm4b:s1+s21], $0x1, s0, s21, $0xb8;
	[tilespmem:$0x4000] =	vst v63  }
0x58: {  	s0 =	simm.s32 $0xC80;
	s4 =	simm.s32 $0x2C80  }
0x59: {  	[tilespmem:s4], [sflag:$0x6] =	stream.indirect.gather [hbm4b:s1+s21], $0x1, s0, s21, $0xb8;
	[tilespmem:$0x4000] =	vst v63  }
0x5a: {  	s0 =	simm.s32 $0xD00;
	s4 =	simm.s32 $0x2D00  }
0x5b: {  	[tilespmem:s4], [sflag:$0x6] =	stream.indirect.gather [hbm4b:s1+s21], $0x1, s0, s21, $0xb8;
	[tilespmem:$0x4000] =	vst v63  }
0x5c: {  	s0 =	simm.s32 $0xD80;
	s4 =	simm.s32 $0x2D80  }
0x5d: {  	[tilespmem:s4], [sflag:$0x6] =	stream.indirect.gather [hbm4b:s1+s21], $0x1, s0, s21, $0xb8;
	[tilespmem:$0x4000] =	vst v63  }
0x5e: {  	s0 =	simm.s32 $0xE00;
	s4 =	simm.s32 $0x2E00  }
0x5f: {  	[tilespmem:s4], [sflag:$0x6] =	stream.indirect.gather [hbm4b:s1+s21], $0x1, s0, s21, $0xb8;
	[tilespmem:$0x4000] =	vst v63  }
0x60: {  	s0 =	simm.s32 $0xE80;
	s4 =	simm.s32 $0x2E80  }
0x61: {  	[tilespmem:s4], [sflag:$0x6] =	stream.indirect.gather [hbm4b:s1+s21], $0x1, s0, s21, $0xb8;
	[tilespmem:$0x4000] =	vst v63  }
0x62: {  	s0 =	simm.s32 $0xF00;
	s4 =	simm.s32 $0x2F00  }
0x63: {  	[tilespmem:s4], [sflag:$0x6] =	stream.indirect.gather [hbm4b:s1+s21], $0x1, s0, s21, $0xb8;
	[tilespmem:$0x4000] =	vst v63  }
0x64: {  	s0 =	simm.s32 $0xF80;
	s4 =	simm.s32 $0x2F80  }
0x65: {  	[tilespmem:s4], [sflag:$0x6] =	stream.indirect.gather [hbm4b:s1+s21], $0x1, s0, s21, $0xb8;
	[tilespmem:$0x4000] =	vst v63  }
0x66: {  	_ =	swait.ge [sflag:s30], $0x800  }
0x67: {  	[sflag:s30] =	ssyncset.done $0x0  }
0x68: {  	s0 =	rddreg [dreg:$0x8];
	[sflag:s30] =	ssyncadd.s32 $0xFFFFF800  }
0x69: {  	[hbm4b:s0+s2] =	stream.linear.scatter [tilespmem:s19], [sflag:$0x9], $0x800, $0x38;
	[tilespmem:$0x4000] =	vst v63  }
0x6a: {  	_ = 	snop  }
0x6b: {  	[tilespmem:s2], [sflag:$0x1] =	stream.linear.gather [hbm4b:s9+s2], $0x800, $0x38;
	[tilespmem:$0x4000] =	vst v63  }
0x6c: {  	_ =	swait.ge [sflag:s31], $0x800  }
0x6d: {  	[sflag:s31] =	ssyncset.done $0x0  }
0x6e: {  	s4 =	simm.s32 $0x3000;
	[sflag:s31] =	ssyncadd.s32 $0xFFFFF800  }
0x6f: {  	[tilespmem:s4], [sflag:$0x7] =	stream.indirect.gather [hbm4b:s1+s21], $0x1, s17, s21, $0xb8;
	[tilespmem:$0x4000] =	vst v63  }
0x70: {  	s0 =	simm.s32 $0x1080;
	s4 =	simm.s32 $0x3080  }
0x71: {  	[tilespmem:s4], [sflag:$0x7] =	stream.indirect.gather [hbm4b:s1+s21], $0x1, s0, s21, $0xb8;
	[tilespmem:$0x4000] =	vst v63  }
0x72: {  	s0 =	simm.s32 $0x1100;
	s4 =	simm.s32 $0x3100  }
0x73: {  	[tilespmem:s4], [sflag:$0x7] =	stream.indirect.gather [hbm4b:s1+s21], $0x1, s0, s21, $0xb8;
	[tilespmem:$0x4000] =	vst v63  }
0x74: {  	s0 =	simm.s32 $0x1180;
	s4 =	simm.s32 $0x3180  }
0x75: {  	[tilespmem:s4], [sflag:$0x7] =	stream.indirect.gather [hbm4b:s1+s21], $0x1, s0, s21, $0xb8;
	[tilespmem:$0x4000] =	vst v63  }
0x76: {  	s0 =	simm.s32 $0x1200;
	s4 =	simm.s32 $0x3200  }
0x77: {  	[tilespmem:s4], [sflag:$0x7] =	stream.indirect.gather [hbm4b:s1+s21], $0x1, s0, s21, $0xb8;
	[tilespmem:$0x4000] =	vst v63  }
0x78: {  	s0 =	simm.s32 $0x1280;
	s4 =	simm.s32 $0x3280  }
0x79: {  	[tilespmem:s4], [sflag:$0x7] =	stream.indirect.gather [hbm4b:s1+s21], $0x1, s0, s21, $0xb8;
	[tilespmem:$0x4000] =	vst v63  }
0x7a: {  	s0 =	simm.s32 $0x1300;
	s4 =	simm.s32 $0x3300  }
0x7b: {  	[tilespmem:s4], [sflag:$0x7] =	stream.indirect.gather [hbm4b:s1+s21], $0x1, s0, s21, $0xb8;
	[tilespmem:$0x4000] =	vst v63  }
0x7c: {  	s0 =	simm.s32 $0x1380;
	s4 =	simm.s32 $0x3380  }
0x7d: {  	[tilespmem:s4], [sflag:$0x7] =	stream.indirect.gather [hbm4b:s1+s21], $0x1, s0, s21, $0xb8;
	[tilespmem:$0x4000] =	vst v63  }
0x7e: {  	s0 =	simm.s32 $0x1400;
	s4 =	simm.s32 $0x3400  }
0x7f: {  	[tilespmem:s4], [sflag:$0x7] =	stream.indirect.gather [hbm4b:s1+s21], $0x1, s0, s21, $0xb8;
	[tilespmem:$0x4000] =	vst v63  }
0x80: {  	s0 =	simm.s32 $0x1480;
	s4 =	simm.s32 $0x3480  }
0x81: {  	[tilespmem:s4], [sflag:$0x7] =	stream.indirect.gather [hbm4b:s1+s21], $0x1, s0, s21, $0xb8;
	[tilespmem:$0x4000] =	vst v63  }
0x82: {  	s0 =	simm.s32 $0x1500;
	s4 =	simm.s32 $0x3500  }
0x83: {  	[tilespmem:s4], [sflag:$0x7] =	stream.indirect.gather [hbm4b:s1+s21], $0x1, s0, s21, $0xb8;
	[tilespmem:$0x4000] =	vst v63  }
0x84: {  	s0 =	simm.s32 $0x1580;
	s4 =	simm.s32 $0x3580  }
0x85: {  	[tilespmem:s4], [sflag:$0x7] =	stream.indirect.gather [hbm4b:s1+s21], $0x1, s0, s21, $0xb8;
	[tilespmem:$0x4000] =	vst v63  }
0x86: {  	s0 =	simm.s32 $0x1600;
	s4 =	simm.s32 $0x3600  }
0x87: {  	[tilespmem:s4], [sflag:$0x7] =	stream.indirect.gather [hbm4b:s1+s21], $0x1, s0, s21, $0xb8;
	[tilespmem:$0x4000] =	vst v63  }
0x88: {  	s0 =	simm.s32 $0x1680;
	s4 =	simm.s32 $0x3680  }
0x89: {  	[tilespmem:s4], [sflag:$0x7] =	stream.indirect.gather [hbm4b:s1+s21], $0x1, s0, s21, $0xb8;
	[tilespmem:$0x4000] =	vst v63  }
0x8a: {  	s4 =	simm.s32 $0x3700  }
0x8b: {  	[tilespmem:s4], [sflag:$0x7] =	stream.indirect.gather [hbm4b:s1+s21], $0x1, s15, s21, $0xb8;
	[tilespmem:$0x4000] =	vst v63  }
0x8c: {  	s4 =	simm.s32 $0x1780;
	s15 =	simm.s32 $0x3780  }
0x8d: {  	[tilespmem:s15], [sflag:$0x7] =	stream.indirect.gather [hbm4b:s1+s21], $0x1, s4, s21, $0xb8;
	[tilespmem:$0x4000] =	vst v63  }
0x8e: {  	_ =	swait.ge [sflag:s8], $0x800  }
0x8f: {  	[sflag:s8] =	ssyncset.done $0x0  }
0x90: {  	s0 =	simm.s32 $0x2800;
	s15 =	rddreg [dreg:$0x9];
	[sflag:s8] =	ssyncadd.s32 $0xFFFFF800  }
0x91: {  	[hbm4b:s15+s2] =	stream.linear.scatter [tilespmem:s0], [sflag:$0xA], $0x800, $0x38;
	[tilespmem:$0x4000] =	vst v63  }
0x92: {  	_ = 	snop  }
0x93: {  	[tilespmem:s6], [sflag:$0x2] =	stream.linear.gather [hbm4b:s10+s2], $0x800, $0x38;
	[tilespmem:$0x4000] =	vst v63  }
0x94: {  	_ =	swait.ge [sflag:s12], $0x800  }
0x95: {  	[sflag:s12] =	ssyncset.done $0x0  }
0x96: {  	s15 =	simm.s32 $0x3800;
	[sflag:s12] =	ssyncadd.s32 $0xFFFFF800  }
0x97: {  	[tilespmem:s15], [sflag:$0x8] =	stream.indirect.gather [hbm4b:s1+s21], $0x1, s18, s21, $0xb8;
	[tilespmem:$0x4000] =	vst v63  }
0x98: {  	s4 =	simm.s32 $0x1880;
	s10 =	simm.s32 $0x3880  }
0x99: {  	[tilespmem:s10], [sflag:$0x8] =	stream.indirect.gather [hbm4b:s1+s21], $0x1, s4, s21, $0xb8;
	[tilespmem:$0x4000] =	vst v63  }
0x9a: {  	s4 =	simm.s32 $0x1900;
	s10 =	simm.s32 $0x3900  }
0x9b: {  	[tilespmem:s10], [sflag:$0x8] =	stream.indirect.gather [hbm4b:s1+s21], $0x1, s4, s21, $0xb8;
	[tilespmem:$0x4000] =	vst v63  }
0x9c: {  	s4 =	simm.s32 $0x1980;
	s10 =	simm.s32 $0x3980  }
0x9d: {  	[tilespmem:s10], [sflag:$0x8] =	stream.indirect.gather [hbm4b:s1+s21], $0x1, s4, s21, $0xb8;
	[tilespmem:$0x4000] =	vst v63  }
0x9e: {  	s4 =	simm.s32 $0x1A00;
	s10 =	simm.s32 $0x3A00  }
0x9f: {  	[tilespmem:s10], [sflag:$0x8] =	stream.indirect.gather [hbm4b:s1+s21], $0x1, s4, s21, $0xb8;
	[tilespmem:$0x4000] =	vst v63  }
0xa0: {  	s4 =	simm.s32 $0x1A80;
	s10 =	simm.s32 $0x3A80  }
0xa1: {  	[tilespmem:s10], [sflag:$0x8] =	stream.indirect.gather [hbm4b:s1+s21], $0x1, s4, s21, $0xb8;
	[tilespmem:$0x4000] =	vst v63  }
0xa2: {  	s4 =	simm.s32 $0x1B00;
	s10 =	simm.s32 $0x3B00  }
0xa3: {  	[tilespmem:s10], [sflag:$0x8] =	stream.indirect.gather [hbm4b:s1+s21], $0x1, s4, s21, $0xb8;
	[tilespmem:$0x4000] =	vst v63  }
0xa4: {  	s4 =	simm.s32 $0x1B80;
	s10 =	simm.s32 $0x3B80  }
0xa5: {  	[tilespmem:s10], [sflag:$0x8] =	stream.indirect.gather [hbm4b:s1+s21], $0x1, s4, s21, $0xb8;
	[tilespmem:$0x4000] =	vst v63  }
0xa6: {  	s4 =	simm.s32 $0x1C00;
	s10 =	simm.s32 $0x3C00  }
0xa7: {  	[tilespmem:s10], [sflag:$0x8] =	stream.indirect.gather [hbm4b:s1+s21], $0x1, s4, s21, $0xb8;
	[tilespmem:$0x4000] =	vst v63  }
0xa8: {  	s4 =	simm.s32 $0x1C80;
	s10 =	simm.s32 $0x3C80  }
0xa9: {  	[tilespmem:s10], [sflag:$0x8] =	stream.indirect.gather [hbm4b:s1+s21], $0x1, s4, s21, $0xb8;
	[tilespmem:$0x4000] =	vst v63  }
0xaa: {  	s4 =	simm.s32 $0x1D00;
	s10 =	simm.s32 $0x3D00  }
0xab: {  	[tilespmem:s10], [sflag:$0x8] =	stream.indirect.gather [hbm4b:s1+s21], $0x1, s4, s21, $0xb8;
	[tilespmem:$0x4000] =	vst v63  }
0xac: {  	s4 =	simm.s32 $0x1D80;
	s10 =	simm.s32 $0x3D80  }
0xad: {  	[tilespmem:s10], [sflag:$0x8] =	stream.indirect.gather [hbm4b:s1+s21], $0x1, s4, s21, $0xb8;
	[tilespmem:$0x4000] =	vst v63  }
0xae: {  	s4 =	simm.s32 $0x1E00;
	s10 =	simm.s32 $0x3E00  }
0xaf: {  	[tilespmem:s10], [sflag:$0x8] =	stream.indirect.gather [hbm4b:s1+s21], $0x1, s4, s21, $0xb8;
	[tilespmem:$0x4000] =	vst v63  }
0xb0: {  	s4 =	simm.s32 $0x1E80;
	s10 =	simm.s32 $0x3E80  }
0xb1: {  	[tilespmem:s10], [sflag:$0x8] =	stream.indirect.gather [hbm4b:s1+s21], $0x1, s4, s21, $0xb8;
	[tilespmem:$0x4000] =	vst v63  }
0xb2: {  	s4 =	simm.s32 $0x1F00;
	s10 =	simm.s32 $0x3F00  }
0xb3: {  	[tilespmem:s10], [sflag:$0x8] =	stream.indirect.gather [hbm4b:s1+s21], $0x1, s4, s21, $0xb8;
	[tilespmem:$0x4000] =	vst v63  }
0xb4: {  	s4 =	simm.s32 $0x1F80;
	s10 =	simm.s32 $0x3F80  }
0xb5: {  	[tilespmem:s10], [sflag:$0x8] =	stream.indirect.gather [hbm4b:s1+s21], $0x1, s4, s21, $0xb8;
	[tilespmem:$0x4000] =	vst v63  }
0xb6: {  	_ =	swait.ge [sflag:s25], $0x800  }
0xb7: {  	[sflag:s25] =	ssyncset.done $0x0  }
0xb8: {  	s10 =	simm.s32 $0x3000;
	s4 =	rddreg [dreg:$0xa];
	[sflag:s25] =	ssyncadd.s32 $0xFFFFF800  }
0xb9: {  	[hbm4b:s4+s2] =	stream.linear.scatter [tilespmem:s10], [sflag:$0xB], $0x800, $0x38;
	[tilespmem:$0x4000] =	vst v63  }
0xba: {  	_ = 	snop  }
0xbb: {  	[tilespmem:s17], [sflag:$0x3] =	stream.linear.gather [hbm4b:s13+s2], $0x800, $0x38;
	[tilespmem:$0x4000] =	vst v63  }
0xbc: {  	_ =	swait.ge [sflag:s26], $0x800  }
0xbd: {  	[sflag:s26] =	ssyncset.done $0x0  }
0xbe: {  	[sflag:s26] =	ssyncadd.s32 $0xFFFFF800  }
0xbf: {  	_ =	swait.ge [sflag:s20], $0x800  }
0xc0: {  	[sflag:s20] =	ssyncset.done $0x0  }
0xc1: {  	[sflag:s20] =	ssyncadd.s32 $0xFFFFF800  }
0xc2: {  	[tilespmem:s19], [sflag:$0x5] =	stream.indirect.gather [hbm4b:s1+s21], $0x1, s2, s21, $0xb8;
	[tilespmem:$0x4000] =	vst v63  }
0xc3: {  	_ = 	snop  }
0xc4: {  	[tilespmem:s24], [sflag:$0x5] =	stream.indirect.gather [hbm4b:s1+s21], $0x1, s21, s21, $0xb8;
	[tilespmem:$0x4000] =	vst v63  }
0xc5: {  	s10 =	simm.s32 $0x100  }
0xc6: {  	[tilespmem:s11], [sflag:$0x5] =	stream.indirect.gather [hbm4b:s1+s21], $0x1, s10, s21, $0xb8;
	[tilespmem:$0x4000] =	vst v63  }
0xc7: {  	_ = 	snop  }
0xc8: {  	[tilespmem:s22], [sflag:$0x5] =	stream.indirect.gather [hbm4b:s1+s21], $0x1, s16, s21, $0xb8;
	[tilespmem:$0x4000] =	vst v63  }
0xc9: {  	s10 =	simm.s32 $0x2200  }
0xca: {  	[tilespmem:s10], [sflag:$0x5] =	stream.indirect.gather [hbm4b:s1+s21], $0x1, s14, s21, $0xb8;
	[tilespmem:$0x4000] =	vst v63  }
0xcb: {  	s14 =	simm.s32 $0x280;
	s10 =	simm.s32 $0x2280  }
0xcc: {  	[tilespmem:s10], [sflag:$0x5] =	stream.indirect.gather [hbm4b:s1+s21], $0x1, s14, s21, $0xb8;
	[tilespmem:$0x4000] =	vst v63  }
0xcd: {  	s14 =	simm.s32 $0x300;
	s10 =	simm.s32 $0x2300  }
0xce: {  	[tilespmem:s10], [sflag:$0x5] =	stream.indirect.gather [hbm4b:s1+s21], $0x1, s14, s21, $0xb8;
	[tilespmem:$0x4000] =	vst v63  }
0xcf: {  	s14 =	simm.s32 $0x380;
	s10 =	simm.s32 $0x2380  }
0xd0: {  	[tilespmem:s10], [sflag:$0x5] =	stream.indirect.gather [hbm4b:s1+s21], $0x1, s14, s21, $0xb8;
	[tilespmem:$0x4000] =	vst v63  }
0xd1: {  	s14 =	simm.s32 $0x400;
	s10 =	simm.s32 $0x2400  }
0xd2: {  	[tilespmem:s10], [sflag:$0x5] =	stream.indirect.gather [hbm4b:s1+s21], $0x1, s14, s21, $0xb8;
	[tilespmem:$0x4000] =	vst v63  }
0xd3: {  	s14 =	simm.s32 $0x480;
	s10 =	simm.s32 $0x2480  }
0xd4: {  	[tilespmem:s10], [sflag:$0x5] =	stream.indirect.gather [hbm4b:s1+s21], $0x1, s14, s21, $0xb8;
	[tilespmem:$0x4000] =	vst v63  }
0xd5: {  	s14 =	simm.s32 $0x500;
	s10 =	simm.s32 $0x2500  }
0xd6: {  	[tilespmem:s10], [sflag:$0x5] =	stream.indirect.gather [hbm4b:s1+s21], $0x1, s14, s21, $0xb8;
	[tilespmem:$0x4000] =	vst v63  }
0xd7: {  	s14 =	simm.s32 $0x580;
	s10 =	simm.s32 $0x2580  }
0xd8: {  	[tilespmem:s10], [sflag:$0x5] =	stream.indirect.gather [hbm4b:s1+s21], $0x1, s14, s21, $0xb8;
	[tilespmem:$0x4000] =	vst v63  }
0xd9: {  	s14 =	simm.s32 $0x600;
	s10 =	simm.s32 $0x2600  }
0xda: {  	[tilespmem:s10], [sflag:$0x5] =	stream.indirect.gather [hbm4b:s1+s21], $0x1, s14, s21, $0xb8;
	[tilespmem:$0x4000] =	vst v63  }
0xdb: {  	s14 =	simm.s32 $0x680;
	s10 =	simm.s32 $0x2680  }
0xdc: {  	[tilespmem:s10], [sflag:$0x5] =	stream.indirect.gather [hbm4b:s1+s21], $0x1, s14, s21, $0xb8;
	[tilespmem:$0x4000] =	vst v63  }
0xdd: {  	s14 =	simm.s32 $0x700;
	s10 =	simm.s32 $0x2700  }
0xde: {  	[tilespmem:s10], [sflag:$0x5] =	stream.indirect.gather [hbm4b:s1+s21], $0x1, s14, s21, $0xb8;
	[tilespmem:$0x4000] =	vst v63  }
0xdf: {  	s14 =	simm.s32 $0x780;
	s10 =	simm.s32 $0x2780  }
0xe0: {  	[tilespmem:s10], [sflag:$0x5] =	stream.indirect.gather [hbm4b:s1+s21], $0x1, s14, s21, $0xb8;
	[tilespmem:$0x4000] =	vst v63  }
0xe1: {  	_ =	swait.ge [sflag:s28], $0x800  }
0xe2: {  	[sflag:s28] =	ssyncset.done $0x0  }
0xe3: {  	s14 =	rddreg [dreg:$0xb];
	[sflag:s28] =	ssyncadd.s32 $0xFFFFF800  }
0xe4: {  	[hbm4b:s14+s2] =	stream.linear.scatter [tilespmem:s15], [sflag:$0xC], $0x800, $0x38;
	[tilespmem:$0x4000] =	vst v63  }
0xe5: {  	_ = 	snop  }
0xe6: {  	[tilespmem:s18], [sflag:$0x4] =	stream.linear.gather [hbm4b:s23+s2], $0x800, $0x38;
	[tilespmem:$0x4000] =	vst v63  }
0xe7: {  	_ =	swait.ge [sflag:s29], $0x800  }
0xe8: {  	[sflag:s29] =	ssyncset.done $0x0  }
0xe9: {  	[sflag:s29] =	ssyncadd.s32 $0xFFFFF800  }
0xea: {  	_ =	swait.ge [sflag:s5], $0x800  }
0xeb: {  	[sflag:s5] =	ssyncset.done $0x0  }
0xec: {  	[sflag:s5] =	ssyncadd.s32 $0xFFFFF800  }
0xed: {  	[tilespmem:s0], [sflag:$0x6] =	stream.indirect.gather [hbm4b:s1+s21], $0x1, s6, s21, $0xb8;
	[tilespmem:$0x4000] =	vst v63  }
0xee: {  	s10 =	simm.s32 $0x880;
	s14 =	simm.s32 $0x2880  }
0xef: {  	[tilespmem:s14], [sflag:$0x6] =	stream.indirect.gather [hbm4b:s1+s21], $0x1, s10, s21, $0xb8;
	[tilespmem:$0x4000] =	vst v63  }
0xf0: {  	s0 =	simm.s32 $0x900;
	s10 =	simm.s32 $0x2900  }
0xf1: {  	[tilespmem:s10], [sflag:$0x6] =	stream.indirect.gather [hbm4b:s1+s21], $0x1, s0, s21, $0xb8;
	[tilespmem:$0x4000] =	vst v63  }
0xf2: {  	s0 =	simm.s32 $0x980;
	s10 =	simm.s32 $0x2980  }
0xf3: {  	[tilespmem:s10], [sflag:$0x6] =	stream.indirect.gather [hbm4b:s1+s21], $0x1, s0, s21, $0xb8;
	[tilespmem:$0x4000] =	vst v63  }
0xf4: {  	s0 =	simm.s32 $0xA00;
	s10 =	simm.s32 $0x2A00  }
0xf5: {  	[tilespmem:s10], [sflag:$0x6] =	stream.indirect.gather [hbm4b:s1+s21], $0x1, s0, s21, $0xb8;
	[tilespmem:$0x4000] =	vst v63  }
0xf6: {  	s0 =	simm.s32 $0xA80;
	s10 =	simm.s32 $0x2A80  }
0xf7: {  	[tilespmem:s10], [sflag:$0x6] =	stream.indirect.gather [hbm4b:s1+s21], $0x1, s0, s21, $0xb8;
	[tilespmem:$0x4000] =	vst v63  }
0xf8: {  	s0 =	simm.s32 $0xB00;
	s10 =	simm.s32 $0x2B00  }
0xf9: {  	[tilespmem:s10], [sflag:$0x6] =	stream.indirect.gather [hbm4b:s1+s21], $0x1, s0, s21, $0xb8;
	[tilespmem:$0x4000] =	vst v63  }
0xfa: {  	s0 =	simm.s32 $0xB80;
	s10 =	simm.s32 $0x2B80  }
0xfb: {  	[tilespmem:s10], [sflag:$0x6] =	stream.indirect.gather [hbm4b:s1+s21], $0x1, s0, s21, $0xb8;
	[tilespmem:$0x4000] =	vst v63  }
0xfc: {  	s0 =	simm.s32 $0xC00;
	s10 =	simm.s32 $0x2C00  }
0xfd: {  	[tilespmem:s10], [sflag:$0x6] =	stream.indirect.gather [hbm4b:s1+s21], $0x1, s0, s21, $0xb8;
	[tilespmem:$0x4000] =	vst v63  }
0xfe: {  	s0 =	simm.s32 $0xC80;
	s10 =	simm.s32 $0x2C80  }
0xff: {  	[tilespmem:s10], [sflag:$0x6] =	stream.indirect.gather [hbm4b:s1+s21], $0x1, s0, s21, $0xb8;
	[tilespmem:$0x4000] =	vst v63  }
0x100: {  	s0 =	simm.s32 $0xD00;
	s10 =	simm.s32 $0x2D00  }
0x101: {  	[tilespmem:s10], [sflag:$0x6] =	stream.indirect.gather [hbm4b:s1+s21], $0x1, s0, s21, $0xb8;
	[tilespmem:$0x4000] =	vst v63  }
0x102: {  	s0 =	simm.s32 $0xD80;
	s10 =	simm.s32 $0x2D80  }
0x103: {  	[tilespmem:s10], [sflag:$0x6] =	stream.indirect.gather [hbm4b:s1+s21], $0x1, s0, s21, $0xb8;
	[tilespmem:$0x4000] =	vst v63  }
0x104: {  	s0 =	simm.s32 $0xE00;
	s10 =	simm.s32 $0x2E00  }
0x105: {  	[tilespmem:s10], [sflag:$0x6] =	stream.indirect.gather [hbm4b:s1+s21], $0x1, s0, s21, $0xb8;
	[tilespmem:$0x4000] =	vst v63  }
0x106: {  	s0 =	simm.s32 $0xE80;
	s10 =	simm.s32 $0x2E80  }
0x107: {  	[tilespmem:s10], [sflag:$0x6] =	stream.indirect.gather [hbm4b:s1+s21], $0x1, s0, s21, $0xb8;
	[tilespmem:$0x4000] =	vst v63  }
0x108: {  	s14 =	simm.s32 $0xF00;
	s0 =	simm.s32 $0x2F00  }
0x109: {  	[tilespmem:s0], [sflag:$0x6] =	stream.indirect.gather [hbm4b:s1+s21], $0x1, s14, s21, $0xb8;
	[tilespmem:$0x4000] =	vst v63  }
0x10a: {  	s4 =	simm.s32 $0xF80;
	s10 =	simm.s32 $0x2F80  }
0x10b: {  	[tilespmem:s10], [sflag:$0x6] =	stream.indirect.gather [hbm4b:s1+s21], $0x1, s4, s21, $0xb8;
	[tilespmem:$0x4000] =	vst v63  }
0x10c: {  	_ =	swait.ge [sflag:s30], $0x800  }
0x10d: {  	s14 =	rddreg [dreg:$0x3]  }
0x10e: {  	s10 =	smin.u32 s12, $0x3B;
	[sflag:s30] =	ssyncset.done $0x0;
	s4 =	sadd.s32 $0x0, s14  }
0x10f: {  	[sflag:s30] =	ssyncadd.s32 $0xFFFFF800;
	s14 =	sshll.u32 s10, $0x8;
	s0 =	sadd.s32 $0x400, s4  }
0x110: {  	[hbm4b:s0+s2] =	stream.linear.scatter [tilespmem:s19], [sflag:$0x9], $0x800, $0x38;
	[tilespmem:$0x4000] =	vst v63  }
0x111: {  	s14 =	sadd.s32 s14, s9  }
0x112: {  	[tilespmem:s2], [sflag:$0x1] =	stream.linear.gather [hbm4b:s14+s2], $0x800, $0x38;
	[tilespmem:$0x4000] =	vst v63  }
0x113: {  	_ =	swait.ge [sflag:s3], $0x800  }
0x114: {  	[sflag:s3] =	ssyncset.done $0x0  }
0x115: {  	[sflag:s3] =	ssyncadd.s32 $0xFFFFF800  }
0x116: {  	_ =	swait.ge [sflag:s31], $0x800  }
0x117: {  	[sflag:s31] =	ssyncset.done $0x0  }
0x118: {  	s14 =	simm.s32 $0x3000;
	[sflag:s31] =	ssyncadd.s32 $0xFFFFF800  }
0x119: {  	[tilespmem:s14], [sflag:$0x7] =	stream.indirect.gather [hbm4b:s1+s21], $0x1, s17, s21, $0xb8;
	[tilespmem:$0x4000] =	vst v63  }
0x11a: {  	s10 =	simm.s32 $0x1080;
	s14 =	simm.s32 $0x3080  }
0x11b: {  	[tilespmem:s14], [sflag:$0x7] =	stream.indirect.gather [hbm4b:s1+s21], $0x1, s10, s21, $0xb8;
	[tilespmem:$0x4000] =	vst v63  }
0x11c: {  	s10 =	simm.s32 $0x1100;
	s14 =	simm.s32 $0x3100  }
0x11d: {  	[tilespmem:s14], [sflag:$0x7] =	stream.indirect.gather [hbm4b:s1+s21], $0x1, s10, s21, $0xb8;
	[tilespmem:$0x4000] =	vst v63  }
0x11e: {  	s10 =	simm.s32 $0x1180;
	s14 =	simm.s32 $0x3180  }
0x11f: {  	[tilespmem:s14], [sflag:$0x7] =	stream.indirect.gather [hbm4b:s1+s21], $0x1, s10, s21, $0xb8;
	[tilespmem:$0x4000] =	vst v63  }
0x120: {  	s10 =	simm.s32 $0x1200;
	s14 =	simm.s32 $0x3200  }
0x121: {  	[tilespmem:s14], [sflag:$0x7] =	stream.indirect.gather [hbm4b:s1+s21], $0x1, s10, s21, $0xb8;
	[tilespmem:$0x4000] =	vst v63  }
0x122: {  	s10 =	simm.s32 $0x1280;
	s14 =	simm.s32 $0x3280  }
0x123: {  	[tilespmem:s14], [sflag:$0x7] =	stream.indirect.gather [hbm4b:s1+s21], $0x1, s10, s21, $0xb8;
	[tilespmem:$0x4000] =	vst v63  }
0x124: {  	s10 =	simm.s32 $0x1300;
	s14 =	simm.s32 $0x3300  }
0x125: {  	[tilespmem:s14], [sflag:$0x7] =	stream.indirect.gather [hbm4b:s1+s21], $0x1, s10, s21, $0xb8;
	[tilespmem:$0x4000] =	vst v63  }
0x126: {  	s10 =	simm.s32 $0x1380;
	s14 =	simm.s32 $0x3380  }
0x127: {  	[tilespmem:s14], [sflag:$0x7] =	stream.indirect.gather [hbm4b:s1+s21], $0x1, s10, s21, $0xb8;
	[tilespmem:$0x4000] =	vst v63  }
0x128: {  	s10 =	simm.s32 $0x1400;
	s14 =	simm.s32 $0x3400  }
0x129: {  	[tilespmem:s14], [sflag:$0x7] =	stream.indirect.gather [hbm4b:s1+s21], $0x1, s10, s21, $0xb8;
	[tilespmem:$0x4000] =	vst v63  }
0x12a: {  	s10 =	simm.s32 $0x1480;
	s14 =	simm.s32 $0x3480  }
0x12b: {  	[tilespmem:s14], [sflag:$0x7] =	stream.indirect.gather [hbm4b:s1+s21], $0x1, s10, s21, $0xb8;
	[tilespmem:$0x4000] =	vst v63  }
0x12c: {  	s10 =	simm.s32 $0x1500;
	s14 =	simm.s32 $0x3500  }
0x12d: {  	[tilespmem:s14], [sflag:$0x7] =	stream.indirect.gather [hbm4b:s1+s21], $0x1, s10, s21, $0xb8;
	[tilespmem:$0x4000] =	vst v63  }
0x12e: {  	s10 =	simm.s32 $0x1580;
	s14 =	simm.s32 $0x3580  }
0x12f: {  	[tilespmem:s14], [sflag:$0x7] =	stream.indirect.gather [hbm4b:s1+s21], $0x1, s10, s21, $0xb8;
	[tilespmem:$0x4000] =	vst v63  }
0x130: {  	s10 =	simm.s32 $0x1600;
	s14 =	simm.s32 $0x3600  }
0x131: {  	[tilespmem:s14], [sflag:$0x7] =	stream.indirect.gather [hbm4b:s1+s21], $0x1, s10, s21, $0xb8;
	[tilespmem:$0x4000] =	vst v63  }
0x132: {  	s10 =	simm.s32 $0x1680;
	s14 =	simm.s32 $0x3680  }
0x133: {  	[tilespmem:s14], [sflag:$0x7] =	stream.indirect.gather [hbm4b:s1+s21], $0x1, s10, s21, $0xb8;
	[tilespmem:$0x4000] =	vst v63  }
0x134: {  	s10 =	simm.s32 $0x3700;
	s14 =	simm.s32 $0x1700  }
0x135: {  	[tilespmem:s10], [sflag:$0x7] =	stream.indirect.gather [hbm4b:s1+s21], $0x1, s14, s21, $0xb8;
	[tilespmem:$0x4000] =	vst v63  }
0x136: {  	s10 =	simm.s32 $0x1780;
	s14 =	simm.s32 $0x3780  }
0x137: {  	[tilespmem:s14], [sflag:$0x7] =	stream.indirect.gather [hbm4b:s1+s21], $0x1, s10, s21, $0xb8;
	[tilespmem:$0x4000] =	vst v63  }
0x138: {  	_ =	swait.ge [sflag:s8], $0x800  }
0x139: {  	[sflag:s8] =	ssyncset.done $0x0  }
0x13a: {  	s0 =	sadd.s32 $0x500, s4;
	s10 =	simm.s32 $0x2800;
	[sflag:s8] =	ssyncadd.s32 $0xFFFFF800  }
0x13b: {  	[hbm4b:s0+s2] =	stream.linear.scatter [tilespmem:s10], [sflag:$0xA], $0x800, $0x38;
	[tilespmem:$0x4000] =	vst v63  }
0x13c: {  	s0 =	smin.u32 s12, $0x3A  }
0x13d: {  	s10 =	rddreg [dreg:$0xe];
	s14 =	sshll.u32 s0, $0x8  }
0x13e: {  	s14 =	sadd.s32 s14, s10  }
0x13f: {  	[tilespmem:s6], [sflag:$0x2] =	stream.linear.gather [hbm4b:s14+s2], $0x800, $0x38;
	[tilespmem:$0x4000] =	vst v63  }
0x140: {  	_ =	swait.ge [sflag:s7], $0x800  }
0x141: {  	[sflag:s7] =	ssyncset.done $0x0  }
0x142: {  	[sflag:s7] =	ssyncadd.s32 $0xFFFFF800  }
0x143: {  	_ =	swait.ge [sflag:s12], $0x800  }
0x144: {  	[sflag:s12] =	ssyncset.done $0x0  }
0x145: {  	[sflag:s12] =	ssyncadd.s32 $0xFFFFF800  }
0x146: {  	[tilespmem:s15], [sflag:$0x8] =	stream.indirect.gather [hbm4b:s1+s21], $0x1, s18, s21, $0xb8;
	[tilespmem:$0x4000] =	vst v63  }
0x147: {  	s10 =	simm.s32 $0x1880;
	s14 =	simm.s32 $0x3880  }
0x148: {  	[tilespmem:s14], [sflag:$0x8] =	stream.indirect.gather [hbm4b:s1+s21], $0x1, s10, s21, $0xb8;
	[tilespmem:$0x4000] =	vst v63  }
0x149: {  	s10 =	simm.s32 $0x1900;
	s14 =	simm.s32 $0x3900  }
0x14a: {  	[tilespmem:s14], [sflag:$0x8] =	stream.indirect.gather [hbm4b:s1+s21], $0x1, s10, s21, $0xb8;
	[tilespmem:$0x4000] =	vst v63  }
0x14b: {  	s10 =	simm.s32 $0x1980;
	s14 =	simm.s32 $0x3980  }
0x14c: {  	[tilespmem:s14], [sflag:$0x8] =	stream.indirect.gather [hbm4b:s1+s21], $0x1, s10, s21, $0xb8;
	[tilespmem:$0x4000] =	vst v63  }
0x14d: {  	s10 =	simm.s32 $0x1A00;
	s14 =	simm.s32 $0x3A00  }
0x14e: {  	[tilespmem:s14], [sflag:$0x8] =	stream.indirect.gather [hbm4b:s1+s21], $0x1, s10, s21, $0xb8;
	[tilespmem:$0x4000] =	vst v63  }
0x14f: {  	s10 =	simm.s32 $0x1A80;
	s14 =	simm.s32 $0x3A80  }
0x150: {  	[tilespmem:s14], [sflag:$0x8] =	stream.indirect.gather [hbm4b:s1+s21], $0x1, s10, s21, $0xb8;
	[tilespmem:$0x4000] =	vst v63  }
0x151: {  	s10 =	simm.s32 $0x1B00;
	s14 =	simm.s32 $0x3B00  }
0x152: {  	[tilespmem:s14], [sflag:$0x8] =	stream.indirect.gather [hbm4b:s1+s21], $0x1, s10, s21, $0xb8;
	[tilespmem:$0x4000] =	vst v63  }
0x153: {  	s10 =	simm.s32 $0x1B80;
	s14 =	simm.s32 $0x3B80  }
0x154: {  	[tilespmem:s14], [sflag:$0x8] =	stream.indirect.gather [hbm4b:s1+s21], $0x1, s10, s21, $0xb8;
	[tilespmem:$0x4000] =	vst v63  }
0x155: {  	s10 =	simm.s32 $0x1C00;
	s14 =	simm.s32 $0x3C00  }
0x156: {  	[tilespmem:s14], [sflag:$0x8] =	stream.indirect.gather [hbm4b:s1+s21], $0x1, s10, s21, $0xb8;
	[tilespmem:$0x4000] =	vst v63  }
0x157: {  	s10 =	simm.s32 $0x1C80;
	s14 =	simm.s32 $0x3C80  }
0x158: {  	[tilespmem:s14], [sflag:$0x8] =	stream.indirect.gather [hbm4b:s1+s21], $0x1, s10, s21, $0xb8;
	[tilespmem:$0x4000] =	vst v63  }
0x159: {  	s10 =	simm.s32 $0x1D00;
	s14 =	simm.s32 $0x3D00  }
0x15a: {  	[tilespmem:s14], [sflag:$0x8] =	stream.indirect.gather [hbm4b:s1+s21], $0x1, s10, s21, $0xb8;
	[tilespmem:$0x4000] =	vst v63  }
0x15b: {  	s10 =	simm.s32 $0x1D80;
	s14 =	simm.s32 $0x3D80  }
0x15c: {  	[tilespmem:s14], [sflag:$0x8] =	stream.indirect.gather [hbm4b:s1+s21], $0x1, s10, s21, $0xb8;
	[tilespmem:$0x4000] =	vst v63  }
0x15d: {  	s10 =	simm.s32 $0x1E00;
	s14 =	simm.s32 $0x3E00  }
0x15e: {  	[tilespmem:s14], [sflag:$0x8] =	stream.indirect.gather [hbm4b:s1+s21], $0x1, s10, s21, $0xb8;
	[tilespmem:$0x4000] =	vst v63  }
0x15f: {  	s10 =	simm.s32 $0x1E80;
	s14 =	simm.s32 $0x3E80  }
0x160: {  	[tilespmem:s14], [sflag:$0x8] =	stream.indirect.gather [hbm4b:s1+s21], $0x1, s10, s21, $0xb8;
	[tilespmem:$0x4000] =	vst v63  }
0x161: {  	s10 =	simm.s32 $0x1F00;
	s14 =	simm.s32 $0x3F00  }
0x162: {  	[tilespmem:s14], [sflag:$0x8] =	stream.indirect.gather [hbm4b:s1+s21], $0x1, s10, s21, $0xb8;
	[tilespmem:$0x4000] =	vst v63  }
0x163: {  	s10 =	simm.s32 $0x1F80;
	s14 =	simm.s32 $0x3F80  }
0x164: {  	[tilespmem:s14], [sflag:$0x8] =	stream.indirect.gather [hbm4b:s1+s21], $0x1, s10, s21, $0xb8;
	[tilespmem:$0x4000] =	vst v63  }
0x165: {  	_ =	swait.ge [sflag:s25], $0x800  }
0x166: {  	[sflag:s25] =	ssyncset.done $0x0  }
0x167: {  	s0 =	sadd.s32 $0x600, s4;
	s10 =	simm.s32 $0x3000;
	[sflag:s25] =	ssyncadd.s32 $0xFFFFF800  }
0x168: {  	[hbm4b:s0+s2] =	stream.linear.scatter [tilespmem:s10], [sflag:$0xB], $0x800, $0x38;
	[tilespmem:$0x4000] =	vst v63  }
0x169: {  	s10 =	smin.u32 s12, $0x39  }
0x16a: {  	s14 =	sshll.u32 s10, $0x8  }
0x16b: {  	s14 =	sadd.s32 s14, s13  }
0x16c: {  	[tilespmem:s17], [sflag:$0x3] =	stream.linear.gather [hbm4b:s14+s2], $0x800, $0x38;
	[tilespmem:$0x4000] =	vst v63  }
0x16d: {  	_ =	swait.ge [sflag:s26], $0x800  }
0x16e: {  	[sflag:s26] =	ssyncset.done $0x0  }
0x16f: {  	[sflag:s26] =	ssyncadd.s32 $0xFFFFF800  }
0x170: {  	_ =	swait.ge [sflag:s20], $0x800  }
0x171: {  	[sflag:s20] =	ssyncset.done $0x0  }
0x172: {  	[sflag:s20] =	ssyncadd.s32 $0xFFFFF800  }
0x173: {  	[tilespmem:s19], [sflag:$0x5] =	stream.indirect.gather [hbm4b:s1+s21], $0x1, s2, s21, $0xb8;
	[tilespmem:$0x4000] =	vst v63  }
0x174: {  	_ = 	snop  }
0x175: {  	[tilespmem:s24], [sflag:$0x5] =	stream.indirect.gather [hbm4b:s1+s21], $0x1, s21, s21, $0xb8;
	[tilespmem:$0x4000] =	vst v63  }
0x176: {  	s19 =	simm.s32 $0x100  }
0x177: {  	[tilespmem:s11], [sflag:$0x5] =	stream.indirect.gather [hbm4b:s1+s21], $0x1, s19, s21, $0xb8;
	[tilespmem:$0x4000] =	vst v63  }
0x178: {  	_ = 	snop  }
0x179: {  	[tilespmem:s22], [sflag:$0x5] =	stream.indirect.gather [hbm4b:s1+s21], $0x1, s16, s21, $0xb8;
	[tilespmem:$0x4000] =	vst v63  }
0x17a: {  	s24 =	simm.s32 $0x200;
	s22 =	simm.s32 $0x2200  }
0x17b: {  	[tilespmem:s22], [sflag:$0x5] =	stream.indirect.gather [hbm4b:s1+s21], $0x1, s24, s21, $0xb8;
	[tilespmem:$0x4000] =	vst v63  }
0x17c: {  	s0 =	simm.s32 $0x2280;
	s11 =	simm.s32 $0x280  }
0x17d: {  	[tilespmem:s0], [sflag:$0x5] =	stream.indirect.gather [hbm4b:s1+s21], $0x1, s11, s21, $0xb8;
	[tilespmem:$0x4000] =	vst v63  }
0x17e: {  	s14 =	simm.s32 $0x300;
	s16 =	simm.s32 $0x2300  }
0x17f: {  	[tilespmem:s16], [sflag:$0x5] =	stream.indirect.gather [hbm4b:s1+s21], $0x1, s14, s21, $0xb8;
	[tilespmem:$0x4000] =	vst v63  }
0x180: {  	s17 =	simm.s32 $0x380;
	s19 =	simm.s32 $0x2380  }
0x181: {  	[tilespmem:s19], [sflag:$0x5] =	stream.indirect.gather [hbm4b:s1+s21], $0x1, s17, s21, $0xb8;
	[tilespmem:$0x4000] =	vst v63  }
0x182: {  	s22 =	simm.s32 $0x400;
	s24 =	simm.s32 $0x2400  }
0x183: {  	[tilespmem:s24], [sflag:$0x5] =	stream.indirect.gather [hbm4b:s1+s21], $0x1, s22, s21, $0xb8;
	[tilespmem:$0x4000] =	vst v63  }
0x184: {  	s0 =	simm.s32 $0x480;
	s11 =	simm.s32 $0x2480  }
0x185: {  	[tilespmem:s11], [sflag:$0x5] =	stream.indirect.gather [hbm4b:s1+s21], $0x1, s0, s21, $0xb8;
	[tilespmem:$0x4000] =	vst v63  }
0x186: {  	s14 =	simm.s32 $0x500;
	s16 =	simm.s32 $0x2500  }
0x187: {  	[tilespmem:s16], [sflag:$0x5] =	stream.indirect.gather [hbm4b:s1+s21], $0x1, s14, s21, $0xb8;
	[tilespmem:$0x4000] =	vst v63  }
0x188: {  	s17 =	simm.s32 $0x580;
	s19 =	simm.s32 $0x2580  }
0x189: {  	[tilespmem:s19], [sflag:$0x5] =	stream.indirect.gather [hbm4b:s1+s21], $0x1, s17, s21, $0xb8;
	[tilespmem:$0x4000] =	vst v63  }
0x18a: {  	s22 =	simm.s32 $0x600;
	s24 =	simm.s32 $0x2600  }
0x18b: {  	[tilespmem:s24], [sflag:$0x5] =	stream.indirect.gather [hbm4b:s1+s21], $0x1, s22, s21, $0xb8;
	[tilespmem:$0x4000] =	vst v63  }
0x18c: {  	s0 =	simm.s32 $0x680;
	s11 =	simm.s32 $0x2680  }
0x18d: {  	[tilespmem:s11], [sflag:$0x5] =	stream.indirect.gather [hbm4b:s1+s21], $0x1, s0, s21, $0xb8;
	[tilespmem:$0x4000] =	vst v63  }
0x18e: {  	s16 =	simm.s32 $0x700;
	s17 =	simm.s32 $0x2700  }
0x18f: {  	[tilespmem:s17], [sflag:$0x5] =	stream.indirect.gather [hbm4b:s1+s21], $0x1, s16, s21, $0xb8;
	[tilespmem:$0x4000] =	vst v63  }
0x190: {  	s19 =	simm.s32 $0x780;
	s22 =	simm.s32 $0x2780  }
0x191: {  	[tilespmem:s22], [sflag:$0x5] =	stream.indirect.gather [hbm4b:s1+s21], $0x1, s19, s21, $0xb8;
	[tilespmem:$0x4000] =	vst v63  }
0x192: {  	_ =	swait.ge [sflag:s28], $0x800  }
0x193: {  	s24 =	smin.u32 s12, $0x38;
	[sflag:s28] =	ssyncset.done $0x0  }
0x194: {  	s4 =	sadd.s32 $0x700, s4;
	s14 =	sshll.u32 s24, $0x8;
	[sflag:s28] =	ssyncadd.s32 $0xFFFFF800  }
0x195: {  	[hbm4b:s4+s2] =	stream.linear.scatter [tilespmem:s15], [sflag:$0xC], $0x800, $0x38;
	[tilespmem:$0x4000] =	vst v63  }
0x196: {  	s0 =	sadd.s32 s14, s23  }
0x197: {  	[tilespmem:s18], [sflag:$0x4] =	stream.linear.gather [hbm4b:s0+s2], $0x800, $0x38;
	[tilespmem:$0x4000] =	vst v63  }
0x198: {  	_ =	swait.ge [sflag:s29], $0x800  }
0x199: {  	[sflag:s29] =	ssyncset.done $0x0  }
0x19a: {  	[sflag:s29] =	ssyncadd.s32 $0xFFFFF800  }
0x19b: {  	_ =	swait.ge [sflag:s5], $0x800  }
0x19c: {  	[sflag:s5] =	ssyncset.done $0x0  }
0x19d: {  	s10 =	simm.s32 $0x2800;
	[sflag:s5] =	ssyncadd.s32 $0xFFFFF800  }
0x19e: {  	[tilespmem:s10], [sflag:$0x6] =	stream.indirect.gather [hbm4b:s1+s21], $0x1, s6, s21, $0xb8;
	[tilespmem:$0x4000] =	vst v63  }
0x19f: {  	s11 =	simm.s32 $0x880;
	s14 =	simm.s32 $0x2880  }
0x1a0: {  	[tilespmem:s14], [sflag:$0x6] =	stream.indirect.gather [hbm4b:s1+s21], $0x1, s11, s21, $0xb8;
	[tilespmem:$0x4000] =	vst v63  }
0x1a1: {  	s16 =	simm.s32 $0x900;
	s17 =	simm.s32 $0x2900  }
0x1a2: {  	[tilespmem:s17], [sflag:$0x6] =	stream.indirect.gather [hbm4b:s1+s21], $0x1, s16, s21, $0xb8;
	[tilespmem:$0x4000] =	vst v63  }
0x1a3: {  	s19 =	simm.s32 $0x2980;
	s18 =	simm.s32 $0x980  }
0x1a4: {  	[tilespmem:s19], [sflag:$0x6] =	stream.indirect.gather [hbm4b:s1+s21], $0x1, s18, s21, $0xb8;
	[tilespmem:$0x4000] =	vst v63  }
0x1a5: {  	s24 =	simm.s32 $0x2A00;
	s22 =	simm.s32 $0xA00  }
0x1a6: {  	[tilespmem:s24], [sflag:$0x6] =	stream.indirect.gather [hbm4b:s1+s21], $0x1, s22, s21, $0xb8;
	[tilespmem:$0x4000] =	vst v63  }
0x1a7: {  	s6 =	simm.s32 $0xA80;
	s10 =	simm.s32 $0x2A80  }
0x1a8: {  	[tilespmem:s10], [sflag:$0x6] =	stream.indirect.gather [hbm4b:s1+s21], $0x1, s6, s21, $0xb8;
	[tilespmem:$0x4000] =	vst v63  }
0x1a9: {  	s11 =	simm.s32 $0xB00;
	s14 =	simm.s32 $0x2B00  }
0x1aa: {  	[tilespmem:s14], [sflag:$0x6] =	stream.indirect.gather [hbm4b:s1+s21], $0x1, s11, s21, $0xb8;
	[tilespmem:$0x4000] =	vst v63  }
0x1ab: {  	s16 =	simm.s32 $0xB80;
	s17 =	simm.s32 $0x2B80  }
0x1ac: {  	[tilespmem:s17], [sflag:$0x6] =	stream.indirect.gather [hbm4b:s1+s21], $0x1, s16, s21, $0xb8;
	[tilespmem:$0x4000] =	vst v63  }
0x1ad: {  	s18 =	simm.s32 $0xC00;
	s19 =	simm.s32 $0x2C00  }
0x1ae: {  	[tilespmem:s19], [sflag:$0x6] =	stream.indirect.gather [hbm4b:s1+s21], $0x1, s18, s21, $0xb8;
	[tilespmem:$0x4000] =	vst v63  }
0x1af: {  	s22 =	simm.s32 $0xC80;
	s24 =	simm.s32 $0x2C80  }
0x1b0: {  	[tilespmem:s24], [sflag:$0x6] =	stream.indirect.gather [hbm4b:s1+s21], $0x1, s22, s21, $0xb8;
	[tilespmem:$0x4000] =	vst v63  }
0x1b1: {  	s6 =	simm.s32 $0xD00;
	s10 =	simm.s32 $0x2D00  }
0x1b2: {  	[tilespmem:s10], [sflag:$0x6] =	stream.indirect.gather [hbm4b:s1+s21], $0x1, s6, s21, $0xb8;
	[tilespmem:$0x4000] =	vst v63  }
0x1b3: {  	s11 =	simm.s32 $0xD80;
	s14 =	simm.s32 $0x2D80;
	s16 =	simm.s32 $0x2E00  }
0x1b4: {  	[tilespmem:s14], [sflag:$0x6] =	stream.indirect.gather [hbm4b:s1+s21], $0x1, s11, s21, $0xb8;
	[tilespmem:$0x4000] =	vst v63  }
0x1b5: {  	s17 =	simm.s32 $0xE00;
	s18 =	simm.s32 $0x2E80;
	s19 =	simm.s32 $0xE80  }
0x1b6: {  	[tilespmem:s16], [sflag:$0x6] =	stream.indirect.gather [hbm4b:s1+s21], $0x1, s17, s21, $0xb8;
	[tilespmem:$0x4000] =	vst v63  }
0x1b7: {  	s22 =	simm.s32 $0x2F00;
	s24 =	simm.s32 $0xF00;
	s6 =	simm.s32 $0x2000  }
0x1b8: {  	[tilespmem:s18], [sflag:$0x6] =	stream.indirect.gather [hbm4b:s1+s21], $0x1, s19, s21, $0xb8;
	[tilespmem:$0x4000] =	vst v63  }
0x1b9: {  	s14 =	simm.s32 $0x400;
	s11 =	rddreg [dreg:$0xe];
	s16 =	simm.s32 $0x4  }
0x1ba: {  	[tilespmem:s22], [sflag:$0x6] =	stream.indirect.gather [hbm4b:s1+s21], $0x1, s24, s21, $0xb8;
	[tilespmem:$0x4000] =	vst v63  }
0x1bb: {  	s18 =	simm.s32 $0x800;
	s19 =	simm.s32 $0x1000;
	s22 =	simm.s32 $0x1800  }
.LBB2_2:
0x1bc: {  	s17 =	simm.s32 $0xF80;
	s24 =	simm.s32 $0x2F80  }
0x1bd: {  	[tilespmem:s24], [sflag:$0x6] =	stream.indirect.gather [hbm4b:s1+s21], $0x1, s17, s21, $0xb8;
	[tilespmem:$0x4000] =	vst v63  }
0x1be: {  	s16 =	sadd.s32 $0x4, s16;
	_ =	swait.ge [sflag:s30], $0x800  }
0x1bf: {  	s4 =	smov.u32 s14;
	s17 =	smov.u32 s23;
	s24 =	rddreg [dreg:$0x3]  }
0x1c0: {  	s0 =	smin.u32 s16, $0x3B;
	[sflag:s30] =	ssyncset.done $0x0;
	s4 =	sadd.s32 s4, s24  }
0x1c1: {  	s10 =	sshll.u32 s0, $0x8;
	[sflag:s30] =	ssyncadd.s32 $0xFFFFF800;
	s23 =	sadd.s32 $0x400, s4  }
0x1c2: {  	[hbm4b:s23+s2] =	stream.linear.scatter [tilespmem:s6], [sflag:$0x9], $0x800, $0x38;
	[tilespmem:$0x4000] =	vst v63  }
0x1c3: {  	s23 =	sadd.s32 s10, s9  }
0x1c4: {  	[tilespmem:s2], [sflag:$0x1] =	stream.linear.gather [hbm4b:s23+s2], $0x800, $0x38;
	[tilespmem:$0x4000] =	vst v63  }
0x1c5: {  	_ =	swait.ge [sflag:s3], $0x800  }
0x1c6: {  	[sflag:s3] =	ssyncset.done $0x0  }
0x1c7: {  	[sflag:s3] =	ssyncadd.s32 $0xFFFFF800  }
0x1c8: {  	_ =	swait.ge [sflag:s31], $0x800  }
0x1c9: {  	[sflag:s31] =	ssyncset.done $0x0  }
0x1ca: {  	s10 =	simm.s32 $0x3000;
	[sflag:s31] =	ssyncadd.s32 $0xFFFFF800  }
0x1cb: {  	[tilespmem:s10], [sflag:$0x7] =	stream.indirect.gather [hbm4b:s1+s21], $0x1, s19, s21, $0xb8;
	[tilespmem:$0x4000] =	vst v63  }
0x1cc: {  	s0 =	simm.s32 $0x1080;
	s24 =	simm.s32 $0x3080  }
0x1cd: {  	[tilespmem:s24], [sflag:$0x7] =	stream.indirect.gather [hbm4b:s1+s21], $0x1, s0, s21, $0xb8;
	[tilespmem:$0x4000] =	vst v63  }
0x1ce: {  	s23 =	simm.s32 $0x1100;
	s24 =	simm.s32 $0x3100  }
0x1cf: {  	[tilespmem:s24], [sflag:$0x7] =	stream.indirect.gather [hbm4b:s1+s21], $0x1, s23, s21, $0xb8;
	[tilespmem:$0x4000] =	vst v63  }
0x1d0: {  	s23 =	simm.s32 $0x1180;
	s24 =	simm.s32 $0x3180  }
0x1d1: {  	[tilespmem:s24], [sflag:$0x7] =	stream.indirect.gather [hbm4b:s1+s21], $0x1, s23, s21, $0xb8;
	[tilespmem:$0x4000] =	vst v63  }
0x1d2: {  	s23 =	simm.s32 $0x1200;
	s24 =	simm.s32 $0x3200  }
0x1d3: {  	[tilespmem:s24], [sflag:$0x7] =	stream.indirect.gather [hbm4b:s1+s21], $0x1, s23, s21, $0xb8;
	[tilespmem:$0x4000] =	vst v63  }
0x1d4: {  	s23 =	simm.s32 $0x1280;
	s24 =	simm.s32 $0x3280  }
0x1d5: {  	[tilespmem:s24], [sflag:$0x7] =	stream.indirect.gather [hbm4b:s1+s21], $0x1, s23, s21, $0xb8;
	[tilespmem:$0x4000] =	vst v63  }
0x1d6: {  	s23 =	simm.s32 $0x1300;
	s24 =	simm.s32 $0x3300  }
0x1d7: {  	[tilespmem:s24], [sflag:$0x7] =	stream.indirect.gather [hbm4b:s1+s21], $0x1, s23, s21, $0xb8;
	[tilespmem:$0x4000] =	vst v63  }
0x1d8: {  	s23 =	simm.s32 $0x1380;
	s24 =	simm.s32 $0x3380  }
0x1d9: {  	[tilespmem:s24], [sflag:$0x7] =	stream.indirect.gather [hbm4b:s1+s21], $0x1, s23, s21, $0xb8;
	[tilespmem:$0x4000] =	vst v63  }
0x1da: {  	s23 =	simm.s32 $0x1400;
	s24 =	simm.s32 $0x3400  }
0x1db: {  	[tilespmem:s24], [sflag:$0x7] =	stream.indirect.gather [hbm4b:s1+s21], $0x1, s23, s21, $0xb8;
	[tilespmem:$0x4000] =	vst v63  }
0x1dc: {  	s23 =	simm.s32 $0x1480;
	s24 =	simm.s32 $0x3480  }
0x1dd: {  	[tilespmem:s24], [sflag:$0x7] =	stream.indirect.gather [hbm4b:s1+s21], $0x1, s23, s21, $0xb8;
	[tilespmem:$0x4000] =	vst v63  }
0x1de: {  	s23 =	simm.s32 $0x1500;
	s24 =	simm.s32 $0x3500  }
0x1df: {  	[tilespmem:s24], [sflag:$0x7] =	stream.indirect.gather [hbm4b:s1+s21], $0x1, s23, s21, $0xb8;
	[tilespmem:$0x4000] =	vst v63  }
0x1e0: {  	s23 =	simm.s32 $0x1580;
	s24 =	simm.s32 $0x3580  }
0x1e1: {  	[tilespmem:s24], [sflag:$0x7] =	stream.indirect.gather [hbm4b:s1+s21], $0x1, s23, s21, $0xb8;
	[tilespmem:$0x4000] =	vst v63  }
0x1e2: {  	s23 =	simm.s32 $0x1600;
	s24 =	simm.s32 $0x3600  }
0x1e3: {  	[tilespmem:s24], [sflag:$0x7] =	stream.indirect.gather [hbm4b:s1+s21], $0x1, s23, s21, $0xb8;
	[tilespmem:$0x4000] =	vst v63  }
0x1e4: {  	s23 =	simm.s32 $0x1680;
	s24 =	simm.s32 $0x3680  }
0x1e5: {  	[tilespmem:s24], [sflag:$0x7] =	stream.indirect.gather [hbm4b:s1+s21], $0x1, s23, s21, $0xb8;
	[tilespmem:$0x4000] =	vst v63  }
0x1e6: {  	s23 =	simm.s32 $0x3700;
	s24 =	simm.s32 $0x1700  }
0x1e7: {  	[tilespmem:s23], [sflag:$0x7] =	stream.indirect.gather [hbm4b:s1+s21], $0x1, s24, s21, $0xb8;
	[tilespmem:$0x4000] =	vst v63  }
0x1e8: {  	s23 =	simm.s32 $0x1780;
	s24 =	simm.s32 $0x3780  }
0x1e9: {  	[tilespmem:s24], [sflag:$0x7] =	stream.indirect.gather [hbm4b:s1+s21], $0x1, s23, s21, $0xb8;
	[tilespmem:$0x4000] =	vst v63  }
0x1ea: {  	_ =	swait.ge [sflag:s8], $0x800  }
0x1eb: {  	s0 =	smin.u32 s16, $0x3A;
	s23 =	sadd.s32 $0x500, s4;
	[sflag:s8] =	ssyncset.done $0x0  }
0x1ec: {  	s24 =	sshll.u32 s0, $0x8;
	s0 =	simm.s32 $0x2800;
	[sflag:s8] =	ssyncadd.s32 $0xFFFFF800  }
0x1ed: {  	[hbm4b:s23+s2] =	stream.linear.scatter [tilespmem:s0], [sflag:$0xA], $0x800, $0x38;
	[tilespmem:$0x4000] =	vst v63  }
0x1ee: {  	s24 =	sadd.s32 s24, s11  }
0x1ef: {  	[tilespmem:s18], [sflag:$0x2] =	stream.linear.gather [hbm4b:s24+s2], $0x800, $0x38;
	[tilespmem:$0x4000] =	vst v63  }
0x1f0: {  	_ =	swait.ge [sflag:s7], $0x800  }
0x1f1: {  	[sflag:s7] =	ssyncset.done $0x0  }
0x1f2: {  	[sflag:s7] =	ssyncadd.s32 $0xFFFFF800  }
0x1f3: {  	_ =	swait.ge [sflag:s12], $0x800  }
0x1f4: {  	[sflag:s12] =	ssyncset.done $0x0  }
0x1f5: {  	[sflag:s12] =	ssyncadd.s32 $0xFFFFF800  }
0x1f6: {  	[tilespmem:s15], [sflag:$0x8] =	stream.indirect.gather [hbm4b:s1+s21], $0x1, s22, s21, $0xb8;
	[tilespmem:$0x4000] =	vst v63  }
0x1f7: {  	s23 =	simm.s32 $0x1880;
	s24 =	simm.s32 $0x3880  }
0x1f8: {  	[tilespmem:s24], [sflag:$0x8] =	stream.indirect.gather [hbm4b:s1+s21], $0x1, s23, s21, $0xb8;
	[tilespmem:$0x4000] =	vst v63  }
0x1f9: {  	s23 =	simm.s32 $0x1900;
	s24 =	simm.s32 $0x3900  }
0x1fa: {  	[tilespmem:s24], [sflag:$0x8] =	stream.indirect.gather [hbm4b:s1+s21], $0x1, s23, s21, $0xb8;
	[tilespmem:$0x4000] =	vst v63  }
0x1fb: {  	s23 =	simm.s32 $0x1980;
	s24 =	simm.s32 $0x3980  }
0x1fc: {  	[tilespmem:s24], [sflag:$0x8] =	stream.indirect.gather [hbm4b:s1+s21], $0x1, s23, s21, $0xb8;
	[tilespmem:$0x4000] =	vst v63  }
0x1fd: {  	s23 =	simm.s32 $0x1A00;
	s24 =	simm.s32 $0x3A00  }
0x1fe: {  	[tilespmem:s24], [sflag:$0x8] =	stream.indirect.gather [hbm4b:s1+s21], $0x1, s23, s21, $0xb8;
	[tilespmem:$0x4000] =	vst v63  }
0x1ff: {  	s23 =	simm.s32 $0x1A80;
	s24 =	simm.s32 $0x3A80  }
0x200: {  	[tilespmem:s24], [sflag:$0x8] =	stream.indirect.gather [hbm4b:s1+s21], $0x1, s23, s21, $0xb8;
	[tilespmem:$0x4000] =	vst v63  }
0x201: {  	s23 =	simm.s32 $0x1B00;
	s24 =	simm.s32 $0x3B00  }
0x202: {  	[tilespmem:s24], [sflag:$0x8] =	stream.indirect.gather [hbm4b:s1+s21], $0x1, s23, s21, $0xb8;
	[tilespmem:$0x4000] =	vst v63  }
0x203: {  	s23 =	simm.s32 $0x1B80;
	s24 =	simm.s32 $0x3B80  }
0x204: {  	[tilespmem:s24], [sflag:$0x8] =	stream.indirect.gather [hbm4b:s1+s21], $0x1, s23, s21, $0xb8;
	[tilespmem:$0x4000] =	vst v63  }
0x205: {  	s23 =	simm.s32 $0x1C00;
	s24 =	simm.s32 $0x3C00  }
0x206: {  	[tilespmem:s24], [sflag:$0x8] =	stream.indirect.gather [hbm4b:s1+s21], $0x1, s23, s21, $0xb8;
	[tilespmem:$0x4000] =	vst v63  }
0x207: {  	s23 =	simm.s32 $0x1C80;
	s24 =	simm.s32 $0x3C80  }
0x208: {  	[tilespmem:s24], [sflag:$0x8] =	stream.indirect.gather [hbm4b:s1+s21], $0x1, s23, s21, $0xb8;
	[tilespmem:$0x4000] =	vst v63  }
0x209: {  	s23 =	simm.s32 $0x1D00;
	s24 =	simm.s32 $0x3D00  }
0x20a: {  	[tilespmem:s24], [sflag:$0x8] =	stream.indirect.gather [hbm4b:s1+s21], $0x1, s23, s21, $0xb8;
	[tilespmem:$0x4000] =	vst v63  }
0x20b: {  	s23 =	simm.s32 $0x1D80;
	s24 =	simm.s32 $0x3D80  }
0x20c: {  	[tilespmem:s24], [sflag:$0x8] =	stream.indirect.gather [hbm4b:s1+s21], $0x1, s23, s21, $0xb8;
	[tilespmem:$0x4000] =	vst v63  }
0x20d: {  	s23 =	simm.s32 $0x1E00;
	s24 =	simm.s32 $0x3E00  }
0x20e: {  	[tilespmem:s24], [sflag:$0x8] =	stream.indirect.gather [hbm4b:s1+s21], $0x1, s23, s21, $0xb8;
	[tilespmem:$0x4000] =	vst v63  }
0x20f: {  	s23 =	simm.s32 $0x1E80;
	s24 =	simm.s32 $0x3E80  }
0x210: {  	[tilespmem:s24], [sflag:$0x8] =	stream.indirect.gather [hbm4b:s1+s21], $0x1, s23, s21, $0xb8;
	[tilespmem:$0x4000] =	vst v63  }
0x211: {  	s23 =	simm.s32 $0x1F00;
	s24 =	simm.s32 $0x3F00  }
0x212: {  	[tilespmem:s24], [sflag:$0x8] =	stream.indirect.gather [hbm4b:s1+s21], $0x1, s23, s21, $0xb8;
	[tilespmem:$0x4000] =	vst v63  }
0x213: {  	s23 =	simm.s32 $0x1F80;
	s24 =	simm.s32 $0x3F80  }
0x214: {  	[tilespmem:s24], [sflag:$0x8] =	stream.indirect.gather [hbm4b:s1+s21], $0x1, s23, s21, $0xb8;
	[tilespmem:$0x4000] =	vst v63  }
0x215: {  	_ =	swait.ge [sflag:s25], $0x800  }
0x216: {  	s24 =	smin.u32 s16, $0x39;
	[sflag:s25] =	ssyncset.done $0x0  }
0x217: {  	s23 =	sadd.s32 $0x600, s4;
	s24 =	sshll.u32 s24, $0x8;
	[sflag:s25] =	ssyncadd.s32 $0xFFFFF800  }
0x218: {  	[hbm4b:s23+s2] =	stream.linear.scatter [tilespmem:s10], [sflag:$0xB], $0x800, $0x38;
	[tilespmem:$0x4000] =	vst v63  }
0x219: {  	s10 =	sadd.s32 s24, s13  }
0x21a: {  	[tilespmem:s19], [sflag:$0x3] =	stream.linear.gather [hbm4b:s10+s2], $0x800, $0x38;
	[tilespmem:$0x4000] =	vst v63  }
0x21b: {  	_ =	swait.ge [sflag:s26], $0x800  }
0x21c: {  	[sflag:s26] =	ssyncset.done $0x0  }
0x21d: {  	[sflag:s26] =	ssyncadd.s32 $0xFFFFF800  }
0x21e: {  	_ =	swait.ge [sflag:s20], $0x800  }
0x21f: {  	[sflag:s20] =	ssyncset.done $0x0  }
0x220: {  	[sflag:s20] =	ssyncadd.s32 $0xFFFFF800  }
0x221: {  	[tilespmem:s6], [sflag:$0x5] =	stream.indirect.gather [hbm4b:s1+s21], $0x1, s2, s21, $0xb8;
	[tilespmem:$0x4000] =	vst v63  }
0x222: {  	s24 =	simm.s32 $0x2080  }
0x223: {  	[tilespmem:s24], [sflag:$0x5] =	stream.indirect.gather [hbm4b:s1+s21], $0x1, s21, s21, $0xb8;
	[tilespmem:$0x4000] =	vst v63  }
0x224: {  	s23 =	simm.s32 $0x2100;
	s10 =	simm.s32 $0x100  }
0x225: {  	[tilespmem:s23], [sflag:$0x5] =	stream.indirect.gather [hbm4b:s1+s21], $0x1, s10, s21, $0xb8;
	[tilespmem:$0x4000] =	vst v63  }
0x226: {  	s10 =	simm.s32 $0x2180;
	s23 =	simm.s32 $0x180  }
0x227: {  	[tilespmem:s10], [sflag:$0x5] =	stream.indirect.gather [hbm4b:s1+s21], $0x1, s23, s21, $0xb8;
	[tilespmem:$0x4000] =	vst v63  }
0x228: {  	s23 =	simm.s32 $0x2200;
	s10 =	simm.s32 $0x200  }
0x229: {  	[tilespmem:s23], [sflag:$0x5] =	stream.indirect.gather [hbm4b:s1+s21], $0x1, s10, s21, $0xb8;
	[tilespmem:$0x4000] =	vst v63  }
0x22a: {  	s23 =	simm.s32 $0x280;
	s10 =	simm.s32 $0x2280  }
0x22b: {  	[tilespmem:s10], [sflag:$0x5] =	stream.indirect.gather [hbm4b:s1+s21], $0x1, s23, s21, $0xb8;
	[tilespmem:$0x4000] =	vst v63  }
0x22c: {  	s10 =	simm.s32 $0x300;
	s23 =	simm.s32 $0x2300  }
0x22d: {  	[tilespmem:s23], [sflag:$0x5] =	stream.indirect.gather [hbm4b:s1+s21], $0x1, s10, s21, $0xb8;
	[tilespmem:$0x4000] =	vst v63  }
0x22e: {  	s10 =	simm.s32 $0x380;
	s23 =	simm.s32 $0x2380  }
0x22f: {  	[tilespmem:s23], [sflag:$0x5] =	stream.indirect.gather [hbm4b:s1+s21], $0x1, s10, s21, $0xb8;
	[tilespmem:$0x4000] =	vst v63  }
0x230: {  	s10 =	simm.s32 $0x400;
	s23 =	simm.s32 $0x2400  }
0x231: {  	[tilespmem:s23], [sflag:$0x5] =	stream.indirect.gather [hbm4b:s1+s21], $0x1, s10, s21, $0xb8;
	[tilespmem:$0x4000] =	vst v63  }
0x232: {  	s10 =	simm.s32 $0x480;
	s23 =	simm.s32 $0x2480  }
0x233: {  	[tilespmem:s23], [sflag:$0x5] =	stream.indirect.gather [hbm4b:s1+s21], $0x1, s10, s21, $0xb8;
	[tilespmem:$0x4000] =	vst v63  }
0x234: {  	s10 =	simm.s32 $0x500;
	s23 =	simm.s32 $0x2500  }
0x235: {  	[tilespmem:s23], [sflag:$0x5] =	stream.indirect.gather [hbm4b:s1+s21], $0x1, s10, s21, $0xb8;
	[tilespmem:$0x4000] =	vst v63  }
0x236: {  	s10 =	simm.s32 $0x580;
	s23 =	simm.s32 $0x2580  }
0x237: {  	[tilespmem:s23], [sflag:$0x5] =	stream.indirect.gather [hbm4b:s1+s21], $0x1, s10, s21, $0xb8;
	[tilespmem:$0x4000] =	vst v63  }
0x238: {  	s10 =	simm.s32 $0x600;
	s23 =	simm.s32 $0x2600  }
0x239: {  	[tilespmem:s23], [sflag:$0x5] =	stream.indirect.gather [hbm4b:s1+s21], $0x1, s10, s21, $0xb8;
	[tilespmem:$0x4000] =	vst v63  }
0x23a: {  	s10 =	simm.s32 $0x680;
	s23 =	simm.s32 $0x2680  }
0x23b: {  	[tilespmem:s23], [sflag:$0x5] =	stream.indirect.gather [hbm4b:s1+s21], $0x1, s10, s21, $0xb8;
	[tilespmem:$0x4000] =	vst v63  }
0x23c: {  	s10 =	simm.s32 $0x700;
	s23 =	simm.s32 $0x2700  }
0x23d: {  	[tilespmem:s23], [sflag:$0x5] =	stream.indirect.gather [hbm4b:s1+s21], $0x1, s10, s21, $0xb8;
	[tilespmem:$0x4000] =	vst v63  }
0x23e: {  	s10 =	simm.s32 $0x780;
	s23 =	simm.s32 $0x2780  }
0x23f: {  	[tilespmem:s23], [sflag:$0x5] =	stream.indirect.gather [hbm4b:s1+s21], $0x1, s10, s21, $0xb8;
	[tilespmem:$0x4000] =	vst v63  }
0x240: {  	_ =	swait.ge [sflag:s28], $0x800  }
0x241: {  	s10 =	smin.u32 s16, $0x38;
	[sflag:s28] =	ssyncset.done $0x0  }
0x242: {  	s4 =	sadd.s32 $0x700, s4;
	s23 =	sshll.u32 s10, $0x8;
	[sflag:s28] =	ssyncadd.s32 $0xFFFFF800  }
0x243: {  	[hbm4b:s4+s2] =	stream.linear.scatter [tilespmem:s15], [sflag:$0xC], $0x800, $0x38;
	[tilespmem:$0x4000] =	vst v63  }
0x244: {  	s10 =	sadd.s32 s23, s17  }
0x245: {  	[tilespmem:s22], [sflag:$0x4] =	stream.linear.gather [hbm4b:s10+s2], $0x800, $0x38;
	[tilespmem:$0x4000] =	vst v63  }
0x246: {  	_ =	swait.ge [sflag:s29], $0x800  }
0x247: {  	[sflag:s29] =	ssyncset.done $0x0  }
0x248: {  	[sflag:s29] =	ssyncadd.s32 $0xFFFFF800  }
0x249: {  	_ =	swait.ge [sflag:s5], $0x800  }
0x24a: {  	[sflag:s5] =	ssyncset.done $0x0  }
0x24b: {  	[sflag:s5] =	ssyncadd.s32 $0xFFFFF800  }
0x24c: {  	[tilespmem:s0], [sflag:$0x6] =	stream.indirect.gather [hbm4b:s1+s21], $0x1, s18, s21, $0xb8;
	[tilespmem:$0x4000] =	vst v63  }
0x24d: {  	s23 =	smov.u32 s17;
	s17 =	simm.s32 $0x2880;
	s10 =	simm.s32 $0x880  }
0x24e: {  	[tilespmem:s17], [sflag:$0x6] =	stream.indirect.gather [hbm4b:s1+s21], $0x1, s10, s21, $0xb8;
	[tilespmem:$0x4000] =	vst v63  }
0x24f: {  	s10 =	simm.s32 $0x900;
	s17 =	simm.s32 $0x2900  }
0x250: {  	[tilespmem:s17], [sflag:$0x6] =	stream.indirect.gather [hbm4b:s1+s21], $0x1, s10, s21, $0xb8;
	[tilespmem:$0x4000] =	vst v63  }
0x251: {  	s10 =	simm.s32 $0x980;
	s17 =	simm.s32 $0x2980  }
0x252: {  	[tilespmem:s17], [sflag:$0x6] =	stream.indirect.gather [hbm4b:s1+s21], $0x1, s10, s21, $0xb8;
	[tilespmem:$0x4000] =	vst v63  }
0x253: {  	s10 =	simm.s32 $0xA00;
	s17 =	simm.s32 $0x2A00  }
0x254: {  	[tilespmem:s17], [sflag:$0x6] =	stream.indirect.gather [hbm4b:s1+s21], $0x1, s10, s21, $0xb8;
	[tilespmem:$0x4000] =	vst v63  }
0x255: {  	s10 =	simm.s32 $0xA80;
	s17 =	simm.s32 $0x2A80  }
0x256: {  	[tilespmem:s17], [sflag:$0x6] =	stream.indirect.gather [hbm4b:s1+s21], $0x1, s10, s21, $0xb8;
	[tilespmem:$0x4000] =	vst v63  }
0x257: {  	s10 =	simm.s32 $0xB00;
	s17 =	simm.s32 $0x2B00  }
0x258: {  	[tilespmem:s17], [sflag:$0x6] =	stream.indirect.gather [hbm4b:s1+s21], $0x1, s10, s21, $0xb8;
	[tilespmem:$0x4000] =	vst v63  }
0x259: {  	s10 =	simm.s32 $0xB80;
	s17 =	simm.s32 $0x2B80  }
0x25a: {  	[tilespmem:s17], [sflag:$0x6] =	stream.indirect.gather [hbm4b:s1+s21], $0x1, s10, s21, $0xb8;
	[tilespmem:$0x4000] =	vst v63  }
0x25b: {  	s10 =	simm.s32 $0xC00;
	s17 =	simm.s32 $0x2C00  }
0x25c: {  	[tilespmem:s17], [sflag:$0x6] =	stream.indirect.gather [hbm4b:s1+s21], $0x1, s10, s21, $0xb8;
	[tilespmem:$0x4000] =	vst v63  }
0x25d: {  	s10 =	simm.s32 $0xC80;
	s17 =	simm.s32 $0x2C80  }
0x25e: {  	[tilespmem:s17], [sflag:$0x6] =	stream.indirect.gather [hbm4b:s1+s21], $0x1, s10, s21, $0xb8;
	[tilespmem:$0x4000] =	vst v63  }
0x25f: {  	s10 =	simm.s32 $0xD00;
	s17 =	simm.s32 $0x2D00  }
0x260: {  	[tilespmem:s17], [sflag:$0x6] =	stream.indirect.gather [hbm4b:s1+s21], $0x1, s10, s21, $0xb8;
	[tilespmem:$0x4000] =	vst v63  }
0x261: {  	s10 =	simm.s32 $0xD80;
	s17 =	simm.s32 $0x2D80  }
0x262: {  	[tilespmem:s17], [sflag:$0x6] =	stream.indirect.gather [hbm4b:s1+s21], $0x1, s10, s21, $0xb8;
	[tilespmem:$0x4000] =	vst v63  }
0x263: {  	p0 =	sne.s32 s14, $0x3800;
	s10 =	simm.s32 $0xE00;
	s17 =	simm.s32 $0x2E00  }
0x264: {  	[tilespmem:s17], [sflag:$0x6] =	stream.indirect.gather [hbm4b:s1+s21], $0x1, s10, s21, $0xb8;
	[tilespmem:$0x4000] =	vst v63  }
.Ltmp0:
0x265: {  	_ = 	snop;
	(pc) =	sbr.rel @p0 .LBB2_2-.Ltmp0, $4  }
0x266: {  	s10 =	simm.s32 $0xE80;
	s17 =	simm.s32 $0x2E80  }
0x267: {  	[tilespmem:s17], [sflag:$0x6] =	stream.indirect.gather [hbm4b:s1+s21], $0x1, s10, s21, $0xb8;
	[tilespmem:$0x4000] =	vst v63  }
0x268: {  	s14 =	sadd.s32 $0x400, s14;
	s10 =	simm.s32 $0xF00;
	s17 =	simm.s32 $0x2F00  }
0x269: {  	[tilespmem:s17], [sflag:$0x6] =	stream.indirect.gather [hbm4b:s1+s21], $0x1, s10, s21, $0xb8;
	[tilespmem:$0x4000] =	vst v63  }
0x26a: {  	s0 =	simm.s32 $0xF80;
	s4 =	simm.s32 $0x2F80  }
0x26b: {  	[tilespmem:s4], [sflag:$0x6] =	stream.indirect.gather [hbm4b:s1+s21], $0x1, s0, s21, $0xb8;
	[tilespmem:$0x4000] =	vst v63  }
0x26c: {  	_ =	swait.ge [sflag:s30], $0x800  }
0x26d: {  	[sflag:s30] =	ssyncset.done $0x0  }
0x26e: {  	[sflag:s30] =	ssyncadd.s32 $0xFFFFF800  }
0x26f: {  	_ =	swait.ge [sflag:s8], $0x800  }
0x270: {  	[sflag:s8] =	ssyncset.done $0x0  }
0x271: {  	[sflag:s8] =	ssyncadd.s32 $0xFFFFF800  }
0x272: {  	_ =	swait.ge [sflag:s31], $0x800  }
0x273: {  	[sflag:s31] =	ssyncset.done $0x0  }
0x274: {  	[sflag:s31] =	ssyncadd.s32 $0xFFFFF800  }
0x275: {  	_ =	swait.ge [sflag:s3], $0x800  }
0x276: {  	[sflag:s3] =	ssyncset.done $0x0  }
0x277: {  	[sflag:s3] =	ssyncadd.s32 $0xFFFFF800  }
0x278: {  	_ =	swait.ge [sflag:s12], $0x800  }
0x279: {  	[sflag:s12] =	ssyncset.done $0x0  }
0x27a: {  	[sflag:s12] =	ssyncadd.s32 $0xFFFFF800  }
0x27b: {  	_ =	swait.ge [sflag:s7], $0x800  }
0x27c: {  	s19 =	rddreg [dreg:$0xd]  }
0x27d: {  	s22 =	rddreg [dreg:$0xc];
	s0 =	sadd.s32 $0x1, s19  }
0x27e: {  	p0 =	sne.s32 s0, s22  }
.Ltmp1:
0x27f: {  	_ = 	snop;
	(pc) =	sbr.rel @p0 .LBB2_1-.Ltmp1, $4  }
0x280: {  	s10 =	smov.u32 s11;
	s6 =	simm.s32 $0x800;
	s17 =	simm.s32 $0x1000  }
0x281: {  	s18 =	simm.s32 $0x1800;
	s11 =	simm.s32 $0x2100;
	s16 =	simm.s32 $0x180  }
0x282: {  	s14 =	simm.s32 $0x200;
	s15 =	simm.s32 $0x1700;
	[sflag:s7] =	ssyncset.done $0x0  }
0x283: {  	[sflag:s7] =	ssyncadd.s32 $0xFFFFF800;
	s19 =	simm.s32 $0x2000;
	s22 =	simm.s32 $0x2180  }
0x284: {  	_ =	sfence.sel $0x180000  }
0x285: {  	[bflag:$0x0] =	sbarrier.arrive $0xFFFF  }
0x286: {  	_ =	strace $0x90000047  }
0x287: {  	s0 =	stileid.u32;
	[bflag:$0x2] =	sbarrier.arrive $0xFFFF  }
0x288: {  	p0 =	sne.s32 s0, $0x0;
	s0 =	rddreg [dreg:$0x2]  }
0x289: {  	s0 =	sadd.s32 @!p0 $0x100000, s0  }
0x28a: {  	[sflag:s0] =	ssyncadd.tile.s32 @!p0 $0x1;
	_ =	shalt  }
.Lfunc_end2:
_tile_overlayer_lowered:
.L_overlay_start_2:
0x28b: {  	(tag) =	ssettag $0x2  }
0x28c: {  	s0 =	rddreg [dreg:$0x0];
	s2 =	stileid.u32  }
0x28d: {  	s1 =	rddreg [dreg:$0x1];
	p0 =	sne.s32 s2, $0x0  }
0x28e: {  	s3 =	rddreg [dreg:$0x2];
	[bflag:$0x3] =	sbarrier.arrive $0xFFFF;
	s2 =	simm.s32 @!p0 $0x1C0D  }
0x28f: {  	[timem:s3], [sflag:s2] =	dma.local @!p0 [hbm:s0], s1  }
0x290: {  	s0 =	simm.s32 @!p0 $0xD  }
0x291: {  	_ =	swait.ge @!p0 [sflag:s0], s1  }
0x292: {  	s1 =	ssub.s32 @!p0 $0x0, s1;
	[sflag:s0] =	ssyncset.done @!p0 $0x0  }
0x293: {  	[sflag:s0] =	ssyncadd.s32 @!p0 s1  }
0x294: {  	[bflag:$0x3] =	sbarrier.arrive $0xFFFF  }
0x295: {  	_ =	shalt  }

</sc_bundles>
